<compile_context>
chip_gen: v7x
topology: tpu7x:2x2x1
jax: 0.10.2.dev20260603
libtpu: 0.0.44.dev20260713+nightly
codegen_flags: <defaults>
</compile_context>

<pallas_src>
import functools

import numpy as np
import jax
import jax.numpy as jnp
from jax import lax
from jax.experimental import pallas as pl
from jax.experimental.pallas import tpu as pltpu
from jax.experimental.pallas import tpu_sc as plsc

_NUMANGLE = 100
_NUMRHO = 100
_B, _C, _H, _W = 1, 128, 100, 100
_P = _H * _W

_N_TC = 72
_ATC = 8
_N_SC = _NUMANGLE - _N_TC

_NSC = 2
_NSUB = 16
_CHUNK = 128
_NCH = 5
_PSUB = _NCH * _CHUNK
_PPAD = _NSUB * _PSUB
_APC = _N_SC // _NSC
_RSTRIDE = 104
_ROWS = _APC * _RSTRIDE
_RSUB = ((_ROWS + _NSUB - 1) // _NSUB + 7) // 8 * 8
_RPAD = _NSUB * _RSUB
_G = _APC


def _make_rho_table():
    irho = int(np.sqrt(_H * _H + _W * _W) + 1) / float(_NUMRHO - 1)
    itheta = np.pi / _NUMANGLE
    angles = np.arange(_NUMANGLE) * itheta
    tab_cos = (np.cos(angles) / irho).astype(np.float32)
    tab_sin = (np.sin(angles) / irho).astype(np.float32)
    ys, xs = np.meshgrid(np.arange(_H), np.arange(_W), indexing="ij")
    xx = (xs - _W // 2).astype(np.float32)
    yy = (ys - _H // 2).astype(np.float32)
    r = np.round(xx[None] * tab_cos[:, None, None] + yy[None] * tab_sin[:, None, None])
    r = r.astype(np.int32) + _NUMRHO // 2
    return r.reshape(_NUMANGLE, _P)


_RTAB = _make_rho_table()


def _make_idx_table():
    r = _RTAB[_N_TC:]
    local = (np.arange(_N_SC) % _APC)[:, None] * _RSTRIDE + r
    pad = np.broadcast_to(
        (np.arange(_PPAD - _P, dtype=np.int32) * 7) % _ROWS, (_N_SC, _PPAD - _P)
    )
    t = np.concatenate([local.astype(np.int32), pad], axis=1)
    t = t.reshape(_N_SC, _NSUB, _NCH, _CHUNK)
    t = t.transpose(1, 0, 2, 3).reshape(_NSUB, _NSC, _APC, _NCH, _CHUNK)
    return np.ascontiguousarray(t)


_IDXTAB = _make_idx_table()


def _sc_body(vt_hbm, idx_hbm, out_hbm, v_vmem, idx_vmem, acc, sem):
    c = lax.axis_index("c")
    s = lax.axis_index("s")

    def zrow(i, carry):
        for j in range(_C // 16):
            v_vmem[i, pl.ds(j * 16, 16)] = jnp.zeros((16,), jnp.float32)
        return carry

    lax.fori_loop(0, _RSUB, zrow, 0)
    pltpu.sync_copy(v_vmem.at[pl.ds(0, _RSUB)], acc.at[pl.ds(s * _RSUB, _RSUB)])

    pltpu.sync_copy(vt_hbm.at[pl.ds(s * _PSUB, _PSUB)], v_vmem)
    pltpu.sync_copy(idx_hbm.at[s, c], idx_vmem)
    plsc.subcore_barrier()

    def group(g, carry):
        handles = []
        for e in range(_G):
            for j in range(_NCH):
                handles.append(
                    pltpu.async_copy(
                        v_vmem.at[pl.ds(j * _CHUNK, _CHUNK)],
                        acc.at[idx_vmem.at[g * _G + e, j]],
                        sem,
                        add=True,
                    )
                )
        for h in handles:
            h.wait()
        return carry

    lax.fori_loop(0, _APC // _G, group, 0)
    plsc.subcore_barrier()

    pltpu.sync_copy(
        acc.at[pl.ds(s * _RSUB, _RSUB)],
        out_hbm.at[c, pl.ds(s * _RSUB, _RSUB)],
    )


_dht_sc = functools.partial(
    pl.kernel,
    out_type=jax.ShapeDtypeStruct((_NSC, _RPAD, _C), jnp.float32),
    mesh=plsc.VectorSubcoreMesh(core_axis_name="c", subcore_axis_name="s"),
    scratch_types=[
        pltpu.VMEM((_PSUB, _C), jnp.float32),
        pltpu.VMEM((_APC, _NCH, _CHUNK), jnp.int32),
        pltpu.VMEM_SHARED((_RPAD, _C), jnp.float32),
        pltpu.SemaphoreType.DMA,
    ],
)(_sc_body)


def _tc_body(r_ref, x_ref, out_ref, v_ref):
    a = pl.program_id(0)

    @pl.when(a == 0)
    def _():
        v_ref[...] = jnp.maximum(x_ref[...], 0.0).astype(jnp.bfloat16)

    one = jnp.ones((), jnp.bfloat16)
    zero = jnp.zeros((), jnp.bfloat16)
    iota = jax.lax.broadcasted_iota(jnp.int16, (_P, _NUMRHO), 1)
    for i in range(_ATC):
        r = r_ref[i, 0, :]
        onehot = jnp.where(r[:, None] == iota, one, zero)
        out_ref[:, i, :] = jnp.dot(
            v_ref[...], onehot, preferred_element_type=jnp.float32
        )


def _tc_call(r3, v2):
    return pl.pallas_call(
        _tc_body,
        grid=(_N_TC // _ATC,),
        in_specs=[
            pl.BlockSpec((_ATC, 1, _P), lambda a: (a, 0, 0)),
            pl.BlockSpec((_C, _P), lambda a: (0, 0)),
        ],
        out_specs=pl.BlockSpec((_C, _ATC, _NUMRHO), lambda a: (0, a, 0)),
        out_shape=jax.ShapeDtypeStruct((_C, _N_TC, _NUMRHO), jnp.float32),
        scratch_shapes=[pltpu.VMEM((_C, _P), jnp.bfloat16)],
    )(r3, v2)


def _asm_body(tc_ref, sc_ref, out_ref):
    out_ref[:, : _N_TC, :] = tc_ref[...]
    ii = jax.lax.broadcasted_iota(jnp.int32, (_NUMRHO, _NUMRHO), 0)
    jj = jax.lax.broadcasted_iota(jnp.int32, (_NUMRHO, _NUMRHO), 1)
    ident = jnp.where(ii == jj, 1.0, 0.0).astype(jnp.float32)
    for core in range(_NSC):
        for a in range(_APC):
            slab = sc_ref[core, pl.ds(a * _RSTRIDE, _NUMRHO), :]
            t = jax.lax.dot_general(
                slab, ident, (((0,), (0,)), ((), ())),
                preferred_element_type=jnp.float32,
            )
            out_ref[:, _N_TC + core * _APC + a, :] = t


def _asm_call(out_tc, out_sc):
    return pl.pallas_call(
        _asm_body,
        in_specs=[
            pl.BlockSpec((_C, _N_TC, _NUMRHO), lambda: (0, 0, 0)),
            pl.BlockSpec((_NSC, _RPAD, _C), lambda: (0, 0, 0)),
        ],
        out_specs=pl.BlockSpec((_C, _NUMANGLE, _NUMRHO), lambda: (0, 0, 0)),
        out_shape=jax.ShapeDtypeStruct((_C, _NUMANGLE, _NUMRHO), jnp.float32),
    )(out_tc, out_sc)


def kernel(x):
    v2 = x.reshape(_C, _P)

    vt = jnp.pad(jnp.maximum(v2, 0.0).T, ((0, _PPAD - _P), (0, 0)))
    out_sc = _dht_sc(vt, jnp.asarray(_IDXTAB))

    r3 = jnp.asarray(_RTAB[:_N_TC].astype(np.int16))[:, None, :]
    out_tc = _tc_call(r3, v2)

    out = _asm_call(out_tc, out_sc)
    return out.reshape(_B, _C, _NUMANGLE, _NUMRHO)

# --- scband reference (transcript-rebuilt; emitter-appended) ---
"""Pipeline reference for scband-dht-65000035058550 (READ-ONLY COPY).

The authoritative reference and input builder live on the scoring server;
editing this copy changes nothing except your own understanding.
"""

import jax, jax.numpy as jnp
import numpy as np

NUMANGLE = 100
NUMRHO = 100
B, C, H, W = 1, 128, 100, 100


def _make_r_table():
    # Matches deep_hough CUDA initTab: irho = int(sqrt(H^2+W^2)+1)/(numRho-1), itheta = pi/numAngle
    irho = int(np.sqrt(H * H + W * W) + 1) / float(NUMRHO - 1)
    itheta = np.pi / NUMANGLE
    angles = np.arange(NUMANGLE) * itheta
    tabCos = (np.cos(angles) / irho).astype(np.float32)
    tabSin = (np.sin(angles) / irho).astype(np.float32)
    ys, xs = np.meshgrid(np.arange(H), np.arange(W), indexing='ij')
    xx = (xs - W // 2).astype(np.float32)
    yy = (ys - H // 2).astype(np.float32)
    r = np.round(xx[None, :, :] * tabCos[:, None, None] + yy[None, :, :] * tabSin[:, None, None])
    r = r.astype(np.int32) + NUMRHO // 2
    return r.reshape(NUMANGLE, H * W)  # [numAngle, H*W], values in [0, numRho)


def setup_inputs(seed: int = 0) -> dict:
    key = jax.random.key(seed)
    x = jax.random.normal(key, (B, C, H, W), dtype=jnp.float32)
    return {"x": x}


def reference(x):
    # Deep Hough Transform line accumulation: for each pixel and each angle,
    # scatter-add the (positive-gated, per CUDA kernel's `if (val > 0)`) feature
    # value into accum[b, c, angle, rho].
    r_table = jnp.asarray(_make_r_table())
    v = jnp.where(x > 0, x, jnp.zeros_like(x))
    v_pix = v.reshape(B * C, H * W).T  # [H*W, B*C]
    outs = []
    for a in range(NUMANGLE):
        outs.append(jax.ops.segment_sum(v_pix, r_table[a], num_segments=NUMRHO))
    accum = jnp.stack(outs, axis=0)  # [numAngle, numRho, B*C]
    accum = jnp.transpose(accum, (2, 0, 1)).reshape(B, C, NUMANGLE, NUMRHO)
    return accum

if __name__ == "__main__":
    import jax
    _d = setup_inputs()
    print(jax.jit(kernel)(*tuple(_d.values())))

</pallas_src>

<mosaic_0001>
#map = affine_map<(d0, d1) -> (0, 0)>
#map1 = affine_map<(d0, d1) -> (0, 0, 0, 0, 0)>
#map2 = affine_map<(d0, d1) -> (0, 0, 0)>
module attributes {stable_mosaic.version = 14 : i64} {
  func.func @_sc_body(%arg0: i32, %arg1: i32, %arg2: memref<10240x128xf32, #tpu.memory_space<hbm>>, %arg3: memref<16x2x14x5x128xi32, #tpu.memory_space<hbm>>, %arg4: memref<2x1536x128xf32, #tpu.memory_space<hbm>>, %arg5: memref<640x128xf32, #tpu.memory_space<vmem>>, %arg6: memref<14x5x128xi32, #tpu.memory_space<vmem>>, %arg7: memref<1536x128xf32, #tpu.memory_space<vmem_shared>>, %arg8: memref<!tpu.dma_semaphore, #tpu.memory_space<semaphore_mem>>) attributes {dimension_semantics = [#tpu.dimension_semantics<core_parallel>, #tpu.dimension_semantics<subcore_parallel>], iteration_bounds = array<i64: 2, 16>, scalar_prefetch = 0 : i64, scratch_operands = 4 : i64, tpu.core_type = #tpu.core_type<sc_vector_subcore>, window_params = [{transform_indices = #map}, {transform_indices = #map1}, {transform_indices = #map2}]} {
    %scan3A = arith.constant 0 : i32
    %scan3A_0 = arith.constant 0 : i32
    %scan3A_1 = arith.constant 96 : i32
    %scan3A_2 = arith.addi %scan3A_0, %scan3A_1 : i32
    %scan3A_3 = arith.constant 1 : i32
    scf.for %scan3A_1693 = %scan3A_0 to %scan3A_2 step %scan3A_3  : i32 {
      %broadcast_in_dim3A = arith.constant 0.000000e+00 : f32
      %broadcast_in_dim3A_1694 = vector.broadcast %broadcast_in_dim3A : f32 to vector<16xf32>
      %swap3A = arith.index_cast %scan3A_1693 : i32 to index
      %swap3A_1695 = arith.constant 0 : index
      %swap3A_1696 = tpu.vector_load %arg5[%swap3A, %swap3A_1695] {strides = array<i32>} : memref<640x128xf32, #tpu.memory_space<vmem>>, vector<1x16xf32>,
      %swap3A_1697 = vector.shape_cast %swap3A_1696 : vector<1x16xf32> to vector<16xf32>
      %swap3A_1698 = vector.shape_cast %broadcast_in_dim3A_1694 : vector<16xf32> to vector<1x16xf32>
      tpu.vector_store %arg5[%swap3A, %swap3A_1695], %swap3A_1698 {strides = array<i32>} : memref<640x128xf32, #tpu.memory_space<vmem>>, vector<1x16xf32>,
      %broadcast_in_dim3A_1699 = arith.constant 0.000000e+00 : f32
      %broadcast_in_dim3A_1700 = vector.broadcast %broadcast_in_dim3A_1699 : f32 to vector<16xf32>
      %swap3A_1701 = arith.index_cast %scan3A_1693 : i32 to index
      %swap3A_1702 = arith.constant 16 : index
      %swap3A_1703 = tpu.vector_load %arg5[%swap3A_1701, %swap3A_1702] {strides = array<i32>} : memref<640x128xf32, #tpu.memory_space<vmem>>, vector<1x16xf32>,
      %swap3A_1704 = vector.shape_cast %swap3A_1703 : vector<1x16xf32> to vector<16xf32>
      %swap3A_1705 = vector.shape_cast %broadcast_in_dim3A_1700 : vector<16xf32> to vector<1x16xf32>
      tpu.vector_store %arg5[%swap3A_1701, %swap3A_1702], %swap3A_1705 {strides = array<i32>} : memref<640x128xf32, #tpu.memory_space<vmem>>, vector<1x16xf32>,
      %broadcast_in_dim3A_1706 = arith.constant 0.000000e+00 : f32
      %broadcast_in_dim3A_1707 = vector.broadcast %broadcast_in_dim3A_1706 : f32 to vector<16xf32>
      %swap3A_1708 = arith.index_cast %scan3A_1693 : i32 to index
      %swap3A_1709 = arith.constant 32 : index
      %swap3A_1710 = tpu.vector_load %arg5[%swap3A_1708, %swap3A_1709] {strides = array<i32>} : memref<640x128xf32, #tpu.memory_space<vmem>>, vector<1x16xf32>,
      %swap3A_1711 = vector.shape_cast %swap3A_1710 : vector<1x16xf32> to vector<16xf32>
      %swap3A_1712 = vector.shape_cast %broadcast_in_dim3A_1707 : vector<16xf32> to vector<1x16xf32>
      tpu.vector_store %arg5[%swap3A_1708, %swap3A_1709], %swap3A_1712 {strides = array<i32>} : memref<640x128xf32, #tpu.memory_space<vmem>>, vector<1x16xf32>,
      %broadcast_in_dim3A_1713 = arith.constant 0.000000e+00 : f32
      %broadcast_in_dim3A_1714 = vector.broadcast %broadcast_in_dim3A_1713 : f32 to vector<16xf32>
      %swap3A_1715 = arith.index_cast %scan3A_1693 : i32 to index
      %swap3A_1716 = arith.constant 48 : index
      %swap3A_1717 = tpu.vector_load %arg5[%swap3A_1715, %swap3A_1716] {strides = array<i32>} : memref<640x128xf32, #tpu.memory_space<vmem>>, vector<1x16xf32>,
      %swap3A_1718 = vector.shape_cast %swap3A_1717 : vector<1x16xf32> to vector<16xf32>
      %swap3A_1719 = vector.shape_cast %broadcast_in_dim3A_1714 : vector<16xf32> to vector<1x16xf32>
      tpu.vector_store %arg5[%swap3A_1715, %swap3A_1716], %swap3A_1719 {strides = array<i32>} : memref<640x128xf32, #tpu.memory_space<vmem>>, vector<1x16xf32>,
      %broadcast_in_dim3A_1720 = arith.constant 0.000000e+00 : f32
      %broadcast_in_dim3A_1721 = vector.broadcast %broadcast_in_dim3A_1720 : f32 to vector<16xf32>
      %swap3A_1722 = arith.index_cast %scan3A_1693 : i32 to index
      %swap3A_1723 = arith.constant 64 : index
      %swap3A_1724 = tpu.vector_load %arg5[%swap3A_1722, %swap3A_1723] {strides = array<i32>} : memref<640x128xf32, #tpu.memory_space<vmem>>, vector<1x16xf32>,
      %swap3A_1725 = vector.shape_cast %swap3A_1724 : vector<1x16xf32> to vector<16xf32>
      %swap3A_1726 = vector.shape_cast %broadcast_in_dim3A_1721 : vector<16xf32> to vector<1x16xf32>
      tpu.vector_store %arg5[%swap3A_1722, %swap3A_1723], %swap3A_1726 {strides = array<i32>} : memref<640x128xf32, #tpu.memory_space<vmem>>, vector<1x16xf32>,
      %broadcast_in_dim3A_1727 = arith.constant 0.000000e+00 : f32
      %broadcast_in_dim3A_1728 = vector.broadcast %broadcast_in_dim3A_1727 : f32 to vector<16xf32>
      %swap3A_1729 = arith.index_cast %scan3A_1693 : i32 to index
      %swap3A_1730 = arith.constant 80 : index
      %swap3A_1731 = tpu.vector_load %arg5[%swap3A_1729, %swap3A_1730] {strides = array<i32>} : memref<640x128xf32, #tpu.memory_space<vmem>>, vector<1x16xf32>,
      %swap3A_1732 = vector.shape_cast %swap3A_1731 : vector<1x16xf32> to vector<16xf32>
      %swap3A_1733 = vector.shape_cast %broadcast_in_dim3A_1728 : vector<16xf32> to vector<1x16xf32>
      tpu.vector_store %arg5[%swap3A_1729, %swap3A_1730], %swap3A_1733 {strides = array<i32>} : memref<640x128xf32, #tpu.memory_space<vmem>>, vector<1x16xf32>,
      %broadcast_in_dim3A_1734 = arith.constant 0.000000e+00 : f32
      %broadcast_in_dim3A_1735 = vector.broadcast %broadcast_in_dim3A_1734 : f32 to vector<16xf32>
      %swap3A_1736 = arith.index_cast %scan3A_1693 : i32 to index
      %swap3A_1737 = arith.constant 96 : index
      %swap3A_1738 = tpu.vector_load %arg5[%swap3A_1736, %swap3A_1737] {strides = array<i32>} : memref<640x128xf32, #tpu.memory_space<vmem>>, vector<1x16xf32>,
      %swap3A_1739 = vector.shape_cast %swap3A_1738 : vector<1x16xf32> to vector<16xf32>
      %swap3A_1740 = vector.shape_cast %broadcast_in_dim3A_1735 : vector<16xf32> to vector<1x16xf32>
      tpu.vector_store %arg5[%swap3A_1736, %swap3A_1737], %swap3A_1740 {strides = array<i32>} : memref<640x128xf32, #tpu.memory_space<vmem>>, vector<1x16xf32>,
      %broadcast_in_dim3A_1741 = arith.constant 0.000000e+00 : f32
      %broadcast_in_dim3A_1742 = vector.broadcast %broadcast_in_dim3A_1741 : f32 to vector<16xf32>
      %swap3A_1743 = arith.index_cast %scan3A_1693 : i32 to index
      %swap3A_1744 = arith.constant 112 : index
      %swap3A_1745 = tpu.vector_load %arg5[%swap3A_1743, %swap3A_1744] {strides = array<i32>} : memref<640x128xf32, #tpu.memory_space<vmem>>, vector<1x16xf32>,
      %swap3A_1746 = vector.shape_cast %swap3A_1745 : vector<1x16xf32> to vector<16xf32>
      %swap3A_1747 = vector.shape_cast %broadcast_in_dim3A_1742 : vector<16xf32> to vector<1x16xf32>
      tpu.vector_store %arg5[%swap3A_1743, %swap3A_1744], %swap3A_1747 {strides = array<i32>} : memref<640x128xf32, #tpu.memory_space<vmem>>, vector<1x16xf32>,
    }
    %scan3A_4 = arith.constant 96 : i32
    %mul3A = arith.constant 96 : i32
    %mul3A_5 = arith.muli %arg1, %mul3A : i32
    "tpu.region"() ({
      %run_scoped3A = tpu.sem_alloc : memref<!tpu.dma_semaphore, #tpu.memory_space<semaphore_mem>>
      %dma_start3A_1693 = arith.constant 0 : i32
      %dma_start3A_1694 = arith.constant 0 : i32
      %dma_start3A_1695 = tpu.memref_slice %arg5[%dma_start3A_1693, %dma_start3A_1694] : memref<640x128xf32, #tpu.memory_space<vmem>> -> memref<96x128xf32, #tpu.memory_space<vmem>>
      %dma_start3A_1696 = arith.constant 0 : i32
      %dma_start3A_1697 = tpu.memref_slice %arg7[%mul3A_5, %dma_start3A_1696] : memref<1536x128xf32, #tpu.memory_space<vmem_shared>> -> memref<96x128xf32, #tpu.memory_space<vmem_shared>>
      %dma_start3A_1698 = arith.constant 0 : i32
      %dma_start3A_1699 = tpu.memref_slice %arg7[%mul3A_5, %dma_start3A_1698] : memref<1536x128xf32, #tpu.memory_space<vmem_shared>> -> memref<96x128xf32, #tpu.memory_space<vmem_shared>>
      %dma_start3A_1700 = arith.constant 0 : i32
      %dma_start3A_1701 = arith.constant 0 : i32
      %dma_start3A_1702 = tpu.memref_slice %arg5[%dma_start3A_1700, %dma_start3A_1701] : memref<640x128xf32, #tpu.memory_space<vmem>> -> memref<96x128xf32, #tpu.memory_space<vmem>>
      tpu.enqueue_dma source(%dma_start3A_1702 : memref<96x128xf32, #tpu.memory_space<vmem>>) target(%dma_start3A_1699 : memref<96x128xf32, #tpu.memory_space<vmem_shared>>) target_semaphore(%run_scoped3A : memref<!tpu.dma_semaphore, #tpu.memory_space<semaphore_mem>>)
      %dma_wait3A_1703 = arith.constant 0 : i32
      %dma_wait3A_1704 = arith.constant 0 : i32
      %dma_wait3A_1705 = tpu.memref_slice %arg5[%dma_wait3A_1703, %dma_wait3A_1704] : memref<640x128xf32, #tpu.memory_space<vmem>> -> memref<96x128xf32, #tpu.memory_space<vmem>>
      %dma_wait3A_1706 = arith.constant 0 : i32
      %dma_wait3A_1707 = tpu.memref_slice %arg7[%mul3A_5, %dma_wait3A_1706] : memref<1536x128xf32, #tpu.memory_space<vmem_shared>> -> memref<96x128xf32, #tpu.memory_space<vmem_shared>>
      %dma_wait3A_1708 = arith.constant 0 : i32
      %dma_wait3A_1709 = tpu.memref_slice %arg7[%mul3A_5, %dma_wait3A_1708] : memref<1536x128xf32, #tpu.memory_space<vmem_shared>> -> memref<96x128xf32, #tpu.memory_space<vmem_shared>>
      %dma_wait3A_1710 = arith.constant 0 : i32
      %dma_wait3A_1711 = arith.constant 0 : i32
      %dma_wait3A_1712 = tpu.memref_slice %arg5[%dma_wait3A_1710, %dma_wait3A_1711] : memref<640x128xf32, #tpu.memory_space<vmem>> -> memref<96x128xf32, #tpu.memory_space<vmem>>
      tpu.wait_dma2 semaphore(%run_scoped3A : memref<!tpu.dma_semaphore, #tpu.memory_space<semaphore_mem>>) src(%dma_wait3A_1712 : memref<96x128xf32, #tpu.memory_space<vmem>>) dst(%dma_wait3A_1709 : memref<96x128xf32, #tpu.memory_space<vmem_shared>>)
      tpu.yield
    }) : () -> ()
    %mul3A_6 = arith.constant 640 : i32
    %mul3A_7 = arith.muli %arg1, %mul3A_6 : i32
    "tpu.region"() ({
      %run_scoped3A = tpu.sem_alloc : memref<!tpu.dma_semaphore, #tpu.memory_space<semaphore_mem>>
      %dma_start3A_1693 = arith.constant 0 : i32
      %dma_start3A_1694 = tpu.memref_slice %arg2[%mul3A_7, %dma_start3A_1693] : memref<10240x128xf32, #tpu.memory_space<hbm>> -> memref<640x128xf32, #tpu.memory_space<hbm>>
      %dma_start3A_1695 = arith.constant 0 : i32
      %dma_start3A_1696 = tpu.memref_slice %arg2[%mul3A_7, %dma_start3A_1695] : memref<10240x128xf32, #tpu.memory_space<hbm>> -> memref<640x128xf32, #tpu.memory_space<hbm>>
      tpu.enqueue_dma source(%dma_start3A_1696 : memref<640x128xf32, #tpu.memory_space<hbm>>) target(%arg5 : memref<640x128xf32, #tpu.memory_space<vmem>>) target_semaphore(%run_scoped3A : memref<!tpu.dma_semaphore, #tpu.memory_space<semaphore_mem>>)
      %dma_wait3A_1697 = arith.constant 0 : i32
      %dma_wait3A_1698 = tpu.memref_slice %arg2[%mul3A_7, %dma_wait3A_1697] : memref<10240x128xf32, #tpu.memory_space<hbm>> -> memref<640x128xf32, #tpu.memory_space<hbm>>
      %dma_wait3A_1699 = arith.constant 0 : i32
      %dma_wait3A_1700 = tpu.memref_slice %arg2[%mul3A_7, %dma_wait3A_1699] : memref<10240x128xf32, #tpu.memory_space<hbm>> -> memref<640x128xf32, #tpu.memory_space<hbm>>
      tpu.wait_dma2 semaphore(%run_scoped3A : memref<!tpu.dma_semaphore, #tpu.memory_space<semaphore_mem>>) src(%dma_wait3A_1700 : memref<640x128xf32, #tpu.memory_space<hbm>>) dst(%arg5 : memref<640x128xf32, #tpu.memory_space<vmem>>)
      tpu.yield
    }) : () -> ()
    "tpu.region"() ({
      %run_scoped3A = tpu.sem_alloc : memref<!tpu.dma_semaphore, #tpu.memory_space<semaphore_mem>>
      %dma_start3A_1693 = arith.constant 0 : i32
      %dma_start3A_1694 = arith.constant 0 : i32
      %dma_start3A_1695 = arith.constant 0 : i32
      %dma_start3A_1696 = tpu.memref_slice %arg3[%arg1, %arg0, %dma_start3A_1693, %dma_start3A_1694, %dma_start3A_1695] : memref<16x2x14x5x128xi32, #tpu.memory_space<hbm>> -> memref<1x1x14x5x128xi32, #tpu.memory_space<hbm>>
      %dma_start3A_1697 = tpu.memref_squeeze %dma_start3A_1696 : memref<1x1x14x5x128xi32, #tpu.memory_space<hbm>> -> memref<14x5x128xi32, #tpu.memory_space<hbm>>
      %dma_start3A_1698 = arith.constant 0 : i32
      %dma_start3A_1699 = arith.constant 0 : i32
      %dma_start3A_1700 = arith.constant 0 : i32
      %dma_start3A_1701 = tpu.memref_slice %arg3[%arg1, %arg0, %dma_start3A_1698, %dma_start3A_1699, %dma_start3A_1700] : memref<16x2x14x5x128xi32, #tpu.memory_space<hbm>> -> memref<1x1x14x5x128xi32, #tpu.memory_space<hbm>>
      %dma_start3A_1702 = tpu.memref_squeeze %dma_start3A_1701 : memref<1x1x14x5x128xi32, #tpu.memory_space<hbm>> -> memref<14x5x128xi32, #tpu.memory_space<hbm>>
      tpu.enqueue_dma source(%dma_start3A_1702 : memref<14x5x128xi32, #tpu.memory_space<hbm>>) target(%arg6 : memref<14x5x128xi32, #tpu.memory_space<vmem>>) target_semaphore(%run_scoped3A : memref<!tpu.dma_semaphore, #tpu.memory_space<semaphore_mem>>)
      %dma_wait3A_1703 = arith.constant 0 : i32
      %dma_wait3A_1704 = arith.constant 0 : i32
      %dma_wait3A_1705 = arith.constant 0 : i32
      %dma_wait3A_1706 = tpu.memref_slice %arg3[%arg1, %arg0, %dma_wait3A_1703, %dma_wait3A_1704, %dma_wait3A_1705] : memref<16x2x14x5x128xi32, #tpu.memory_space<hbm>> -> memref<1x1x14x5x128xi32, #tpu.memory_space<hbm>>
      %dma_wait3A_1707 = tpu.memref_squeeze %dma_wait3A_1706 : memref<1x1x14x5x128xi32, #tpu.memory_space<hbm>> -> memref<14x5x128xi32, #tpu.memory_space<hbm>>
      %dma_wait3A_1708 = arith.constant 0 : i32
      %dma_wait3A_1709 = arith.constant 0 : i32
      %dma_wait3A_1710 = arith.constant 0 : i32
      %dma_wait3A_1711 = tpu.memref_slice %arg3[%arg1, %arg0, %dma_wait3A_1708, %dma_wait3A_1709, %dma_wait3A_1710] : memref<16x2x14x5x128xi32, #tpu.memory_space<hbm>> -> memref<1x1x14x5x128xi32, #tpu.memory_space<hbm>>
      %dma_wait3A_1712 = tpu.memref_squeeze %dma_wait3A_1711 : memref<1x1x14x5x128xi32, #tpu.memory_space<hbm>> -> memref<14x5x128xi32, #tpu.memory_space<hbm>>
      tpu.wait_dma2 semaphore(%run_scoped3A : memref<!tpu.dma_semaphore, #tpu.memory_space<semaphore_mem>>) src(%dma_wait3A_1712 : memref<14x5x128xi32, #tpu.memory_space<hbm>>) dst(%arg6 : memref<14x5x128xi32, #tpu.memory_space<vmem>>)
      tpu.yield
    }) : () -> ()
    %barrier3A = arith.constant 0 : index
    tpu.barrier barrier_id(%barrier3A)
    %scan3A_8 = arith.constant 0 : i32
    %scan3A_9 = arith.constant 0 : i32
    %mul3A_10 = arith.constant 14 : i32
    %mul3A_11 = arith.muli %scan3A_9, %mul3A_10 : i32
    %add3A = arith.constant 0 : i32
    %add3A_12 = arith.addi %mul3A_11, %add3A : i32
    %dma_start3A = arith.constant 0 : i32
    %dma_start3A_13 = arith.constant 0 : i32
    %dma_start3A_14 = arith.constant 0 : i32
    %dma_start3A_15 = tpu.memref_slice %arg5[%dma_start3A_13, %dma_start3A_14] : memref<640x128xf32, #tpu.memory_space<vmem>> -> memref<128x128xf32, #tpu.memory_space<vmem>>
    %dma_start3A_16 = arith.constant 0 : i32
    %dma_start3A_17 = tpu.memref_slice %arg6[%add3A_12, %dma_start3A, %dma_start3A_16] : memref<14x5x128xi32, #tpu.memory_space<vmem>> -> memref<1x1x128xi32, #tpu.memory_space<vmem>>
    %dma_start3A_18 = tpu.memref_squeeze %dma_start3A_17 : memref<1x1x128xi32, #tpu.memory_space<vmem>> -> memref<128xi32, #tpu.memory_space<vmem>>
    %dma_start3A_19 = arith.constant 0 : i32
    %dma_start3A_20 = arith.constant 0 : i32
    %dma_start3A_21 = tpu.memref_slice %arg7[%dma_start3A_19, %dma_start3A_20] : memref<1536x128xf32, #tpu.memory_space<vmem_shared>> -> memref<1536x128xf32, #tpu.memory_space<vmem_shared>>
    tpu.enqueue_indirect_dma source(%dma_start3A_15 : memref<128x128xf32, #tpu.memory_space<vmem>>) target(%dma_start3A_21 : memref<1536x128xf32, #tpu.memory_space<vmem_shared>>) offsets(%dma_start3A_18 : memref<128xi32, #tpu.memory_space<vmem>>) semaphore(%arg8 : memref<!tpu.dma_semaphore, #tpu.memory_space<semaphore_mem>>) {add = true}
    %mul3A_22 = arith.constant 14 : i32
    %mul3A_23 = arith.muli %scan3A_9, %mul3A_22 : i32
    %add3A_24 = arith.constant 0 : i32
    %add3A_25 = arith.addi %mul3A_23, %add3A_24 : i32
    %dma_start3A_26 = arith.constant 1 : i32
    %dma_start3A_27 = arith.constant 128 : i32
    %dma_start3A_28 = arith.constant 0 : i32
    %dma_start3A_29 = tpu.memref_slice %arg5[%dma_start3A_27, %dma_start3A_28] : memref<640x128xf32, #tpu.memory_space<vmem>> -> memref<128x128xf32, #tpu.memory_space<vmem>>
    %dma_start3A_30 = arith.constant 0 : i32
    %dma_start3A_31 = tpu.memref_slice %arg6[%add3A_25, %dma_start3A_26, %dma_start3A_30] : memref<14x5x128xi32, #tpu.memory_space<vmem>> -> memref<1x1x128xi32, #tpu.memory_space<vmem>>
    %dma_start3A_32 = tpu.memref_squeeze %dma_start3A_31 : memref<1x1x128xi32, #tpu.memory_space<vmem>> -> memref<128xi32, #tpu.memory_space<vmem>>
    %dma_start3A_33 = arith.constant 0 : i32
    %dma_start3A_34 = arith.constant 0 : i32
    %dma_start3A_35 = tpu.memref_slice %arg7[%dma_start3A_33, %dma_start3A_34] : memref<1536x128xf32, #tpu.memory_space<vmem_shared>> -> memref<1536x128xf32, #tpu.memory_space<vmem_shared>>
    tpu.enqueue_indirect_dma source(%dma_start3A_29 : memref<128x128xf32, #tpu.memory_space<vmem>>) target(%dma_start3A_35 : memref<1536x128xf32, #tpu.memory_space<vmem_shared>>) offsets(%dma_start3A_32 : memref<128xi32, #tpu.memory_space<vmem>>) semaphore(%arg8 : memref<!tpu.dma_semaphore, #tpu.memory_space<semaphore_mem>>) {add = true}
    %mul3A_36 = arith.constant 14 : i32
    %mul3A_37 = arith.muli %scan3A_9, %mul3A_36 : i32
    %add3A_38 = arith.constant 0 : i32
    %add3A_39 = arith.addi %mul3A_37, %add3A_38 : i32
    %dma_start3A_40 = arith.constant 2 : i32
    %dma_start3A_41 = arith.constant 256 : i32
    %dma_start3A_42 = arith.constant 0 : i32
    %dma_start3A_43 = tpu.memref_slice %arg5[%dma_start3A_41, %dma_start3A_42] : memref<640x128xf32, #tpu.memory_space<vmem>> -> memref<128x128xf32, #tpu.memory_space<vmem>>
    %dma_start3A_44 = arith.constant 0 : i32
    %dma_start3A_45 = tpu.memref_slice %arg6[%add3A_39, %dma_start3A_40, %dma_start3A_44] : memref<14x5x128xi32, #tpu.memory_space<vmem>> -> memref<1x1x128xi32, #tpu.memory_space<vmem>>
    %dma_start3A_46 = tpu.memref_squeeze %dma_start3A_45 : memref<1x1x128xi32, #tpu.memory_space<vmem>> -> memref<128xi32, #tpu.memory_space<vmem>>
    %dma_start3A_47 = arith.constant 0 : i32
    %dma_start3A_48 = arith.constant 0 : i32
    %dma_start3A_49 = tpu.memref_slice %arg7[%dma_start3A_47, %dma_start3A_48] : memref<1536x128xf32, #tpu.memory_space<vmem_shared>> -> memref<1536x128xf32, #tpu.memory_space<vmem_shared>>
    tpu.enqueue_indirect_dma source(%dma_start3A_43 : memref<128x128xf32, #tpu.memory_space<vmem>>) target(%dma_start3A_49 : memref<1536x128xf32, #tpu.memory_space<vmem_shared>>) offsets(%dma_start3A_46 : memref<128xi32, #tpu.memory_space<vmem>>) semaphore(%arg8 : memref<!tpu.dma_semaphore, #tpu.memory_space<semaphore_mem>>) {add = true}
    %mul3A_50 = arith.constant 14 : i32
    %mul3A_51 = arith.muli %scan3A_9, %mul3A_50 : i32
    %add3A_52 = arith.constant 0 : i32
    %add3A_53 = arith.addi %mul3A_51, %add3A_52 : i32
    %dma_start3A_54 = arith.constant 3 : i32
    %dma_start3A_55 = arith.constant 384 : i32
    %dma_start3A_56 = arith.constant 0 : i32
    %dma_start3A_57 = tpu.memref_slice %arg5[%dma_start3A_55, %dma_start3A_56] : memref<640x128xf32, #tpu.memory_space<vmem>> -> memref<128x128xf32, #tpu.memory_space<vmem>>
    %dma_start3A_58 = arith.constant 0 : i32
    %dma_start3A_59 = tpu.memref_slice %arg6[%add3A_53, %dma_start3A_54, %dma_start3A_58] : memref<14x5x128xi32, #tpu.memory_space<vmem>> -> memref<1x1x128xi32, #tpu.memory_space<vmem>>
    %dma_start3A_60 = tpu.memref_squeeze %dma_start3A_59 : memref<1x1x128xi32, #tpu.memory_space<vmem>> -> memref<128xi32, #tpu.memory_space<vmem>>
    %dma_start3A_61 = arith.constant 0 : i32
    %dma_start3A_62 = arith.constant 0 : i32
    %dma_start3A_63 = tpu.memref_slice %arg7[%dma_start3A_61, %dma_start3A_62] : memref<1536x128xf32, #tpu.memory_space<vmem_shared>> -> memref<1536x128xf32, #tpu.memory_space<vmem_shared>>
    tpu.enqueue_indirect_dma source(%dma_start3A_57 : memref<128x128xf32, #tpu.memory_space<vmem>>) target(%dma_start3A_63 : memref<1536x128xf32, #tpu.memory_space<vmem_shared>>) offsets(%dma_start3A_60 : memref<128xi32, #tpu.memory_space<vmem>>) semaphore(%arg8 : memref<!tpu.dma_semaphore, #tpu.memory_space<semaphore_mem>>) {add = true}
    %mul3A_64 = arith.constant 14 : i32
    %mul3A_65 = arith.muli %scan3A_9, %mul3A_64 : i32
    %add3A_66 = arith.constant 0 : i32
    %add3A_67 = arith.addi %mul3A_65, %add3A_66 : i32
    %dma_start3A_68 = arith.constant 4 : i32
    %dma_start3A_69 = arith.constant 512 : i32
    %dma_start3A_70 = arith.constant 0 : i32
    %dma_start3A_71 = tpu.memref_slice %arg5[%dma_start3A_69, %dma_start3A_70] : memref<640x128xf32, #tpu.memory_space<vmem>> -> memref<128x128xf32, #tpu.memory_space<vmem>>
    %dma_start3A_72 = arith.constant 0 : i32
    %dma_start3A_73 = tpu.memref_slice %arg6[%add3A_67, %dma_start3A_68, %dma_start3A_72] : memref<14x5x128xi32, #tpu.memory_space<vmem>> -> memref<1x1x128xi32, #tpu.memory_space<vmem>>
    %dma_start3A_74 = tpu.memref_squeeze %dma_start3A_73 : memref<1x1x128xi32, #tpu.memory_space<vmem>> -> memref<128xi32, #tpu.memory_space<vmem>>
    %dma_start3A_75 = arith.constant 0 : i32
    %dma_start3A_76 = arith.constant 0 : i32
    %dma_start3A_77 = tpu.memref_slice %arg7[%dma_start3A_75, %dma_start3A_76] : memref<1536x128xf32, #tpu.memory_space<vmem_shared>> -> memref<1536x128xf32, #tpu.memory_space<vmem_shared>>
    tpu.enqueue_indirect_dma source(%dma_start3A_71 : memref<128x128xf32, #tpu.memory_space<vmem>>) target(%dma_start3A_77 : memref<1536x128xf32, #tpu.memory_space<vmem_shared>>) offsets(%dma_start3A_74 : memref<128xi32, #tpu.memory_space<vmem>>) semaphore(%arg8 : memref<!tpu.dma_semaphore, #tpu.memory_space<semaphore_mem>>) {add = true}
    %mul3A_78 = arith.constant 14 : i32
    %mul3A_79 = arith.muli %scan3A_9, %mul3A_78 : i32
    %add3A_80 = arith.constant 1 : i32
    %add3A_81 = arith.addi %mul3A_79, %add3A_80 : i32
    %dma_start3A_82 = arith.constant 0 : i32
    %dma_start3A_83 = arith.constant 0 : i32
    %dma_start3A_84 = arith.constant 0 : i32
    %dma_start3A_85 = tpu.memref_slice %arg5[%dma_start3A_83, %dma_start3A_84] : memref<640x128xf32, #tpu.memory_space<vmem>> -> memref<128x128xf32, #tpu.memory_space<vmem>>
    %dma_start3A_86 = arith.constant 0 : i32
    %dma_start3A_87 = tpu.memref_slice %arg6[%add3A_81, %dma_start3A_82, %dma_start3A_86] : memref<14x5x128xi32, #tpu.memory_space<vmem>> -> memref<1x1x128xi32, #tpu.memory_space<vmem>>
    %dma_start3A_88 = tpu.memref_squeeze %dma_start3A_87 : memref<1x1x128xi32, #tpu.memory_space<vmem>> -> memref<128xi32, #tpu.memory_space<vmem>>
    %dma_start3A_89 = arith.constant 0 : i32
    %dma_start3A_90 = arith.constant 0 : i32
    %dma_start3A_91 = tpu.memref_slice %arg7[%dma_start3A_89, %dma_start3A_90] : memref<1536x128xf32, #tpu.memory_space<vmem_shared>> -> memref<1536x128xf32, #tpu.memory_space<vmem_shared>>
    tpu.enqueue_indirect_dma source(%dma_start3A_85 : memref<128x128xf32, #tpu.memory_space<vmem>>) target(%dma_start3A_91 : memref<1536x128xf32, #tpu.memory_space<vmem_shared>>) offsets(%dma_start3A_88 : memref<128xi32, #tpu.memory_space<vmem>>) semaphore(%arg8 : memref<!tpu.dma_semaphore, #tpu.memory_space<semaphore_mem>>) {add = true}
    %mul3A_92 = arith.constant 14 : i32
    %mul3A_93 = arith.muli %scan3A_9, %mul3A_92 : i32
    %add3A_94 = arith.constant 1 : i32
    %add3A_95 = arith.addi %mul3A_93, %add3A_94 : i32
    %dma_start3A_96 = arith.constant 1 : i32
    %dma_start3A_97 = arith.constant 128 : i32
    %dma_start3A_98 = arith.constant 0 : i32
    %dma_start3A_99 = tpu.memref_slice %arg5[%dma_start3A_97, %dma_start3A_98] : memref<640x128xf32, #tpu.memory_space<vmem>> -> memref<128x128xf32, #tpu.memory_space<vmem>>
    %dma_start3A_100 = arith.constant 0 : i32
    %dma_start3A_101 = tpu.memref_slice %arg6[%add3A_95, %dma_start3A_96, %dma_start3A_100] : memref<14x5x128xi32, #tpu.memory_space<vmem>> -> memref<1x1x128xi32, #tpu.memory_space<vmem>>
    %dma_start3A_102 = tpu.memref_squeeze %dma_start3A_101 : memref<1x1x128xi32, #tpu.memory_space<vmem>> -> memref<128xi32, #tpu.memory_space<vmem>>
    %dma_start3A_103 = arith.constant 0 : i32
    %dma_start3A_104 = arith.constant 0 : i32
    %dma_start3A_105 = tpu.memref_slice %arg7[%dma_start3A_103, %dma_start3A_104] : memref<1536x128xf32, #tpu.memory_space<vmem_shared>> -> memref<1536x128xf32, #tpu.memory_space<vmem_shared>>
    tpu.enqueue_indirect_dma source(%dma_start3A_99 : memref<128x128xf32, #tpu.memory_space<vmem>>) target(%dma_start3A_105 : memref<1536x128xf32, #tpu.memory_space<vmem_shared>>) offsets(%dma_start3A_102 : memref<128xi32, #tpu.memory_space<vmem>>) semaphore(%arg8 : memref<!tpu.dma_semaphore, #tpu.memory_space<semaphore_mem>>) {add = true}
    %mul3A_106 = arith.constant 14 : i32
    %mul3A_107 = arith.muli %scan3A_9, %mul3A_106 : i32
    %add3A_108 = arith.constant 1 : i32
    %add3A_109 = arith.addi %mul3A_107, %add3A_108 : i32
    %dma_start3A_110 = arith.constant 2 : i32
    %dma_start3A_111 = arith.constant 256 : i32
    %dma_start3A_112 = arith.constant 0 : i32
    %dma_start3A_113 = tpu.memref_slice %arg5[%dma_start3A_111, %dma_start3A_112] : memref<640x128xf32, #tpu.memory_space<vmem>> -> memref<128x128xf32, #tpu.memory_space<vmem>>
    %dma_start3A_114 = arith.constant 0 : i32
    %dma_start3A_115 = tpu.memref_slice %arg6[%add3A_109, %dma_start3A_110, %dma_start3A_114] : memref<14x5x128xi32, #tpu.memory_space<vmem>> -> memref<1x1x128xi32, #tpu.memory_space<vmem>>
    %dma_start3A_116 = tpu.memref_squeeze %dma_start3A_115 : memref<1x1x128xi32, #tpu.memory_space<vmem>> -> memref<128xi32, #tpu.memory_space<vmem>>
    %dma_start3A_117 = arith.constant 0 : i32
    %dma_start3A_118 = arith.constant 0 : i32
    %dma_start3A_119 = tpu.memref_slice %arg7[%dma_start3A_117, %dma_start3A_118] : memref<1536x128xf32, #tpu.memory_space<vmem_shared>> -> memref<1536x128xf32, #tpu.memory_space<vmem_shared>>
    tpu.enqueue_indirect_dma source(%dma_start3A_113 : memref<128x128xf32, #tpu.memory_space<vmem>>) target(%dma_start3A_119 : memref<1536x128xf32, #tpu.memory_space<vmem_shared>>) offsets(%dma_start3A_116 : memref<128xi32, #tpu.memory_space<vmem>>) semaphore(%arg8 : memref<!tpu.dma_semaphore, #tpu.memory_space<semaphore_mem>>) {add = true}
    %mul3A_120 = arith.constant 14 : i32
    %mul3A_121 = arith.muli %scan3A_9, %mul3A_120 : i32
    %add3A_122 = arith.constant 1 : i32
    %add3A_123 = arith.addi %mul3A_121, %add3A_122 : i32
    %dma_start3A_124 = arith.constant 3 : i32
    %dma_start3A_125 = arith.constant 384 : i32
    %dma_start3A_126 = arith.constant 0 : i32
    %dma_start3A_127 = tpu.memref_slice %arg5[%dma_start3A_125, %dma_start3A_126] : memref<640x128xf32, #tpu.memory_space<vmem>> -> memref<128x128xf32, #tpu.memory_space<vmem>>
    %dma_start3A_128 = arith.constant 0 : i32
    %dma_start3A_129 = tpu.memref_slice %arg6[%add3A_123, %dma_start3A_124, %dma_start3A_128] : memref<14x5x128xi32, #tpu.memory_space<vmem>> -> memref<1x1x128xi32, #tpu.memory_space<vmem>>
    %dma_start3A_130 = tpu.memref_squeeze %dma_start3A_129 : memref<1x1x128xi32, #tpu.memory_space<vmem>> -> memref<128xi32, #tpu.memory_space<vmem>>
    %dma_start3A_131 = arith.constant 0 : i32
    %dma_start3A_132 = arith.constant 0 : i32
    %dma_start3A_133 = tpu.memref_slice %arg7[%dma_start3A_131, %dma_start3A_132] : memref<1536x128xf32, #tpu.memory_space<vmem_shared>> -> memref<1536x128xf32, #tpu.memory_space<vmem_shared>>
    tpu.enqueue_indirect_dma source(%dma_start3A_127 : memref<128x128xf32, #tpu.memory_space<vmem>>) target(%dma_start3A_133 : memref<1536x128xf32, #tpu.memory_space<vmem_shared>>) offsets(%dma_start3A_130 : memref<128xi32, #tpu.memory_space<vmem>>) semaphore(%arg8 : memref<!tpu.dma_semaphore, #tpu.memory_space<semaphore_mem>>) {add = true}
    %mul3A_134 = arith.constant 14 : i32
    %mul3A_135 = arith.muli %scan3A_9, %mul3A_134 : i32
    %add3A_136 = arith.constant 1 : i32
    %add3A_137 = arith.addi %mul3A_135, %add3A_136 : i32
    %dma_start3A_138 = arith.constant 4 : i32
    %dma_start3A_139 = arith.constant 512 : i32
    %dma_start3A_140 = arith.constant 0 : i32
    %dma_start3A_141 = tpu.memref_slice %arg5[%dma_start3A_139, %dma_start3A_140] : memref<640x128xf32, #tpu.memory_space<vmem>> -> memref<128x128xf32, #tpu.memory_space<vmem>>
    %dma_start3A_142 = arith.constant 0 : i32
    %dma_start3A_143 = tpu.memref_slice %arg6[%add3A_137, %dma_start3A_138, %dma_start3A_142] : memref<14x5x128xi32, #tpu.memory_space<vmem>> -> memref<1x1x128xi32, #tpu.memory_space<vmem>>
    %dma_start3A_144 = tpu.memref_squeeze %dma_start3A_143 : memref<1x1x128xi32, #tpu.memory_space<vmem>> -> memref<128xi32, #tpu.memory_space<vmem>>
    %dma_start3A_145 = arith.constant 0 : i32
    %dma_start3A_146 = arith.constant 0 : i32
    %dma_start3A_147 = tpu.memref_slice %arg7[%dma_start3A_145, %dma_start3A_146] : memref<1536x128xf32, #tpu.memory_space<vmem_shared>> -> memref<1536x128xf32, #tpu.memory_space<vmem_shared>>
    tpu.enqueue_indirect_dma source(%dma_start3A_141 : memref<128x128xf32, #tpu.memory_space<vmem>>) target(%dma_start3A_147 : memref<1536x128xf32, #tpu.memory_space<vmem_shared>>) offsets(%dma_start3A_144 : memref<128xi32, #tpu.memory_space<vmem>>) semaphore(%arg8 : memref<!tpu.dma_semaphore, #tpu.memory_space<semaphore_mem>>) {add = true}
    %mul3A_148 = arith.constant 14 : i32
    %mul3A_149 = arith.muli %scan3A_9, %mul3A_148 : i32
    %add3A_150 = arith.constant 2 : i32
    %add3A_151 = arith.addi %mul3A_149, %add3A_150 : i32
    %dma_start3A_152 = arith.constant 0 : i32
    %dma_start3A_153 = arith.constant 0 : i32
    %dma_start3A_154 = arith.constant 0 : i32
    %dma_start3A_155 = tpu.memref_slice %arg5[%dma_start3A_153, %dma_start3A_154] : memref<640x128xf32, #tpu.memory_space<vmem>> -> memref<128x128xf32, #tpu.memory_space<vmem>>
    %dma_start3A_156 = arith.constant 0 : i32
    %dma_start3A_157 = tpu.memref_slice %arg6[%add3A_151, %dma_start3A_152, %dma_start3A_156] : memref<14x5x128xi32, #tpu.memory_space<vmem>> -> memref<1x1x128xi32, #tpu.memory_space<vmem>>
    %dma_start3A_158 = tpu.memref_squeeze %dma_start3A_157 : memref<1x1x128xi32, #tpu.memory_space<vmem>> -> memref<128xi32, #tpu.memory_space<vmem>>
    %dma_start3A_159 = arith.constant 0 : i32
    %dma_start3A_160 = arith.constant 0 : i32
    %dma_start3A_161 = tpu.memref_slice %arg7[%dma_start3A_159, %dma_start3A_160] : memref<1536x128xf32, #tpu.memory_space<vmem_shared>> -> memref<1536x128xf32, #tpu.memory_space<vmem_shared>>
    tpu.enqueue_indirect_dma source(%dma_start3A_155 : memref<128x128xf32, #tpu.memory_space<vmem>>) target(%dma_start3A_161 : memref<1536x128xf32, #tpu.memory_space<vmem_shared>>) offsets(%dma_start3A_158 : memref<128xi32, #tpu.memory_space<vmem>>) semaphore(%arg8 : memref<!tpu.dma_semaphore, #tpu.memory_space<semaphore_mem>>) {add = true}
    %mul3A_162 = arith.constant 14 : i32
    %mul3A_163 = arith.muli %scan3A_9, %mul3A_162 : i32
    %add3A_164 = arith.constant 2 : i32
    %add3A_165 = arith.addi %mul3A_163, %add3A_164 : i32
    %dma_start3A_166 = arith.constant 1 : i32
    %dma_start3A_167 = arith.constant 128 : i32
    %dma_start3A_168 = arith.constant 0 : i32
    %dma_start3A_169 = tpu.memref_slice %arg5[%dma_start3A_167, %dma_start3A_168] : memref<640x128xf32, #tpu.memory_space<vmem>> -> memref<128x128xf32, #tpu.memory_space<vmem>>
    %dma_start3A_170 = arith.constant 0 : i32
    %dma_start3A_171 = tpu.memref_slice %arg6[%add3A_165, %dma_start3A_166, %dma_start3A_170] : memref<14x5x128xi32, #tpu.memory_space<vmem>> -> memref<1x1x128xi32, #tpu.memory_space<vmem>>
    %dma_start3A_172 = tpu.memref_squeeze %dma_start3A_171 : memref<1x1x128xi32, #tpu.memory_space<vmem>> -> memref<128xi32, #tpu.memory_space<vmem>>
    %dma_start3A_173 = arith.constant 0 : i32
    %dma_start3A_174 = arith.constant 0 : i32
    %dma_start3A_175 = tpu.memref_slice %arg7[%dma_start3A_173, %dma_start3A_174] : memref<1536x128xf32, #tpu.memory_space<vmem_shared>> -> memref<1536x128xf32, #tpu.memory_space<vmem_shared>>
    tpu.enqueue_indirect_dma source(%dma_start3A_169 : memref<128x128xf32, #tpu.memory_space<vmem>>) target(%dma_start3A_175 : memref<1536x128xf32, #tpu.memory_space<vmem_shared>>) offsets(%dma_start3A_172 : memref<128xi32, #tpu.memory_space<vmem>>) semaphore(%arg8 : memref<!tpu.dma_semaphore, #tpu.memory_space<semaphore_mem>>) {add = true}
    %mul3A_176 = arith.constant 14 : i32
    %mul3A_177 = arith.muli %scan3A_9, %mul3A_176 : i32
    %add3A_178 = arith.constant 2 : i32
    %add3A_179 = arith.addi %mul3A_177, %add3A_178 : i32
    %dma_start3A_180 = arith.constant 2 : i32
    %dma_start3A_181 = arith.constant 256 : i32
    %dma_start3A_182 = arith.constant 0 : i32
    %dma_start3A_183 = tpu.memref_slice %arg5[%dma_start3A_181, %dma_start3A_182] : memref<640x128xf32, #tpu.memory_space<vmem>> -> memref<128x128xf32, #tpu.memory_space<vmem>>
    %dma_start3A_184 = arith.constant 0 : i32
    %dma_start3A_185 = tpu.memref_slice %arg6[%add3A_179, %dma_start3A_180, %dma_start3A_184] : memref<14x5x128xi32, #tpu.memory_space<vmem>> -> memref<1x1x128xi32, #tpu.memory_space<vmem>>
    %dma_start3A_186 = tpu.memref_squeeze %dma_start3A_185 : memref<1x1x128xi32, #tpu.memory_space<vmem>> -> memref<128xi32, #tpu.memory_space<vmem>>
    %dma_start3A_187 = arith.constant 0 : i32
    %dma_start3A_188 = arith.constant 0 : i32
    %dma_start3A_189 = tpu.memref_slice %arg7[%dma_start3A_187, %dma_start3A_188] : memref<1536x128xf32, #tpu.memory_space<vmem_shared>> -> memref<1536x128xf32, #tpu.memory_space<vmem_shared>>
    tpu.enqueue_indirect_dma source(%dma_start3A_183 : memref<128x128xf32, #tpu.memory_space<vmem>>) target(%dma_start3A_189 : memref<1536x128xf32, #tpu.memory_space<vmem_shared>>) offsets(%dma_start3A_186 : memref<128xi32, #tpu.memory_space<vmem>>) semaphore(%arg8 : memref<!tpu.dma_semaphore, #tpu.memory_space<semaphore_mem>>) {add = true}
    %mul3A_190 = arith.constant 14 : i32
    %mul3A_191 = arith.muli %scan3A_9, %mul3A_190 : i32
    %add3A_192 = arith.constant 2 : i32
    %add3A_193 = arith.addi %mul3A_191, %add3A_192 : i32
    %dma_start3A_194 = arith.constant 3 : i32
    %dma_start3A_195 = arith.constant 384 : i32
    %dma_start3A_196 = arith.constant 0 : i32
    %dma_start3A_197 = tpu.memref_slice %arg5[%dma_start3A_195, %dma_start3A_196] : memref<640x128xf32, #tpu.memory_space<vmem>> -> memref<128x128xf32, #tpu.memory_space<vmem>>
    %dma_start3A_198 = arith.constant 0 : i32
    %dma_start3A_199 = tpu.memref_slice %arg6[%add3A_193, %dma_start3A_194, %dma_start3A_198] : memref<14x5x128xi32, #tpu.memory_space<vmem>> -> memref<1x1x128xi32, #tpu.memory_space<vmem>>
    %dma_start3A_200 = tpu.memref_squeeze %dma_start3A_199 : memref<1x1x128xi32, #tpu.memory_space<vmem>> -> memref<128xi32, #tpu.memory_space<vmem>>
    %dma_start3A_201 = arith.constant 0 : i32
    %dma_start3A_202 = arith.constant 0 : i32
    %dma_start3A_203 = tpu.memref_slice %arg7[%dma_start3A_201, %dma_start3A_202] : memref<1536x128xf32, #tpu.memory_space<vmem_shared>> -> memref<1536x128xf32, #tpu.memory_space<vmem_shared>>
    tpu.enqueue_indirect_dma source(%dma_start3A_197 : memref<128x128xf32, #tpu.memory_space<vmem>>) target(%dma_start3A_203 : memref<1536x128xf32, #tpu.memory_space<vmem_shared>>) offsets(%dma_start3A_200 : memref<128xi32, #tpu.memory_space<vmem>>) semaphore(%arg8 : memref<!tpu.dma_semaphore, #tpu.memory_space<semaphore_mem>>) {add = true}
    %mul3A_204 = arith.constant 14 : i32
    %mul3A_205 = arith.muli %scan3A_9, %mul3A_204 : i32
    %add3A_206 = arith.constant 2 : i32
    %add3A_207 = arith.addi %mul3A_205, %add3A_206 : i32
    %dma_start3A_208 = arith.constant 4 : i32
    %dma_start3A_209 = arith.constant 512 : i32
    %dma_start3A_210 = arith.constant 0 : i32
    %dma_start3A_211 = tpu.memref_slice %arg5[%dma_start3A_209, %dma_start3A_210] : memref<640x128xf32, #tpu.memory_space<vmem>> -> memref<128x128xf32, #tpu.memory_space<vmem>>
    %dma_start3A_212 = arith.constant 0 : i32
    %dma_start3A_213 = tpu.memref_slice %arg6[%add3A_207, %dma_start3A_208, %dma_start3A_212] : memref<14x5x128xi32, #tpu.memory_space<vmem>> -> memref<1x1x128xi32, #tpu.memory_space<vmem>>
    %dma_start3A_214 = tpu.memref_squeeze %dma_start3A_213 : memref<1x1x128xi32, #tpu.memory_space<vmem>> -> memref<128xi32, #tpu.memory_space<vmem>>
    %dma_start3A_215 = arith.constant 0 : i32
    %dma_start3A_216 = arith.constant 0 : i32
    %dma_start3A_217 = tpu.memref_slice %arg7[%dma_start3A_215, %dma_start3A_216] : memref<1536x128xf32, #tpu.memory_space<vmem_shared>> -> memref<1536x128xf32, #tpu.memory_space<vmem_shared>>
    tpu.enqueue_indirect_dma source(%dma_start3A_211 : memref<128x128xf32, #tpu.memory_space<vmem>>) target(%dma_start3A_217 : memref<1536x128xf32, #tpu.memory_space<vmem_shared>>) offsets(%dma_start3A_214 : memref<128xi32, #tpu.memory_space<vmem>>) semaphore(%arg8 : memref<!tpu.dma_semaphore, #tpu.memory_space<semaphore_mem>>) {add = true}
    %mul3A_218 = arith.constant 14 : i32
    %mul3A_219 = arith.muli %scan3A_9, %mul3A_218 : i32
    %add3A_220 = arith.constant 3 : i32
    %add3A_221 = arith.addi %mul3A_219, %add3A_220 : i32
    %dma_start3A_222 = arith.constant 0 : i32
    %dma_start3A_223 = arith.constant 0 : i32
    %dma_start3A_224 = arith.constant 0 : i32
    %dma_start3A_225 = tpu.memref_slice %arg5[%dma_start3A_223, %dma_start3A_224] : memref<640x128xf32, #tpu.memory_space<vmem>> -> memref<128x128xf32, #tpu.memory_space<vmem>>
    %dma_start3A_226 = arith.constant 0 : i32
    %dma_start3A_227 = tpu.memref_slice %arg6[%add3A_221, %dma_start3A_222, %dma_start3A_226] : memref<14x5x128xi32, #tpu.memory_space<vmem>> -> memref<1x1x128xi32, #tpu.memory_space<vmem>>
    %dma_start3A_228 = tpu.memref_squeeze %dma_start3A_227 : memref<1x1x128xi32, #tpu.memory_space<vmem>> -> memref<128xi32, #tpu.memory_space<vmem>>
    %dma_start3A_229 = arith.constant 0 : i32
    %dma_start3A_230 = arith.constant 0 : i32
    %dma_start3A_231 = tpu.memref_slice %arg7[%dma_start3A_229, %dma_start3A_230] : memref<1536x128xf32, #tpu.memory_space<vmem_shared>> -> memref<1536x128xf32, #tpu.memory_space<vmem_shared>>
    tpu.enqueue_indirect_dma source(%dma_start3A_225 : memref<128x128xf32, #tpu.memory_space<vmem>>) target(%dma_start3A_231 : memref<1536x128xf32, #tpu.memory_space<vmem_shared>>) offsets(%dma_start3A_228 : memref<128xi32, #tpu.memory_space<vmem>>) semaphore(%arg8 : memref<!tpu.dma_semaphore, #tpu.memory_space<semaphore_mem>>) {add = true}
    %mul3A_232 = arith.constant 14 : i32
    %mul3A_233 = arith.muli %scan3A_9, %mul3A_232 : i32
    %add3A_234 = arith.constant 3 : i32
    %add3A_235 = arith.addi %mul3A_233, %add3A_234 : i32
    %dma_start3A_236 = arith.constant 1 : i32
    %dma_start3A_237 = arith.constant 128 : i32
    %dma_start3A_238 = arith.constant 0 : i32
    %dma_start3A_239 = tpu.memref_slice %arg5[%dma_start3A_237, %dma_start3A_238] : memref<640x128xf32, #tpu.memory_space<vmem>> -> memref<128x128xf32, #tpu.memory_space<vmem>>
    %dma_start3A_240 = arith.constant 0 : i32
    %dma_start3A_241 = tpu.memref_slice %arg6[%add3A_235, %dma_start3A_236, %dma_start3A_240] : memref<14x5x128xi32, #tpu.memory_space<vmem>> -> memref<1x1x128xi32, #tpu.memory_space<vmem>>
    %dma_start3A_242 = tpu.memref_squeeze %dma_start3A_241 : memref<1x1x128xi32, #tpu.memory_space<vmem>> -> memref<128xi32, #tpu.memory_space<vmem>>
    %dma_start3A_243 = arith.constant 0 : i32
    %dma_start3A_244 = arith.constant 0 : i32
    %dma_start3A_245 = tpu.memref_slice %arg7[%dma_start3A_243, %dma_start3A_244] : memref<1536x128xf32, #tpu.memory_space<vmem_shared>> -> memref<1536x128xf32, #tpu.memory_space<vmem_shared>>
    tpu.enqueue_indirect_dma source(%dma_start3A_239 : memref<128x128xf32, #tpu.memory_space<vmem>>) target(%dma_start3A_245 : memref<1536x128xf32, #tpu.memory_space<vmem_shared>>) offsets(%dma_start3A_242 : memref<128xi32, #tpu.memory_space<vmem>>) semaphore(%arg8 : memref<!tpu.dma_semaphore, #tpu.memory_space<semaphore_mem>>) {add = true}
    %mul3A_246 = arith.constant 14 : i32
    %mul3A_247 = arith.muli %scan3A_9, %mul3A_246 : i32
    %add3A_248 = arith.constant 3 : i32
    %add3A_249 = arith.addi %mul3A_247, %add3A_248 : i32
    %dma_start3A_250 = arith.constant 2 : i32
    %dma_start3A_251 = arith.constant 256 : i32
    %dma_start3A_252 = arith.constant 0 : i32
    %dma_start3A_253 = tpu.memref_slice %arg5[%dma_start3A_251, %dma_start3A_252] : memref<640x128xf32, #tpu.memory_space<vmem>> -> memref<128x128xf32, #tpu.memory_space<vmem>>
    %dma_start3A_254 = arith.constant 0 : i32
    %dma_start3A_255 = tpu.memref_slice %arg6[%add3A_249, %dma_start3A_250, %dma_start3A_254] : memref<14x5x128xi32, #tpu.memory_space<vmem>> -> memref<1x1x128xi32, #tpu.memory_space<vmem>>
    %dma_start3A_256 = tpu.memref_squeeze %dma_start3A_255 : memref<1x1x128xi32, #tpu.memory_space<vmem>> -> memref<128xi32, #tpu.memory_space<vmem>>
    %dma_start3A_257 = arith.constant 0 : i32
    %dma_start3A_258 = arith.constant 0 : i32
    %dma_start3A_259 = tpu.memref_slice %arg7[%dma_start3A_257, %dma_start3A_258] : memref<1536x128xf32, #tpu.memory_space<vmem_shared>> -> memref<1536x128xf32, #tpu.memory_space<vmem_shared>>
    tpu.enqueue_indirect_dma source(%dma_start3A_253 : memref<128x128xf32, #tpu.memory_space<vmem>>) target(%dma_start3A_259 : memref<1536x128xf32, #tpu.memory_space<vmem_shared>>) offsets(%dma_start3A_256 : memref<128xi32, #tpu.memory_space<vmem>>) semaphore(%arg8 : memref<!tpu.dma_semaphore, #tpu.memory_space<semaphore_mem>>) {add = true}
    %mul3A_260 = arith.constant 14 : i32
    %mul3A_261 = arith.muli %scan3A_9, %mul3A_260 : i32
    %add3A_262 = arith.constant 3 : i32
    %add3A_263 = arith.addi %mul3A_261, %add3A_262 : i32
    %dma_start3A_264 = arith.constant 3 : i32
    %dma_start3A_265 = arith.constant 384 : i32
    %dma_start3A_266 = arith.constant 0 : i32
    %dma_start3A_267 = tpu.memref_slice %arg5[%dma_start3A_265, %dma_start3A_266] : memref<640x128xf32, #tpu.memory_space<vmem>> -> memref<128x128xf32, #tpu.memory_space<vmem>>
    %dma_start3A_268 = arith.constant 0 : i32
    %dma_start3A_269 = tpu.memref_slice %arg6[%add3A_263, %dma_start3A_264, %dma_start3A_268] : memref<14x5x128xi32, #tpu.memory_space<vmem>> -> memref<1x1x128xi32, #tpu.memory_space<vmem>>
    %dma_start3A_270 = tpu.memref_squeeze %dma_start3A_269 : memref<1x1x128xi32, #tpu.memory_space<vmem>> -> memref<128xi32, #tpu.memory_space<vmem>>
    %dma_start3A_271 = arith.constant 0 : i32
    %dma_start3A_272 = arith.constant 0 : i32
    %dma_start3A_273 = tpu.memref_slice %arg7[%dma_start3A_271, %dma_start3A_272] : memref<1536x128xf32, #tpu.memory_space<vmem_shared>> -> memref<1536x128xf32, #tpu.memory_space<vmem_shared>>
    tpu.enqueue_indirect_dma source(%dma_start3A_267 : memref<128x128xf32, #tpu.memory_space<vmem>>) target(%dma_start3A_273 : memref<1536x128xf32, #tpu.memory_space<vmem_shared>>) offsets(%dma_start3A_270 : memref<128xi32, #tpu.memory_space<vmem>>) semaphore(%arg8 : memref<!tpu.dma_semaphore, #tpu.memory_space<semaphore_mem>>) {add = true}
    %mul3A_274 = arith.constant 14 : i32
    %mul3A_275 = arith.muli %scan3A_9, %mul3A_274 : i32
    %add3A_276 = arith.constant 3 : i32
    %add3A_277 = arith.addi %mul3A_275, %add3A_276 : i32
    %dma_start3A_278 = arith.constant 4 : i32
    %dma_start3A_279 = arith.constant 512 : i32
    %dma_start3A_280 = arith.constant 0 : i32
    %dma_start3A_281 = tpu.memref_slice %arg5[%dma_start3A_279, %dma_start3A_280] : memref<640x128xf32, #tpu.memory_space<vmem>> -> memref<128x128xf32, #tpu.memory_space<vmem>>
    %dma_start3A_282 = arith.constant 0 : i32
    %dma_start3A_283 = tpu.memref_slice %arg6[%add3A_277, %dma_start3A_278, %dma_start3A_282] : memref<14x5x128xi32, #tpu.memory_space<vmem>> -> memref<1x1x128xi32, #tpu.memory_space<vmem>>
    %dma_start3A_284 = tpu.memref_squeeze %dma_start3A_283 : memref<1x1x128xi32, #tpu.memory_space<vmem>> -> memref<128xi32, #tpu.memory_space<vmem>>
    %dma_start3A_285 = arith.constant 0 : i32
    %dma_start3A_286 = arith.constant 0 : i32
    %dma_start3A_287 = tpu.memref_slice %arg7[%dma_start3A_285, %dma_start3A_286] : memref<1536x128xf32, #tpu.memory_space<vmem_shared>> -> memref<1536x128xf32, #tpu.memory_space<vmem_shared>>
    tpu.enqueue_indirect_dma source(%dma_start3A_281 : memref<128x128xf32, #tpu.memory_space<vmem>>) target(%dma_start3A_287 : memref<1536x128xf32, #tpu.memory_space<vmem_shared>>) offsets(%dma_start3A_284 : memref<128xi32, #tpu.memory_space<vmem>>) semaphore(%arg8 : memref<!tpu.dma_semaphore, #tpu.memory_space<semaphore_mem>>) {add = true}
    %mul3A_288 = arith.constant 14 : i32
    %mul3A_289 = arith.muli %scan3A_9, %mul3A_288 : i32
    %add3A_290 = arith.constant 4 : i32
    %add3A_291 = arith.addi %mul3A_289, %add3A_290 : i32
    %dma_start3A_292 = arith.constant 0 : i32
    %dma_start3A_293 = arith.constant 0 : i32
    %dma_start3A_294 = arith.constant 0 : i32
    %dma_start3A_295 = tpu.memref_slice %arg5[%dma_start3A_293, %dma_start3A_294] : memref<640x128xf32, #tpu.memory_space<vmem>> -> memref<128x128xf32, #tpu.memory_space<vmem>>
    %dma_start3A_296 = arith.constant 0 : i32
    %dma_start3A_297 = tpu.memref_slice %arg6[%add3A_291, %dma_start3A_292, %dma_start3A_296] : memref<14x5x128xi32, #tpu.memory_space<vmem>> -> memref<1x1x128xi32, #tpu.memory_space<vmem>>
    %dma_start3A_298 = tpu.memref_squeeze %dma_start3A_297 : memref<1x1x128xi32, #tpu.memory_space<vmem>> -> memref<128xi32, #tpu.memory_space<vmem>>
    %dma_start3A_299 = arith.constant 0 : i32
    %dma_start3A_300 = arith.constant 0 : i32
    %dma_start3A_301 = tpu.memref_slice %arg7[%dma_start3A_299, %dma_start3A_300] : memref<1536x128xf32, #tpu.memory_space<vmem_shared>> -> memref<1536x128xf32, #tpu.memory_space<vmem_shared>>
    tpu.enqueue_indirect_dma source(%dma_start3A_295 : memref<128x128xf32, #tpu.memory_space<vmem>>) target(%dma_start3A_301 : memref<1536x128xf32, #tpu.memory_space<vmem_shared>>) offsets(%dma_start3A_298 : memref<128xi32, #tpu.memory_space<vmem>>) semaphore(%arg8 : memref<!tpu.dma_semaphore, #tpu.memory_space<semaphore_mem>>) {add = true}
    %mul3A_302 = arith.constant 14 : i32
    %mul3A_303 = arith.muli %scan3A_9, %mul3A_302 : i32
    %add3A_304 = arith.constant 4 : i32
    %add3A_305 = arith.addi %mul3A_303, %add3A_304 : i32
    %dma_start3A_306 = arith.constant 1 : i32
    %dma_start3A_307 = arith.constant 128 : i32
    %dma_start3A_308 = arith.constant 0 : i32
    %dma_start3A_309 = tpu.memref_slice %arg5[%dma_start3A_307, %dma_start3A_308] : memref<640x128xf32, #tpu.memory_space<vmem>> -> memref<128x128xf32, #tpu.memory_space<vmem>>
    %dma_start3A_310 = arith.constant 0 : i32
    %dma_start3A_311 = tpu.memref_slice %arg6[%add3A_305, %dma_start3A_306, %dma_start3A_310] : memref<14x5x128xi32, #tpu.memory_space<vmem>> -> memref<1x1x128xi32, #tpu.memory_space<vmem>>
    %dma_start3A_312 = tpu.memref_squeeze %dma_start3A_311 : memref<1x1x128xi32, #tpu.memory_space<vmem>> -> memref<128xi32, #tpu.memory_space<vmem>>
    %dma_start3A_313 = arith.constant 0 : i32
    %dma_start3A_314 = arith.constant 0 : i32
    %dma_start3A_315 = tpu.memref_slice %arg7[%dma_start3A_313, %dma_start3A_314] : memref<1536x128xf32, #tpu.memory_space<vmem_shared>> -> memref<1536x128xf32, #tpu.memory_space<vmem_shared>>
    tpu.enqueue_indirect_dma source(%dma_start3A_309 : memref<128x128xf32, #tpu.memory_space<vmem>>) target(%dma_start3A_315 : memref<1536x128xf32, #tpu.memory_space<vmem_shared>>) offsets(%dma_start3A_312 : memref<128xi32, #tpu.memory_space<vmem>>) semaphore(%arg8 : memref<!tpu.dma_semaphore, #tpu.memory_space<semaphore_mem>>) {add = true}
    %mul3A_316 = arith.constant 14 : i32
    %mul3A_317 = arith.muli %scan3A_9, %mul3A_316 : i32
    %add3A_318 = arith.constant 4 : i32
    %add3A_319 = arith.addi %mul3A_317, %add3A_318 : i32
    %dma_start3A_320 = arith.constant 2 : i32
    %dma_start3A_321 = arith.constant 256 : i32
    %dma_start3A_322 = arith.constant 0 : i32
    %dma_start3A_323 = tpu.memref_slice %arg5[%dma_start3A_321, %dma_start3A_322] : memref<640x128xf32, #tpu.memory_space<vmem>> -> memref<128x128xf32, #tpu.memory_space<vmem>>
    %dma_start3A_324 = arith.constant 0 : i32
    %dma_start3A_325 = tpu.memref_slice %arg6[%add3A_319, %dma_start3A_320, %dma_start3A_324] : memref<14x5x128xi32, #tpu.memory_space<vmem>> -> memref<1x1x128xi32, #tpu.memory_space<vmem>>
    %dma_start3A_326 = tpu.memref_squeeze %dma_start3A_325 : memref<1x1x128xi32, #tpu.memory_space<vmem>> -> memref<128xi32, #tpu.memory_space<vmem>>
    %dma_start3A_327 = arith.constant 0 : i32
    %dma_start3A_328 = arith.constant 0 : i32
    %dma_start3A_329 = tpu.memref_slice %arg7[%dma_start3A_327, %dma_start3A_328] : memref<1536x128xf32, #tpu.memory_space<vmem_shared>> -> memref<1536x128xf32, #tpu.memory_space<vmem_shared>>
    tpu.enqueue_indirect_dma source(%dma_start3A_323 : memref<128x128xf32, #tpu.memory_space<vmem>>) target(%dma_start3A_329 : memref<1536x128xf32, #tpu.memory_space<vmem_shared>>) offsets(%dma_start3A_326 : memref<128xi32, #tpu.memory_space<vmem>>) semaphore(%arg8 : memref<!tpu.dma_semaphore, #tpu.memory_space<semaphore_mem>>) {add = true}
    %mul3A_330 = arith.constant 14 : i32
    %mul3A_331 = arith.muli %scan3A_9, %mul3A_330 : i32
    %add3A_332 = arith.constant 4 : i32
    %add3A_333 = arith.addi %mul3A_331, %add3A_332 : i32
    %dma_start3A_334 = arith.constant 3 : i32
    %dma_start3A_335 = arith.constant 384 : i32
    %dma_start3A_336 = arith.constant 0 : i32
    %dma_start3A_337 = tpu.memref_slice %arg5[%dma_start3A_335, %dma_start3A_336] : memref<640x128xf32, #tpu.memory_space<vmem>> -> memref<128x128xf32, #tpu.memory_space<vmem>>
    %dma_start3A_338 = arith.constant 0 : i32
    %dma_start3A_339 = tpu.memref_slice %arg6[%add3A_333, %dma_start3A_334, %dma_start3A_338] : memref<14x5x128xi32, #tpu.memory_space<vmem>> -> memref<1x1x128xi32, #tpu.memory_space<vmem>>
    %dma_start3A_340 = tpu.memref_squeeze %dma_start3A_339 : memref<1x1x128xi32, #tpu.memory_space<vmem>> -> memref<128xi32, #tpu.memory_space<vmem>>
    %dma_start3A_341 = arith.constant 0 : i32
    %dma_start3A_342 = arith.constant 0 : i32
    %dma_start3A_343 = tpu.memref_slice %arg7[%dma_start3A_341, %dma_start3A_342] : memref<1536x128xf32, #tpu.memory_space<vmem_shared>> -> memref<1536x128xf32, #tpu.memory_space<vmem_shared>>
    tpu.enqueue_indirect_dma source(%dma_start3A_337 : memref<128x128xf32, #tpu.memory_space<vmem>>) target(%dma_start3A_343 : memref<1536x128xf32, #tpu.memory_space<vmem_shared>>) offsets(%dma_start3A_340 : memref<128xi32, #tpu.memory_space<vmem>>) semaphore(%arg8 : memref<!tpu.dma_semaphore, #tpu.memory_space<semaphore_mem>>) {add = true}
    %mul3A_344 = arith.constant 14 : i32
    %mul3A_345 = arith.muli %scan3A_9, %mul3A_344 : i32
    %add3A_346 = arith.constant 4 : i32
    %add3A_347 = arith.addi %mul3A_345, %add3A_346 : i32
    %dma_start3A_348 = arith.constant 4 : i32
    %dma_start3A_349 = arith.constant 512 : i32
    %dma_start3A_350 = arith.constant 0 : i32
    %dma_start3A_351 = tpu.memref_slice %arg5[%dma_start3A_349, %dma_start3A_350] : memref<640x128xf32, #tpu.memory_space<vmem>> -> memref<128x128xf32, #tpu.memory_space<vmem>>
    %dma_start3A_352 = arith.constant 0 : i32
    %dma_start3A_353 = tpu.memref_slice %arg6[%add3A_347, %dma_start3A_348, %dma_start3A_352] : memref<14x5x128xi32, #tpu.memory_space<vmem>> -> memref<1x1x128xi32, #tpu.memory_space<vmem>>
    %dma_start3A_354 = tpu.memref_squeeze %dma_start3A_353 : memref<1x1x128xi32, #tpu.memory_space<vmem>> -> memref<128xi32, #tpu.memory_space<vmem>>
    %dma_start3A_355 = arith.constant 0 : i32
    %dma_start3A_356 = arith.constant 0 : i32
    %dma_start3A_357 = tpu.memref_slice %arg7[%dma_start3A_355, %dma_start3A_356] : memref<1536x128xf32, #tpu.memory_space<vmem_shared>> -> memref<1536x128xf32, #tpu.memory_space<vmem_shared>>
    tpu.enqueue_indirect_dma source(%dma_start3A_351 : memref<128x128xf32, #tpu.memory_space<vmem>>) target(%dma_start3A_357 : memref<1536x128xf32, #tpu.memory_space<vmem_shared>>) offsets(%dma_start3A_354 : memref<128xi32, #tpu.memory_space<vmem>>) semaphore(%arg8 : memref<!tpu.dma_semaphore, #tpu.memory_space<semaphore_mem>>) {add = true}
    %mul3A_358 = arith.constant 14 : i32
    %mul3A_359 = arith.muli %scan3A_9, %mul3A_358 : i32
    %add3A_360 = arith.constant 5 : i32
    %add3A_361 = arith.addi %mul3A_359, %add3A_360 : i32
    %dma_start3A_362 = arith.constant 0 : i32
    %dma_start3A_363 = arith.constant 0 : i32
    %dma_start3A_364 = arith.constant 0 : i32
    %dma_start3A_365 = tpu.memref_slice %arg5[%dma_start3A_363, %dma_start3A_364] : memref<640x128xf32, #tpu.memory_space<vmem>> -> memref<128x128xf32, #tpu.memory_space<vmem>>
    %dma_start3A_366 = arith.constant 0 : i32
    %dma_start3A_367 = tpu.memref_slice %arg6[%add3A_361, %dma_start3A_362, %dma_start3A_366] : memref<14x5x128xi32, #tpu.memory_space<vmem>> -> memref<1x1x128xi32, #tpu.memory_space<vmem>>
    %dma_start3A_368 = tpu.memref_squeeze %dma_start3A_367 : memref<1x1x128xi32, #tpu.memory_space<vmem>> -> memref<128xi32, #tpu.memory_space<vmem>>
    %dma_start3A_369 = arith.constant 0 : i32
    %dma_start3A_370 = arith.constant 0 : i32
    %dma_start3A_371 = tpu.memref_slice %arg7[%dma_start3A_369, %dma_start3A_370] : memref<1536x128xf32, #tpu.memory_space<vmem_shared>> -> memref<1536x128xf32, #tpu.memory_space<vmem_shared>>
    tpu.enqueue_indirect_dma source(%dma_start3A_365 : memref<128x128xf32, #tpu.memory_space<vmem>>) target(%dma_start3A_371 : memref<1536x128xf32, #tpu.memory_space<vmem_shared>>) offsets(%dma_start3A_368 : memref<128xi32, #tpu.memory_space<vmem>>) semaphore(%arg8 : memref<!tpu.dma_semaphore, #tpu.memory_space<semaphore_mem>>) {add = true}
    %mul3A_372 = arith.constant 14 : i32
    %mul3A_373 = arith.muli %scan3A_9, %mul3A_372 : i32
    %add3A_374 = arith.constant 5 : i32
    %add3A_375 = arith.addi %mul3A_373, %add3A_374 : i32
    %dma_start3A_376 = arith.constant 1 : i32
    %dma_start3A_377 = arith.constant 128 : i32
    %dma_start3A_378 = arith.constant 0 : i32
    %dma_start3A_379 = tpu.memref_slice %arg5[%dma_start3A_377, %dma_start3A_378] : memref<640x128xf32, #tpu.memory_space<vmem>> -> memref<128x128xf32, #tpu.memory_space<vmem>>
    %dma_start3A_380 = arith.constant 0 : i32
    %dma_start3A_381 = tpu.memref_slice %arg6[%add3A_375, %dma_start3A_376, %dma_start3A_380] : memref<14x5x128xi32, #tpu.memory_space<vmem>> -> memref<1x1x128xi32, #tpu.memory_space<vmem>>
    %dma_start3A_382 = tpu.memref_squeeze %dma_start3A_381 : memref<1x1x128xi32, #tpu.memory_space<vmem>> -> memref<128xi32, #tpu.memory_space<vmem>>
    %dma_start3A_383 = arith.constant 0 : i32
    %dma_start3A_384 = arith.constant 0 : i32
    %dma_start3A_385 = tpu.memref_slice %arg7[%dma_start3A_383, %dma_start3A_384] : memref<1536x128xf32, #tpu.memory_space<vmem_shared>> -> memref<1536x128xf32, #tpu.memory_space<vmem_shared>>
    tpu.enqueue_indirect_dma source(%dma_start3A_379 : memref<128x128xf32, #tpu.memory_space<vmem>>) target(%dma_start3A_385 : memref<1536x128xf32, #tpu.memory_space<vmem_shared>>) offsets(%dma_start3A_382 : memref<128xi32, #tpu.memory_space<vmem>>) semaphore(%arg8 : memref<!tpu.dma_semaphore, #tpu.memory_space<semaphore_mem>>) {add = true}
    %mul3A_386 = arith.constant 14 : i32
    %mul3A_387 = arith.muli %scan3A_9, %mul3A_386 : i32
    %add3A_388 = arith.constant 5 : i32
    %add3A_389 = arith.addi %mul3A_387, %add3A_388 : i32
    %dma_start3A_390 = arith.constant 2 : i32
    %dma_start3A_391 = arith.constant 256 : i32
    %dma_start3A_392 = arith.constant 0 : i32
    %dma_start3A_393 = tpu.memref_slice %arg5[%dma_start3A_391, %dma_start3A_392] : memref<640x128xf32, #tpu.memory_space<vmem>> -> memref<128x128xf32, #tpu.memory_space<vmem>>
    %dma_start3A_394 = arith.constant 0 : i32
    %dma_start3A_395 = tpu.memref_slice %arg6[%add3A_389, %dma_start3A_390, %dma_start3A_394] : memref<14x5x128xi32, #tpu.memory_space<vmem>> -> memref<1x1x128xi32, #tpu.memory_space<vmem>>
    %dma_start3A_396 = tpu.memref_squeeze %dma_start3A_395 : memref<1x1x128xi32, #tpu.memory_space<vmem>> -> memref<128xi32, #tpu.memory_space<vmem>>
    %dma_start3A_397 = arith.constant 0 : i32
    %dma_start3A_398 = arith.constant 0 : i32
    %dma_start3A_399 = tpu.memref_slice %arg7[%dma_start3A_397, %dma_start3A_398] : memref<1536x128xf32, #tpu.memory_space<vmem_shared>> -> memref<1536x128xf32, #tpu.memory_space<vmem_shared>>
    tpu.enqueue_indirect_dma source(%dma_start3A_393 : memref<128x128xf32, #tpu.memory_space<vmem>>) target(%dma_start3A_399 : memref<1536x128xf32, #tpu.memory_space<vmem_shared>>) offsets(%dma_start3A_396 : memref<128xi32, #tpu.memory_space<vmem>>) semaphore(%arg8 : memref<!tpu.dma_semaphore, #tpu.memory_space<semaphore_mem>>) {add = true}
    %mul3A_400 = arith.constant 14 : i32
    %mul3A_401 = arith.muli %scan3A_9, %mul3A_400 : i32
    %add3A_402 = arith.constant 5 : i32
    %add3A_403 = arith.addi %mul3A_401, %add3A_402 : i32
    %dma_start3A_404 = arith.constant 3 : i32
    %dma_start3A_405 = arith.constant 384 : i32
    %dma_start3A_406 = arith.constant 0 : i32
    %dma_start3A_407 = tpu.memref_slice %arg5[%dma_start3A_405, %dma_start3A_406] : memref<640x128xf32, #tpu.memory_space<vmem>> -> memref<128x128xf32, #tpu.memory_space<vmem>>
    %dma_start3A_408 = arith.constant 0 : i32
    %dma_start3A_409 = tpu.memref_slice %arg6[%add3A_403, %dma_start3A_404, %dma_start3A_408] : memref<14x5x128xi32, #tpu.memory_space<vmem>> -> memref<1x1x128xi32, #tpu.memory_space<vmem>>
    %dma_start3A_410 = tpu.memref_squeeze %dma_start3A_409 : memref<1x1x128xi32, #tpu.memory_space<vmem>> -> memref<128xi32, #tpu.memory_space<vmem>>
    %dma_start3A_411 = arith.constant 0 : i32
    %dma_start3A_412 = arith.constant 0 : i32
    %dma_start3A_413 = tpu.memref_slice %arg7[%dma_start3A_411, %dma_start3A_412] : memref<1536x128xf32, #tpu.memory_space<vmem_shared>> -> memref<1536x128xf32, #tpu.memory_space<vmem_shared>>
    tpu.enqueue_indirect_dma source(%dma_start3A_407 : memref<128x128xf32, #tpu.memory_space<vmem>>) target(%dma_start3A_413 : memref<1536x128xf32, #tpu.memory_space<vmem_shared>>) offsets(%dma_start3A_410 : memref<128xi32, #tpu.memory_space<vmem>>) semaphore(%arg8 : memref<!tpu.dma_semaphore, #tpu.memory_space<semaphore_mem>>) {add = true}
    %mul3A_414 = arith.constant 14 : i32
    %mul3A_415 = arith.muli %scan3A_9, %mul3A_414 : i32
    %add3A_416 = arith.constant 5 : i32
    %add3A_417 = arith.addi %mul3A_415, %add3A_416 : i32
    %dma_start3A_418 = arith.constant 4 : i32
    %dma_start3A_419 = arith.constant 512 : i32
    %dma_start3A_420 = arith.constant 0 : i32
    %dma_start3A_421 = tpu.memref_slice %arg5[%dma_start3A_419, %dma_start3A_420] : memref<640x128xf32, #tpu.memory_space<vmem>> -> memref<128x128xf32, #tpu.memory_space<vmem>>
    %dma_start3A_422 = arith.constant 0 : i32
    %dma_start3A_423 = tpu.memref_slice %arg6[%add3A_417, %dma_start3A_418, %dma_start3A_422] : memref<14x5x128xi32, #tpu.memory_space<vmem>> -> memref<1x1x128xi32, #tpu.memory_space<vmem>>
    %dma_start3A_424 = tpu.memref_squeeze %dma_start3A_423 : memref<1x1x128xi32, #tpu.memory_space<vmem>> -> memref<128xi32, #tpu.memory_space<vmem>>
    %dma_start3A_425 = arith.constant 0 : i32
    %dma_start3A_426 = arith.constant 0 : i32
    %dma_start3A_427 = tpu.memref_slice %arg7[%dma_start3A_425, %dma_start3A_426] : memref<1536x128xf32, #tpu.memory_space<vmem_shared>> -> memref<1536x128xf32, #tpu.memory_space<vmem_shared>>
    tpu.enqueue_indirect_dma source(%dma_start3A_421 : memref<128x128xf32, #tpu.memory_space<vmem>>) target(%dma_start3A_427 : memref<1536x128xf32, #tpu.memory_space<vmem_shared>>) offsets(%dma_start3A_424 : memref<128xi32, #tpu.memory_space<vmem>>) semaphore(%arg8 : memref<!tpu.dma_semaphore, #tpu.memory_space<semaphore_mem>>) {add = true}
    %mul3A_428 = arith.constant 14 : i32
    %mul3A_429 = arith.muli %scan3A_9, %mul3A_428 : i32
    %add3A_430 = arith.constant 6 : i32
    %add3A_431 = arith.addi %mul3A_429, %add3A_430 : i32
    %dma_start3A_432 = arith.constant 0 : i32
    %dma_start3A_433 = arith.constant 0 : i32
    %dma_start3A_434 = arith.constant 0 : i32
    %dma_start3A_435 = tpu.memref_slice %arg5[%dma_start3A_433, %dma_start3A_434] : memref<640x128xf32, #tpu.memory_space<vmem>> -> memref<128x128xf32, #tpu.memory_space<vmem>>
    %dma_start3A_436 = arith.constant 0 : i32
    %dma_start3A_437 = tpu.memref_slice %arg6[%add3A_431, %dma_start3A_432, %dma_start3A_436] : memref<14x5x128xi32, #tpu.memory_space<vmem>> -> memref<1x1x128xi32, #tpu.memory_space<vmem>>
    %dma_start3A_438 = tpu.memref_squeeze %dma_start3A_437 : memref<1x1x128xi32, #tpu.memory_space<vmem>> -> memref<128xi32, #tpu.memory_space<vmem>>
    %dma_start3A_439 = arith.constant 0 : i32
    %dma_start3A_440 = arith.constant 0 : i32
    %dma_start3A_441 = tpu.memref_slice %arg7[%dma_start3A_439, %dma_start3A_440] : memref<1536x128xf32, #tpu.memory_space<vmem_shared>> -> memref<1536x128xf32, #tpu.memory_space<vmem_shared>>
    tpu.enqueue_indirect_dma source(%dma_start3A_435 : memref<128x128xf32, #tpu.memory_space<vmem>>) target(%dma_start3A_441 : memref<1536x128xf32, #tpu.memory_space<vmem_shared>>) offsets(%dma_start3A_438 : memref<128xi32, #tpu.memory_space<vmem>>) semaphore(%arg8 : memref<!tpu.dma_semaphore, #tpu.memory_space<semaphore_mem>>) {add = true}
    %mul3A_442 = arith.constant 14 : i32
    %mul3A_443 = arith.muli %scan3A_9, %mul3A_442 : i32
    %add3A_444 = arith.constant 6 : i32
    %add3A_445 = arith.addi %mul3A_443, %add3A_444 : i32
    %dma_start3A_446 = arith.constant 1 : i32
    %dma_start3A_447 = arith.constant 128 : i32
    %dma_start3A_448 = arith.constant 0 : i32
    %dma_start3A_449 = tpu.memref_slice %arg5[%dma_start3A_447, %dma_start3A_448] : memref<640x128xf32, #tpu.memory_space<vmem>> -> memref<128x128xf32, #tpu.memory_space<vmem>>
    %dma_start3A_450 = arith.constant 0 : i32
    %dma_start3A_451 = tpu.memref_slice %arg6[%add3A_445, %dma_start3A_446, %dma_start3A_450] : memref<14x5x128xi32, #tpu.memory_space<vmem>> -> memref<1x1x128xi32, #tpu.memory_space<vmem>>
    %dma_start3A_452 = tpu.memref_squeeze %dma_start3A_451 : memref<1x1x128xi32, #tpu.memory_space<vmem>> -> memref<128xi32, #tpu.memory_space<vmem>>
    %dma_start3A_453 = arith.constant 0 : i32
    %dma_start3A_454 = arith.constant 0 : i32
    %dma_start3A_455 = tpu.memref_slice %arg7[%dma_start3A_453, %dma_start3A_454] : memref<1536x128xf32, #tpu.memory_space<vmem_shared>> -> memref<1536x128xf32, #tpu.memory_space<vmem_shared>>
    tpu.enqueue_indirect_dma source(%dma_start3A_449 : memref<128x128xf32, #tpu.memory_space<vmem>>) target(%dma_start3A_455 : memref<1536x128xf32, #tpu.memory_space<vmem_shared>>) offsets(%dma_start3A_452 : memref<128xi32, #tpu.memory_space<vmem>>) semaphore(%arg8 : memref<!tpu.dma_semaphore, #tpu.memory_space<semaphore_mem>>) {add = true}
    %mul3A_456 = arith.constant 14 : i32
    %mul3A_457 = arith.muli %scan3A_9, %mul3A_456 : i32
    %add3A_458 = arith.constant 6 : i32
    %add3A_459 = arith.addi %mul3A_457, %add3A_458 : i32
    %dma_start3A_460 = arith.constant 2 : i32
    %dma_start3A_461 = arith.constant 256 : i32
    %dma_start3A_462 = arith.constant 0 : i32
    %dma_start3A_463 = tpu.memref_slice %arg5[%dma_start3A_461, %dma_start3A_462] : memref<640x128xf32, #tpu.memory_space<vmem>> -> memref<128x128xf32, #tpu.memory_space<vmem>>
    %dma_start3A_464 = arith.constant 0 : i32
    %dma_start3A_465 = tpu.memref_slice %arg6[%add3A_459, %dma_start3A_460, %dma_start3A_464] : memref<14x5x128xi32, #tpu.memory_space<vmem>> -> memref<1x1x128xi32, #tpu.memory_space<vmem>>
    %dma_start3A_466 = tpu.memref_squeeze %dma_start3A_465 : memref<1x1x128xi32, #tpu.memory_space<vmem>> -> memref<128xi32, #tpu.memory_space<vmem>>
    %dma_start3A_467 = arith.constant 0 : i32
    %dma_start3A_468 = arith.constant 0 : i32
    %dma_start3A_469 = tpu.memref_slice %arg7[%dma_start3A_467, %dma_start3A_468] : memref<1536x128xf32, #tpu.memory_space<vmem_shared>> -> memref<1536x128xf32, #tpu.memory_space<vmem_shared>>
    tpu.enqueue_indirect_dma source(%dma_start3A_463 : memref<128x128xf32, #tpu.memory_space<vmem>>) target(%dma_start3A_469 : memref<1536x128xf32, #tpu.memory_space<vmem_shared>>) offsets(%dma_start3A_466 : memref<128xi32, #tpu.memory_space<vmem>>) semaphore(%arg8 : memref<!tpu.dma_semaphore, #tpu.memory_space<semaphore_mem>>) {add = true}
    %mul3A_470 = arith.constant 14 : i32
    %mul3A_471 = arith.muli %scan3A_9, %mul3A_470 : i32
    %add3A_472 = arith.constant 6 : i32
    %add3A_473 = arith.addi %mul3A_471, %add3A_472 : i32
    %dma_start3A_474 = arith.constant 3 : i32
    %dma_start3A_475 = arith.constant 384 : i32
    %dma_start3A_476 = arith.constant 0 : i32
    %dma_start3A_477 = tpu.memref_slice %arg5[%dma_start3A_475, %dma_start3A_476] : memref<640x128xf32, #tpu.memory_space<vmem>> -> memref<128x128xf32, #tpu.memory_space<vmem>>
    %dma_start3A_478 = arith.constant 0 : i32
    %dma_start3A_479 = tpu.memref_slice %arg6[%add3A_473, %dma_start3A_474, %dma_start3A_478] : memref<14x5x128xi32, #tpu.memory_space<vmem>> -> memref<1x1x128xi32, #tpu.memory_space<vmem>>
    %dma_start3A_480 = tpu.memref_squeeze %dma_start3A_479 : memref<1x1x128xi32, #tpu.memory_space<vmem>> -> memref<128xi32, #tpu.memory_space<vmem>>
    %dma_start3A_481 = arith.constant 0 : i32
    %dma_start3A_482 = arith.constant 0 : i32
    %dma_start3A_483 = tpu.memref_slice %arg7[%dma_start3A_481, %dma_start3A_482] : memref<1536x128xf32, #tpu.memory_space<vmem_shared>> -> memref<1536x128xf32, #tpu.memory_space<vmem_shared>>
    tpu.enqueue_indirect_dma source(%dma_start3A_477 : memref<128x128xf32, #tpu.memory_space<vmem>>) target(%dma_start3A_483 : memref<1536x128xf32, #tpu.memory_space<vmem_shared>>) offsets(%dma_start3A_480 : memref<128xi32, #tpu.memory_space<vmem>>) semaphore(%arg8 : memref<!tpu.dma_semaphore, #tpu.memory_space<semaphore_mem>>) {add = true}
    %mul3A_484 = arith.constant 14 : i32
    %mul3A_485 = arith.muli %scan3A_9, %mul3A_484 : i32
    %add3A_486 = arith.constant 6 : i32
    %add3A_487 = arith.addi %mul3A_485, %add3A_486 : i32
    %dma_start3A_488 = arith.constant 4 : i32
    %dma_start3A_489 = arith.constant 512 : i32
    %dma_start3A_490 = arith.constant 0 : i32
    %dma_start3A_491 = tpu.memref_slice %arg5[%dma_start3A_489, %dma_start3A_490] : memref<640x128xf32, #tpu.memory_space<vmem>> -> memref<128x128xf32, #tpu.memory_space<vmem>>
    %dma_start3A_492 = arith.constant 0 : i32
    %dma_start3A_493 = tpu.memref_slice %arg6[%add3A_487, %dma_start3A_488, %dma_start3A_492] : memref<14x5x128xi32, #tpu.memory_space<vmem>> -> memref<1x1x128xi32, #tpu.memory_space<vmem>>
    %dma_start3A_494 = tpu.memref_squeeze %dma_start3A_493 : memref<1x1x128xi32, #tpu.memory_space<vmem>> -> memref<128xi32, #tpu.memory_space<vmem>>
    %dma_start3A_495 = arith.constant 0 : i32
    %dma_start3A_496 = arith.constant 0 : i32
    %dma_start3A_497 = tpu.memref_slice %arg7[%dma_start3A_495, %dma_start3A_496] : memref<1536x128xf32, #tpu.memory_space<vmem_shared>> -> memref<1536x128xf32, #tpu.memory_space<vmem_shared>>
    tpu.enqueue_indirect_dma source(%dma_start3A_491 : memref<128x128xf32, #tpu.memory_space<vmem>>) target(%dma_start3A_497 : memref<1536x128xf32, #tpu.memory_space<vmem_shared>>) offsets(%dma_start3A_494 : memref<128xi32, #tpu.memory_space<vmem>>) semaphore(%arg8 : memref<!tpu.dma_semaphore, #tpu.memory_space<semaphore_mem>>) {add = true}
    %mul3A_498 = arith.constant 14 : i32
    %mul3A_499 = arith.muli %scan3A_9, %mul3A_498 : i32
    %add3A_500 = arith.constant 7 : i32
    %add3A_501 = arith.addi %mul3A_499, %add3A_500 : i32
    %dma_start3A_502 = arith.constant 0 : i32
    %dma_start3A_503 = arith.constant 0 : i32
    %dma_start3A_504 = arith.constant 0 : i32
    %dma_start3A_505 = tpu.memref_slice %arg5[%dma_start3A_503, %dma_start3A_504] : memref<640x128xf32, #tpu.memory_space<vmem>> -> memref<128x128xf32, #tpu.memory_space<vmem>>
    %dma_start3A_506 = arith.constant 0 : i32
    %dma_start3A_507 = tpu.memref_slice %arg6[%add3A_501, %dma_start3A_502, %dma_start3A_506] : memref<14x5x128xi32, #tpu.memory_space<vmem>> -> memref<1x1x128xi32, #tpu.memory_space<vmem>>
    %dma_start3A_508 = tpu.memref_squeeze %dma_start3A_507 : memref<1x1x128xi32, #tpu.memory_space<vmem>> -> memref<128xi32, #tpu.memory_space<vmem>>
    %dma_start3A_509 = arith.constant 0 : i32
    %dma_start3A_510 = arith.constant 0 : i32
    %dma_start3A_511 = tpu.memref_slice %arg7[%dma_start3A_509, %dma_start3A_510] : memref<1536x128xf32, #tpu.memory_space<vmem_shared>> -> memref<1536x128xf32, #tpu.memory_space<vmem_shared>>
    tpu.enqueue_indirect_dma source(%dma_start3A_505 : memref<128x128xf32, #tpu.memory_space<vmem>>) target(%dma_start3A_511 : memref<1536x128xf32, #tpu.memory_space<vmem_shared>>) offsets(%dma_start3A_508 : memref<128xi32, #tpu.memory_space<vmem>>) semaphore(%arg8 : memref<!tpu.dma_semaphore, #tpu.memory_space<semaphore_mem>>) {add = true}
    %mul3A_512 = arith.constant 14 : i32
    %mul3A_513 = arith.muli %scan3A_9, %mul3A_512 : i32
    %add3A_514 = arith.constant 7 : i32
    %add3A_515 = arith.addi %mul3A_513, %add3A_514 : i32
    %dma_start3A_516 = arith.constant 1 : i32
    %dma_start3A_517 = arith.constant 128 : i32
    %dma_start3A_518 = arith.constant 0 : i32
    %dma_start3A_519 = tpu.memref_slice %arg5[%dma_start3A_517, %dma_start3A_518] : memref<640x128xf32, #tpu.memory_space<vmem>> -> memref<128x128xf32, #tpu.memory_space<vmem>>
    %dma_start3A_520 = arith.constant 0 : i32
    %dma_start3A_521 = tpu.memref_slice %arg6[%add3A_515, %dma_start3A_516, %dma_start3A_520] : memref<14x5x128xi32, #tpu.memory_space<vmem>> -> memref<1x1x128xi32, #tpu.memory_space<vmem>>
    %dma_start3A_522 = tpu.memref_squeeze %dma_start3A_521 : memref<1x1x128xi32, #tpu.memory_space<vmem>> -> memref<128xi32, #tpu.memory_space<vmem>>
    %dma_start3A_523 = arith.constant 0 : i32
    %dma_start3A_524 = arith.constant 0 : i32
    %dma_start3A_525 = tpu.memref_slice %arg7[%dma_start3A_523, %dma_start3A_524] : memref<1536x128xf32, #tpu.memory_space<vmem_shared>> -> memref<1536x128xf32, #tpu.memory_space<vmem_shared>>
    tpu.enqueue_indirect_dma source(%dma_start3A_519 : memref<128x128xf32, #tpu.memory_space<vmem>>) target(%dma_start3A_525 : memref<1536x128xf32, #tpu.memory_space<vmem_shared>>) offsets(%dma_start3A_522 : memref<128xi32, #tpu.memory_space<vmem>>) semaphore(%arg8 : memref<!tpu.dma_semaphore, #tpu.memory_space<semaphore_mem>>) {add = true}
    %mul3A_526 = arith.constant 14 : i32
    %mul3A_527 = arith.muli %scan3A_9, %mul3A_526 : i32
    %add3A_528 = arith.constant 7 : i32
    %add3A_529 = arith.addi %mul3A_527, %add3A_528 : i32
    %dma_start3A_530 = arith.constant 2 : i32
    %dma_start3A_531 = arith.constant 256 : i32
    %dma_start3A_532 = arith.constant 0 : i32
    %dma_start3A_533 = tpu.memref_slice %arg5[%dma_start3A_531, %dma_start3A_532] : memref<640x128xf32, #tpu.memory_space<vmem>> -> memref<128x128xf32, #tpu.memory_space<vmem>>
    %dma_start3A_534 = arith.constant 0 : i32
    %dma_start3A_535 = tpu.memref_slice %arg6[%add3A_529, %dma_start3A_530, %dma_start3A_534] : memref<14x5x128xi32, #tpu.memory_space<vmem>> -> memref<1x1x128xi32, #tpu.memory_space<vmem>>
    %dma_start3A_536 = tpu.memref_squeeze %dma_start3A_535 : memref<1x1x128xi32, #tpu.memory_space<vmem>> -> memref<128xi32, #tpu.memory_space<vmem>>
    %dma_start3A_537 = arith.constant 0 : i32
    %dma_start3A_538 = arith.constant 0 : i32
    %dma_start3A_539 = tpu.memref_slice %arg7[%dma_start3A_537, %dma_start3A_538] : memref<1536x128xf32, #tpu.memory_space<vmem_shared>> -> memref<1536x128xf32, #tpu.memory_space<vmem_shared>>
    tpu.enqueue_indirect_dma source(%dma_start3A_533 : memref<128x128xf32, #tpu.memory_space<vmem>>) target(%dma_start3A_539 : memref<1536x128xf32, #tpu.memory_space<vmem_shared>>) offsets(%dma_start3A_536 : memref<128xi32, #tpu.memory_space<vmem>>) semaphore(%arg8 : memref<!tpu.dma_semaphore, #tpu.memory_space<semaphore_mem>>) {add = true}
    %mul3A_540 = arith.constant 14 : i32
    %mul3A_541 = arith.muli %scan3A_9, %mul3A_540 : i32
    %add3A_542 = arith.constant 7 : i32
    %add3A_543 = arith.addi %mul3A_541, %add3A_542 : i32
    %dma_start3A_544 = arith.constant 3 : i32
    %dma_start3A_545 = arith.constant 384 : i32
    %dma_start3A_546 = arith.constant 0 : i32
    %dma_start3A_547 = tpu.memref_slice %arg5[%dma_start3A_545, %dma_start3A_546] : memref<640x128xf32, #tpu.memory_space<vmem>> -> memref<128x128xf32, #tpu.memory_space<vmem>>
    %dma_start3A_548 = arith.constant 0 : i32
    %dma_start3A_549 = tpu.memref_slice %arg6[%add3A_543, %dma_start3A_544, %dma_start3A_548] : memref<14x5x128xi32, #tpu.memory_space<vmem>> -> memref<1x1x128xi32, #tpu.memory_space<vmem>>
    %dma_start3A_550 = tpu.memref_squeeze %dma_start3A_549 : memref<1x1x128xi32, #tpu.memory_space<vmem>> -> memref<128xi32, #tpu.memory_space<vmem>>
    %dma_start3A_551 = arith.constant 0 : i32
    %dma_start3A_552 = arith.constant 0 : i32
    %dma_start3A_553 = tpu.memref_slice %arg7[%dma_start3A_551, %dma_start3A_552] : memref<1536x128xf32, #tpu.memory_space<vmem_shared>> -> memref<1536x128xf32, #tpu.memory_space<vmem_shared>>
    tpu.enqueue_indirect_dma source(%dma_start3A_547 : memref<128x128xf32, #tpu.memory_space<vmem>>) target(%dma_start3A_553 : memref<1536x128xf32, #tpu.memory_space<vmem_shared>>) offsets(%dma_start3A_550 : memref<128xi32, #tpu.memory_space<vmem>>) semaphore(%arg8 : memref<!tpu.dma_semaphore, #tpu.memory_space<semaphore_mem>>) {add = true}
    %mul3A_554 = arith.constant 14 : i32
    %mul3A_555 = arith.muli %scan3A_9, %mul3A_554 : i32
    %add3A_556 = arith.constant 7 : i32
    %add3A_557 = arith.addi %mul3A_555, %add3A_556 : i32
    %dma_start3A_558 = arith.constant 4 : i32
    %dma_start3A_559 = arith.constant 512 : i32
    %dma_start3A_560 = arith.constant 0 : i32
    %dma_start3A_561 = tpu.memref_slice %arg5[%dma_start3A_559, %dma_start3A_560] : memref<640x128xf32, #tpu.memory_space<vmem>> -> memref<128x128xf32, #tpu.memory_space<vmem>>
    %dma_start3A_562 = arith.constant 0 : i32
    %dma_start3A_563 = tpu.memref_slice %arg6[%add3A_557, %dma_start3A_558, %dma_start3A_562] : memref<14x5x128xi32, #tpu.memory_space<vmem>> -> memref<1x1x128xi32, #tpu.memory_space<vmem>>
    %dma_start3A_564 = tpu.memref_squeeze %dma_start3A_563 : memref<1x1x128xi32, #tpu.memory_space<vmem>> -> memref<128xi32, #tpu.memory_space<vmem>>
    %dma_start3A_565 = arith.constant 0 : i32
    %dma_start3A_566 = arith.constant 0 : i32
    %dma_start3A_567 = tpu.memref_slice %arg7[%dma_start3A_565, %dma_start3A_566] : memref<1536x128xf32, #tpu.memory_space<vmem_shared>> -> memref<1536x128xf32, #tpu.memory_space<vmem_shared>>
    tpu.enqueue_indirect_dma source(%dma_start3A_561 : memref<128x128xf32, #tpu.memory_space<vmem>>) target(%dma_start3A_567 : memref<1536x128xf32, #tpu.memory_space<vmem_shared>>) offsets(%dma_start3A_564 : memref<128xi32, #tpu.memory_space<vmem>>) semaphore(%arg8 : memref<!tpu.dma_semaphore, #tpu.memory_space<semaphore_mem>>) {add = true}
    %mul3A_568 = arith.constant 14 : i32
    %mul3A_569 = arith.muli %scan3A_9, %mul3A_568 : i32
    %add3A_570 = arith.constant 8 : i32
    %add3A_571 = arith.addi %mul3A_569, %add3A_570 : i32
    %dma_start3A_572 = arith.constant 0 : i32
    %dma_start3A_573 = arith.constant 0 : i32
    %dma_start3A_574 = arith.constant 0 : i32
    %dma_start3A_575 = tpu.memref_slice %arg5[%dma_start3A_573, %dma_start3A_574] : memref<640x128xf32, #tpu.memory_space<vmem>> -> memref<128x128xf32, #tpu.memory_space<vmem>>
    %dma_start3A_576 = arith.constant 0 : i32
    %dma_start3A_577 = tpu.memref_slice %arg6[%add3A_571, %dma_start3A_572, %dma_start3A_576] : memref<14x5x128xi32, #tpu.memory_space<vmem>> -> memref<1x1x128xi32, #tpu.memory_space<vmem>>
    %dma_start3A_578 = tpu.memref_squeeze %dma_start3A_577 : memref<1x1x128xi32, #tpu.memory_space<vmem>> -> memref<128xi32, #tpu.memory_space<vmem>>
    %dma_start3A_579 = arith.constant 0 : i32
    %dma_start3A_580 = arith.constant 0 : i32
    %dma_start3A_581 = tpu.memref_slice %arg7[%dma_start3A_579, %dma_start3A_580] : memref<1536x128xf32, #tpu.memory_space<vmem_shared>> -> memref<1536x128xf32, #tpu.memory_space<vmem_shared>>
    tpu.enqueue_indirect_dma source(%dma_start3A_575 : memref<128x128xf32, #tpu.memory_space<vmem>>) target(%dma_start3A_581 : memref<1536x128xf32, #tpu.memory_space<vmem_shared>>) offsets(%dma_start3A_578 : memref<128xi32, #tpu.memory_space<vmem>>) semaphore(%arg8 : memref<!tpu.dma_semaphore, #tpu.memory_space<semaphore_mem>>) {add = true}
    %mul3A_582 = arith.constant 14 : i32
    %mul3A_583 = arith.muli %scan3A_9, %mul3A_582 : i32
    %add3A_584 = arith.constant 8 : i32
    %add3A_585 = arith.addi %mul3A_583, %add3A_584 : i32
    %dma_start3A_586 = arith.constant 1 : i32
    %dma_start3A_587 = arith.constant 128 : i32
    %dma_start3A_588 = arith.constant 0 : i32
    %dma_start3A_589 = tpu.memref_slice %arg5[%dma_start3A_587, %dma_start3A_588] : memref<640x128xf32, #tpu.memory_space<vmem>> -> memref<128x128xf32, #tpu.memory_space<vmem>>
    %dma_start3A_590 = arith.constant 0 : i32
    %dma_start3A_591 = tpu.memref_slice %arg6[%add3A_585, %dma_start3A_586, %dma_start3A_590] : memref<14x5x128xi32, #tpu.memory_space<vmem>> -> memref<1x1x128xi32, #tpu.memory_space<vmem>>
    %dma_start3A_592 = tpu.memref_squeeze %dma_start3A_591 : memref<1x1x128xi32, #tpu.memory_space<vmem>> -> memref<128xi32, #tpu.memory_space<vmem>>
    %dma_start3A_593 = arith.constant 0 : i32
    %dma_start3A_594 = arith.constant 0 : i32
    %dma_start3A_595 = tpu.memref_slice %arg7[%dma_start3A_593, %dma_start3A_594] : memref<1536x128xf32, #tpu.memory_space<vmem_shared>> -> memref<1536x128xf32, #tpu.memory_space<vmem_shared>>
    tpu.enqueue_indirect_dma source(%dma_start3A_589 : memref<128x128xf32, #tpu.memory_space<vmem>>) target(%dma_start3A_595 : memref<1536x128xf32, #tpu.memory_space<vmem_shared>>) offsets(%dma_start3A_592 : memref<128xi32, #tpu.memory_space<vmem>>) semaphore(%arg8 : memref<!tpu.dma_semaphore, #tpu.memory_space<semaphore_mem>>) {add = true}
    %mul3A_596 = arith.constant 14 : i32
    %mul3A_597 = arith.muli %scan3A_9, %mul3A_596 : i32
    %add3A_598 = arith.constant 8 : i32
    %add3A_599 = arith.addi %mul3A_597, %add3A_598 : i32
    %dma_start3A_600 = arith.constant 2 : i32
    %dma_start3A_601 = arith.constant 256 : i32
    %dma_start3A_602 = arith.constant 0 : i32
    %dma_start3A_603 = tpu.memref_slice %arg5[%dma_start3A_601, %dma_start3A_602] : memref<640x128xf32, #tpu.memory_space<vmem>> -> memref<128x128xf32, #tpu.memory_space<vmem>>
    %dma_start3A_604 = arith.constant 0 : i32
    %dma_start3A_605 = tpu.memref_slice %arg6[%add3A_599, %dma_start3A_600, %dma_start3A_604] : memref<14x5x128xi32, #tpu.memory_space<vmem>> -> memref<1x1x128xi32, #tpu.memory_space<vmem>>
    %dma_start3A_606 = tpu.memref_squeeze %dma_start3A_605 : memref<1x1x128xi32, #tpu.memory_space<vmem>> -> memref<128xi32, #tpu.memory_space<vmem>>
    %dma_start3A_607 = arith.constant 0 : i32
    %dma_start3A_608 = arith.constant 0 : i32
    %dma_start3A_609 = tpu.memref_slice %arg7[%dma_start3A_607, %dma_start3A_608] : memref<1536x128xf32, #tpu.memory_space<vmem_shared>> -> memref<1536x128xf32, #tpu.memory_space<vmem_shared>>
    tpu.enqueue_indirect_dma source(%dma_start3A_603 : memref<128x128xf32, #tpu.memory_space<vmem>>) target(%dma_start3A_609 : memref<1536x128xf32, #tpu.memory_space<vmem_shared>>) offsets(%dma_start3A_606 : memref<128xi32, #tpu.memory_space<vmem>>) semaphore(%arg8 : memref<!tpu.dma_semaphore, #tpu.memory_space<semaphore_mem>>) {add = true}
    %mul3A_610 = arith.constant 14 : i32
    %mul3A_611 = arith.muli %scan3A_9, %mul3A_610 : i32
    %add3A_612 = arith.constant 8 : i32
    %add3A_613 = arith.addi %mul3A_611, %add3A_612 : i32
    %dma_start3A_614 = arith.constant 3 : i32
    %dma_start3A_615 = arith.constant 384 : i32
    %dma_start3A_616 = arith.constant 0 : i32
    %dma_start3A_617 = tpu.memref_slice %arg5[%dma_start3A_615, %dma_start3A_616] : memref<640x128xf32, #tpu.memory_space<vmem>> -> memref<128x128xf32, #tpu.memory_space<vmem>>
    %dma_start3A_618 = arith.constant 0 : i32
    %dma_start3A_619 = tpu.memref_slice %arg6[%add3A_613, %dma_start3A_614, %dma_start3A_618] : memref<14x5x128xi32, #tpu.memory_space<vmem>> -> memref<1x1x128xi32, #tpu.memory_space<vmem>>
    %dma_start3A_620 = tpu.memref_squeeze %dma_start3A_619 : memref<1x1x128xi32, #tpu.memory_space<vmem>> -> memref<128xi32, #tpu.memory_space<vmem>>
    %dma_start3A_621 = arith.constant 0 : i32
    %dma_start3A_622 = arith.constant 0 : i32
    %dma_start3A_623 = tpu.memref_slice %arg7[%dma_start3A_621, %dma_start3A_622] : memref<1536x128xf32, #tpu.memory_space<vmem_shared>> -> memref<1536x128xf32, #tpu.memory_space<vmem_shared>>
    tpu.enqueue_indirect_dma source(%dma_start3A_617 : memref<128x128xf32, #tpu.memory_space<vmem>>) target(%dma_start3A_623 : memref<1536x128xf32, #tpu.memory_space<vmem_shared>>) offsets(%dma_start3A_620 : memref<128xi32, #tpu.memory_space<vmem>>) semaphore(%arg8 : memref<!tpu.dma_semaphore, #tpu.memory_space<semaphore_mem>>) {add = true}
    %mul3A_624 = arith.constant 14 : i32
    %mul3A_625 = arith.muli %scan3A_9, %mul3A_624 : i32
    %add3A_626 = arith.constant 8 : i32
    %add3A_627 = arith.addi %mul3A_625, %add3A_626 : i32
    %dma_start3A_628 = arith.constant 4 : i32
    %dma_start3A_629 = arith.constant 512 : i32
    %dma_start3A_630 = arith.constant 0 : i32
    %dma_start3A_631 = tpu.memref_slice %arg5[%dma_start3A_629, %dma_start3A_630] : memref<640x128xf32, #tpu.memory_space<vmem>> -> memref<128x128xf32, #tpu.memory_space<vmem>>
    %dma_start3A_632 = arith.constant 0 : i32
    %dma_start3A_633 = tpu.memref_slice %arg6[%add3A_627, %dma_start3A_628, %dma_start3A_632] : memref<14x5x128xi32, #tpu.memory_space<vmem>> -> memref<1x1x128xi32, #tpu.memory_space<vmem>>
    %dma_start3A_634 = tpu.memref_squeeze %dma_start3A_633 : memref<1x1x128xi32, #tpu.memory_space<vmem>> -> memref<128xi32, #tpu.memory_space<vmem>>
    %dma_start3A_635 = arith.constant 0 : i32
    %dma_start3A_636 = arith.constant 0 : i32
    %dma_start3A_637 = tpu.memref_slice %arg7[%dma_start3A_635, %dma_start3A_636] : memref<1536x128xf32, #tpu.memory_space<vmem_shared>> -> memref<1536x128xf32, #tpu.memory_space<vmem_shared>>
    tpu.enqueue_indirect_dma source(%dma_start3A_631 : memref<128x128xf32, #tpu.memory_space<vmem>>) target(%dma_start3A_637 : memref<1536x128xf32, #tpu.memory_space<vmem_shared>>) offsets(%dma_start3A_634 : memref<128xi32, #tpu.memory_space<vmem>>) semaphore(%arg8 : memref<!tpu.dma_semaphore, #tpu.memory_space<semaphore_mem>>) {add = true}
    %mul3A_638 = arith.constant 14 : i32
    %mul3A_639 = arith.muli %scan3A_9, %mul3A_638 : i32
    %add3A_640 = arith.constant 9 : i32
    %add3A_641 = arith.addi %mul3A_639, %add3A_640 : i32
    %dma_start3A_642 = arith.constant 0 : i32
    %dma_start3A_643 = arith.constant 0 : i32
    %dma_start3A_644 = arith.constant 0 : i32
    %dma_start3A_645 = tpu.memref_slice %arg5[%dma_start3A_643, %dma_start3A_644] : memref<640x128xf32, #tpu.memory_space<vmem>> -> memref<128x128xf32, #tpu.memory_space<vmem>>
    %dma_start3A_646 = arith.constant 0 : i32
    %dma_start3A_647 = tpu.memref_slice %arg6[%add3A_641, %dma_start3A_642, %dma_start3A_646] : memref<14x5x128xi32, #tpu.memory_space<vmem>> -> memref<1x1x128xi32, #tpu.memory_space<vmem>>
    %dma_start3A_648 = tpu.memref_squeeze %dma_start3A_647 : memref<1x1x128xi32, #tpu.memory_space<vmem>> -> memref<128xi32, #tpu.memory_space<vmem>>
    %dma_start3A_649 = arith.constant 0 : i32
    %dma_start3A_650 = arith.constant 0 : i32
    %dma_start3A_651 = tpu.memref_slice %arg7[%dma_start3A_649, %dma_start3A_650] : memref<1536x128xf32, #tpu.memory_space<vmem_shared>> -> memref<1536x128xf32, #tpu.memory_space<vmem_shared>>
    tpu.enqueue_indirect_dma source(%dma_start3A_645 : memref<128x128xf32, #tpu.memory_space<vmem>>) target(%dma_start3A_651 : memref<1536x128xf32, #tpu.memory_space<vmem_shared>>) offsets(%dma_start3A_648 : memref<128xi32, #tpu.memory_space<vmem>>) semaphore(%arg8 : memref<!tpu.dma_semaphore, #tpu.memory_space<semaphore_mem>>) {add = true}
    %mul3A_652 = arith.constant 14 : i32
    %mul3A_653 = arith.muli %scan3A_9, %mul3A_652 : i32
    %add3A_654 = arith.constant 9 : i32
    %add3A_655 = arith.addi %mul3A_653, %add3A_654 : i32
    %dma_start3A_656 = arith.constant 1 : i32
    %dma_start3A_657 = arith.constant 128 : i32
    %dma_start3A_658 = arith.constant 0 : i32
    %dma_start3A_659 = tpu.memref_slice %arg5[%dma_start3A_657, %dma_start3A_658] : memref<640x128xf32, #tpu.memory_space<vmem>> -> memref<128x128xf32, #tpu.memory_space<vmem>>
    %dma_start3A_660 = arith.constant 0 : i32
    %dma_start3A_661 = tpu.memref_slice %arg6[%add3A_655, %dma_start3A_656, %dma_start3A_660] : memref<14x5x128xi32, #tpu.memory_space<vmem>> -> memref<1x1x128xi32, #tpu.memory_space<vmem>>
    %dma_start3A_662 = tpu.memref_squeeze %dma_start3A_661 : memref<1x1x128xi32, #tpu.memory_space<vmem>> -> memref<128xi32, #tpu.memory_space<vmem>>
    %dma_start3A_663 = arith.constant 0 : i32
    %dma_start3A_664 = arith.constant 0 : i32
    %dma_start3A_665 = tpu.memref_slice %arg7[%dma_start3A_663, %dma_start3A_664] : memref<1536x128xf32, #tpu.memory_space<vmem_shared>> -> memref<1536x128xf32, #tpu.memory_space<vmem_shared>>
    tpu.enqueue_indirect_dma source(%dma_start3A_659 : memref<128x128xf32, #tpu.memory_space<vmem>>) target(%dma_start3A_665 : memref<1536x128xf32, #tpu.memory_space<vmem_shared>>) offsets(%dma_start3A_662 : memref<128xi32, #tpu.memory_space<vmem>>) semaphore(%arg8 : memref<!tpu.dma_semaphore, #tpu.memory_space<semaphore_mem>>) {add = true}
    %mul3A_666 = arith.constant 14 : i32
    %mul3A_667 = arith.muli %scan3A_9, %mul3A_666 : i32
    %add3A_668 = arith.constant 9 : i32
    %add3A_669 = arith.addi %mul3A_667, %add3A_668 : i32
    %dma_start3A_670 = arith.constant 2 : i32
    %dma_start3A_671 = arith.constant 256 : i32
    %dma_start3A_672 = arith.constant 0 : i32
    %dma_start3A_673 = tpu.memref_slice %arg5[%dma_start3A_671, %dma_start3A_672] : memref<640x128xf32, #tpu.memory_space<vmem>> -> memref<128x128xf32, #tpu.memory_space<vmem>>
    %dma_start3A_674 = arith.constant 0 : i32
    %dma_start3A_675 = tpu.memref_slice %arg6[%add3A_669, %dma_start3A_670, %dma_start3A_674] : memref<14x5x128xi32, #tpu.memory_space<vmem>> -> memref<1x1x128xi32, #tpu.memory_space<vmem>>
    %dma_start3A_676 = tpu.memref_squeeze %dma_start3A_675 : memref<1x1x128xi32, #tpu.memory_space<vmem>> -> memref<128xi32, #tpu.memory_space<vmem>>
    %dma_start3A_677 = arith.constant 0 : i32
    %dma_start3A_678 = arith.constant 0 : i32
    %dma_start3A_679 = tpu.memref_slice %arg7[%dma_start3A_677, %dma_start3A_678] : memref<1536x128xf32, #tpu.memory_space<vmem_shared>> -> memref<1536x128xf32, #tpu.memory_space<vmem_shared>>
    tpu.enqueue_indirect_dma source(%dma_start3A_673 : memref<128x128xf32, #tpu.memory_space<vmem>>) target(%dma_start3A_679 : memref<1536x128xf32, #tpu.memory_space<vmem_shared>>) offsets(%dma_start3A_676 : memref<128xi32, #tpu.memory_space<vmem>>) semaphore(%arg8 : memref<!tpu.dma_semaphore, #tpu.memory_space<semaphore_mem>>) {add = true}
    %mul3A_680 = arith.constant 14 : i32
    %mul3A_681 = arith.muli %scan3A_9, %mul3A_680 : i32
    %add3A_682 = arith.constant 9 : i32
    %add3A_683 = arith.addi %mul3A_681, %add3A_682 : i32
    %dma_start3A_684 = arith.constant 3 : i32
    %dma_start3A_685 = arith.constant 384 : i32
    %dma_start3A_686 = arith.constant 0 : i32
    %dma_start3A_687 = tpu.memref_slice %arg5[%dma_start3A_685, %dma_start3A_686] : memref<640x128xf32, #tpu.memory_space<vmem>> -> memref<128x128xf32, #tpu.memory_space<vmem>>
    %dma_start3A_688 = arith.constant 0 : i32
    %dma_start3A_689 = tpu.memref_slice %arg6[%add3A_683, %dma_start3A_684, %dma_start3A_688] : memref<14x5x128xi32, #tpu.memory_space<vmem>> -> memref<1x1x128xi32, #tpu.memory_space<vmem>>
    %dma_start3A_690 = tpu.memref_squeeze %dma_start3A_689 : memref<1x1x128xi32, #tpu.memory_space<vmem>> -> memref<128xi32, #tpu.memory_space<vmem>>
    %dma_start3A_691 = arith.constant 0 : i32
    %dma_start3A_692 = arith.constant 0 : i32
    %dma_start3A_693 = tpu.memref_slice %arg7[%dma_start3A_691, %dma_start3A_692] : memref<1536x128xf32, #tpu.memory_space<vmem_shared>> -> memref<1536x128xf32, #tpu.memory_space<vmem_shared>>
    tpu.enqueue_indirect_dma source(%dma_start3A_687 : memref<128x128xf32, #tpu.memory_space<vmem>>) target(%dma_start3A_693 : memref<1536x128xf32, #tpu.memory_space<vmem_shared>>) offsets(%dma_start3A_690 : memref<128xi32, #tpu.memory_space<vmem>>) semaphore(%arg8 : memref<!tpu.dma_semaphore, #tpu.memory_space<semaphore_mem>>) {add = true}
    %mul3A_694 = arith.constant 14 : i32
    %mul3A_695 = arith.muli %scan3A_9, %mul3A_694 : i32
    %add3A_696 = arith.constant 9 : i32
    %add3A_697 = arith.addi %mul3A_695, %add3A_696 : i32
    %dma_start3A_698 = arith.constant 4 : i32
    %dma_start3A_699 = arith.constant 512 : i32
    %dma_start3A_700 = arith.constant 0 : i32
    %dma_start3A_701 = tpu.memref_slice %arg5[%dma_start3A_699, %dma_start3A_700] : memref<640x128xf32, #tpu.memory_space<vmem>> -> memref<128x128xf32, #tpu.memory_space<vmem>>
    %dma_start3A_702 = arith.constant 0 : i32
    %dma_start3A_703 = tpu.memref_slice %arg6[%add3A_697, %dma_start3A_698, %dma_start3A_702] : memref<14x5x128xi32, #tpu.memory_space<vmem>> -> memref<1x1x128xi32, #tpu.memory_space<vmem>>
    %dma_start3A_704 = tpu.memref_squeeze %dma_start3A_703 : memref<1x1x128xi32, #tpu.memory_space<vmem>> -> memref<128xi32, #tpu.memory_space<vmem>>
    %dma_start3A_705 = arith.constant 0 : i32
    %dma_start3A_706 = arith.constant 0 : i32
    %dma_start3A_707 = tpu.memref_slice %arg7[%dma_start3A_705, %dma_start3A_706] : memref<1536x128xf32, #tpu.memory_space<vmem_shared>> -> memref<1536x128xf32, #tpu.memory_space<vmem_shared>>
    tpu.enqueue_indirect_dma source(%dma_start3A_701 : memref<128x128xf32, #tpu.memory_space<vmem>>) target(%dma_start3A_707 : memref<1536x128xf32, #tpu.memory_space<vmem_shared>>) offsets(%dma_start3A_704 : memref<128xi32, #tpu.memory_space<vmem>>) semaphore(%arg8 : memref<!tpu.dma_semaphore, #tpu.memory_space<semaphore_mem>>) {add = true}
    %mul3A_708 = arith.constant 14 : i32
    %mul3A_709 = arith.muli %scan3A_9, %mul3A_708 : i32
    %add3A_710 = arith.constant 10 : i32
    %add3A_711 = arith.addi %mul3A_709, %add3A_710 : i32
    %dma_start3A_712 = arith.constant 0 : i32
    %dma_start3A_713 = arith.constant 0 : i32
    %dma_start3A_714 = arith.constant 0 : i32
    %dma_start3A_715 = tpu.memref_slice %arg5[%dma_start3A_713, %dma_start3A_714] : memref<640x128xf32, #tpu.memory_space<vmem>> -> memref<128x128xf32, #tpu.memory_space<vmem>>
    %dma_start3A_716 = arith.constant 0 : i32
    %dma_start3A_717 = tpu.memref_slice %arg6[%add3A_711, %dma_start3A_712, %dma_start3A_716] : memref<14x5x128xi32, #tpu.memory_space<vmem>> -> memref<1x1x128xi32, #tpu.memory_space<vmem>>
    %dma_start3A_718 = tpu.memref_squeeze %dma_start3A_717 : memref<1x1x128xi32, #tpu.memory_space<vmem>> -> memref<128xi32, #tpu.memory_space<vmem>>
    %dma_start3A_719 = arith.constant 0 : i32
    %dma_start3A_720 = arith.constant 0 : i32
    %dma_start3A_721 = tpu.memref_slice %arg7[%dma_start3A_719, %dma_start3A_720] : memref<1536x128xf32, #tpu.memory_space<vmem_shared>> -> memref<1536x128xf32, #tpu.memory_space<vmem_shared>>
    tpu.enqueue_indirect_dma source(%dma_start3A_715 : memref<128x128xf32, #tpu.memory_space<vmem>>) target(%dma_start3A_721 : memref<1536x128xf32, #tpu.memory_space<vmem_shared>>) offsets(%dma_start3A_718 : memref<128xi32, #tpu.memory_space<vmem>>) semaphore(%arg8 : memref<!tpu.dma_semaphore, #tpu.memory_space<semaphore_mem>>) {add = true}
    %mul3A_722 = arith.constant 14 : i32
    %mul3A_723 = arith.muli %scan3A_9, %mul3A_722 : i32
    %add3A_724 = arith.constant 10 : i32
    %add3A_725 = arith.addi %mul3A_723, %add3A_724 : i32
    %dma_start3A_726 = arith.constant 1 : i32
    %dma_start3A_727 = arith.constant 128 : i32
    %dma_start3A_728 = arith.constant 0 : i32
    %dma_start3A_729 = tpu.memref_slice %arg5[%dma_start3A_727, %dma_start3A_728] : memref<640x128xf32, #tpu.memory_space<vmem>> -> memref<128x128xf32, #tpu.memory_space<vmem>>
    %dma_start3A_730 = arith.constant 0 : i32
    %dma_start3A_731 = tpu.memref_slice %arg6[%add3A_725, %dma_start3A_726, %dma_start3A_730] : memref<14x5x128xi32, #tpu.memory_space<vmem>> -> memref<1x1x128xi32, #tpu.memory_space<vmem>>
    %dma_start3A_732 = tpu.memref_squeeze %dma_start3A_731 : memref<1x1x128xi32, #tpu.memory_space<vmem>> -> memref<128xi32, #tpu.memory_space<vmem>>
    %dma_start3A_733 = arith.constant 0 : i32
    %dma_start3A_734 = arith.constant 0 : i32
    %dma_start3A_735 = tpu.memref_slice %arg7[%dma_start3A_733, %dma_start3A_734] : memref<1536x128xf32, #tpu.memory_space<vmem_shared>> -> memref<1536x128xf32, #tpu.memory_space<vmem_shared>>
    tpu.enqueue_indirect_dma source(%dma_start3A_729 : memref<128x128xf32, #tpu.memory_space<vmem>>) target(%dma_start3A_735 : memref<1536x128xf32, #tpu.memory_space<vmem_shared>>) offsets(%dma_start3A_732 : memref<128xi32, #tpu.memory_space<vmem>>) semaphore(%arg8 : memref<!tpu.dma_semaphore, #tpu.memory_space<semaphore_mem>>) {add = true}
    %mul3A_736 = arith.constant 14 : i32
    %mul3A_737 = arith.muli %scan3A_9, %mul3A_736 : i32
    %add3A_738 = arith.constant 10 : i32
    %add3A_739 = arith.addi %mul3A_737, %add3A_738 : i32
    %dma_start3A_740 = arith.constant 2 : i32
    %dma_start3A_741 = arith.constant 256 : i32
    %dma_start3A_742 = arith.constant 0 : i32
    %dma_start3A_743 = tpu.memref_slice %arg5[%dma_start3A_741, %dma_start3A_742] : memref<640x128xf32, #tpu.memory_space<vmem>> -> memref<128x128xf32, #tpu.memory_space<vmem>>
    %dma_start3A_744 = arith.constant 0 : i32
    %dma_start3A_745 = tpu.memref_slice %arg6[%add3A_739, %dma_start3A_740, %dma_start3A_744] : memref<14x5x128xi32, #tpu.memory_space<vmem>> -> memref<1x1x128xi32, #tpu.memory_space<vmem>>
    %dma_start3A_746 = tpu.memref_squeeze %dma_start3A_745 : memref<1x1x128xi32, #tpu.memory_space<vmem>> -> memref<128xi32, #tpu.memory_space<vmem>>
    %dma_start3A_747 = arith.constant 0 : i32
    %dma_start3A_748 = arith.constant 0 : i32
    %dma_start3A_749 = tpu.memref_slice %arg7[%dma_start3A_747, %dma_start3A_748] : memref<1536x128xf32, #tpu.memory_space<vmem_shared>> -> memref<1536x128xf32, #tpu.memory_space<vmem_shared>>
    tpu.enqueue_indirect_dma source(%dma_start3A_743 : memref<128x128xf32, #tpu.memory_space<vmem>>) target(%dma_start3A_749 : memref<1536x128xf32, #tpu.memory_space<vmem_shared>>) offsets(%dma_start3A_746 : memref<128xi32, #tpu.memory_space<vmem>>) semaphore(%arg8 : memref<!tpu.dma_semaphore, #tpu.memory_space<semaphore_mem>>) {add = true}
    %mul3A_750 = arith.constant 14 : i32
    %mul3A_751 = arith.muli %scan3A_9, %mul3A_750 : i32
    %add3A_752 = arith.constant 10 : i32
    %add3A_753 = arith.addi %mul3A_751, %add3A_752 : i32
    %dma_start3A_754 = arith.constant 3 : i32
    %dma_start3A_755 = arith.constant 384 : i32
    %dma_start3A_756 = arith.constant 0 : i32
    %dma_start3A_757 = tpu.memref_slice %arg5[%dma_start3A_755, %dma_start3A_756] : memref<640x128xf32, #tpu.memory_space<vmem>> -> memref<128x128xf32, #tpu.memory_space<vmem>>
    %dma_start3A_758 = arith.constant 0 : i32
    %dma_start3A_759 = tpu.memref_slice %arg6[%add3A_753, %dma_start3A_754, %dma_start3A_758] : memref<14x5x128xi32, #tpu.memory_space<vmem>> -> memref<1x1x128xi32, #tpu.memory_space<vmem>>
    %dma_start3A_760 = tpu.memref_squeeze %dma_start3A_759 : memref<1x1x128xi32, #tpu.memory_space<vmem>> -> memref<128xi32, #tpu.memory_space<vmem>>
    %dma_start3A_761 = arith.constant 0 : i32
    %dma_start3A_762 = arith.constant 0 : i32
    %dma_start3A_763 = tpu.memref_slice %arg7[%dma_start3A_761, %dma_start3A_762] : memref<1536x128xf32, #tpu.memory_space<vmem_shared>> -> memref<1536x128xf32, #tpu.memory_space<vmem_shared>>
    tpu.enqueue_indirect_dma source(%dma_start3A_757 : memref<128x128xf32, #tpu.memory_space<vmem>>) target(%dma_start3A_763 : memref<1536x128xf32, #tpu.memory_space<vmem_shared>>) offsets(%dma_start3A_760 : memref<128xi32, #tpu.memory_space<vmem>>) semaphore(%arg8 : memref<!tpu.dma_semaphore, #tpu.memory_space<semaphore_mem>>) {add = true}
    %mul3A_764 = arith.constant 14 : i32
    %mul3A_765 = arith.muli %scan3A_9, %mul3A_764 : i32
    %add3A_766 = arith.constant 10 : i32
    %add3A_767 = arith.addi %mul3A_765, %add3A_766 : i32
    %dma_start3A_768 = arith.constant 4 : i32
    %dma_start3A_769 = arith.constant 512 : i32
    %dma_start3A_770 = arith.constant 0 : i32
    %dma_start3A_771 = tpu.memref_slice %arg5[%dma_start3A_769, %dma_start3A_770] : memref<640x128xf32, #tpu.memory_space<vmem>> -> memref<128x128xf32, #tpu.memory_space<vmem>>
    %dma_start3A_772 = arith.constant 0 : i32
    %dma_start3A_773 = tpu.memref_slice %arg6[%add3A_767, %dma_start3A_768, %dma_start3A_772] : memref<14x5x128xi32, #tpu.memory_space<vmem>> -> memref<1x1x128xi32, #tpu.memory_space<vmem>>
    %dma_start3A_774 = tpu.memref_squeeze %dma_start3A_773 : memref<1x1x128xi32, #tpu.memory_space<vmem>> -> memref<128xi32, #tpu.memory_space<vmem>>
    %dma_start3A_775 = arith.constant 0 : i32
    %dma_start3A_776 = arith.constant 0 : i32
    %dma_start3A_777 = tpu.memref_slice %arg7[%dma_start3A_775, %dma_start3A_776] : memref<1536x128xf32, #tpu.memory_space<vmem_shared>> -> memref<1536x128xf32, #tpu.memory_space<vmem_shared>>
    tpu.enqueue_indirect_dma source(%dma_start3A_771 : memref<128x128xf32, #tpu.memory_space<vmem>>) target(%dma_start3A_777 : memref<1536x128xf32, #tpu.memory_space<vmem_shared>>) offsets(%dma_start3A_774 : memref<128xi32, #tpu.memory_space<vmem>>) semaphore(%arg8 : memref<!tpu.dma_semaphore, #tpu.memory_space<semaphore_mem>>) {add = true}
    %mul3A_778 = arith.constant 14 : i32
    %mul3A_779 = arith.muli %scan3A_9, %mul3A_778 : i32
    %add3A_780 = arith.constant 11 : i32
    %add3A_781 = arith.addi %mul3A_779, %add3A_780 : i32
    %dma_start3A_782 = arith.constant 0 : i32
    %dma_start3A_783 = arith.constant 0 : i32
    %dma_start3A_784 = arith.constant 0 : i32
    %dma_start3A_785 = tpu.memref_slice %arg5[%dma_start3A_783, %dma_start3A_784] : memref<640x128xf32, #tpu.memory_space<vmem>> -> memref<128x128xf32, #tpu.memory_space<vmem>>
    %dma_start3A_786 = arith.constant 0 : i32
    %dma_start3A_787 = tpu.memref_slice %arg6[%add3A_781, %dma_start3A_782, %dma_start3A_786] : memref<14x5x128xi32, #tpu.memory_space<vmem>> -> memref<1x1x128xi32, #tpu.memory_space<vmem>>
    %dma_start3A_788 = tpu.memref_squeeze %dma_start3A_787 : memref<1x1x128xi32, #tpu.memory_space<vmem>> -> memref<128xi32, #tpu.memory_space<vmem>>
    %dma_start3A_789 = arith.constant 0 : i32
    %dma_start3A_790 = arith.constant 0 : i32
    %dma_start3A_791 = tpu.memref_slice %arg7[%dma_start3A_789, %dma_start3A_790] : memref<1536x128xf32, #tpu.memory_space<vmem_shared>> -> memref<1536x128xf32, #tpu.memory_space<vmem_shared>>
    tpu.enqueue_indirect_dma source(%dma_start3A_785 : memref<128x128xf32, #tpu.memory_space<vmem>>) target(%dma_start3A_791 : memref<1536x128xf32, #tpu.memory_space<vmem_shared>>) offsets(%dma_start3A_788 : memref<128xi32, #tpu.memory_space<vmem>>) semaphore(%arg8 : memref<!tpu.dma_semaphore, #tpu.memory_space<semaphore_mem>>) {add = true}
    %mul3A_792 = arith.constant 14 : i32
    %mul3A_793 = arith.muli %scan3A_9, %mul3A_792 : i32
    %add3A_794 = arith.constant 11 : i32
    %add3A_795 = arith.addi %mul3A_793, %add3A_794 : i32
    %dma_start3A_796 = arith.constant 1 : i32
    %dma_start3A_797 = arith.constant 128 : i32
    %dma_start3A_798 = arith.constant 0 : i32
    %dma_start3A_799 = tpu.memref_slice %arg5[%dma_start3A_797, %dma_start3A_798] : memref<640x128xf32, #tpu.memory_space<vmem>> -> memref<128x128xf32, #tpu.memory_space<vmem>>
    %dma_start3A_800 = arith.constant 0 : i32
    %dma_start3A_801 = tpu.memref_slice %arg6[%add3A_795, %dma_start3A_796, %dma_start3A_800] : memref<14x5x128xi32, #tpu.memory_space<vmem>> -> memref<1x1x128xi32, #tpu.memory_space<vmem>>
    %dma_start3A_802 = tpu.memref_squeeze %dma_start3A_801 : memref<1x1x128xi32, #tpu.memory_space<vmem>> -> memref<128xi32, #tpu.memory_space<vmem>>
    %dma_start3A_803 = arith.constant 0 : i32
    %dma_start3A_804 = arith.constant 0 : i32
    %dma_start3A_805 = tpu.memref_slice %arg7[%dma_start3A_803, %dma_start3A_804] : memref<1536x128xf32, #tpu.memory_space<vmem_shared>> -> memref<1536x128xf32, #tpu.memory_space<vmem_shared>>
    tpu.enqueue_indirect_dma source(%dma_start3A_799 : memref<128x128xf32, #tpu.memory_space<vmem>>) target(%dma_start3A_805 : memref<1536x128xf32, #tpu.memory_space<vmem_shared>>) offsets(%dma_start3A_802 : memref<128xi32, #tpu.memory_space<vmem>>) semaphore(%arg8 : memref<!tpu.dma_semaphore, #tpu.memory_space<semaphore_mem>>) {add = true}
    %mul3A_806 = arith.constant 14 : i32
    %mul3A_807 = arith.muli %scan3A_9, %mul3A_806 : i32
    %add3A_808 = arith.constant 11 : i32
    %add3A_809 = arith.addi %mul3A_807, %add3A_808 : i32
    %dma_start3A_810 = arith.constant 2 : i32
    %dma_start3A_811 = arith.constant 256 : i32
    %dma_start3A_812 = arith.constant 0 : i32
    %dma_start3A_813 = tpu.memref_slice %arg5[%dma_start3A_811, %dma_start3A_812] : memref<640x128xf32, #tpu.memory_space<vmem>> -> memref<128x128xf32, #tpu.memory_space<vmem>>
    %dma_start3A_814 = arith.constant 0 : i32
    %dma_start3A_815 = tpu.memref_slice %arg6[%add3A_809, %dma_start3A_810, %dma_start3A_814] : memref<14x5x128xi32, #tpu.memory_space<vmem>> -> memref<1x1x128xi32, #tpu.memory_space<vmem>>
    %dma_start3A_816 = tpu.memref_squeeze %dma_start3A_815 : memref<1x1x128xi32, #tpu.memory_space<vmem>> -> memref<128xi32, #tpu.memory_space<vmem>>
    %dma_start3A_817 = arith.constant 0 : i32
    %dma_start3A_818 = arith.constant 0 : i32
    %dma_start3A_819 = tpu.memref_slice %arg7[%dma_start3A_817, %dma_start3A_818] : memref<1536x128xf32, #tpu.memory_space<vmem_shared>> -> memref<1536x128xf32, #tpu.memory_space<vmem_shared>>
    tpu.enqueue_indirect_dma source(%dma_start3A_813 : memref<128x128xf32, #tpu.memory_space<vmem>>) target(%dma_start3A_819 : memref<1536x128xf32, #tpu.memory_space<vmem_shared>>) offsets(%dma_start3A_816 : memref<128xi32, #tpu.memory_space<vmem>>) semaphore(%arg8 : memref<!tpu.dma_semaphore, #tpu.memory_space<semaphore_mem>>) {add = true}
    %mul3A_820 = arith.constant 14 : i32
    %mul3A_821 = arith.muli %scan3A_9, %mul3A_820 : i32
    %add3A_822 = arith.constant 11 : i32
    %add3A_823 = arith.addi %mul3A_821, %add3A_822 : i32
    %dma_start3A_824 = arith.constant 3 : i32
    %dma_start3A_825 = arith.constant 384 : i32
    %dma_start3A_826 = arith.constant 0 : i32
    %dma_start3A_827 = tpu.memref_slice %arg5[%dma_start3A_825, %dma_start3A_826] : memref<640x128xf32, #tpu.memory_space<vmem>> -> memref<128x128xf32, #tpu.memory_space<vmem>>
    %dma_start3A_828 = arith.constant 0 : i32
    %dma_start3A_829 = tpu.memref_slice %arg6[%add3A_823, %dma_start3A_824, %dma_start3A_828] : memref<14x5x128xi32, #tpu.memory_space<vmem>> -> memref<1x1x128xi32, #tpu.memory_space<vmem>>
    %dma_start3A_830 = tpu.memref_squeeze %dma_start3A_829 : memref<1x1x128xi32, #tpu.memory_space<vmem>> -> memref<128xi32, #tpu.memory_space<vmem>>
    %dma_start3A_831 = arith.constant 0 : i32
    %dma_start3A_832 = arith.constant 0 : i32
    %dma_start3A_833 = tpu.memref_slice %arg7[%dma_start3A_831, %dma_start3A_832] : memref<1536x128xf32, #tpu.memory_space<vmem_shared>> -> memref<1536x128xf32, #tpu.memory_space<vmem_shared>>
    tpu.enqueue_indirect_dma source(%dma_start3A_827 : memref<128x128xf32, #tpu.memory_space<vmem>>) target(%dma_start3A_833 : memref<1536x128xf32, #tpu.memory_space<vmem_shared>>) offsets(%dma_start3A_830 : memref<128xi32, #tpu.memory_space<vmem>>) semaphore(%arg8 : memref<!tpu.dma_semaphore, #tpu.memory_space<semaphore_mem>>) {add = true}
    %mul3A_834 = arith.constant 14 : i32
    %mul3A_835 = arith.muli %scan3A_9, %mul3A_834 : i32
    %add3A_836 = arith.constant 11 : i32
    %add3A_837 = arith.addi %mul3A_835, %add3A_836 : i32
    %dma_start3A_838 = arith.constant 4 : i32
    %dma_start3A_839 = arith.constant 512 : i32
    %dma_start3A_840 = arith.constant 0 : i32
    %dma_start3A_841 = tpu.memref_slice %arg5[%dma_start3A_839, %dma_start3A_840] : memref<640x128xf32, #tpu.memory_space<vmem>> -> memref<128x128xf32, #tpu.memory_space<vmem>>
    %dma_start3A_842 = arith.constant 0 : i32
    %dma_start3A_843 = tpu.memref_slice %arg6[%add3A_837, %dma_start3A_838, %dma_start3A_842] : memref<14x5x128xi32, #tpu.memory_space<vmem>> -> memref<1x1x128xi32, #tpu.memory_space<vmem>>
    %dma_start3A_844 = tpu.memref_squeeze %dma_start3A_843 : memref<1x1x128xi32, #tpu.memory_space<vmem>> -> memref<128xi32, #tpu.memory_space<vmem>>
    %dma_start3A_845 = arith.constant 0 : i32
    %dma_start3A_846 = arith.constant 0 : i32
    %dma_start3A_847 = tpu.memref_slice %arg7[%dma_start3A_845, %dma_start3A_846] : memref<1536x128xf32, #tpu.memory_space<vmem_shared>> -> memref<1536x128xf32, #tpu.memory_space<vmem_shared>>
    tpu.enqueue_indirect_dma source(%dma_start3A_841 : memref<128x128xf32, #tpu.memory_space<vmem>>) target(%dma_start3A_847 : memref<1536x128xf32, #tpu.memory_space<vmem_shared>>) offsets(%dma_start3A_844 : memref<128xi32, #tpu.memory_space<vmem>>) semaphore(%arg8 : memref<!tpu.dma_semaphore, #tpu.memory_space<semaphore_mem>>) {add = true}
    %mul3A_848 = arith.constant 14 : i32
    %mul3A_849 = arith.muli %scan3A_9, %mul3A_848 : i32
    %add3A_850 = arith.constant 12 : i32
    %add3A_851 = arith.addi %mul3A_849, %add3A_850 : i32
    %dma_start3A_852 = arith.constant 0 : i32
    %dma_start3A_853 = arith.constant 0 : i32
    %dma_start3A_854 = arith.constant 0 : i32
    %dma_start3A_855 = tpu.memref_slice %arg5[%dma_start3A_853, %dma_start3A_854] : memref<640x128xf32, #tpu.memory_space<vmem>> -> memref<128x128xf32, #tpu.memory_space<vmem>>
    %dma_start3A_856 = arith.constant 0 : i32
    %dma_start3A_857 = tpu.memref_slice %arg6[%add3A_851, %dma_start3A_852, %dma_start3A_856] : memref<14x5x128xi32, #tpu.memory_space<vmem>> -> memref<1x1x128xi32, #tpu.memory_space<vmem>>
    %dma_start3A_858 = tpu.memref_squeeze %dma_start3A_857 : memref<1x1x128xi32, #tpu.memory_space<vmem>> -> memref<128xi32, #tpu.memory_space<vmem>>
    %dma_start3A_859 = arith.constant 0 : i32
    %dma_start3A_860 = arith.constant 0 : i32
    %dma_start3A_861 = tpu.memref_slice %arg7[%dma_start3A_859, %dma_start3A_860] : memref<1536x128xf32, #tpu.memory_space<vmem_shared>> -> memref<1536x128xf32, #tpu.memory_space<vmem_shared>>
    tpu.enqueue_indirect_dma source(%dma_start3A_855 : memref<128x128xf32, #tpu.memory_space<vmem>>) target(%dma_start3A_861 : memref<1536x128xf32, #tpu.memory_space<vmem_shared>>) offsets(%dma_start3A_858 : memref<128xi32, #tpu.memory_space<vmem>>) semaphore(%arg8 : memref<!tpu.dma_semaphore, #tpu.memory_space<semaphore_mem>>) {add = true}
    %mul3A_862 = arith.constant 14 : i32
    %mul3A_863 = arith.muli %scan3A_9, %mul3A_862 : i32
    %add3A_864 = arith.constant 12 : i32
    %add3A_865 = arith.addi %mul3A_863, %add3A_864 : i32
    %dma_start3A_866 = arith.constant 1 : i32
    %dma_start3A_867 = arith.constant 128 : i32
    %dma_start3A_868 = arith.constant 0 : i32
    %dma_start3A_869 = tpu.memref_slice %arg5[%dma_start3A_867, %dma_start3A_868] : memref<640x128xf32, #tpu.memory_space<vmem>> -> memref<128x128xf32, #tpu.memory_space<vmem>>
    %dma_start3A_870 = arith.constant 0 : i32
    %dma_start3A_871 = tpu.memref_slice %arg6[%add3A_865, %dma_start3A_866, %dma_start3A_870] : memref<14x5x128xi32, #tpu.memory_space<vmem>> -> memref<1x1x128xi32, #tpu.memory_space<vmem>>
    %dma_start3A_872 = tpu.memref_squeeze %dma_start3A_871 : memref<1x1x128xi32, #tpu.memory_space<vmem>> -> memref<128xi32, #tpu.memory_space<vmem>>
    %dma_start3A_873 = arith.constant 0 : i32
    %dma_start3A_874 = arith.constant 0 : i32
    %dma_start3A_875 = tpu.memref_slice %arg7[%dma_start3A_873, %dma_start3A_874] : memref<1536x128xf32, #tpu.memory_space<vmem_shared>> -> memref<1536x128xf32, #tpu.memory_space<vmem_shared>>
    tpu.enqueue_indirect_dma source(%dma_start3A_869 : memref<128x128xf32, #tpu.memory_space<vmem>>) target(%dma_start3A_875 : memref<1536x128xf32, #tpu.memory_space<vmem_shared>>) offsets(%dma_start3A_872 : memref<128xi32, #tpu.memory_space<vmem>>) semaphore(%arg8 : memref<!tpu.dma_semaphore, #tpu.memory_space<semaphore_mem>>) {add = true}
    %mul3A_876 = arith.constant 14 : i32
    %mul3A_877 = arith.muli %scan3A_9, %mul3A_876 : i32
    %add3A_878 = arith.constant 12 : i32
    %add3A_879 = arith.addi %mul3A_877, %add3A_878 : i32
    %dma_start3A_880 = arith.constant 2 : i32
    %dma_start3A_881 = arith.constant 256 : i32
    %dma_start3A_882 = arith.constant 0 : i32
    %dma_start3A_883 = tpu.memref_slice %arg5[%dma_start3A_881, %dma_start3A_882] : memref<640x128xf32, #tpu.memory_space<vmem>> -> memref<128x128xf32, #tpu.memory_space<vmem>>
    %dma_start3A_884 = arith.constant 0 : i32
    %dma_start3A_885 = tpu.memref_slice %arg6[%add3A_879, %dma_start3A_880, %dma_start3A_884] : memref<14x5x128xi32, #tpu.memory_space<vmem>> -> memref<1x1x128xi32, #tpu.memory_space<vmem>>
    %dma_start3A_886 = tpu.memref_squeeze %dma_start3A_885 : memref<1x1x128xi32, #tpu.memory_space<vmem>> -> memref<128xi32, #tpu.memory_space<vmem>>
    %dma_start3A_887 = arith.constant 0 : i32
    %dma_start3A_888 = arith.constant 0 : i32
    %dma_start3A_889 = tpu.memref_slice %arg7[%dma_start3A_887, %dma_start3A_888] : memref<1536x128xf32, #tpu.memory_space<vmem_shared>> -> memref<1536x128xf32, #tpu.memory_space<vmem_shared>>
    tpu.enqueue_indirect_dma source(%dma_start3A_883 : memref<128x128xf32, #tpu.memory_space<vmem>>) target(%dma_start3A_889 : memref<1536x128xf32, #tpu.memory_space<vmem_shared>>) offsets(%dma_start3A_886 : memref<128xi32, #tpu.memory_space<vmem>>) semaphore(%arg8 : memref<!tpu.dma_semaphore, #tpu.memory_space<semaphore_mem>>) {add = true}
    %mul3A_890 = arith.constant 14 : i32
    %mul3A_891 = arith.muli %scan3A_9, %mul3A_890 : i32
    %add3A_892 = arith.constant 12 : i32
    %add3A_893 = arith.addi %mul3A_891, %add3A_892 : i32
    %dma_start3A_894 = arith.constant 3 : i32
    %dma_start3A_895 = arith.constant 384 : i32
    %dma_start3A_896 = arith.constant 0 : i32
    %dma_start3A_897 = tpu.memref_slice %arg5[%dma_start3A_895, %dma_start3A_896] : memref<640x128xf32, #tpu.memory_space<vmem>> -> memref<128x128xf32, #tpu.memory_space<vmem>>
    %dma_start3A_898 = arith.constant 0 : i32
    %dma_start3A_899 = tpu.memref_slice %arg6[%add3A_893, %dma_start3A_894, %dma_start3A_898] : memref<14x5x128xi32, #tpu.memory_space<vmem>> -> memref<1x1x128xi32, #tpu.memory_space<vmem>>
    %dma_start3A_900 = tpu.memref_squeeze %dma_start3A_899 : memref<1x1x128xi32, #tpu.memory_space<vmem>> -> memref<128xi32, #tpu.memory_space<vmem>>
    %dma_start3A_901 = arith.constant 0 : i32
    %dma_start3A_902 = arith.constant 0 : i32
    %dma_start3A_903 = tpu.memref_slice %arg7[%dma_start3A_901, %dma_start3A_902] : memref<1536x128xf32, #tpu.memory_space<vmem_shared>> -> memref<1536x128xf32, #tpu.memory_space<vmem_shared>>
    tpu.enqueue_indirect_dma source(%dma_start3A_897 : memref<128x128xf32, #tpu.memory_space<vmem>>) target(%dma_start3A_903 : memref<1536x128xf32, #tpu.memory_space<vmem_shared>>) offsets(%dma_start3A_900 : memref<128xi32, #tpu.memory_space<vmem>>) semaphore(%arg8 : memref<!tpu.dma_semaphore, #tpu.memory_space<semaphore_mem>>) {add = true}
    %mul3A_904 = arith.constant 14 : i32
    %mul3A_905 = arith.muli %scan3A_9, %mul3A_904 : i32
    %add3A_906 = arith.constant 12 : i32
    %add3A_907 = arith.addi %mul3A_905, %add3A_906 : i32
    %dma_start3A_908 = arith.constant 4 : i32
    %dma_start3A_909 = arith.constant 512 : i32
    %dma_start3A_910 = arith.constant 0 : i32
    %dma_start3A_911 = tpu.memref_slice %arg5[%dma_start3A_909, %dma_start3A_910] : memref<640x128xf32, #tpu.memory_space<vmem>> -> memref<128x128xf32, #tpu.memory_space<vmem>>
    %dma_start3A_912 = arith.constant 0 : i32
    %dma_start3A_913 = tpu.memref_slice %arg6[%add3A_907, %dma_start3A_908, %dma_start3A_912] : memref<14x5x128xi32, #tpu.memory_space<vmem>> -> memref<1x1x128xi32, #tpu.memory_space<vmem>>
    %dma_start3A_914 = tpu.memref_squeeze %dma_start3A_913 : memref<1x1x128xi32, #tpu.memory_space<vmem>> -> memref<128xi32, #tpu.memory_space<vmem>>
    %dma_start3A_915 = arith.constant 0 : i32
    %dma_start3A_916 = arith.constant 0 : i32
    %dma_start3A_917 = tpu.memref_slice %arg7[%dma_start3A_915, %dma_start3A_916] : memref<1536x128xf32, #tpu.memory_space<vmem_shared>> -> memref<1536x128xf32, #tpu.memory_space<vmem_shared>>
    tpu.enqueue_indirect_dma source(%dma_start3A_911 : memref<128x128xf32, #tpu.memory_space<vmem>>) target(%dma_start3A_917 : memref<1536x128xf32, #tpu.memory_space<vmem_shared>>) offsets(%dma_start3A_914 : memref<128xi32, #tpu.memory_space<vmem>>) semaphore(%arg8 : memref<!tpu.dma_semaphore, #tpu.memory_space<semaphore_mem>>) {add = true}
    %mul3A_918 = arith.constant 14 : i32
    %mul3A_919 = arith.muli %scan3A_9, %mul3A_918 : i32
    %add3A_920 = arith.constant 13 : i32
    %add3A_921 = arith.addi %mul3A_919, %add3A_920 : i32
    %dma_start3A_922 = arith.constant 0 : i32
    %dma_start3A_923 = arith.constant 0 : i32
    %dma_start3A_924 = arith.constant 0 : i32
    %dma_start3A_925 = tpu.memref_slice %arg5[%dma_start3A_923, %dma_start3A_924] : memref<640x128xf32, #tpu.memory_space<vmem>> -> memref<128x128xf32, #tpu.memory_space<vmem>>
    %dma_start3A_926 = arith.constant 0 : i32
    %dma_start3A_927 = tpu.memref_slice %arg6[%add3A_921, %dma_start3A_922, %dma_start3A_926] : memref<14x5x128xi32, #tpu.memory_space<vmem>> -> memref<1x1x128xi32, #tpu.memory_space<vmem>>
    %dma_start3A_928 = tpu.memref_squeeze %dma_start3A_927 : memref<1x1x128xi32, #tpu.memory_space<vmem>> -> memref<128xi32, #tpu.memory_space<vmem>>
    %dma_start3A_929 = arith.constant 0 : i32
    %dma_start3A_930 = arith.constant 0 : i32
    %dma_start3A_931 = tpu.memref_slice %arg7[%dma_start3A_929, %dma_start3A_930] : memref<1536x128xf32, #tpu.memory_space<vmem_shared>> -> memref<1536x128xf32, #tpu.memory_space<vmem_shared>>
    tpu.enqueue_indirect_dma source(%dma_start3A_925 : memref<128x128xf32, #tpu.memory_space<vmem>>) target(%dma_start3A_931 : memref<1536x128xf32, #tpu.memory_space<vmem_shared>>) offsets(%dma_start3A_928 : memref<128xi32, #tpu.memory_space<vmem>>) semaphore(%arg8 : memref<!tpu.dma_semaphore, #tpu.memory_space<semaphore_mem>>) {add = true}
    %mul3A_932 = arith.constant 14 : i32
    %mul3A_933 = arith.muli %scan3A_9, %mul3A_932 : i32
    %add3A_934 = arith.constant 13 : i32
    %add3A_935 = arith.addi %mul3A_933, %add3A_934 : i32
    %dma_start3A_936 = arith.constant 1 : i32
    %dma_start3A_937 = arith.constant 128 : i32
    %dma_start3A_938 = arith.constant 0 : i32
    %dma_start3A_939 = tpu.memref_slice %arg5[%dma_start3A_937, %dma_start3A_938] : memref<640x128xf32, #tpu.memory_space<vmem>> -> memref<128x128xf32, #tpu.memory_space<vmem>>
    %dma_start3A_940 = arith.constant 0 : i32
    %dma_start3A_941 = tpu.memref_slice %arg6[%add3A_935, %dma_start3A_936, %dma_start3A_940] : memref<14x5x128xi32, #tpu.memory_space<vmem>> -> memref<1x1x128xi32, #tpu.memory_space<vmem>>
    %dma_start3A_942 = tpu.memref_squeeze %dma_start3A_941 : memref<1x1x128xi32, #tpu.memory_space<vmem>> -> memref<128xi32, #tpu.memory_space<vmem>>
    %dma_start3A_943 = arith.constant 0 : i32
    %dma_start3A_944 = arith.constant 0 : i32
    %dma_start3A_945 = tpu.memref_slice %arg7[%dma_start3A_943, %dma_start3A_944] : memref<1536x128xf32, #tpu.memory_space<vmem_shared>> -> memref<1536x128xf32, #tpu.memory_space<vmem_shared>>
    tpu.enqueue_indirect_dma source(%dma_start3A_939 : memref<128x128xf32, #tpu.memory_space<vmem>>) target(%dma_start3A_945 : memref<1536x128xf32, #tpu.memory_space<vmem_shared>>) offsets(%dma_start3A_942 : memref<128xi32, #tpu.memory_space<vmem>>) semaphore(%arg8 : memref<!tpu.dma_semaphore, #tpu.memory_space<semaphore_mem>>) {add = true}
    %mul3A_946 = arith.constant 14 : i32
    %mul3A_947 = arith.muli %scan3A_9, %mul3A_946 : i32
    %add3A_948 = arith.constant 13 : i32
    %add3A_949 = arith.addi %mul3A_947, %add3A_948 : i32
    %dma_start3A_950 = arith.constant 2 : i32
    %dma_start3A_951 = arith.constant 256 : i32
    %dma_start3A_952 = arith.constant 0 : i32
    %dma_start3A_953 = tpu.memref_slice %arg5[%dma_start3A_951, %dma_start3A_952] : memref<640x128xf32, #tpu.memory_space<vmem>> -> memref<128x128xf32, #tpu.memory_space<vmem>>
    %dma_start3A_954 = arith.constant 0 : i32
    %dma_start3A_955 = tpu.memref_slice %arg6[%add3A_949, %dma_start3A_950, %dma_start3A_954] : memref<14x5x128xi32, #tpu.memory_space<vmem>> -> memref<1x1x128xi32, #tpu.memory_space<vmem>>
    %dma_start3A_956 = tpu.memref_squeeze %dma_start3A_955 : memref<1x1x128xi32, #tpu.memory_space<vmem>> -> memref<128xi32, #tpu.memory_space<vmem>>
    %dma_start3A_957 = arith.constant 0 : i32
    %dma_start3A_958 = arith.constant 0 : i32
    %dma_start3A_959 = tpu.memref_slice %arg7[%dma_start3A_957, %dma_start3A_958] : memref<1536x128xf32, #tpu.memory_space<vmem_shared>> -> memref<1536x128xf32, #tpu.memory_space<vmem_shared>>
    tpu.enqueue_indirect_dma source(%dma_start3A_953 : memref<128x128xf32, #tpu.memory_space<vmem>>) target(%dma_start3A_959 : memref<1536x128xf32, #tpu.memory_space<vmem_shared>>) offsets(%dma_start3A_956 : memref<128xi32, #tpu.memory_space<vmem>>) semaphore(%arg8 : memref<!tpu.dma_semaphore, #tpu.memory_space<semaphore_mem>>) {add = true}
    %mul3A_960 = arith.constant 14 : i32
    %mul3A_961 = arith.muli %scan3A_9, %mul3A_960 : i32
    %add3A_962 = arith.constant 13 : i32
    %add3A_963 = arith.addi %mul3A_961, %add3A_962 : i32
    %dma_start3A_964 = arith.constant 3 : i32
    %dma_start3A_965 = arith.constant 384 : i32
    %dma_start3A_966 = arith.constant 0 : i32
    %dma_start3A_967 = tpu.memref_slice %arg5[%dma_start3A_965, %dma_start3A_966] : memref<640x128xf32, #tpu.memory_space<vmem>> -> memref<128x128xf32, #tpu.memory_space<vmem>>
    %dma_start3A_968 = arith.constant 0 : i32
    %dma_start3A_969 = tpu.memref_slice %arg6[%add3A_963, %dma_start3A_964, %dma_start3A_968] : memref<14x5x128xi32, #tpu.memory_space<vmem>> -> memref<1x1x128xi32, #tpu.memory_space<vmem>>
    %dma_start3A_970 = tpu.memref_squeeze %dma_start3A_969 : memref<1x1x128xi32, #tpu.memory_space<vmem>> -> memref<128xi32, #tpu.memory_space<vmem>>
    %dma_start3A_971 = arith.constant 0 : i32
    %dma_start3A_972 = arith.constant 0 : i32
    %dma_start3A_973 = tpu.memref_slice %arg7[%dma_start3A_971, %dma_start3A_972] : memref<1536x128xf32, #tpu.memory_space<vmem_shared>> -> memref<1536x128xf32, #tpu.memory_space<vmem_shared>>
    tpu.enqueue_indirect_dma source(%dma_start3A_967 : memref<128x128xf32, #tpu.memory_space<vmem>>) target(%dma_start3A_973 : memref<1536x128xf32, #tpu.memory_space<vmem_shared>>) offsets(%dma_start3A_970 : memref<128xi32, #tpu.memory_space<vmem>>) semaphore(%arg8 : memref<!tpu.dma_semaphore, #tpu.memory_space<semaphore_mem>>) {add = true}
    %mul3A_974 = arith.constant 14 : i32
    %mul3A_975 = arith.muli %scan3A_9, %mul3A_974 : i32
    %add3A_976 = arith.constant 13 : i32
    %add3A_977 = arith.addi %mul3A_975, %add3A_976 : i32
    %dma_start3A_978 = arith.constant 4 : i32
    %dma_start3A_979 = arith.constant 512 : i32
    %dma_start3A_980 = arith.constant 0 : i32
    %dma_start3A_981 = tpu.memref_slice %arg5[%dma_start3A_979, %dma_start3A_980] : memref<640x128xf32, #tpu.memory_space<vmem>> -> memref<128x128xf32, #tpu.memory_space<vmem>>
    %dma_start3A_982 = arith.constant 0 : i32
    %dma_start3A_983 = tpu.memref_slice %arg6[%add3A_977, %dma_start3A_978, %dma_start3A_982] : memref<14x5x128xi32, #tpu.memory_space<vmem>> -> memref<1x1x128xi32, #tpu.memory_space<vmem>>
    %dma_start3A_984 = tpu.memref_squeeze %dma_start3A_983 : memref<1x1x128xi32, #tpu.memory_space<vmem>> -> memref<128xi32, #tpu.memory_space<vmem>>
    %dma_start3A_985 = arith.constant 0 : i32
    %dma_start3A_986 = arith.constant 0 : i32
    %dma_start3A_987 = tpu.memref_slice %arg7[%dma_start3A_985, %dma_start3A_986] : memref<1536x128xf32, #tpu.memory_space<vmem_shared>> -> memref<1536x128xf32, #tpu.memory_space<vmem_shared>>
    tpu.enqueue_indirect_dma source(%dma_start3A_981 : memref<128x128xf32, #tpu.memory_space<vmem>>) target(%dma_start3A_987 : memref<1536x128xf32, #tpu.memory_space<vmem_shared>>) offsets(%dma_start3A_984 : memref<128xi32, #tpu.memory_space<vmem>>) semaphore(%arg8 : memref<!tpu.dma_semaphore, #tpu.memory_space<semaphore_mem>>) {add = true}
    %dma_wait3A = arith.constant 0 : i32
    %dma_wait3A_988 = arith.constant 0 : i32
    %dma_wait3A_989 = arith.constant 0 : i32
    %dma_wait3A_990 = tpu.memref_slice %arg5[%dma_wait3A_988, %dma_wait3A_989] : memref<640x128xf32, #tpu.memory_space<vmem>> -> memref<128x128xf32, #tpu.memory_space<vmem>>
    %dma_wait3A_991 = arith.constant 0 : i32
    %dma_wait3A_992 = tpu.memref_slice %arg6[%add3A_12, %dma_wait3A, %dma_wait3A_991] : memref<14x5x128xi32, #tpu.memory_space<vmem>> -> memref<1x1x128xi32, #tpu.memory_space<vmem>>
    %dma_wait3A_993 = tpu.memref_squeeze %dma_wait3A_992 : memref<1x1x128xi32, #tpu.memory_space<vmem>> -> memref<128xi32, #tpu.memory_space<vmem>>
    %dma_wait3A_994 = arith.constant 0 : i32
    %dma_wait3A_995 = arith.constant 0 : i32
    %dma_wait3A_996 = tpu.memref_slice %arg7[%dma_wait3A_994, %dma_wait3A_995] : memref<1536x128xf32, #tpu.memory_space<vmem_shared>> -> memref<1536x128xf32, #tpu.memory_space<vmem_shared>>
    tpu.wait_indirect_dma semaphore(%arg8 : memref<!tpu.dma_semaphore, #tpu.memory_space<semaphore_mem>>) src(%dma_wait3A_990 : memref<128x128xf32, #tpu.memory_space<vmem>>) dst(%dma_wait3A_996 : memref<1536x128xf32, #tpu.memory_space<vmem_shared>>)
    %dma_wait3A_997 = arith.constant 1 : i32
    %dma_wait3A_998 = arith.constant 128 : i32
    %dma_wait3A_999 = arith.constant 0 : i32
    %dma_wait3A_1000 = tpu.memref_slice %arg5[%dma_wait3A_998, %dma_wait3A_999] : memref<640x128xf32, #tpu.memory_space<vmem>> -> memref<128x128xf32, #tpu.memory_space<vmem>>
    %dma_wait3A_1001 = arith.constant 0 : i32
    %dma_wait3A_1002 = tpu.memref_slice %arg6[%add3A_25, %dma_wait3A_997, %dma_wait3A_1001] : memref<14x5x128xi32, #tpu.memory_space<vmem>> -> memref<1x1x128xi32, #tpu.memory_space<vmem>>
    %dma_wait3A_1003 = tpu.memref_squeeze %dma_wait3A_1002 : memref<1x1x128xi32, #tpu.memory_space<vmem>> -> memref<128xi32, #tpu.memory_space<vmem>>
    %dma_wait3A_1004 = arith.constant 0 : i32
    %dma_wait3A_1005 = arith.constant 0 : i32
    %dma_wait3A_1006 = tpu.memref_slice %arg7[%dma_wait3A_1004, %dma_wait3A_1005] : memref<1536x128xf32, #tpu.memory_space<vmem_shared>> -> memref<1536x128xf32, #tpu.memory_space<vmem_shared>>
    tpu.wait_indirect_dma semaphore(%arg8 : memref<!tpu.dma_semaphore, #tpu.memory_space<semaphore_mem>>) src(%dma_wait3A_1000 : memref<128x128xf32, #tpu.memory_space<vmem>>) dst(%dma_wait3A_1006 : memref<1536x128xf32, #tpu.memory_space<vmem_shared>>)
    %dma_wait3A_1007 = arith.constant 2 : i32
    %dma_wait3A_1008 = arith.constant 256 : i32
    %dma_wait3A_1009 = arith.constant 0 : i32
    %dma_wait3A_1010 = tpu.memref_slice %arg5[%dma_wait3A_1008, %dma_wait3A_1009] : memref<640x128xf32, #tpu.memory_space<vmem>> -> memref<128x128xf32, #tpu.memory_space<vmem>>
    %dma_wait3A_1011 = arith.constant 0 : i32
    %dma_wait3A_1012 = tpu.memref_slice %arg6[%add3A_39, %dma_wait3A_1007, %dma_wait3A_1011] : memref<14x5x128xi32, #tpu.memory_space<vmem>> -> memref<1x1x128xi32, #tpu.memory_space<vmem>>
    %dma_wait3A_1013 = tpu.memref_squeeze %dma_wait3A_1012 : memref<1x1x128xi32, #tpu.memory_space<vmem>> -> memref<128xi32, #tpu.memory_space<vmem>>
    %dma_wait3A_1014 = arith.constant 0 : i32
    %dma_wait3A_1015 = arith.constant 0 : i32
    %dma_wait3A_1016 = tpu.memref_slice %arg7[%dma_wait3A_1014, %dma_wait3A_1015] : memref<1536x128xf32, #tpu.memory_space<vmem_shared>> -> memref<1536x128xf32, #tpu.memory_space<vmem_shared>>
    tpu.wait_indirect_dma semaphore(%arg8 : memref<!tpu.dma_semaphore, #tpu.memory_space<semaphore_mem>>) src(%dma_wait3A_1010 : memref<128x128xf32, #tpu.memory_space<vmem>>) dst(%dma_wait3A_1016 : memref<1536x128xf32, #tpu.memory_space<vmem_shared>>)
    %dma_wait3A_1017 = arith.constant 3 : i32
    %dma_wait3A_1018 = arith.constant 384 : i32
    %dma_wait3A_1019 = arith.constant 0 : i32
    %dma_wait3A_1020 = tpu.memref_slice %arg5[%dma_wait3A_1018, %dma_wait3A_1019] : memref<640x128xf32, #tpu.memory_space<vmem>> -> memref<128x128xf32, #tpu.memory_space<vmem>>
    %dma_wait3A_1021 = arith.constant 0 : i32
    %dma_wait3A_1022 = tpu.memref_slice %arg6[%add3A_53, %dma_wait3A_1017, %dma_wait3A_1021] : memref<14x5x128xi32, #tpu.memory_space<vmem>> -> memref<1x1x128xi32, #tpu.memory_space<vmem>>
    %dma_wait3A_1023 = tpu.memref_squeeze %dma_wait3A_1022 : memref<1x1x128xi32, #tpu.memory_space<vmem>> -> memref<128xi32, #tpu.memory_space<vmem>>
    %dma_wait3A_1024 = arith.constant 0 : i32
    %dma_wait3A_1025 = arith.constant 0 : i32
    %dma_wait3A_1026 = tpu.memref_slice %arg7[%dma_wait3A_1024, %dma_wait3A_1025] : memref<1536x128xf32, #tpu.memory_space<vmem_shared>> -> memref<1536x128xf32, #tpu.memory_space<vmem_shared>>
    tpu.wait_indirect_dma semaphore(%arg8 : memref<!tpu.dma_semaphore, #tpu.memory_space<semaphore_mem>>) src(%dma_wait3A_1020 : memref<128x128xf32, #tpu.memory_space<vmem>>) dst(%dma_wait3A_1026 : memref<1536x128xf32, #tpu.memory_space<vmem_shared>>)
    %dma_wait3A_1027 = arith.constant 4 : i32
    %dma_wait3A_1028 = arith.constant 512 : i32
    %dma_wait3A_1029 = arith.constant 0 : i32
    %dma_wait3A_1030 = tpu.memref_slice %arg5[%dma_wait3A_1028, %dma_wait3A_1029] : memref<640x128xf32, #tpu.memory_space<vmem>> -> memref<128x128xf32, #tpu.memory_space<vmem>>
    %dma_wait3A_1031 = arith.constant 0 : i32
    %dma_wait3A_1032 = tpu.memref_slice %arg6[%add3A_67, %dma_wait3A_1027, %dma_wait3A_1031] : memref<14x5x128xi32, #tpu.memory_space<vmem>> -> memref<1x1x128xi32, #tpu.memory_space<vmem>>
    %dma_wait3A_1033 = tpu.memref_squeeze %dma_wait3A_1032 : memref<1x1x128xi32, #tpu.memory_space<vmem>> -> memref<128xi32, #tpu.memory_space<vmem>>
    %dma_wait3A_1034 = arith.constant 0 : i32
    %dma_wait3A_1035 = arith.constant 0 : i32
    %dma_wait3A_1036 = tpu.memref_slice %arg7[%dma_wait3A_1034, %dma_wait3A_1035] : memref<1536x128xf32, #tpu.memory_space<vmem_shared>> -> memref<1536x128xf32, #tpu.memory_space<vmem_shared>>
    tpu.wait_indirect_dma semaphore(%arg8 : memref<!tpu.dma_semaphore, #tpu.memory_space<semaphore_mem>>) src(%dma_wait3A_1030 : memref<128x128xf32, #tpu.memory_space<vmem>>) dst(%dma_wait3A_1036 : memref<1536x128xf32, #tpu.memory_space<vmem_shared>>)
    %dma_wait3A_1037 = arith.constant 0 : i32
    %dma_wait3A_1038 = arith.constant 0 : i32
    %dma_wait3A_1039 = arith.constant 0 : i32
    %dma_wait3A_1040 = tpu.memref_slice %arg5[%dma_wait3A_1038, %dma_wait3A_1039] : memref<640x128xf32, #tpu.memory_space<vmem>> -> memref<128x128xf32, #tpu.memory_space<vmem>>
    %dma_wait3A_1041 = arith.constant 0 : i32
    %dma_wait3A_1042 = tpu.memref_slice %arg6[%add3A_81, %dma_wait3A_1037, %dma_wait3A_1041] : memref<14x5x128xi32, #tpu.memory_space<vmem>> -> memref<1x1x128xi32, #tpu.memory_space<vmem>>
    %dma_wait3A_1043 = tpu.memref_squeeze %dma_wait3A_1042 : memref<1x1x128xi32, #tpu.memory_space<vmem>> -> memref<128xi32, #tpu.memory_space<vmem>>
    %dma_wait3A_1044 = arith.constant 0 : i32
    %dma_wait3A_1045 = arith.constant 0 : i32
    %dma_wait3A_1046 = tpu.memref_slice %arg7[%dma_wait3A_1044, %dma_wait3A_1045] : memref<1536x128xf32, #tpu.memory_space<vmem_shared>> -> memref<1536x128xf32, #tpu.memory_space<vmem_shared>>
    tpu.wait_indirect_dma semaphore(%arg8 : memref<!tpu.dma_semaphore, #tpu.memory_space<semaphore_mem>>) src(%dma_wait3A_1040 : memref<128x128xf32, #tpu.memory_space<vmem>>) dst(%dma_wait3A_1046 : memref<1536x128xf32, #tpu.memory_space<vmem_shared>>)
    %dma_wait3A_1047 = arith.constant 1 : i32
    %dma_wait3A_1048 = arith.constant 128 : i32
    %dma_wait3A_1049 = arith.constant 0 : i32
    %dma_wait3A_1050 = tpu.memref_slice %arg5[%dma_wait3A_1048, %dma_wait3A_1049] : memref<640x128xf32, #tpu.memory_space<vmem>> -> memref<128x128xf32, #tpu.memory_space<vmem>>
    %dma_wait3A_1051 = arith.constant 0 : i32
    %dma_wait3A_1052 = tpu.memref_slice %arg6[%add3A_95, %dma_wait3A_1047, %dma_wait3A_1051] : memref<14x5x128xi32, #tpu.memory_space<vmem>> -> memref<1x1x128xi32, #tpu.memory_space<vmem>>
    %dma_wait3A_1053 = tpu.memref_squeeze %dma_wait3A_1052 : memref<1x1x128xi32, #tpu.memory_space<vmem>> -> memref<128xi32, #tpu.memory_space<vmem>>
    %dma_wait3A_1054 = arith.constant 0 : i32
    %dma_wait3A_1055 = arith.constant 0 : i32
    %dma_wait3A_1056 = tpu.memref_slice %arg7[%dma_wait3A_1054, %dma_wait3A_1055] : memref<1536x128xf32, #tpu.memory_space<vmem_shared>> -> memref<1536x128xf32, #tpu.memory_space<vmem_shared>>
    tpu.wait_indirect_dma semaphore(%arg8 : memref<!tpu.dma_semaphore, #tpu.memory_space<semaphore_mem>>) src(%dma_wait3A_1050 : memref<128x128xf32, #tpu.memory_space<vmem>>) dst(%dma_wait3A_1056 : memref<1536x128xf32, #tpu.memory_space<vmem_shared>>)
    %dma_wait3A_1057 = arith.constant 2 : i32
    %dma_wait3A_1058 = arith.constant 256 : i32
    %dma_wait3A_1059 = arith.constant 0 : i32
    %dma_wait3A_1060 = tpu.memref_slice %arg5[%dma_wait3A_1058, %dma_wait3A_1059] : memref<640x128xf32, #tpu.memory_space<vmem>> -> memref<128x128xf32, #tpu.memory_space<vmem>>
    %dma_wait3A_1061 = arith.constant 0 : i32
    %dma_wait3A_1062 = tpu.memref_slice %arg6[%add3A_109, %dma_wait3A_1057, %dma_wait3A_1061] : memref<14x5x128xi32, #tpu.memory_space<vmem>> -> memref<1x1x128xi32, #tpu.memory_space<vmem>>
    %dma_wait3A_1063 = tpu.memref_squeeze %dma_wait3A_1062 : memref<1x1x128xi32, #tpu.memory_space<vmem>> -> memref<128xi32, #tpu.memory_space<vmem>>
    %dma_wait3A_1064 = arith.constant 0 : i32
    %dma_wait3A_1065 = arith.constant 0 : i32
    %dma_wait3A_1066 = tpu.memref_slice %arg7[%dma_wait3A_1064, %dma_wait3A_1065] : memref<1536x128xf32, #tpu.memory_space<vmem_shared>> -> memref<1536x128xf32, #tpu.memory_space<vmem_shared>>
    tpu.wait_indirect_dma semaphore(%arg8 : memref<!tpu.dma_semaphore, #tpu.memory_space<semaphore_mem>>) src(%dma_wait3A_1060 : memref<128x128xf32, #tpu.memory_space<vmem>>) dst(%dma_wait3A_1066 : memref<1536x128xf32, #tpu.memory_space<vmem_shared>>)
    %dma_wait3A_1067 = arith.constant 3 : i32
    %dma_wait3A_1068 = arith.constant 384 : i32
    %dma_wait3A_1069 = arith.constant 0 : i32
    %dma_wait3A_1070 = tpu.memref_slice %arg5[%dma_wait3A_1068, %dma_wait3A_1069] : memref<640x128xf32, #tpu.memory_space<vmem>> -> memref<128x128xf32, #tpu.memory_space<vmem>>
    %dma_wait3A_1071 = arith.constant 0 : i32
    %dma_wait3A_1072 = tpu.memref_slice %arg6[%add3A_123, %dma_wait3A_1067, %dma_wait3A_1071] : memref<14x5x128xi32, #tpu.memory_space<vmem>> -> memref<1x1x128xi32, #tpu.memory_space<vmem>>
    %dma_wait3A_1073 = tpu.memref_squeeze %dma_wait3A_1072 : memref<1x1x128xi32, #tpu.memory_space<vmem>> -> memref<128xi32, #tpu.memory_space<vmem>>
    %dma_wait3A_1074 = arith.constant 0 : i32
    %dma_wait3A_1075 = arith.constant 0 : i32
    %dma_wait3A_1076 = tpu.memref_slice %arg7[%dma_wait3A_1074, %dma_wait3A_1075] : memref<1536x128xf32, #tpu.memory_space<vmem_shared>> -> memref<1536x128xf32, #tpu.memory_space<vmem_shared>>
    tpu.wait_indirect_dma semaphore(%arg8 : memref<!tpu.dma_semaphore, #tpu.memory_space<semaphore_mem>>) src(%dma_wait3A_1070 : memref<128x128xf32, #tpu.memory_space<vmem>>) dst(%dma_wait3A_1076 : memref<1536x128xf32, #tpu.memory_space<vmem_shared>>)
    %dma_wait3A_1077 = arith.constant 4 : i32
    %dma_wait3A_1078 = arith.constant 512 : i32
    %dma_wait3A_1079 = arith.constant 0 : i32
    %dma_wait3A_1080 = tpu.memref_slice %arg5[%dma_wait3A_1078, %dma_wait3A_1079] : memref<640x128xf32, #tpu.memory_space<vmem>> -> memref<128x128xf32, #tpu.memory_space<vmem>>
    %dma_wait3A_1081 = arith.constant 0 : i32
    %dma_wait3A_1082 = tpu.memref_slice %arg6[%add3A_137, %dma_wait3A_1077, %dma_wait3A_1081] : memref<14x5x128xi32, #tpu.memory_space<vmem>> -> memref<1x1x128xi32, #tpu.memory_space<vmem>>
    %dma_wait3A_1083 = tpu.memref_squeeze %dma_wait3A_1082 : memref<1x1x128xi32, #tpu.memory_space<vmem>> -> memref<128xi32, #tpu.memory_space<vmem>>
    %dma_wait3A_1084 = arith.constant 0 : i32
    %dma_wait3A_1085 = arith.constant 0 : i32
    %dma_wait3A_1086 = tpu.memref_slice %arg7[%dma_wait3A_1084, %dma_wait3A_1085] : memref<1536x128xf32, #tpu.memory_space<vmem_shared>> -> memref<1536x128xf32, #tpu.memory_space<vmem_shared>>
    tpu.wait_indirect_dma semaphore(%arg8 : memref<!tpu.dma_semaphore, #tpu.memory_space<semaphore_mem>>) src(%dma_wait3A_1080 : memref<128x128xf32, #tpu.memory_space<vmem>>) dst(%dma_wait3A_1086 : memref<1536x128xf32, #tpu.memory_space<vmem_shared>>)
    %dma_wait3A_1087 = arith.constant 0 : i32
    %dma_wait3A_1088 = arith.constant 0 : i32
    %dma_wait3A_1089 = arith.constant 0 : i32
    %dma_wait3A_1090 = tpu.memref_slice %arg5[%dma_wait3A_1088, %dma_wait3A_1089] : memref<640x128xf32, #tpu.memory_space<vmem>> -> memref<128x128xf32, #tpu.memory_space<vmem>>
    %dma_wait3A_1091 = arith.constant 0 : i32
    %dma_wait3A_1092 = tpu.memref_slice %arg6[%add3A_151, %dma_wait3A_1087, %dma_wait3A_1091] : memref<14x5x128xi32, #tpu.memory_space<vmem>> -> memref<1x1x128xi32, #tpu.memory_space<vmem>>
    %dma_wait3A_1093 = tpu.memref_squeeze %dma_wait3A_1092 : memref<1x1x128xi32, #tpu.memory_space<vmem>> -> memref<128xi32, #tpu.memory_space<vmem>>
    %dma_wait3A_1094 = arith.constant 0 : i32
    %dma_wait3A_1095 = arith.constant 0 : i32
    %dma_wait3A_1096 = tpu.memref_slice %arg7[%dma_wait3A_1094, %dma_wait3A_1095] : memref<1536x128xf32, #tpu.memory_space<vmem_shared>> -> memref<1536x128xf32, #tpu.memory_space<vmem_shared>>
    tpu.wait_indirect_dma semaphore(%arg8 : memref<!tpu.dma_semaphore, #tpu.memory_space<semaphore_mem>>) src(%dma_wait3A_1090 : memref<128x128xf32, #tpu.memory_space<vmem>>) dst(%dma_wait3A_1096 : memref<1536x128xf32, #tpu.memory_space<vmem_shared>>)
    %dma_wait3A_1097 = arith.constant 1 : i32
    %dma_wait3A_1098 = arith.constant 128 : i32
    %dma_wait3A_1099 = arith.constant 0 : i32
    %dma_wait3A_1100 = tpu.memref_slice %arg5[%dma_wait3A_1098, %dma_wait3A_1099] : memref<640x128xf32, #tpu.memory_space<vmem>> -> memref<128x128xf32, #tpu.memory_space<vmem>>
    %dma_wait3A_1101 = arith.constant 0 : i32
    %dma_wait3A_1102 = tpu.memref_slice %arg6[%add3A_165, %dma_wait3A_1097, %dma_wait3A_1101] : memref<14x5x128xi32, #tpu.memory_space<vmem>> -> memref<1x1x128xi32, #tpu.memory_space<vmem>>
    %dma_wait3A_1103 = tpu.memref_squeeze %dma_wait3A_1102 : memref<1x1x128xi32, #tpu.memory_space<vmem>> -> memref<128xi32, #tpu.memory_space<vmem>>
    %dma_wait3A_1104 = arith.constant 0 : i32
    %dma_wait3A_1105 = arith.constant 0 : i32
    %dma_wait3A_1106 = tpu.memref_slice %arg7[%dma_wait3A_1104, %dma_wait3A_1105] : memref<1536x128xf32, #tpu.memory_space<vmem_shared>> -> memref<1536x128xf32, #tpu.memory_space<vmem_shared>>
    tpu.wait_indirect_dma semaphore(%arg8 : memref<!tpu.dma_semaphore, #tpu.memory_space<semaphore_mem>>) src(%dma_wait3A_1100 : memref<128x128xf32, #tpu.memory_space<vmem>>) dst(%dma_wait3A_1106 : memref<1536x128xf32, #tpu.memory_space<vmem_shared>>)
    %dma_wait3A_1107 = arith.constant 2 : i32
    %dma_wait3A_1108 = arith.constant 256 : i32
    %dma_wait3A_1109 = arith.constant 0 : i32
    %dma_wait3A_1110 = tpu.memref_slice %arg5[%dma_wait3A_1108, %dma_wait3A_1109] : memref<640x128xf32, #tpu.memory_space<vmem>> -> memref<128x128xf32, #tpu.memory_space<vmem>>
    %dma_wait3A_1111 = arith.constant 0 : i32
    %dma_wait3A_1112 = tpu.memref_slice %arg6[%add3A_179, %dma_wait3A_1107, %dma_wait3A_1111] : memref<14x5x128xi32, #tpu.memory_space<vmem>> -> memref<1x1x128xi32, #tpu.memory_space<vmem>>
    %dma_wait3A_1113 = tpu.memref_squeeze %dma_wait3A_1112 : memref<1x1x128xi32, #tpu.memory_space<vmem>> -> memref<128xi32, #tpu.memory_space<vmem>>
    %dma_wait3A_1114 = arith.constant 0 : i32
    %dma_wait3A_1115 = arith.constant 0 : i32
    %dma_wait3A_1116 = tpu.memref_slice %arg7[%dma_wait3A_1114, %dma_wait3A_1115] : memref<1536x128xf32, #tpu.memory_space<vmem_shared>> -> memref<1536x128xf32, #tpu.memory_space<vmem_shared>>
    tpu.wait_indirect_dma semaphore(%arg8 : memref<!tpu.dma_semaphore, #tpu.memory_space<semaphore_mem>>) src(%dma_wait3A_1110 : memref<128x128xf32, #tpu.memory_space<vmem>>) dst(%dma_wait3A_1116 : memref<1536x128xf32, #tpu.memory_space<vmem_shared>>)
    %dma_wait3A_1117 = arith.constant 3 : i32
    %dma_wait3A_1118 = arith.constant 384 : i32
    %dma_wait3A_1119 = arith.constant 0 : i32
    %dma_wait3A_1120 = tpu.memref_slice %arg5[%dma_wait3A_1118, %dma_wait3A_1119] : memref<640x128xf32, #tpu.memory_space<vmem>> -> memref<128x128xf32, #tpu.memory_space<vmem>>
    %dma_wait3A_1121 = arith.constant 0 : i32
    %dma_wait3A_1122 = tpu.memref_slice %arg6[%add3A_193, %dma_wait3A_1117, %dma_wait3A_1121] : memref<14x5x128xi32, #tpu.memory_space<vmem>> -> memref<1x1x128xi32, #tpu.memory_space<vmem>>
    %dma_wait3A_1123 = tpu.memref_squeeze %dma_wait3A_1122 : memref<1x1x128xi32, #tpu.memory_space<vmem>> -> memref<128xi32, #tpu.memory_space<vmem>>
    %dma_wait3A_1124 = arith.constant 0 : i32
    %dma_wait3A_1125 = arith.constant 0 : i32
    %dma_wait3A_1126 = tpu.memref_slice %arg7[%dma_wait3A_1124, %dma_wait3A_1125] : memref<1536x128xf32, #tpu.memory_space<vmem_shared>> -> memref<1536x128xf32, #tpu.memory_space<vmem_shared>>
    tpu.wait_indirect_dma semaphore(%arg8 : memref<!tpu.dma_semaphore, #tpu.memory_space<semaphore_mem>>) src(%dma_wait3A_1120 : memref<128x128xf32, #tpu.memory_space<vmem>>) dst(%dma_wait3A_1126 : memref<1536x128xf32, #tpu.memory_space<vmem_shared>>)
    %dma_wait3A_1127 = arith.constant 4 : i32
    %dma_wait3A_1128 = arith.constant 512 : i32
    %dma_wait3A_1129 = arith.constant 0 : i32
    %dma_wait3A_1130 = tpu.memref_slice %arg5[%dma_wait3A_1128, %dma_wait3A_1129] : memref<640x128xf32, #tpu.memory_space<vmem>> -> memref<128x128xf32, #tpu.memory_space<vmem>>
    %dma_wait3A_1131 = arith.constant 0 : i32
    %dma_wait3A_1132 = tpu.memref_slice %arg6[%add3A_207, %dma_wait3A_1127, %dma_wait3A_1131] : memref<14x5x128xi32, #tpu.memory_space<vmem>> -> memref<1x1x128xi32, #tpu.memory_space<vmem>>
    %dma_wait3A_1133 = tpu.memref_squeeze %dma_wait3A_1132 : memref<1x1x128xi32, #tpu.memory_space<vmem>> -> memref<128xi32, #tpu.memory_space<vmem>>
    %dma_wait3A_1134 = arith.constant 0 : i32
    %dma_wait3A_1135 = arith.constant 0 : i32
    %dma_wait3A_1136 = tpu.memref_slice %arg7[%dma_wait3A_1134, %dma_wait3A_1135] : memref<1536x128xf32, #tpu.memory_space<vmem_shared>> -> memref<1536x128xf32, #tpu.memory_space<vmem_shared>>
    tpu.wait_indirect_dma semaphore(%arg8 : memref<!tpu.dma_semaphore, #tpu.memory_space<semaphore_mem>>) src(%dma_wait3A_1130 : memref<128x128xf32, #tpu.memory_space<vmem>>) dst(%dma_wait3A_1136 : memref<1536x128xf32, #tpu.memory_space<vmem_shared>>)
    %dma_wait3A_1137 = arith.constant 0 : i32
    %dma_wait3A_1138 = arith.constant 0 : i32
    %dma_wait3A_1139 = arith.constant 0 : i32
    %dma_wait3A_1140 = tpu.memref_slice %arg5[%dma_wait3A_1138, %dma_wait3A_1139] : memref<640x128xf32, #tpu.memory_space<vmem>> -> memref<128x128xf32, #tpu.memory_space<vmem>>
    %dma_wait3A_1141 = arith.constant 0 : i32
    %dma_wait3A_1142 = tpu.memref_slice %arg6[%add3A_221, %dma_wait3A_1137, %dma_wait3A_1141] : memref<14x5x128xi32, #tpu.memory_space<vmem>> -> memref<1x1x128xi32, #tpu.memory_space<vmem>>
    %dma_wait3A_1143 = tpu.memref_squeeze %dma_wait3A_1142 : memref<1x1x128xi32, #tpu.memory_space<vmem>> -> memref<128xi32, #tpu.memory_space<vmem>>
    %dma_wait3A_1144 = arith.constant 0 : i32
    %dma_wait3A_1145 = arith.constant 0 : i32
    %dma_wait3A_1146 = tpu.memref_slice %arg7[%dma_wait3A_1144, %dma_wait3A_1145] : memref<1536x128xf32, #tpu.memory_space<vmem_shared>> -> memref<1536x128xf32, #tpu.memory_space<vmem_shared>>
    tpu.wait_indirect_dma semaphore(%arg8 : memref<!tpu.dma_semaphore, #tpu.memory_space<semaphore_mem>>) src(%dma_wait3A_1140 : memref<128x128xf32, #tpu.memory_space<vmem>>) dst(%dma_wait3A_1146 : memref<1536x128xf32, #tpu.memory_space<vmem_shared>>)
    %dma_wait3A_1147 = arith.constant 1 : i32
    %dma_wait3A_1148 = arith.constant 128 : i32
    %dma_wait3A_1149 = arith.constant 0 : i32
    %dma_wait3A_1150 = tpu.memref_slice %arg5[%dma_wait3A_1148, %dma_wait3A_1149] : memref<640x128xf32, #tpu.memory_space<vmem>> -> memref<128x128xf32, #tpu.memory_space<vmem>>
    %dma_wait3A_1151 = arith.constant 0 : i32
    %dma_wait3A_1152 = tpu.memref_slice %arg6[%add3A_235, %dma_wait3A_1147, %dma_wait3A_1151] : memref<14x5x128xi32, #tpu.memory_space<vmem>> -> memref<1x1x128xi32, #tpu.memory_space<vmem>>
    %dma_wait3A_1153 = tpu.memref_squeeze %dma_wait3A_1152 : memref<1x1x128xi32, #tpu.memory_space<vmem>> -> memref<128xi32, #tpu.memory_space<vmem>>
    %dma_wait3A_1154 = arith.constant 0 : i32
    %dma_wait3A_1155 = arith.constant 0 : i32
    %dma_wait3A_1156 = tpu.memref_slice %arg7[%dma_wait3A_1154, %dma_wait3A_1155] : memref<1536x128xf32, #tpu.memory_space<vmem_shared>> -> memref<1536x128xf32, #tpu.memory_space<vmem_shared>>
    tpu.wait_indirect_dma semaphore(%arg8 : memref<!tpu.dma_semaphore, #tpu.memory_space<semaphore_mem>>) src(%dma_wait3A_1150 : memref<128x128xf32, #tpu.memory_space<vmem>>) dst(%dma_wait3A_1156 : memref<1536x128xf32, #tpu.memory_space<vmem_shared>>)
    %dma_wait3A_1157 = arith.constant 2 : i32
    %dma_wait3A_1158 = arith.constant 256 : i32
    %dma_wait3A_1159 = arith.constant 0 : i32
    %dma_wait3A_1160 = tpu.memref_slice %arg5[%dma_wait3A_1158, %dma_wait3A_1159] : memref<640x128xf32, #tpu.memory_space<vmem>> -> memref<128x128xf32, #tpu.memory_space<vmem>>
    %dma_wait3A_1161 = arith.constant 0 : i32
    %dma_wait3A_1162 = tpu.memref_slice %arg6[%add3A_249, %dma_wait3A_1157, %dma_wait3A_1161] : memref<14x5x128xi32, #tpu.memory_space<vmem>> -> memref<1x1x128xi32, #tpu.memory_space<vmem>>
    %dma_wait3A_1163 = tpu.memref_squeeze %dma_wait3A_1162 : memref<1x1x128xi32, #tpu.memory_space<vmem>> -> memref<128xi32, #tpu.memory_space<vmem>>
    %dma_wait3A_1164 = arith.constant 0 : i32
    %dma_wait3A_1165 = arith.constant 0 : i32
    %dma_wait3A_1166 = tpu.memref_slice %arg7[%dma_wait3A_1164, %dma_wait3A_1165] : memref<1536x128xf32, #tpu.memory_space<vmem_shared>> -> memref<1536x128xf32, #tpu.memory_space<vmem_shared>>
    tpu.wait_indirect_dma semaphore(%arg8 : memref<!tpu.dma_semaphore, #tpu.memory_space<semaphore_mem>>) src(%dma_wait3A_1160 : memref<128x128xf32, #tpu.memory_space<vmem>>) dst(%dma_wait3A_1166 : memref<1536x128xf32, #tpu.memory_space<vmem_shared>>)
    %dma_wait3A_1167 = arith.constant 3 : i32
    %dma_wait3A_1168 = arith.constant 384 : i32
    %dma_wait3A_1169 = arith.constant 0 : i32
    %dma_wait3A_1170 = tpu.memref_slice %arg5[%dma_wait3A_1168, %dma_wait3A_1169] : memref<640x128xf32, #tpu.memory_space<vmem>> -> memref<128x128xf32, #tpu.memory_space<vmem>>
    %dma_wait3A_1171 = arith.constant 0 : i32
    %dma_wait3A_1172 = tpu.memref_slice %arg6[%add3A_263, %dma_wait3A_1167, %dma_wait3A_1171] : memref<14x5x128xi32, #tpu.memory_space<vmem>> -> memref<1x1x128xi32, #tpu.memory_space<vmem>>
    %dma_wait3A_1173 = tpu.memref_squeeze %dma_wait3A_1172 : memref<1x1x128xi32, #tpu.memory_space<vmem>> -> memref<128xi32, #tpu.memory_space<vmem>>
    %dma_wait3A_1174 = arith.constant 0 : i32
    %dma_wait3A_1175 = arith.constant 0 : i32
    %dma_wait3A_1176 = tpu.memref_slice %arg7[%dma_wait3A_1174, %dma_wait3A_1175] : memref<1536x128xf32, #tpu.memory_space<vmem_shared>> -> memref<1536x128xf32, #tpu.memory_space<vmem_shared>>
    tpu.wait_indirect_dma semaphore(%arg8 : memref<!tpu.dma_semaphore, #tpu.memory_space<semaphore_mem>>) src(%dma_wait3A_1170 : memref<128x128xf32, #tpu.memory_space<vmem>>) dst(%dma_wait3A_1176 : memref<1536x128xf32, #tpu.memory_space<vmem_shared>>)
    %dma_wait3A_1177 = arith.constant 4 : i32
    %dma_wait3A_1178 = arith.constant 512 : i32
    %dma_wait3A_1179 = arith.constant 0 : i32
    %dma_wait3A_1180 = tpu.memref_slice %arg5[%dma_wait3A_1178, %dma_wait3A_1179] : memref<640x128xf32, #tpu.memory_space<vmem>> -> memref<128x128xf32, #tpu.memory_space<vmem>>
    %dma_wait3A_1181 = arith.constant 0 : i32
    %dma_wait3A_1182 = tpu.memref_slice %arg6[%add3A_277, %dma_wait3A_1177, %dma_wait3A_1181] : memref<14x5x128xi32, #tpu.memory_space<vmem>> -> memref<1x1x128xi32, #tpu.memory_space<vmem>>
    %dma_wait3A_1183 = tpu.memref_squeeze %dma_wait3A_1182 : memref<1x1x128xi32, #tpu.memory_space<vmem>> -> memref<128xi32, #tpu.memory_space<vmem>>
    %dma_wait3A_1184 = arith.constant 0 : i32
    %dma_wait3A_1185 = arith.constant 0 : i32
    %dma_wait3A_1186 = tpu.memref_slice %arg7[%dma_wait3A_1184, %dma_wait3A_1185] : memref<1536x128xf32, #tpu.memory_space<vmem_shared>> -> memref<1536x128xf32, #tpu.memory_space<vmem_shared>>
    tpu.wait_indirect_dma semaphore(%arg8 : memref<!tpu.dma_semaphore, #tpu.memory_space<semaphore_mem>>) src(%dma_wait3A_1180 : memref<128x128xf32, #tpu.memory_space<vmem>>) dst(%dma_wait3A_1186 : memref<1536x128xf32, #tpu.memory_space<vmem_shared>>)
    %dma_wait3A_1187 = arith.constant 0 : i32
    %dma_wait3A_1188 = arith.constant 0 : i32
    %dma_wait3A_1189 = arith.constant 0 : i32
    %dma_wait3A_1190 = tpu.memref_slice %arg5[%dma_wait3A_1188, %dma_wait3A_1189] : memref<640x128xf32, #tpu.memory_space<vmem>> -> memref<128x128xf32, #tpu.memory_space<vmem>>
    %dma_wait3A_1191 = arith.constant 0 : i32
    %dma_wait3A_1192 = tpu.memref_slice %arg6[%add3A_291, %dma_wait3A_1187, %dma_wait3A_1191] : memref<14x5x128xi32, #tpu.memory_space<vmem>> -> memref<1x1x128xi32, #tpu.memory_space<vmem>>
    %dma_wait3A_1193 = tpu.memref_squeeze %dma_wait3A_1192 : memref<1x1x128xi32, #tpu.memory_space<vmem>> -> memref<128xi32, #tpu.memory_space<vmem>>
    %dma_wait3A_1194 = arith.constant 0 : i32
    %dma_wait3A_1195 = arith.constant 0 : i32
    %dma_wait3A_1196 = tpu.memref_slice %arg7[%dma_wait3A_1194, %dma_wait3A_1195] : memref<1536x128xf32, #tpu.memory_space<vmem_shared>> -> memref<1536x128xf32, #tpu.memory_space<vmem_shared>>
    tpu.wait_indirect_dma semaphore(%arg8 : memref<!tpu.dma_semaphore, #tpu.memory_space<semaphore_mem>>) src(%dma_wait3A_1190 : memref<128x128xf32, #tpu.memory_space<vmem>>) dst(%dma_wait3A_1196 : memref<1536x128xf32, #tpu.memory_space<vmem_shared>>)
    %dma_wait3A_1197 = arith.constant 1 : i32
    %dma_wait3A_1198 = arith.constant 128 : i32
    %dma_wait3A_1199 = arith.constant 0 : i32
    %dma_wait3A_1200 = tpu.memref_slice %arg5[%dma_wait3A_1198, %dma_wait3A_1199] : memref<640x128xf32, #tpu.memory_space<vmem>> -> memref<128x128xf32, #tpu.memory_space<vmem>>
    %dma_wait3A_1201 = arith.constant 0 : i32
    %dma_wait3A_1202 = tpu.memref_slice %arg6[%add3A_305, %dma_wait3A_1197, %dma_wait3A_1201] : memref<14x5x128xi32, #tpu.memory_space<vmem>> -> memref<1x1x128xi32, #tpu.memory_space<vmem>>
    %dma_wait3A_1203 = tpu.memref_squeeze %dma_wait3A_1202 : memref<1x1x128xi32, #tpu.memory_space<vmem>> -> memref<128xi32, #tpu.memory_space<vmem>>
    %dma_wait3A_1204 = arith.constant 0 : i32
    %dma_wait3A_1205 = arith.constant 0 : i32
    %dma_wait3A_1206 = tpu.memref_slice %arg7[%dma_wait3A_1204, %dma_wait3A_1205] : memref<1536x128xf32, #tpu.memory_space<vmem_shared>> -> memref<1536x128xf32, #tpu.memory_space<vmem_shared>>
    tpu.wait_indirect_dma semaphore(%arg8 : memref<!tpu.dma_semaphore, #tpu.memory_space<semaphore_mem>>) src(%dma_wait3A_1200 : memref<128x128xf32, #tpu.memory_space<vmem>>) dst(%dma_wait3A_1206 : memref<1536x128xf32, #tpu.memory_space<vmem_shared>>)
    %dma_wait3A_1207 = arith.constant 2 : i32
    %dma_wait3A_1208 = arith.constant 256 : i32
    %dma_wait3A_1209 = arith.constant 0 : i32
    %dma_wait3A_1210 = tpu.memref_slice %arg5[%dma_wait3A_1208, %dma_wait3A_1209] : memref<640x128xf32, #tpu.memory_space<vmem>> -> memref<128x128xf32, #tpu.memory_space<vmem>>
    %dma_wait3A_1211 = arith.constant 0 : i32
    %dma_wait3A_1212 = tpu.memref_slice %arg6[%add3A_319, %dma_wait3A_1207, %dma_wait3A_1211] : memref<14x5x128xi32, #tpu.memory_space<vmem>> -> memref<1x1x128xi32, #tpu.memory_space<vmem>>
    %dma_wait3A_1213 = tpu.memref_squeeze %dma_wait3A_1212 : memref<1x1x128xi32, #tpu.memory_space<vmem>> -> memref<128xi32, #tpu.memory_space<vmem>>
    %dma_wait3A_1214 = arith.constant 0 : i32
    %dma_wait3A_1215 = arith.constant 0 : i32
    %dma_wait3A_1216 = tpu.memref_slice %arg7[%dma_wait3A_1214, %dma_wait3A_1215] : memref<1536x128xf32, #tpu.memory_space<vmem_shared>> -> memref<1536x128xf32, #tpu.memory_space<vmem_shared>>
    tpu.wait_indirect_dma semaphore(%arg8 : memref<!tpu.dma_semaphore, #tpu.memory_space<semaphore_mem>>) src(%dma_wait3A_1210 : memref<128x128xf32, #tpu.memory_space<vmem>>) dst(%dma_wait3A_1216 : memref<1536x128xf32, #tpu.memory_space<vmem_shared>>)
    %dma_wait3A_1217 = arith.constant 3 : i32
    %dma_wait3A_1218 = arith.constant 384 : i32
    %dma_wait3A_1219 = arith.constant 0 : i32
    %dma_wait3A_1220 = tpu.memref_slice %arg5[%dma_wait3A_1218, %dma_wait3A_1219] : memref<640x128xf32, #tpu.memory_space<vmem>> -> memref<128x128xf32, #tpu.memory_space<vmem>>
    %dma_wait3A_1221 = arith.constant 0 : i32
    %dma_wait3A_1222 = tpu.memref_slice %arg6[%add3A_333, %dma_wait3A_1217, %dma_wait3A_1221] : memref<14x5x128xi32, #tpu.memory_space<vmem>> -> memref<1x1x128xi32, #tpu.memory_space<vmem>>
    %dma_wait3A_1223 = tpu.memref_squeeze %dma_wait3A_1222 : memref<1x1x128xi32, #tpu.memory_space<vmem>> -> memref<128xi32, #tpu.memory_space<vmem>>
    %dma_wait3A_1224 = arith.constant 0 : i32
    %dma_wait3A_1225 = arith.constant 0 : i32
    %dma_wait3A_1226 = tpu.memref_slice %arg7[%dma_wait3A_1224, %dma_wait3A_1225] : memref<1536x128xf32, #tpu.memory_space<vmem_shared>> -> memref<1536x128xf32, #tpu.memory_space<vmem_shared>>
    tpu.wait_indirect_dma semaphore(%arg8 : memref<!tpu.dma_semaphore, #tpu.memory_space<semaphore_mem>>) src(%dma_wait3A_1220 : memref<128x128xf32, #tpu.memory_space<vmem>>) dst(%dma_wait3A_1226 : memref<1536x128xf32, #tpu.memory_space<vmem_shared>>)
    %dma_wait3A_1227 = arith.constant 4 : i32
    %dma_wait3A_1228 = arith.constant 512 : i32
    %dma_wait3A_1229 = arith.constant 0 : i32
    %dma_wait3A_1230 = tpu.memref_slice %arg5[%dma_wait3A_1228, %dma_wait3A_1229] : memref<640x128xf32, #tpu.memory_space<vmem>> -> memref<128x128xf32, #tpu.memory_space<vmem>>
    %dma_wait3A_1231 = arith.constant 0 : i32
    %dma_wait3A_1232 = tpu.memref_slice %arg6[%add3A_347, %dma_wait3A_1227, %dma_wait3A_1231] : memref<14x5x128xi32, #tpu.memory_space<vmem>> -> memref<1x1x128xi32, #tpu.memory_space<vmem>>
    %dma_wait3A_1233 = tpu.memref_squeeze %dma_wait3A_1232 : memref<1x1x128xi32, #tpu.memory_space<vmem>> -> memref<128xi32, #tpu.memory_space<vmem>>
    %dma_wait3A_1234 = arith.constant 0 : i32
    %dma_wait3A_1235 = arith.constant 0 : i32
    %dma_wait3A_1236 = tpu.memref_slice %arg7[%dma_wait3A_1234, %dma_wait3A_1235] : memref<1536x128xf32, #tpu.memory_space<vmem_shared>> -> memref<1536x128xf32, #tpu.memory_space<vmem_shared>>
    tpu.wait_indirect_dma semaphore(%arg8 : memref<!tpu.dma_semaphore, #tpu.memory_space<semaphore_mem>>) src(%dma_wait3A_1230 : memref<128x128xf32, #tpu.memory_space<vmem>>) dst(%dma_wait3A_1236 : memref<1536x128xf32, #tpu.memory_space<vmem_shared>>)
    %dma_wait3A_1237 = arith.constant 0 : i32
    %dma_wait3A_1238 = arith.constant 0 : i32
    %dma_wait3A_1239 = arith.constant 0 : i32
    %dma_wait3A_1240 = tpu.memref_slice %arg5[%dma_wait3A_1238, %dma_wait3A_1239] : memref<640x128xf32, #tpu.memory_space<vmem>> -> memref<128x128xf32, #tpu.memory_space<vmem>>
    %dma_wait3A_1241 = arith.constant 0 : i32
    %dma_wait3A_1242 = tpu.memref_slice %arg6[%add3A_361, %dma_wait3A_1237, %dma_wait3A_1241] : memref<14x5x128xi32, #tpu.memory_space<vmem>> -> memref<1x1x128xi32, #tpu.memory_space<vmem>>
    %dma_wait3A_1243 = tpu.memref_squeeze %dma_wait3A_1242 : memref<1x1x128xi32, #tpu.memory_space<vmem>> -> memref<128xi32, #tpu.memory_space<vmem>>
    %dma_wait3A_1244 = arith.constant 0 : i32
    %dma_wait3A_1245 = arith.constant 0 : i32
    %dma_wait3A_1246 = tpu.memref_slice %arg7[%dma_wait3A_1244, %dma_wait3A_1245] : memref<1536x128xf32, #tpu.memory_space<vmem_shared>> -> memref<1536x128xf32, #tpu.memory_space<vmem_shared>>
    tpu.wait_indirect_dma semaphore(%arg8 : memref<!tpu.dma_semaphore, #tpu.memory_space<semaphore_mem>>) src(%dma_wait3A_1240 : memref<128x128xf32, #tpu.memory_space<vmem>>) dst(%dma_wait3A_1246 : memref<1536x128xf32, #tpu.memory_space<vmem_shared>>)
    %dma_wait3A_1247 = arith.constant 1 : i32
    %dma_wait3A_1248 = arith.constant 128 : i32
    %dma_wait3A_1249 = arith.constant 0 : i32
    %dma_wait3A_1250 = tpu.memref_slice %arg5[%dma_wait3A_1248, %dma_wait3A_1249] : memref<640x128xf32, #tpu.memory_space<vmem>> -> memref<128x128xf32, #tpu.memory_space<vmem>>
    %dma_wait3A_1251 = arith.constant 0 : i32
    %dma_wait3A_1252 = tpu.memref_slice %arg6[%add3A_375, %dma_wait3A_1247, %dma_wait3A_1251] : memref<14x5x128xi32, #tpu.memory_space<vmem>> -> memref<1x1x128xi32, #tpu.memory_space<vmem>>
    %dma_wait3A_1253 = tpu.memref_squeeze %dma_wait3A_1252 : memref<1x1x128xi32, #tpu.memory_space<vmem>> -> memref<128xi32, #tpu.memory_space<vmem>>
    %dma_wait3A_1254 = arith.constant 0 : i32
    %dma_wait3A_1255 = arith.constant 0 : i32
    %dma_wait3A_1256 = tpu.memref_slice %arg7[%dma_wait3A_1254, %dma_wait3A_1255] : memref<1536x128xf32, #tpu.memory_space<vmem_shared>> -> memref<1536x128xf32, #tpu.memory_space<vmem_shared>>
    tpu.wait_indirect_dma semaphore(%arg8 : memref<!tpu.dma_semaphore, #tpu.memory_space<semaphore_mem>>) src(%dma_wait3A_1250 : memref<128x128xf32, #tpu.memory_space<vmem>>) dst(%dma_wait3A_1256 : memref<1536x128xf32, #tpu.memory_space<vmem_shared>>)
    %dma_wait3A_1257 = arith.constant 2 : i32
    %dma_wait3A_1258 = arith.constant 256 : i32
    %dma_wait3A_1259 = arith.constant 0 : i32
    %dma_wait3A_1260 = tpu.memref_slice %arg5[%dma_wait3A_1258, %dma_wait3A_1259] : memref<640x128xf32, #tpu.memory_space<vmem>> -> memref<128x128xf32, #tpu.memory_space<vmem>>
    %dma_wait3A_1261 = arith.constant 0 : i32
    %dma_wait3A_1262 = tpu.memref_slice %arg6[%add3A_389, %dma_wait3A_1257, %dma_wait3A_1261] : memref<14x5x128xi32, #tpu.memory_space<vmem>> -> memref<1x1x128xi32, #tpu.memory_space<vmem>>
    %dma_wait3A_1263 = tpu.memref_squeeze %dma_wait3A_1262 : memref<1x1x128xi32, #tpu.memory_space<vmem>> -> memref<128xi32, #tpu.memory_space<vmem>>
    %dma_wait3A_1264 = arith.constant 0 : i32
    %dma_wait3A_1265 = arith.constant 0 : i32
    %dma_wait3A_1266 = tpu.memref_slice %arg7[%dma_wait3A_1264, %dma_wait3A_1265] : memref<1536x128xf32, #tpu.memory_space<vmem_shared>> -> memref<1536x128xf32, #tpu.memory_space<vmem_shared>>
    tpu.wait_indirect_dma semaphore(%arg8 : memref<!tpu.dma_semaphore, #tpu.memory_space<semaphore_mem>>) src(%dma_wait3A_1260 : memref<128x128xf32, #tpu.memory_space<vmem>>) dst(%dma_wait3A_1266 : memref<1536x128xf32, #tpu.memory_space<vmem_shared>>)
    %dma_wait3A_1267 = arith.constant 3 : i32
    %dma_wait3A_1268 = arith.constant 384 : i32
    %dma_wait3A_1269 = arith.constant 0 : i32
    %dma_wait3A_1270 = tpu.memref_slice %arg5[%dma_wait3A_1268, %dma_wait3A_1269] : memref<640x128xf32, #tpu.memory_space<vmem>> -> memref<128x128xf32, #tpu.memory_space<vmem>>
    %dma_wait3A_1271 = arith.constant 0 : i32
    %dma_wait3A_1272 = tpu.memref_slice %arg6[%add3A_403, %dma_wait3A_1267, %dma_wait3A_1271] : memref<14x5x128xi32, #tpu.memory_space<vmem>> -> memref<1x1x128xi32, #tpu.memory_space<vmem>>
    %dma_wait3A_1273 = tpu.memref_squeeze %dma_wait3A_1272 : memref<1x1x128xi32, #tpu.memory_space<vmem>> -> memref<128xi32, #tpu.memory_space<vmem>>
    %dma_wait3A_1274 = arith.constant 0 : i32
    %dma_wait3A_1275 = arith.constant 0 : i32
    %dma_wait3A_1276 = tpu.memref_slice %arg7[%dma_wait3A_1274, %dma_wait3A_1275] : memref<1536x128xf32, #tpu.memory_space<vmem_shared>> -> memref<1536x128xf32, #tpu.memory_space<vmem_shared>>
    tpu.wait_indirect_dma semaphore(%arg8 : memref<!tpu.dma_semaphore, #tpu.memory_space<semaphore_mem>>) src(%dma_wait3A_1270 : memref<128x128xf32, #tpu.memory_space<vmem>>) dst(%dma_wait3A_1276 : memref<1536x128xf32, #tpu.memory_space<vmem_shared>>)
    %dma_wait3A_1277 = arith.constant 4 : i32
    %dma_wait3A_1278 = arith.constant 512 : i32
    %dma_wait3A_1279 = arith.constant 0 : i32
    %dma_wait3A_1280 = tpu.memref_slice %arg5[%dma_wait3A_1278, %dma_wait3A_1279] : memref<640x128xf32, #tpu.memory_space<vmem>> -> memref<128x128xf32, #tpu.memory_space<vmem>>
    %dma_wait3A_1281 = arith.constant 0 : i32
    %dma_wait3A_1282 = tpu.memref_slice %arg6[%add3A_417, %dma_wait3A_1277, %dma_wait3A_1281] : memref<14x5x128xi32, #tpu.memory_space<vmem>> -> memref<1x1x128xi32, #tpu.memory_space<vmem>>
    %dma_wait3A_1283 = tpu.memref_squeeze %dma_wait3A_1282 : memref<1x1x128xi32, #tpu.memory_space<vmem>> -> memref<128xi32, #tpu.memory_space<vmem>>
    %dma_wait3A_1284 = arith.constant 0 : i32
    %dma_wait3A_1285 = arith.constant 0 : i32
    %dma_wait3A_1286 = tpu.memref_slice %arg7[%dma_wait3A_1284, %dma_wait3A_1285] : memref<1536x128xf32, #tpu.memory_space<vmem_shared>> -> memref<1536x128xf32, #tpu.memory_space<vmem_shared>>
    tpu.wait_indirect_dma semaphore(%arg8 : memref<!tpu.dma_semaphore, #tpu.memory_space<semaphore_mem>>) src(%dma_wait3A_1280 : memref<128x128xf32, #tpu.memory_space<vmem>>) dst(%dma_wait3A_1286 : memref<1536x128xf32, #tpu.memory_space<vmem_shared>>)
    %dma_wait3A_1287 = arith.constant 0 : i32
    %dma_wait3A_1288 = arith.constant 0 : i32
    %dma_wait3A_1289 = arith.constant 0 : i32
    %dma_wait3A_1290 = tpu.memref_slice %arg5[%dma_wait3A_1288, %dma_wait3A_1289] : memref<640x128xf32, #tpu.memory_space<vmem>> -> memref<128x128xf32, #tpu.memory_space<vmem>>
    %dma_wait3A_1291 = arith.constant 0 : i32
    %dma_wait3A_1292 = tpu.memref_slice %arg6[%add3A_431, %dma_wait3A_1287, %dma_wait3A_1291] : memref<14x5x128xi32, #tpu.memory_space<vmem>> -> memref<1x1x128xi32, #tpu.memory_space<vmem>>
    %dma_wait3A_1293 = tpu.memref_squeeze %dma_wait3A_1292 : memref<1x1x128xi32, #tpu.memory_space<vmem>> -> memref<128xi32, #tpu.memory_space<vmem>>
    %dma_wait3A_1294 = arith.constant 0 : i32
    %dma_wait3A_1295 = arith.constant 0 : i32
    %dma_wait3A_1296 = tpu.memref_slice %arg7[%dma_wait3A_1294, %dma_wait3A_1295] : memref<1536x128xf32, #tpu.memory_space<vmem_shared>> -> memref<1536x128xf32, #tpu.memory_space<vmem_shared>>
    tpu.wait_indirect_dma semaphore(%arg8 : memref<!tpu.dma_semaphore, #tpu.memory_space<semaphore_mem>>) src(%dma_wait3A_1290 : memref<128x128xf32, #tpu.memory_space<vmem>>) dst(%dma_wait3A_1296 : memref<1536x128xf32, #tpu.memory_space<vmem_shared>>)
    %dma_wait3A_1297 = arith.constant 1 : i32
    %dma_wait3A_1298 = arith.constant 128 : i32
    %dma_wait3A_1299 = arith.constant 0 : i32
    %dma_wait3A_1300 = tpu.memref_slice %arg5[%dma_wait3A_1298, %dma_wait3A_1299] : memref<640x128xf32, #tpu.memory_space<vmem>> -> memref<128x128xf32, #tpu.memory_space<vmem>>
    %dma_wait3A_1301 = arith.constant 0 : i32
    %dma_wait3A_1302 = tpu.memref_slice %arg6[%add3A_445, %dma_wait3A_1297, %dma_wait3A_1301] : memref<14x5x128xi32, #tpu.memory_space<vmem>> -> memref<1x1x128xi32, #tpu.memory_space<vmem>>
    %dma_wait3A_1303 = tpu.memref_squeeze %dma_wait3A_1302 : memref<1x1x128xi32, #tpu.memory_space<vmem>> -> memref<128xi32, #tpu.memory_space<vmem>>
    %dma_wait3A_1304 = arith.constant 0 : i32
    %dma_wait3A_1305 = arith.constant 0 : i32
    %dma_wait3A_1306 = tpu.memref_slice %arg7[%dma_wait3A_1304, %dma_wait3A_1305] : memref<1536x128xf32, #tpu.memory_space<vmem_shared>> -> memref<1536x128xf32, #tpu.memory_space<vmem_shared>>
    tpu.wait_indirect_dma semaphore(%arg8 : memref<!tpu.dma_semaphore, #tpu.memory_space<semaphore_mem>>) src(%dma_wait3A_1300 : memref<128x128xf32, #tpu.memory_space<vmem>>) dst(%dma_wait3A_1306 : memref<1536x128xf32, #tpu.memory_space<vmem_shared>>)
    %dma_wait3A_1307 = arith.constant 2 : i32
    %dma_wait3A_1308 = arith.constant 256 : i32
    %dma_wait3A_1309 = arith.constant 0 : i32
    %dma_wait3A_1310 = tpu.memref_slice %arg5[%dma_wait3A_1308, %dma_wait3A_1309] : memref<640x128xf32, #tpu.memory_space<vmem>> -> memref<128x128xf32, #tpu.memory_space<vmem>>
    %dma_wait3A_1311 = arith.constant 0 : i32
    %dma_wait3A_1312 = tpu.memref_slice %arg6[%add3A_459, %dma_wait3A_1307, %dma_wait3A_1311] : memref<14x5x128xi32, #tpu.memory_space<vmem>> -> memref<1x1x128xi32, #tpu.memory_space<vmem>>
    %dma_wait3A_1313 = tpu.memref_squeeze %dma_wait3A_1312 : memref<1x1x128xi32, #tpu.memory_space<vmem>> -> memref<128xi32, #tpu.memory_space<vmem>>
    %dma_wait3A_1314 = arith.constant 0 : i32
    %dma_wait3A_1315 = arith.constant 0 : i32
    %dma_wait3A_1316 = tpu.memref_slice %arg7[%dma_wait3A_1314, %dma_wait3A_1315] : memref<1536x128xf32, #tpu.memory_space<vmem_shared>> -> memref<1536x128xf32, #tpu.memory_space<vmem_shared>>
    tpu.wait_indirect_dma semaphore(%arg8 : memref<!tpu.dma_semaphore, #tpu.memory_space<semaphore_mem>>) src(%dma_wait3A_1310 : memref<128x128xf32, #tpu.memory_space<vmem>>) dst(%dma_wait3A_1316 : memref<1536x128xf32, #tpu.memory_space<vmem_shared>>)
    %dma_wait3A_1317 = arith.constant 3 : i32
    %dma_wait3A_1318 = arith.constant 384 : i32
    %dma_wait3A_1319 = arith.constant 0 : i32
    %dma_wait3A_1320 = tpu.memref_slice %arg5[%dma_wait3A_1318, %dma_wait3A_1319] : memref<640x128xf32, #tpu.memory_space<vmem>> -> memref<128x128xf32, #tpu.memory_space<vmem>>
    %dma_wait3A_1321 = arith.constant 0 : i32
    %dma_wait3A_1322 = tpu.memref_slice %arg6[%add3A_473, %dma_wait3A_1317, %dma_wait3A_1321] : memref<14x5x128xi32, #tpu.memory_space<vmem>> -> memref<1x1x128xi32, #tpu.memory_space<vmem>>
    %dma_wait3A_1323 = tpu.memref_squeeze %dma_wait3A_1322 : memref<1x1x128xi32, #tpu.memory_space<vmem>> -> memref<128xi32, #tpu.memory_space<vmem>>
    %dma_wait3A_1324 = arith.constant 0 : i32
    %dma_wait3A_1325 = arith.constant 0 : i32
    %dma_wait3A_1326 = tpu.memref_slice %arg7[%dma_wait3A_1324, %dma_wait3A_1325] : memref<1536x128xf32, #tpu.memory_space<vmem_shared>> -> memref<1536x128xf32, #tpu.memory_space<vmem_shared>>
    tpu.wait_indirect_dma semaphore(%arg8 : memref<!tpu.dma_semaphore, #tpu.memory_space<semaphore_mem>>) src(%dma_wait3A_1320 : memref<128x128xf32, #tpu.memory_space<vmem>>) dst(%dma_wait3A_1326 : memref<1536x128xf32, #tpu.memory_space<vmem_shared>>)
    %dma_wait3A_1327 = arith.constant 4 : i32
    %dma_wait3A_1328 = arith.constant 512 : i32
    %dma_wait3A_1329 = arith.constant 0 : i32
    %dma_wait3A_1330 = tpu.memref_slice %arg5[%dma_wait3A_1328, %dma_wait3A_1329] : memref<640x128xf32, #tpu.memory_space<vmem>> -> memref<128x128xf32, #tpu.memory_space<vmem>>
    %dma_wait3A_1331 = arith.constant 0 : i32
    %dma_wait3A_1332 = tpu.memref_slice %arg6[%add3A_487, %dma_wait3A_1327, %dma_wait3A_1331] : memref<14x5x128xi32, #tpu.memory_space<vmem>> -> memref<1x1x128xi32, #tpu.memory_space<vmem>>
    %dma_wait3A_1333 = tpu.memref_squeeze %dma_wait3A_1332 : memref<1x1x128xi32, #tpu.memory_space<vmem>> -> memref<128xi32, #tpu.memory_space<vmem>>
    %dma_wait3A_1334 = arith.constant 0 : i32
    %dma_wait3A_1335 = arith.constant 0 : i32
    %dma_wait3A_1336 = tpu.memref_slice %arg7[%dma_wait3A_1334, %dma_wait3A_1335] : memref<1536x128xf32, #tpu.memory_space<vmem_shared>> -> memref<1536x128xf32, #tpu.memory_space<vmem_shared>>
    tpu.wait_indirect_dma semaphore(%arg8 : memref<!tpu.dma_semaphore, #tpu.memory_space<semaphore_mem>>) src(%dma_wait3A_1330 : memref<128x128xf32, #tpu.memory_space<vmem>>) dst(%dma_wait3A_1336 : memref<1536x128xf32, #tpu.memory_space<vmem_shared>>)
    %dma_wait3A_1337 = arith.constant 0 : i32
    %dma_wait3A_1338 = arith.constant 0 : i32
    %dma_wait3A_1339 = arith.constant 0 : i32
    %dma_wait3A_1340 = tpu.memref_slice %arg5[%dma_wait3A_1338, %dma_wait3A_1339] : memref<640x128xf32, #tpu.memory_space<vmem>> -> memref<128x128xf32, #tpu.memory_space<vmem>>
    %dma_wait3A_1341 = arith.constant 0 : i32
    %dma_wait3A_1342 = tpu.memref_slice %arg6[%add3A_501, %dma_wait3A_1337, %dma_wait3A_1341] : memref<14x5x128xi32, #tpu.memory_space<vmem>> -> memref<1x1x128xi32, #tpu.memory_space<vmem>>
    %dma_wait3A_1343 = tpu.memref_squeeze %dma_wait3A_1342 : memref<1x1x128xi32, #tpu.memory_space<vmem>> -> memref<128xi32, #tpu.memory_space<vmem>>
    %dma_wait3A_1344 = arith.constant 0 : i32
    %dma_wait3A_1345 = arith.constant 0 : i32
    %dma_wait3A_1346 = tpu.memref_slice %arg7[%dma_wait3A_1344, %dma_wait3A_1345] : memref<1536x128xf32, #tpu.memory_space<vmem_shared>> -> memref<1536x128xf32, #tpu.memory_space<vmem_shared>>
    tpu.wait_indirect_dma semaphore(%arg8 : memref<!tpu.dma_semaphore, #tpu.memory_space<semaphore_mem>>) src(%dma_wait3A_1340 : memref<128x128xf32, #tpu.memory_space<vmem>>) dst(%dma_wait3A_1346 : memref<1536x128xf32, #tpu.memory_space<vmem_shared>>)
    %dma_wait3A_1347 = arith.constant 1 : i32
    %dma_wait3A_1348 = arith.constant 128 : i32
    %dma_wait3A_1349 = arith.constant 0 : i32
    %dma_wait3A_1350 = tpu.memref_slice %arg5[%dma_wait3A_1348, %dma_wait3A_1349] : memref<640x128xf32, #tpu.memory_space<vmem>> -> memref<128x128xf32, #tpu.memory_space<vmem>>
    %dma_wait3A_1351 = arith.constant 0 : i32
    %dma_wait3A_1352 = tpu.memref_slice %arg6[%add3A_515, %dma_wait3A_1347, %dma_wait3A_1351] : memref<14x5x128xi32, #tpu.memory_space<vmem>> -> memref<1x1x128xi32, #tpu.memory_space<vmem>>
    %dma_wait3A_1353 = tpu.memref_squeeze %dma_wait3A_1352 : memref<1x1x128xi32, #tpu.memory_space<vmem>> -> memref<128xi32, #tpu.memory_space<vmem>>
    %dma_wait3A_1354 = arith.constant 0 : i32
    %dma_wait3A_1355 = arith.constant 0 : i32
    %dma_wait3A_1356 = tpu.memref_slice %arg7[%dma_wait3A_1354, %dma_wait3A_1355] : memref<1536x128xf32, #tpu.memory_space<vmem_shared>> -> memref<1536x128xf32, #tpu.memory_space<vmem_shared>>
    tpu.wait_indirect_dma semaphore(%arg8 : memref<!tpu.dma_semaphore, #tpu.memory_space<semaphore_mem>>) src(%dma_wait3A_1350 : memref<128x128xf32, #tpu.memory_space<vmem>>) dst(%dma_wait3A_1356 : memref<1536x128xf32, #tpu.memory_space<vmem_shared>>)
    %dma_wait3A_1357 = arith.constant 2 : i32
    %dma_wait3A_1358 = arith.constant 256 : i32
    %dma_wait3A_1359 = arith.constant 0 : i32
    %dma_wait3A_1360 = tpu.memref_slice %arg5[%dma_wait3A_1358, %dma_wait3A_1359] : memref<640x128xf32, #tpu.memory_space<vmem>> -> memref<128x128xf32, #tpu.memory_space<vmem>>
    %dma_wait3A_1361 = arith.constant 0 : i32
    %dma_wait3A_1362 = tpu.memref_slice %arg6[%add3A_529, %dma_wait3A_1357, %dma_wait3A_1361] : memref<14x5x128xi32, #tpu.memory_space<vmem>> -> memref<1x1x128xi32, #tpu.memory_space<vmem>>
    %dma_wait3A_1363 = tpu.memref_squeeze %dma_wait3A_1362 : memref<1x1x128xi32, #tpu.memory_space<vmem>> -> memref<128xi32, #tpu.memory_space<vmem>>
    %dma_wait3A_1364 = arith.constant 0 : i32
    %dma_wait3A_1365 = arith.constant 0 : i32
    %dma_wait3A_1366 = tpu.memref_slice %arg7[%dma_wait3A_1364, %dma_wait3A_1365] : memref<1536x128xf32, #tpu.memory_space<vmem_shared>> -> memref<1536x128xf32, #tpu.memory_space<vmem_shared>>
    tpu.wait_indirect_dma semaphore(%arg8 : memref<!tpu.dma_semaphore, #tpu.memory_space<semaphore_mem>>) src(%dma_wait3A_1360 : memref<128x128xf32, #tpu.memory_space<vmem>>) dst(%dma_wait3A_1366 : memref<1536x128xf32, #tpu.memory_space<vmem_shared>>)
    %dma_wait3A_1367 = arith.constant 3 : i32
    %dma_wait3A_1368 = arith.constant 384 : i32
    %dma_wait3A_1369 = arith.constant 0 : i32
    %dma_wait3A_1370 = tpu.memref_slice %arg5[%dma_wait3A_1368, %dma_wait3A_1369] : memref<640x128xf32, #tpu.memory_space<vmem>> -> memref<128x128xf32, #tpu.memory_space<vmem>>
    %dma_wait3A_1371 = arith.constant 0 : i32
    %dma_wait3A_1372 = tpu.memref_slice %arg6[%add3A_543, %dma_wait3A_1367, %dma_wait3A_1371] : memref<14x5x128xi32, #tpu.memory_space<vmem>> -> memref<1x1x128xi32, #tpu.memory_space<vmem>>
    %dma_wait3A_1373 = tpu.memref_squeeze %dma_wait3A_1372 : memref<1x1x128xi32, #tpu.memory_space<vmem>> -> memref<128xi32, #tpu.memory_space<vmem>>
    %dma_wait3A_1374 = arith.constant 0 : i32
    %dma_wait3A_1375 = arith.constant 0 : i32
    %dma_wait3A_1376 = tpu.memref_slice %arg7[%dma_wait3A_1374, %dma_wait3A_1375] : memref<1536x128xf32, #tpu.memory_space<vmem_shared>> -> memref<1536x128xf32, #tpu.memory_space<vmem_shared>>
    tpu.wait_indirect_dma semaphore(%arg8 : memref<!tpu.dma_semaphore, #tpu.memory_space<semaphore_mem>>) src(%dma_wait3A_1370 : memref<128x128xf32, #tpu.memory_space<vmem>>) dst(%dma_wait3A_1376 : memref<1536x128xf32, #tpu.memory_space<vmem_shared>>)
    %dma_wait3A_1377 = arith.constant 4 : i32
    %dma_wait3A_1378 = arith.constant 512 : i32
    %dma_wait3A_1379 = arith.constant 0 : i32
    %dma_wait3A_1380 = tpu.memref_slice %arg5[%dma_wait3A_1378, %dma_wait3A_1379] : memref<640x128xf32, #tpu.memory_space<vmem>> -> memref<128x128xf32, #tpu.memory_space<vmem>>
    %dma_wait3A_1381 = arith.constant 0 : i32
    %dma_wait3A_1382 = tpu.memref_slice %arg6[%add3A_557, %dma_wait3A_1377, %dma_wait3A_1381] : memref<14x5x128xi32, #tpu.memory_space<vmem>> -> memref<1x1x128xi32, #tpu.memory_space<vmem>>
    %dma_wait3A_1383 = tpu.memref_squeeze %dma_wait3A_1382 : memref<1x1x128xi32, #tpu.memory_space<vmem>> -> memref<128xi32, #tpu.memory_space<vmem>>
    %dma_wait3A_1384 = arith.constant 0 : i32
    %dma_wait3A_1385 = arith.constant 0 : i32
    %dma_wait3A_1386 = tpu.memref_slice %arg7[%dma_wait3A_1384, %dma_wait3A_1385] : memref<1536x128xf32, #tpu.memory_space<vmem_shared>> -> memref<1536x128xf32, #tpu.memory_space<vmem_shared>>
    tpu.wait_indirect_dma semaphore(%arg8 : memref<!tpu.dma_semaphore, #tpu.memory_space<semaphore_mem>>) src(%dma_wait3A_1380 : memref<128x128xf32, #tpu.memory_space<vmem>>) dst(%dma_wait3A_1386 : memref<1536x128xf32, #tpu.memory_space<vmem_shared>>)
    %dma_wait3A_1387 = arith.constant 0 : i32
    %dma_wait3A_1388 = arith.constant 0 : i32
    %dma_wait3A_1389 = arith.constant 0 : i32
    %dma_wait3A_1390 = tpu.memref_slice %arg5[%dma_wait3A_1388, %dma_wait3A_1389] : memref<640x128xf32, #tpu.memory_space<vmem>> -> memref<128x128xf32, #tpu.memory_space<vmem>>
    %dma_wait3A_1391 = arith.constant 0 : i32
    %dma_wait3A_1392 = tpu.memref_slice %arg6[%add3A_571, %dma_wait3A_1387, %dma_wait3A_1391] : memref<14x5x128xi32, #tpu.memory_space<vmem>> -> memref<1x1x128xi32, #tpu.memory_space<vmem>>
    %dma_wait3A_1393 = tpu.memref_squeeze %dma_wait3A_1392 : memref<1x1x128xi32, #tpu.memory_space<vmem>> -> memref<128xi32, #tpu.memory_space<vmem>>
    %dma_wait3A_1394 = arith.constant 0 : i32
    %dma_wait3A_1395 = arith.constant 0 : i32
    %dma_wait3A_1396 = tpu.memref_slice %arg7[%dma_wait3A_1394, %dma_wait3A_1395] : memref<1536x128xf32, #tpu.memory_space<vmem_shared>> -> memref<1536x128xf32, #tpu.memory_space<vmem_shared>>
    tpu.wait_indirect_dma semaphore(%arg8 : memref<!tpu.dma_semaphore, #tpu.memory_space<semaphore_mem>>) src(%dma_wait3A_1390 : memref<128x128xf32, #tpu.memory_space<vmem>>) dst(%dma_wait3A_1396 : memref<1536x128xf32, #tpu.memory_space<vmem_shared>>)
    %dma_wait3A_1397 = arith.constant 1 : i32
    %dma_wait3A_1398 = arith.constant 128 : i32
    %dma_wait3A_1399 = arith.constant 0 : i32
    %dma_wait3A_1400 = tpu.memref_slice %arg5[%dma_wait3A_1398, %dma_wait3A_1399] : memref<640x128xf32, #tpu.memory_space<vmem>> -> memref<128x128xf32, #tpu.memory_space<vmem>>
    %dma_wait3A_1401 = arith.constant 0 : i32
    %dma_wait3A_1402 = tpu.memref_slice %arg6[%add3A_585, %dma_wait3A_1397, %dma_wait3A_1401] : memref<14x5x128xi32, #tpu.memory_space<vmem>> -> memref<1x1x128xi32, #tpu.memory_space<vmem>>
    %dma_wait3A_1403 = tpu.memref_squeeze %dma_wait3A_1402 : memref<1x1x128xi32, #tpu.memory_space<vmem>> -> memref<128xi32, #tpu.memory_space<vmem>>
    %dma_wait3A_1404 = arith.constant 0 : i32
    %dma_wait3A_1405 = arith.constant 0 : i32
    %dma_wait3A_1406 = tpu.memref_slice %arg7[%dma_wait3A_1404, %dma_wait3A_1405] : memref<1536x128xf32, #tpu.memory_space<vmem_shared>> -> memref<1536x128xf32, #tpu.memory_space<vmem_shared>>
    tpu.wait_indirect_dma semaphore(%arg8 : memref<!tpu.dma_semaphore, #tpu.memory_space<semaphore_mem>>) src(%dma_wait3A_1400 : memref<128x128xf32, #tpu.memory_space<vmem>>) dst(%dma_wait3A_1406 : memref<1536x128xf32, #tpu.memory_space<vmem_shared>>)
    %dma_wait3A_1407 = arith.constant 2 : i32
    %dma_wait3A_1408 = arith.constant 256 : i32
    %dma_wait3A_1409 = arith.constant 0 : i32
    %dma_wait3A_1410 = tpu.memref_slice %arg5[%dma_wait3A_1408, %dma_wait3A_1409] : memref<640x128xf32, #tpu.memory_space<vmem>> -> memref<128x128xf32, #tpu.memory_space<vmem>>
    %dma_wait3A_1411 = arith.constant 0 : i32
    %dma_wait3A_1412 = tpu.memref_slice %arg6[%add3A_599, %dma_wait3A_1407, %dma_wait3A_1411] : memref<14x5x128xi32, #tpu.memory_space<vmem>> -> memref<1x1x128xi32, #tpu.memory_space<vmem>>
    %dma_wait3A_1413 = tpu.memref_squeeze %dma_wait3A_1412 : memref<1x1x128xi32, #tpu.memory_space<vmem>> -> memref<128xi32, #tpu.memory_space<vmem>>
    %dma_wait3A_1414 = arith.constant 0 : i32
    %dma_wait3A_1415 = arith.constant 0 : i32
    %dma_wait3A_1416 = tpu.memref_slice %arg7[%dma_wait3A_1414, %dma_wait3A_1415] : memref<1536x128xf32, #tpu.memory_space<vmem_shared>> -> memref<1536x128xf32, #tpu.memory_space<vmem_shared>>
    tpu.wait_indirect_dma semaphore(%arg8 : memref<!tpu.dma_semaphore, #tpu.memory_space<semaphore_mem>>) src(%dma_wait3A_1410 : memref<128x128xf32, #tpu.memory_space<vmem>>) dst(%dma_wait3A_1416 : memref<1536x128xf32, #tpu.memory_space<vmem_shared>>)
    %dma_wait3A_1417 = arith.constant 3 : i32
    %dma_wait3A_1418 = arith.constant 384 : i32
    %dma_wait3A_1419 = arith.constant 0 : i32
    %dma_wait3A_1420 = tpu.memref_slice %arg5[%dma_wait3A_1418, %dma_wait3A_1419] : memref<640x128xf32, #tpu.memory_space<vmem>> -> memref<128x128xf32, #tpu.memory_space<vmem>>
    %dma_wait3A_1421 = arith.constant 0 : i32
    %dma_wait3A_1422 = tpu.memref_slice %arg6[%add3A_613, %dma_wait3A_1417, %dma_wait3A_1421] : memref<14x5x128xi32, #tpu.memory_space<vmem>> -> memref<1x1x128xi32, #tpu.memory_space<vmem>>
    %dma_wait3A_1423 = tpu.memref_squeeze %dma_wait3A_1422 : memref<1x1x128xi32, #tpu.memory_space<vmem>> -> memref<128xi32, #tpu.memory_space<vmem>>
    %dma_wait3A_1424 = arith.constant 0 : i32
    %dma_wait3A_1425 = arith.constant 0 : i32
    %dma_wait3A_1426 = tpu.memref_slice %arg7[%dma_wait3A_1424, %dma_wait3A_1425] : memref<1536x128xf32, #tpu.memory_space<vmem_shared>> -> memref<1536x128xf32, #tpu.memory_space<vmem_shared>>
    tpu.wait_indirect_dma semaphore(%arg8 : memref<!tpu.dma_semaphore, #tpu.memory_space<semaphore_mem>>) src(%dma_wait3A_1420 : memref<128x128xf32, #tpu.memory_space<vmem>>) dst(%dma_wait3A_1426 : memref<1536x128xf32, #tpu.memory_space<vmem_shared>>)
    %dma_wait3A_1427 = arith.constant 4 : i32
    %dma_wait3A_1428 = arith.constant 512 : i32
    %dma_wait3A_1429 = arith.constant 0 : i32
    %dma_wait3A_1430 = tpu.memref_slice %arg5[%dma_wait3A_1428, %dma_wait3A_1429] : memref<640x128xf32, #tpu.memory_space<vmem>> -> memref<128x128xf32, #tpu.memory_space<vmem>>
    %dma_wait3A_1431 = arith.constant 0 : i32
    %dma_wait3A_1432 = tpu.memref_slice %arg6[%add3A_627, %dma_wait3A_1427, %dma_wait3A_1431] : memref<14x5x128xi32, #tpu.memory_space<vmem>> -> memref<1x1x128xi32, #tpu.memory_space<vmem>>
    %dma_wait3A_1433 = tpu.memref_squeeze %dma_wait3A_1432 : memref<1x1x128xi32, #tpu.memory_space<vmem>> -> memref<128xi32, #tpu.memory_space<vmem>>
    %dma_wait3A_1434 = arith.constant 0 : i32
    %dma_wait3A_1435 = arith.constant 0 : i32
    %dma_wait3A_1436 = tpu.memref_slice %arg7[%dma_wait3A_1434, %dma_wait3A_1435] : memref<1536x128xf32, #tpu.memory_space<vmem_shared>> -> memref<1536x128xf32, #tpu.memory_space<vmem_shared>>
    tpu.wait_indirect_dma semaphore(%arg8 : memref<!tpu.dma_semaphore, #tpu.memory_space<semaphore_mem>>) src(%dma_wait3A_1430 : memref<128x128xf32, #tpu.memory_space<vmem>>) dst(%dma_wait3A_1436 : memref<1536x128xf32, #tpu.memory_space<vmem_shared>>)
    %dma_wait3A_1437 = arith.constant 0 : i32
    %dma_wait3A_1438 = arith.constant 0 : i32
    %dma_wait3A_1439 = arith.constant 0 : i32
    %dma_wait3A_1440 = tpu.memref_slice %arg5[%dma_wait3A_1438, %dma_wait3A_1439] : memref<640x128xf32, #tpu.memory_space<vmem>> -> memref<128x128xf32, #tpu.memory_space<vmem>>
    %dma_wait3A_1441 = arith.constant 0 : i32
    %dma_wait3A_1442 = tpu.memref_slice %arg6[%add3A_641, %dma_wait3A_1437, %dma_wait3A_1441] : memref<14x5x128xi32, #tpu.memory_space<vmem>> -> memref<1x1x128xi32, #tpu.memory_space<vmem>>
    %dma_wait3A_1443 = tpu.memref_squeeze %dma_wait3A_1442 : memref<1x1x128xi32, #tpu.memory_space<vmem>> -> memref<128xi32, #tpu.memory_space<vmem>>
    %dma_wait3A_1444 = arith.constant 0 : i32
    %dma_wait3A_1445 = arith.constant 0 : i32
    %dma_wait3A_1446 = tpu.memref_slice %arg7[%dma_wait3A_1444, %dma_wait3A_1445] : memref<1536x128xf32, #tpu.memory_space<vmem_shared>> -> memref<1536x128xf32, #tpu.memory_space<vmem_shared>>
    tpu.wait_indirect_dma semaphore(%arg8 : memref<!tpu.dma_semaphore, #tpu.memory_space<semaphore_mem>>) src(%dma_wait3A_1440 : memref<128x128xf32, #tpu.memory_space<vmem>>) dst(%dma_wait3A_1446 : memref<1536x128xf32, #tpu.memory_space<vmem_shared>>)
    %dma_wait3A_1447 = arith.constant 1 : i32
    %dma_wait3A_1448 = arith.constant 128 : i32
    %dma_wait3A_1449 = arith.constant 0 : i32
    %dma_wait3A_1450 = tpu.memref_slice %arg5[%dma_wait3A_1448, %dma_wait3A_1449] : memref<640x128xf32, #tpu.memory_space<vmem>> -> memref<128x128xf32, #tpu.memory_space<vmem>>
    %dma_wait3A_1451 = arith.constant 0 : i32
    %dma_wait3A_1452 = tpu.memref_slice %arg6[%add3A_655, %dma_wait3A_1447, %dma_wait3A_1451] : memref<14x5x128xi32, #tpu.memory_space<vmem>> -> memref<1x1x128xi32, #tpu.memory_space<vmem>>
    %dma_wait3A_1453 = tpu.memref_squeeze %dma_wait3A_1452 : memref<1x1x128xi32, #tpu.memory_space<vmem>> -> memref<128xi32, #tpu.memory_space<vmem>>
    %dma_wait3A_1454 = arith.constant 0 : i32
    %dma_wait3A_1455 = arith.constant 0 : i32
    %dma_wait3A_1456 = tpu.memref_slice %arg7[%dma_wait3A_1454, %dma_wait3A_1455] : memref<1536x128xf32, #tpu.memory_space<vmem_shared>> -> memref<1536x128xf32, #tpu.memory_space<vmem_shared>>
    tpu.wait_indirect_dma semaphore(%arg8 : memref<!tpu.dma_semaphore, #tpu.memory_space<semaphore_mem>>) src(%dma_wait3A_1450 : memref<128x128xf32, #tpu.memory_space<vmem>>) dst(%dma_wait3A_1456 : memref<1536x128xf32, #tpu.memory_space<vmem_shared>>)
    %dma_wait3A_1457 = arith.constant 2 : i32
    %dma_wait3A_1458 = arith.constant 256 : i32
    %dma_wait3A_1459 = arith.constant 0 : i32
    %dma_wait3A_1460 = tpu.memref_slice %arg5[%dma_wait3A_1458, %dma_wait3A_1459] : memref<640x128xf32, #tpu.memory_space<vmem>> -> memref<128x128xf32, #tpu.memory_space<vmem>>
    %dma_wait3A_1461 = arith.constant 0 : i32
    %dma_wait3A_1462 = tpu.memref_slice %arg6[%add3A_669, %dma_wait3A_1457, %dma_wait3A_1461] : memref<14x5x128xi32, #tpu.memory_space<vmem>> -> memref<1x1x128xi32, #tpu.memory_space<vmem>>
    %dma_wait3A_1463 = tpu.memref_squeeze %dma_wait3A_1462 : memref<1x1x128xi32, #tpu.memory_space<vmem>> -> memref<128xi32, #tpu.memory_space<vmem>>
    %dma_wait3A_1464 = arith.constant 0 : i32
    %dma_wait3A_1465 = arith.constant 0 : i32
    %dma_wait3A_1466 = tpu.memref_slice %arg7[%dma_wait3A_1464, %dma_wait3A_1465] : memref<1536x128xf32, #tpu.memory_space<vmem_shared>> -> memref<1536x128xf32, #tpu.memory_space<vmem_shared>>
    tpu.wait_indirect_dma semaphore(%arg8 : memref<!tpu.dma_semaphore, #tpu.memory_space<semaphore_mem>>) src(%dma_wait3A_1460 : memref<128x128xf32, #tpu.memory_space<vmem>>) dst(%dma_wait3A_1466 : memref<1536x128xf32, #tpu.memory_space<vmem_shared>>)
    %dma_wait3A_1467 = arith.constant 3 : i32
    %dma_wait3A_1468 = arith.constant 384 : i32
    %dma_wait3A_1469 = arith.constant 0 : i32
    %dma_wait3A_1470 = tpu.memref_slice %arg5[%dma_wait3A_1468, %dma_wait3A_1469] : memref<640x128xf32, #tpu.memory_space<vmem>> -> memref<128x128xf32, #tpu.memory_space<vmem>>
    %dma_wait3A_1471 = arith.constant 0 : i32
    %dma_wait3A_1472 = tpu.memref_slice %arg6[%add3A_683, %dma_wait3A_1467, %dma_wait3A_1471] : memref<14x5x128xi32, #tpu.memory_space<vmem>> -> memref<1x1x128xi32, #tpu.memory_space<vmem>>
    %dma_wait3A_1473 = tpu.memref_squeeze %dma_wait3A_1472 : memref<1x1x128xi32, #tpu.memory_space<vmem>> -> memref<128xi32, #tpu.memory_space<vmem>>
    %dma_wait3A_1474 = arith.constant 0 : i32
    %dma_wait3A_1475 = arith.constant 0 : i32
    %dma_wait3A_1476 = tpu.memref_slice %arg7[%dma_wait3A_1474, %dma_wait3A_1475] : memref<1536x128xf32, #tpu.memory_space<vmem_shared>> -> memref<1536x128xf32, #tpu.memory_space<vmem_shared>>
    tpu.wait_indirect_dma semaphore(%arg8 : memref<!tpu.dma_semaphore, #tpu.memory_space<semaphore_mem>>) src(%dma_wait3A_1470 : memref<128x128xf32, #tpu.memory_space<vmem>>) dst(%dma_wait3A_1476 : memref<1536x128xf32, #tpu.memory_space<vmem_shared>>)
    %dma_wait3A_1477 = arith.constant 4 : i32
    %dma_wait3A_1478 = arith.constant 512 : i32
    %dma_wait3A_1479 = arith.constant 0 : i32
    %dma_wait3A_1480 = tpu.memref_slice %arg5[%dma_wait3A_1478, %dma_wait3A_1479] : memref<640x128xf32, #tpu.memory_space<vmem>> -> memref<128x128xf32, #tpu.memory_space<vmem>>
    %dma_wait3A_1481 = arith.constant 0 : i32
    %dma_wait3A_1482 = tpu.memref_slice %arg6[%add3A_697, %dma_wait3A_1477, %dma_wait3A_1481] : memref<14x5x128xi32, #tpu.memory_space<vmem>> -> memref<1x1x128xi32, #tpu.memory_space<vmem>>
    %dma_wait3A_1483 = tpu.memref_squeeze %dma_wait3A_1482 : memref<1x1x128xi32, #tpu.memory_space<vmem>> -> memref<128xi32, #tpu.memory_space<vmem>>
    %dma_wait3A_1484 = arith.constant 0 : i32
    %dma_wait3A_1485 = arith.constant 0 : i32
    %dma_wait3A_1486 = tpu.memref_slice %arg7[%dma_wait3A_1484, %dma_wait3A_1485] : memref<1536x128xf32, #tpu.memory_space<vmem_shared>> -> memref<1536x128xf32, #tpu.memory_space<vmem_shared>>
    tpu.wait_indirect_dma semaphore(%arg8 : memref<!tpu.dma_semaphore, #tpu.memory_space<semaphore_mem>>) src(%dma_wait3A_1480 : memref<128x128xf32, #tpu.memory_space<vmem>>) dst(%dma_wait3A_1486 : memref<1536x128xf32, #tpu.memory_space<vmem_shared>>)
    %dma_wait3A_1487 = arith.constant 0 : i32
    %dma_wait3A_1488 = arith.constant 0 : i32
    %dma_wait3A_1489 = arith.constant 0 : i32
    %dma_wait3A_1490 = tpu.memref_slice %arg5[%dma_wait3A_1488, %dma_wait3A_1489] : memref<640x128xf32, #tpu.memory_space<vmem>> -> memref<128x128xf32, #tpu.memory_space<vmem>>
    %dma_wait3A_1491 = arith.constant 0 : i32
    %dma_wait3A_1492 = tpu.memref_slice %arg6[%add3A_711, %dma_wait3A_1487, %dma_wait3A_1491] : memref<14x5x128xi32, #tpu.memory_space<vmem>> -> memref<1x1x128xi32, #tpu.memory_space<vmem>>
    %dma_wait3A_1493 = tpu.memref_squeeze %dma_wait3A_1492 : memref<1x1x128xi32, #tpu.memory_space<vmem>> -> memref<128xi32, #tpu.memory_space<vmem>>
    %dma_wait3A_1494 = arith.constant 0 : i32
    %dma_wait3A_1495 = arith.constant 0 : i32
    %dma_wait3A_1496 = tpu.memref_slice %arg7[%dma_wait3A_1494, %dma_wait3A_1495] : memref<1536x128xf32, #tpu.memory_space<vmem_shared>> -> memref<1536x128xf32, #tpu.memory_space<vmem_shared>>
    tpu.wait_indirect_dma semaphore(%arg8 : memref<!tpu.dma_semaphore, #tpu.memory_space<semaphore_mem>>) src(%dma_wait3A_1490 : memref<128x128xf32, #tpu.memory_space<vmem>>) dst(%dma_wait3A_1496 : memref<1536x128xf32, #tpu.memory_space<vmem_shared>>)
    %dma_wait3A_1497 = arith.constant 1 : i32
    %dma_wait3A_1498 = arith.constant 128 : i32
    %dma_wait3A_1499 = arith.constant 0 : i32
    %dma_wait3A_1500 = tpu.memref_slice %arg5[%dma_wait3A_1498, %dma_wait3A_1499] : memref<640x128xf32, #tpu.memory_space<vmem>> -> memref<128x128xf32, #tpu.memory_space<vmem>>
    %dma_wait3A_1501 = arith.constant 0 : i32
    %dma_wait3A_1502 = tpu.memref_slice %arg6[%add3A_725, %dma_wait3A_1497, %dma_wait3A_1501] : memref<14x5x128xi32, #tpu.memory_space<vmem>> -> memref<1x1x128xi32, #tpu.memory_space<vmem>>
    %dma_wait3A_1503 = tpu.memref_squeeze %dma_wait3A_1502 : memref<1x1x128xi32, #tpu.memory_space<vmem>> -> memref<128xi32, #tpu.memory_space<vmem>>
    %dma_wait3A_1504 = arith.constant 0 : i32
    %dma_wait3A_1505 = arith.constant 0 : i32
    %dma_wait3A_1506 = tpu.memref_slice %arg7[%dma_wait3A_1504, %dma_wait3A_1505] : memref<1536x128xf32, #tpu.memory_space<vmem_shared>> -> memref<1536x128xf32, #tpu.memory_space<vmem_shared>>
    tpu.wait_indirect_dma semaphore(%arg8 : memref<!tpu.dma_semaphore, #tpu.memory_space<semaphore_mem>>) src(%dma_wait3A_1500 : memref<128x128xf32, #tpu.memory_space<vmem>>) dst(%dma_wait3A_1506 : memref<1536x128xf32, #tpu.memory_space<vmem_shared>>)
    %dma_wait3A_1507 = arith.constant 2 : i32
    %dma_wait3A_1508 = arith.constant 256 : i32
    %dma_wait3A_1509 = arith.constant 0 : i32
    %dma_wait3A_1510 = tpu.memref_slice %arg5[%dma_wait3A_1508, %dma_wait3A_1509] : memref<640x128xf32, #tpu.memory_space<vmem>> -> memref<128x128xf32, #tpu.memory_space<vmem>>
    %dma_wait3A_1511 = arith.constant 0 : i32
    %dma_wait3A_1512 = tpu.memref_slice %arg6[%add3A_739, %dma_wait3A_1507, %dma_wait3A_1511] : memref<14x5x128xi32, #tpu.memory_space<vmem>> -> memref<1x1x128xi32, #tpu.memory_space<vmem>>
    %dma_wait3A_1513 = tpu.memref_squeeze %dma_wait3A_1512 : memref<1x1x128xi32, #tpu.memory_space<vmem>> -> memref<128xi32, #tpu.memory_space<vmem>>
    %dma_wait3A_1514 = arith.constant 0 : i32
    %dma_wait3A_1515 = arith.constant 0 : i32
    %dma_wait3A_1516 = tpu.memref_slice %arg7[%dma_wait3A_1514, %dma_wait3A_1515] : memref<1536x128xf32, #tpu.memory_space<vmem_shared>> -> memref<1536x128xf32, #tpu.memory_space<vmem_shared>>
    tpu.wait_indirect_dma semaphore(%arg8 : memref<!tpu.dma_semaphore, #tpu.memory_space<semaphore_mem>>) src(%dma_wait3A_1510 : memref<128x128xf32, #tpu.memory_space<vmem>>) dst(%dma_wait3A_1516 : memref<1536x128xf32, #tpu.memory_space<vmem_shared>>)
    %dma_wait3A_1517 = arith.constant 3 : i32
    %dma_wait3A_1518 = arith.constant 384 : i32
    %dma_wait3A_1519 = arith.constant 0 : i32
    %dma_wait3A_1520 = tpu.memref_slice %arg5[%dma_wait3A_1518, %dma_wait3A_1519] : memref<640x128xf32, #tpu.memory_space<vmem>> -> memref<128x128xf32, #tpu.memory_space<vmem>>
    %dma_wait3A_1521 = arith.constant 0 : i32
    %dma_wait3A_1522 = tpu.memref_slice %arg6[%add3A_753, %dma_wait3A_1517, %dma_wait3A_1521] : memref<14x5x128xi32, #tpu.memory_space<vmem>> -> memref<1x1x128xi32, #tpu.memory_space<vmem>>
    %dma_wait3A_1523 = tpu.memref_squeeze %dma_wait3A_1522 : memref<1x1x128xi32, #tpu.memory_space<vmem>> -> memref<128xi32, #tpu.memory_space<vmem>>
    %dma_wait3A_1524 = arith.constant 0 : i32
    %dma_wait3A_1525 = arith.constant 0 : i32
    %dma_wait3A_1526 = tpu.memref_slice %arg7[%dma_wait3A_1524, %dma_wait3A_1525] : memref<1536x128xf32, #tpu.memory_space<vmem_shared>> -> memref<1536x128xf32, #tpu.memory_space<vmem_shared>>
    tpu.wait_indirect_dma semaphore(%arg8 : memref<!tpu.dma_semaphore, #tpu.memory_space<semaphore_mem>>) src(%dma_wait3A_1520 : memref<128x128xf32, #tpu.memory_space<vmem>>) dst(%dma_wait3A_1526 : memref<1536x128xf32, #tpu.memory_space<vmem_shared>>)
    %dma_wait3A_1527 = arith.constant 4 : i32
    %dma_wait3A_1528 = arith.constant 512 : i32
    %dma_wait3A_1529 = arith.constant 0 : i32
    %dma_wait3A_1530 = tpu.memref_slice %arg5[%dma_wait3A_1528, %dma_wait3A_1529] : memref<640x128xf32, #tpu.memory_space<vmem>> -> memref<128x128xf32, #tpu.memory_space<vmem>>
    %dma_wait3A_1531 = arith.constant 0 : i32
    %dma_wait3A_1532 = tpu.memref_slice %arg6[%add3A_767, %dma_wait3A_1527, %dma_wait3A_1531] : memref<14x5x128xi32, #tpu.memory_space<vmem>> -> memref<1x1x128xi32, #tpu.memory_space<vmem>>
    %dma_wait3A_1533 = tpu.memref_squeeze %dma_wait3A_1532 : memref<1x1x128xi32, #tpu.memory_space<vmem>> -> memref<128xi32, #tpu.memory_space<vmem>>
    %dma_wait3A_1534 = arith.constant 0 : i32
    %dma_wait3A_1535 = arith.constant 0 : i32
    %dma_wait3A_1536 = tpu.memref_slice %arg7[%dma_wait3A_1534, %dma_wait3A_1535] : memref<1536x128xf32, #tpu.memory_space<vmem_shared>> -> memref<1536x128xf32, #tpu.memory_space<vmem_shared>>
    tpu.wait_indirect_dma semaphore(%arg8 : memref<!tpu.dma_semaphore, #tpu.memory_space<semaphore_mem>>) src(%dma_wait3A_1530 : memref<128x128xf32, #tpu.memory_space<vmem>>) dst(%dma_wait3A_1536 : memref<1536x128xf32, #tpu.memory_space<vmem_shared>>)
    %dma_wait3A_1537 = arith.constant 0 : i32
    %dma_wait3A_1538 = arith.constant 0 : i32
    %dma_wait3A_1539 = arith.constant 0 : i32
    %dma_wait3A_1540 = tpu.memref_slice %arg5[%dma_wait3A_1538, %dma_wait3A_1539] : memref<640x128xf32, #tpu.memory_space<vmem>> -> memref<128x128xf32, #tpu.memory_space<vmem>>
    %dma_wait3A_1541 = arith.constant 0 : i32
    %dma_wait3A_1542 = tpu.memref_slice %arg6[%add3A_781, %dma_wait3A_1537, %dma_wait3A_1541] : memref<14x5x128xi32, #tpu.memory_space<vmem>> -> memref<1x1x128xi32, #tpu.memory_space<vmem>>
    %dma_wait3A_1543 = tpu.memref_squeeze %dma_wait3A_1542 : memref<1x1x128xi32, #tpu.memory_space<vmem>> -> memref<128xi32, #tpu.memory_space<vmem>>
    %dma_wait3A_1544 = arith.constant 0 : i32
    %dma_wait3A_1545 = arith.constant 0 : i32
    %dma_wait3A_1546 = tpu.memref_slice %arg7[%dma_wait3A_1544, %dma_wait3A_1545] : memref<1536x128xf32, #tpu.memory_space<vmem_shared>> -> memref<1536x128xf32, #tpu.memory_space<vmem_shared>>
    tpu.wait_indirect_dma semaphore(%arg8 : memref<!tpu.dma_semaphore, #tpu.memory_space<semaphore_mem>>) src(%dma_wait3A_1540 : memref<128x128xf32, #tpu.memory_space<vmem>>) dst(%dma_wait3A_1546 : memref<1536x128xf32, #tpu.memory_space<vmem_shared>>)
    %dma_wait3A_1547 = arith.constant 1 : i32
    %dma_wait3A_1548 = arith.constant 128 : i32
    %dma_wait3A_1549 = arith.constant 0 : i32
    %dma_wait3A_1550 = tpu.memref_slice %arg5[%dma_wait3A_1548, %dma_wait3A_1549] : memref<640x128xf32, #tpu.memory_space<vmem>> -> memref<128x128xf32, #tpu.memory_space<vmem>>
    %dma_wait3A_1551 = arith.constant 0 : i32
    %dma_wait3A_1552 = tpu.memref_slice %arg6[%add3A_795, %dma_wait3A_1547, %dma_wait3A_1551] : memref<14x5x128xi32, #tpu.memory_space<vmem>> -> memref<1x1x128xi32, #tpu.memory_space<vmem>>
    %dma_wait3A_1553 = tpu.memref_squeeze %dma_wait3A_1552 : memref<1x1x128xi32, #tpu.memory_space<vmem>> -> memref<128xi32, #tpu.memory_space<vmem>>
    %dma_wait3A_1554 = arith.constant 0 : i32
    %dma_wait3A_1555 = arith.constant 0 : i32
    %dma_wait3A_1556 = tpu.memref_slice %arg7[%dma_wait3A_1554, %dma_wait3A_1555] : memref<1536x128xf32, #tpu.memory_space<vmem_shared>> -> memref<1536x128xf32, #tpu.memory_space<vmem_shared>>
    tpu.wait_indirect_dma semaphore(%arg8 : memref<!tpu.dma_semaphore, #tpu.memory_space<semaphore_mem>>) src(%dma_wait3A_1550 : memref<128x128xf32, #tpu.memory_space<vmem>>) dst(%dma_wait3A_1556 : memref<1536x128xf32, #tpu.memory_space<vmem_shared>>)
    %dma_wait3A_1557 = arith.constant 2 : i32
    %dma_wait3A_1558 = arith.constant 256 : i32
    %dma_wait3A_1559 = arith.constant 0 : i32
    %dma_wait3A_1560 = tpu.memref_slice %arg5[%dma_wait3A_1558, %dma_wait3A_1559] : memref<640x128xf32, #tpu.memory_space<vmem>> -> memref<128x128xf32, #tpu.memory_space<vmem>>
    %dma_wait3A_1561 = arith.constant 0 : i32
    %dma_wait3A_1562 = tpu.memref_slice %arg6[%add3A_809, %dma_wait3A_1557, %dma_wait3A_1561] : memref<14x5x128xi32, #tpu.memory_space<vmem>> -> memref<1x1x128xi32, #tpu.memory_space<vmem>>
    %dma_wait3A_1563 = tpu.memref_squeeze %dma_wait3A_1562 : memref<1x1x128xi32, #tpu.memory_space<vmem>> -> memref<128xi32, #tpu.memory_space<vmem>>
    %dma_wait3A_1564 = arith.constant 0 : i32
    %dma_wait3A_1565 = arith.constant 0 : i32
    %dma_wait3A_1566 = tpu.memref_slice %arg7[%dma_wait3A_1564, %dma_wait3A_1565] : memref<1536x128xf32, #tpu.memory_space<vmem_shared>> -> memref<1536x128xf32, #tpu.memory_space<vmem_shared>>
    tpu.wait_indirect_dma semaphore(%arg8 : memref<!tpu.dma_semaphore, #tpu.memory_space<semaphore_mem>>) src(%dma_wait3A_1560 : memref<128x128xf32, #tpu.memory_space<vmem>>) dst(%dma_wait3A_1566 : memref<1536x128xf32, #tpu.memory_space<vmem_shared>>)
    %dma_wait3A_1567 = arith.constant 3 : i32
    %dma_wait3A_1568 = arith.constant 384 : i32
    %dma_wait3A_1569 = arith.constant 0 : i32
    %dma_wait3A_1570 = tpu.memref_slice %arg5[%dma_wait3A_1568, %dma_wait3A_1569] : memref<640x128xf32, #tpu.memory_space<vmem>> -> memref<128x128xf32, #tpu.memory_space<vmem>>
    %dma_wait3A_1571 = arith.constant 0 : i32
    %dma_wait3A_1572 = tpu.memref_slice %arg6[%add3A_823, %dma_wait3A_1567, %dma_wait3A_1571] : memref<14x5x128xi32, #tpu.memory_space<vmem>> -> memref<1x1x128xi32, #tpu.memory_space<vmem>>
    %dma_wait3A_1573 = tpu.memref_squeeze %dma_wait3A_1572 : memref<1x1x128xi32, #tpu.memory_space<vmem>> -> memref<128xi32, #tpu.memory_space<vmem>>
    %dma_wait3A_1574 = arith.constant 0 : i32
    %dma_wait3A_1575 = arith.constant 0 : i32
    %dma_wait3A_1576 = tpu.memref_slice %arg7[%dma_wait3A_1574, %dma_wait3A_1575] : memref<1536x128xf32, #tpu.memory_space<vmem_shared>> -> memref<1536x128xf32, #tpu.memory_space<vmem_shared>>
    tpu.wait_indirect_dma semaphore(%arg8 : memref<!tpu.dma_semaphore, #tpu.memory_space<semaphore_mem>>) src(%dma_wait3A_1570 : memref<128x128xf32, #tpu.memory_space<vmem>>) dst(%dma_wait3A_1576 : memref<1536x128xf32, #tpu.memory_space<vmem_shared>>)
    %dma_wait3A_1577 = arith.constant 4 : i32
    %dma_wait3A_1578 = arith.constant 512 : i32
    %dma_wait3A_1579 = arith.constant 0 : i32
    %dma_wait3A_1580 = tpu.memref_slice %arg5[%dma_wait3A_1578, %dma_wait3A_1579] : memref<640x128xf32, #tpu.memory_space<vmem>> -> memref<128x128xf32, #tpu.memory_space<vmem>>
    %dma_wait3A_1581 = arith.constant 0 : i32
    %dma_wait3A_1582 = tpu.memref_slice %arg6[%add3A_837, %dma_wait3A_1577, %dma_wait3A_1581] : memref<14x5x128xi32, #tpu.memory_space<vmem>> -> memref<1x1x128xi32, #tpu.memory_space<vmem>>
    %dma_wait3A_1583 = tpu.memref_squeeze %dma_wait3A_1582 : memref<1x1x128xi32, #tpu.memory_space<vmem>> -> memref<128xi32, #tpu.memory_space<vmem>>
    %dma_wait3A_1584 = arith.constant 0 : i32
    %dma_wait3A_1585 = arith.constant 0 : i32
    %dma_wait3A_1586 = tpu.memref_slice %arg7[%dma_wait3A_1584, %dma_wait3A_1585] : memref<1536x128xf32, #tpu.memory_space<vmem_shared>> -> memref<1536x128xf32, #tpu.memory_space<vmem_shared>>
    tpu.wait_indirect_dma semaphore(%arg8 : memref<!tpu.dma_semaphore, #tpu.memory_space<semaphore_mem>>) src(%dma_wait3A_1580 : memref<128x128xf32, #tpu.memory_space<vmem>>) dst(%dma_wait3A_1586 : memref<1536x128xf32, #tpu.memory_space<vmem_shared>>)
    %dma_wait3A_1587 = arith.constant 0 : i32
    %dma_wait3A_1588 = arith.constant 0 : i32
    %dma_wait3A_1589 = arith.constant 0 : i32
    %dma_wait3A_1590 = tpu.memref_slice %arg5[%dma_wait3A_1588, %dma_wait3A_1589] : memref<640x128xf32, #tpu.memory_space<vmem>> -> memref<128x128xf32, #tpu.memory_space<vmem>>
    %dma_wait3A_1591 = arith.constant 0 : i32
    %dma_wait3A_1592 = tpu.memref_slice %arg6[%add3A_851, %dma_wait3A_1587, %dma_wait3A_1591] : memref<14x5x128xi32, #tpu.memory_space<vmem>> -> memref<1x1x128xi32, #tpu.memory_space<vmem>>
    %dma_wait3A_1593 = tpu.memref_squeeze %dma_wait3A_1592 : memref<1x1x128xi32, #tpu.memory_space<vmem>> -> memref<128xi32, #tpu.memory_space<vmem>>
    %dma_wait3A_1594 = arith.constant 0 : i32
    %dma_wait3A_1595 = arith.constant 0 : i32
    %dma_wait3A_1596 = tpu.memref_slice %arg7[%dma_wait3A_1594, %dma_wait3A_1595] : memref<1536x128xf32, #tpu.memory_space<vmem_shared>> -> memref<1536x128xf32, #tpu.memory_space<vmem_shared>>
    tpu.wait_indirect_dma semaphore(%arg8 : memref<!tpu.dma_semaphore, #tpu.memory_space<semaphore_mem>>) src(%dma_wait3A_1590 : memref<128x128xf32, #tpu.memory_space<vmem>>) dst(%dma_wait3A_1596 : memref<1536x128xf32, #tpu.memory_space<vmem_shared>>)
    %dma_wait3A_1597 = arith.constant 1 : i32
    %dma_wait3A_1598 = arith.constant 128 : i32
    %dma_wait3A_1599 = arith.constant 0 : i32
    %dma_wait3A_1600 = tpu.memref_slice %arg5[%dma_wait3A_1598, %dma_wait3A_1599] : memref<640x128xf32, #tpu.memory_space<vmem>> -> memref<128x128xf32, #tpu.memory_space<vmem>>
    %dma_wait3A_1601 = arith.constant 0 : i32
    %dma_wait3A_1602 = tpu.memref_slice %arg6[%add3A_865, %dma_wait3A_1597, %dma_wait3A_1601] : memref<14x5x128xi32, #tpu.memory_space<vmem>> -> memref<1x1x128xi32, #tpu.memory_space<vmem>>
    %dma_wait3A_1603 = tpu.memref_squeeze %dma_wait3A_1602 : memref<1x1x128xi32, #tpu.memory_space<vmem>> -> memref<128xi32, #tpu.memory_space<vmem>>
    %dma_wait3A_1604 = arith.constant 0 : i32
    %dma_wait3A_1605 = arith.constant 0 : i32
    %dma_wait3A_1606 = tpu.memref_slice %arg7[%dma_wait3A_1604, %dma_wait3A_1605] : memref<1536x128xf32, #tpu.memory_space<vmem_shared>> -> memref<1536x128xf32, #tpu.memory_space<vmem_shared>>
    tpu.wait_indirect_dma semaphore(%arg8 : memref<!tpu.dma_semaphore, #tpu.memory_space<semaphore_mem>>) src(%dma_wait3A_1600 : memref<128x128xf32, #tpu.memory_space<vmem>>) dst(%dma_wait3A_1606 : memref<1536x128xf32, #tpu.memory_space<vmem_shared>>)
    %dma_wait3A_1607 = arith.constant 2 : i32
    %dma_wait3A_1608 = arith.constant 256 : i32
    %dma_wait3A_1609 = arith.constant 0 : i32
    %dma_wait3A_1610 = tpu.memref_slice %arg5[%dma_wait3A_1608, %dma_wait3A_1609] : memref<640x128xf32, #tpu.memory_space<vmem>> -> memref<128x128xf32, #tpu.memory_space<vmem>>
    %dma_wait3A_1611 = arith.constant 0 : i32
    %dma_wait3A_1612 = tpu.memref_slice %arg6[%add3A_879, %dma_wait3A_1607, %dma_wait3A_1611] : memref<14x5x128xi32, #tpu.memory_space<vmem>> -> memref<1x1x128xi32, #tpu.memory_space<vmem>>
    %dma_wait3A_1613 = tpu.memref_squeeze %dma_wait3A_1612 : memref<1x1x128xi32, #tpu.memory_space<vmem>> -> memref<128xi32, #tpu.memory_space<vmem>>
    %dma_wait3A_1614 = arith.constant 0 : i32
    %dma_wait3A_1615 = arith.constant 0 : i32
    %dma_wait3A_1616 = tpu.memref_slice %arg7[%dma_wait3A_1614, %dma_wait3A_1615] : memref<1536x128xf32, #tpu.memory_space<vmem_shared>> -> memref<1536x128xf32, #tpu.memory_space<vmem_shared>>
    tpu.wait_indirect_dma semaphore(%arg8 : memref<!tpu.dma_semaphore, #tpu.memory_space<semaphore_mem>>) src(%dma_wait3A_1610 : memref<128x128xf32, #tpu.memory_space<vmem>>) dst(%dma_wait3A_1616 : memref<1536x128xf32, #tpu.memory_space<vmem_shared>>)
    %dma_wait3A_1617 = arith.constant 3 : i32
    %dma_wait3A_1618 = arith.constant 384 : i32
    %dma_wait3A_1619 = arith.constant 0 : i32
    %dma_wait3A_1620 = tpu.memref_slice %arg5[%dma_wait3A_1618, %dma_wait3A_1619] : memref<640x128xf32, #tpu.memory_space<vmem>> -> memref<128x128xf32, #tpu.memory_space<vmem>>
    %dma_wait3A_1621 = arith.constant 0 : i32
    %dma_wait3A_1622 = tpu.memref_slice %arg6[%add3A_893, %dma_wait3A_1617, %dma_wait3A_1621] : memref<14x5x128xi32, #tpu.memory_space<vmem>> -> memref<1x1x128xi32, #tpu.memory_space<vmem>>
    %dma_wait3A_1623 = tpu.memref_squeeze %dma_wait3A_1622 : memref<1x1x128xi32, #tpu.memory_space<vmem>> -> memref<128xi32, #tpu.memory_space<vmem>>
    %dma_wait3A_1624 = arith.constant 0 : i32
    %dma_wait3A_1625 = arith.constant 0 : i32
    %dma_wait3A_1626 = tpu.memref_slice %arg7[%dma_wait3A_1624, %dma_wait3A_1625] : memref<1536x128xf32, #tpu.memory_space<vmem_shared>> -> memref<1536x128xf32, #tpu.memory_space<vmem_shared>>
    tpu.wait_indirect_dma semaphore(%arg8 : memref<!tpu.dma_semaphore, #tpu.memory_space<semaphore_mem>>) src(%dma_wait3A_1620 : memref<128x128xf32, #tpu.memory_space<vmem>>) dst(%dma_wait3A_1626 : memref<1536x128xf32, #tpu.memory_space<vmem_shared>>)
    %dma_wait3A_1627 = arith.constant 4 : i32
    %dma_wait3A_1628 = arith.constant 512 : i32
    %dma_wait3A_1629 = arith.constant 0 : i32
    %dma_wait3A_1630 = tpu.memref_slice %arg5[%dma_wait3A_1628, %dma_wait3A_1629] : memref<640x128xf32, #tpu.memory_space<vmem>> -> memref<128x128xf32, #tpu.memory_space<vmem>>
    %dma_wait3A_1631 = arith.constant 0 : i32
    %dma_wait3A_1632 = tpu.memref_slice %arg6[%add3A_907, %dma_wait3A_1627, %dma_wait3A_1631] : memref<14x5x128xi32, #tpu.memory_space<vmem>> -> memref<1x1x128xi32, #tpu.memory_space<vmem>>
    %dma_wait3A_1633 = tpu.memref_squeeze %dma_wait3A_1632 : memref<1x1x128xi32, #tpu.memory_space<vmem>> -> memref<128xi32, #tpu.memory_space<vmem>>
    %dma_wait3A_1634 = arith.constant 0 : i32
    %dma_wait3A_1635 = arith.constant 0 : i32
    %dma_wait3A_1636 = tpu.memref_slice %arg7[%dma_wait3A_1634, %dma_wait3A_1635] : memref<1536x128xf32, #tpu.memory_space<vmem_shared>> -> memref<1536x128xf32, #tpu.memory_space<vmem_shared>>
    tpu.wait_indirect_dma semaphore(%arg8 : memref<!tpu.dma_semaphore, #tpu.memory_space<semaphore_mem>>) src(%dma_wait3A_1630 : memref<128x128xf32, #tpu.memory_space<vmem>>) dst(%dma_wait3A_1636 : memref<1536x128xf32, #tpu.memory_space<vmem_shared>>)
    %dma_wait3A_1637 = arith.constant 0 : i32
    %dma_wait3A_1638 = arith.constant 0 : i32
    %dma_wait3A_1639 = arith.constant 0 : i32
    %dma_wait3A_1640 = tpu.memref_slice %arg5[%dma_wait3A_1638, %dma_wait3A_1639] : memref<640x128xf32, #tpu.memory_space<vmem>> -> memref<128x128xf32, #tpu.memory_space<vmem>>
    %dma_wait3A_1641 = arith.constant 0 : i32
    %dma_wait3A_1642 = tpu.memref_slice %arg6[%add3A_921, %dma_wait3A_1637, %dma_wait3A_1641] : memref<14x5x128xi32, #tpu.memory_space<vmem>> -> memref<1x1x128xi32, #tpu.memory_space<vmem>>
    %dma_wait3A_1643 = tpu.memref_squeeze %dma_wait3A_1642 : memref<1x1x128xi32, #tpu.memory_space<vmem>> -> memref<128xi32, #tpu.memory_space<vmem>>
    %dma_wait3A_1644 = arith.constant 0 : i32
    %dma_wait3A_1645 = arith.constant 0 : i32
    %dma_wait3A_1646 = tpu.memref_slice %arg7[%dma_wait3A_1644, %dma_wait3A_1645] : memref<1536x128xf32, #tpu.memory_space<vmem_shared>> -> memref<1536x128xf32, #tpu.memory_space<vmem_shared>>
    tpu.wait_indirect_dma semaphore(%arg8 : memref<!tpu.dma_semaphore, #tpu.memory_space<semaphore_mem>>) src(%dma_wait3A_1640 : memref<128x128xf32, #tpu.memory_space<vmem>>) dst(%dma_wait3A_1646 : memref<1536x128xf32, #tpu.memory_space<vmem_shared>>)
    %dma_wait3A_1647 = arith.constant 1 : i32
    %dma_wait3A_1648 = arith.constant 128 : i32
    %dma_wait3A_1649 = arith.constant 0 : i32
    %dma_wait3A_1650 = tpu.memref_slice %arg5[%dma_wait3A_1648, %dma_wait3A_1649] : memref<640x128xf32, #tpu.memory_space<vmem>> -> memref<128x128xf32, #tpu.memory_space<vmem>>
    %dma_wait3A_1651 = arith.constant 0 : i32
    %dma_wait3A_1652 = tpu.memref_slice %arg6[%add3A_935, %dma_wait3A_1647, %dma_wait3A_1651] : memref<14x5x128xi32, #tpu.memory_space<vmem>> -> memref<1x1x128xi32, #tpu.memory_space<vmem>>
    %dma_wait3A_1653 = tpu.memref_squeeze %dma_wait3A_1652 : memref<1x1x128xi32, #tpu.memory_space<vmem>> -> memref<128xi32, #tpu.memory_space<vmem>>
    %dma_wait3A_1654 = arith.constant 0 : i32
    %dma_wait3A_1655 = arith.constant 0 : i32
    %dma_wait3A_1656 = tpu.memref_slice %arg7[%dma_wait3A_1654, %dma_wait3A_1655] : memref<1536x128xf32, #tpu.memory_space<vmem_shared>> -> memref<1536x128xf32, #tpu.memory_space<vmem_shared>>
    tpu.wait_indirect_dma semaphore(%arg8 : memref<!tpu.dma_semaphore, #tpu.memory_space<semaphore_mem>>) src(%dma_wait3A_1650 : memref<128x128xf32, #tpu.memory_space<vmem>>) dst(%dma_wait3A_1656 : memref<1536x128xf32, #tpu.memory_space<vmem_shared>>)
    %dma_wait3A_1657 = arith.constant 2 : i32
    %dma_wait3A_1658 = arith.constant 256 : i32
    %dma_wait3A_1659 = arith.constant 0 : i32
    %dma_wait3A_1660 = tpu.memref_slice %arg5[%dma_wait3A_1658, %dma_wait3A_1659] : memref<640x128xf32, #tpu.memory_space<vmem>> -> memref<128x128xf32, #tpu.memory_space<vmem>>
    %dma_wait3A_1661 = arith.constant 0 : i32
    %dma_wait3A_1662 = tpu.memref_slice %arg6[%add3A_949, %dma_wait3A_1657, %dma_wait3A_1661] : memref<14x5x128xi32, #tpu.memory_space<vmem>> -> memref<1x1x128xi32, #tpu.memory_space<vmem>>
    %dma_wait3A_1663 = tpu.memref_squeeze %dma_wait3A_1662 : memref<1x1x128xi32, #tpu.memory_space<vmem>> -> memref<128xi32, #tpu.memory_space<vmem>>
    %dma_wait3A_1664 = arith.constant 0 : i32
    %dma_wait3A_1665 = arith.constant 0 : i32
    %dma_wait3A_1666 = tpu.memref_slice %arg7[%dma_wait3A_1664, %dma_wait3A_1665] : memref<1536x128xf32, #tpu.memory_space<vmem_shared>> -> memref<1536x128xf32, #tpu.memory_space<vmem_shared>>
    tpu.wait_indirect_dma semaphore(%arg8 : memref<!tpu.dma_semaphore, #tpu.memory_space<semaphore_mem>>) src(%dma_wait3A_1660 : memref<128x128xf32, #tpu.memory_space<vmem>>) dst(%dma_wait3A_1666 : memref<1536x128xf32, #tpu.memory_space<vmem_shared>>)
    %dma_wait3A_1667 = arith.constant 3 : i32
    %dma_wait3A_1668 = arith.constant 384 : i32
    %dma_wait3A_1669 = arith.constant 0 : i32
    %dma_wait3A_1670 = tpu.memref_slice %arg5[%dma_wait3A_1668, %dma_wait3A_1669] : memref<640x128xf32, #tpu.memory_space<vmem>> -> memref<128x128xf32, #tpu.memory_space<vmem>>
    %dma_wait3A_1671 = arith.constant 0 : i32
    %dma_wait3A_1672 = tpu.memref_slice %arg6[%add3A_963, %dma_wait3A_1667, %dma_wait3A_1671] : memref<14x5x128xi32, #tpu.memory_space<vmem>> -> memref<1x1x128xi32, #tpu.memory_space<vmem>>
    %dma_wait3A_1673 = tpu.memref_squeeze %dma_wait3A_1672 : memref<1x1x128xi32, #tpu.memory_space<vmem>> -> memref<128xi32, #tpu.memory_space<vmem>>
    %dma_wait3A_1674 = arith.constant 0 : i32
    %dma_wait3A_1675 = arith.constant 0 : i32
    %dma_wait3A_1676 = tpu.memref_slice %arg7[%dma_wait3A_1674, %dma_wait3A_1675] : memref<1536x128xf32, #tpu.memory_space<vmem_shared>> -> memref<1536x128xf32, #tpu.memory_space<vmem_shared>>
    tpu.wait_indirect_dma semaphore(%arg8 : memref<!tpu.dma_semaphore, #tpu.memory_space<semaphore_mem>>) src(%dma_wait3A_1670 : memref<128x128xf32, #tpu.memory_space<vmem>>) dst(%dma_wait3A_1676 : memref<1536x128xf32, #tpu.memory_space<vmem_shared>>)
    %dma_wait3A_1677 = arith.constant 4 : i32
    %dma_wait3A_1678 = arith.constant 512 : i32
    %dma_wait3A_1679 = arith.constant 0 : i32
    %dma_wait3A_1680 = tpu.memref_slice %arg5[%dma_wait3A_1678, %dma_wait3A_1679] : memref<640x128xf32, #tpu.memory_space<vmem>> -> memref<128x128xf32, #tpu.memory_space<vmem>>
    %dma_wait3A_1681 = arith.constant 0 : i32
    %dma_wait3A_1682 = tpu.memref_slice %arg6[%add3A_977, %dma_wait3A_1677, %dma_wait3A_1681] : memref<14x5x128xi32, #tpu.memory_space<vmem>> -> memref<1x1x128xi32, #tpu.memory_space<vmem>>
    %dma_wait3A_1683 = tpu.memref_squeeze %dma_wait3A_1682 : memref<1x1x128xi32, #tpu.memory_space<vmem>> -> memref<128xi32, #tpu.memory_space<vmem>>
    %dma_wait3A_1684 = arith.constant 0 : i32
    %dma_wait3A_1685 = arith.constant 0 : i32
    %dma_wait3A_1686 = tpu.memref_slice %arg7[%dma_wait3A_1684, %dma_wait3A_1685] : memref<1536x128xf32, #tpu.memory_space<vmem_shared>> -> memref<1536x128xf32, #tpu.memory_space<vmem_shared>>
    tpu.wait_indirect_dma semaphore(%arg8 : memref<!tpu.dma_semaphore, #tpu.memory_space<semaphore_mem>>) src(%dma_wait3A_1680 : memref<128x128xf32, #tpu.memory_space<vmem>>) dst(%dma_wait3A_1686 : memref<1536x128xf32, #tpu.memory_space<vmem_shared>>)
    %scan3A_1687 = arith.constant 1 : i32
    %barrier3A_1688 = arith.constant 0 : index
    tpu.barrier barrier_id(%barrier3A_1688)
    %mul3A_1689 = arith.constant 96 : i32
    %mul3A_1690 = arith.muli %arg1, %mul3A_1689 : i32
    %mul3A_1691 = arith.constant 96 : i32
    %mul3A_1692 = arith.muli %arg1, %mul3A_1691 : i32
    "tpu.region"() ({
      %run_scoped3A = tpu.sem_alloc : memref<!tpu.dma_semaphore, #tpu.memory_space<semaphore_mem>>
      %dma_start3A_1693 = arith.constant 0 : i32
      %dma_start3A_1694 = tpu.memref_slice %arg4[%arg0, %mul3A_1692, %dma_start3A_1693] : memref<2x1536x128xf32, #tpu.memory_space<hbm>> -> memref<1x96x128xf32, #tpu.memory_space<hbm>>
      %dma_start3A_1695 = tpu.memref_squeeze %dma_start3A_1694 : memref<1x96x128xf32, #tpu.memory_space<hbm>> -> memref<96x128xf32, #tpu.memory_space<hbm>>
      %dma_start3A_1696 = arith.constant 0 : i32
      %dma_start3A_1697 = tpu.memref_slice %arg7[%mul3A_1690, %dma_start3A_1696] : memref<1536x128xf32, #tpu.memory_space<vmem_shared>> -> memref<96x128xf32, #tpu.memory_space<vmem_shared>>
      tpu.enqueue_dma source(%dma_start3A_1697 : memref<96x128xf32, #tpu.memory_space<vmem_shared>>) target(%dma_start3A_1695 : memref<96x128xf32, #tpu.memory_space<hbm>>) target_semaphore(%run_scoped3A : memref<!tpu.dma_semaphore, #tpu.memory_space<semaphore_mem>>)
      %dma_wait3A_1698 = arith.constant 0 : i32
      %dma_wait3A_1699 = tpu.memref_slice %arg4[%arg0, %mul3A_1692, %dma_wait3A_1698] : memref<2x1536x128xf32, #tpu.memory_space<hbm>> -> memref<1x96x128xf32, #tpu.memory_space<hbm>>
      %dma_wait3A_1700 = tpu.memref_squeeze %dma_wait3A_1699 : memref<1x96x128xf32, #tpu.memory_space<hbm>> -> memref<96x128xf32, #tpu.memory_space<hbm>>
      %dma_wait3A_1701 = arith.constant 0 : i32
      %dma_wait3A_1702 = tpu.memref_slice %arg7[%mul3A_1690, %dma_wait3A_1701] : memref<1536x128xf32, #tpu.memory_space<vmem_shared>> -> memref<96x128xf32, #tpu.memory_space<vmem_shared>>
      tpu.wait_dma2 semaphore(%run_scoped3A : memref<!tpu.dma_semaphore, #tpu.memory_space<semaphore_mem>>) src(%dma_wait3A_1702 : memref<96x128xf32, #tpu.memory_space<vmem_shared>>) dst(%dma_wait3A_1700 : memref<96x128xf32, #tpu.memory_space<hbm>>)
      tpu.yield
    }) : () -> ()
    return
  }
}

module attributes {stable_mosaic.version = 14 : i64} {
  func.func @_tc_body(%arg0: i32, %arg1: memref<8x1x10000xi16, #tpu.memory_space<vmem>>, %arg2: memref<128x10000xf32, #tpu.memory_space<vmem>>, %arg3: memref<128x8x100xf32, #tpu.memory_space<vmem>>, %arg4: memref<128x10000xbf16, #tpu.memory_space<vmem>>) attributes {dimension_semantics = [#tpu.dimension_semantics<arbitrary>], iteration_bounds = array<i64: 9>, scalar_prefetch = 0 : i64, scratch_operands = 1 : i64, tpu.core_type = #tpu.core_type<tc>, window_params = [{transform_indices = @transform_0, window_bounds = array<i64: 8, 1, 10000>}, {pipeline_mode = #tpu.pipeline_mode<synchronous>, transform_indices = @transform_1, window_bounds = array<i64: 128, 10000>}, {transform_indices = @transform_2, window_bounds = array<i64: 128, 8, 100>}]} {
    %eq3A = arith.constant 0 : i32
    %eq3A_0 = arith.cmpi eq, %arg0, %eq3A : i32
    %convert_element_type3A = arith.extui %eq3A_0 : i1 to i32
    %cond3A = arith.constant 0 : i32
    %cond3A_1 = arith.cmpi ne, %convert_element_type3A, %cond3A : i32
    scf.if %cond3A_1 {
      %get3A_188 = arith.constant 0 : index
      %get3A_189 = arith.constant 0 : index
      %get3A_190 = vector.load %arg2[%get3A_188, %get3A_189] : memref<128x10000xf32, #tpu.memory_space<vmem>>, vector<128x10000xf32>
      %max3A = arith.constant 0.000000e+00 : f32
      %max3A_191 = vector.broadcast %max3A : f32 to vector<128x10000xf32>
      %max3A_192 = arith.maximumf %get3A_190, %max3A_191 : vector<128x10000xf32>
      %convert_element_type3A_193 = arith.truncf %max3A_192 : vector<128x10000xf32> to vector<128x10000xbf16>
      %swap3A_194 = arith.constant 0 : index
      %swap3A_195 = arith.constant 0 : index
      %swap3A_196 = vector.load %arg4[%swap3A_194, %swap3A_195] : memref<128x10000xbf16, #tpu.memory_space<vmem>>, vector<128x10000xbf16>
      tpu.vector_store %arg4[%swap3A_194, %swap3A_195], %convert_element_type3A_193 {strides = array<i32>} : memref<128x10000xbf16, #tpu.memory_space<vmem>>, vector<128x10000xbf16>,
    } else {
    }
    %iota3A = tpu.iota {dimensions = array<i32: 1>} : vector<10000x100xi16>
    %get3A = arith.constant 0 : index
    %get3A_2 = arith.constant 0 : index
    %get3A_3 = arith.constant 0 : index
    %get3A_4 = vector.load %arg1[%get3A, %get3A_2, %get3A_3] : memref<8x1x10000xi16, #tpu.memory_space<vmem>>, vector<1x1x10000xi16>
    %get3A_5 = vector.shape_cast %get3A_4 : vector<1x1x10000xi16> to vector<10000xi16>
    %broadcast_in_dim3A = vector.shape_cast %get3A_5 : vector<10000xi16> to vector<10000x1xi16>
    %eq3A_6 = vector.broadcast %broadcast_in_dim3A : vector<10000x1xi16> to vector<10000x100xi16>
    %eq3A_7 = arith.cmpi eq, %eq3A_6, %iota3A : vector<10000x100xi16>
    %jit3A = arith.constant 1.000000e+00 : bf16
    %jit3A_8 = arith.constant 0.000000e+00 : bf16
    %broadcast_in_dim3A_9 = vector.broadcast %jit3A : bf16 to vector<10000x100xbf16>
    %broadcast_in_dim3A_10 = vector.broadcast %jit3A_8 : bf16 to vector<10000x100xbf16>
    %select_n3A = arith.select %eq3A_7, %broadcast_in_dim3A_9, %broadcast_in_dim3A_10 : vector<10000x100xi1>, vector<10000x100xbf16>
    %get3A_11 = arith.constant 0 : index
    %get3A_12 = arith.constant 0 : index
    %get3A_13 = vector.load %arg4[%get3A_11, %get3A_12] : memref<128x10000xbf16, #tpu.memory_space<vmem>>, vector<128x10000xbf16>
    %dot_general3A = arith.constant dense<0.000000e+00> : vector<128x100xf32>
    %dot_general3A_14 = tpu.matmul %get3A_13, %select_n3A, %dot_general3A {dimension_numbers = #tpu.dot_dimension_numbers<[1], [0], [0], [1], [0, 0, 1, 1], [], []>, transpose_lhs_hint = false} : vector<128x10000xbf16>, vector<10000x100xbf16>, vector<128x100xf32> -> vector<128x100xf32>
    %swap3A = arith.constant 0 : index
    %swap3A_15 = arith.constant 0 : index
    %swap3A_16 = arith.constant 0 : index
    %swap3A_17 = vector.load %arg3[%swap3A, %swap3A_15, %swap3A_16] : memref<128x8x100xf32, #tpu.memory_space<vmem>>, vector<128x1x100xf32>
    %swap3A_18 = vector.shape_cast %swap3A_17 : vector<128x1x100xf32> to vector<128x100xf32>
    %swap3A_19 = vector.shape_cast %dot_general3A_14 : vector<128x100xf32> to vector<128x1x100xf32>
    tpu.vector_store %arg3[%swap3A, %swap3A_15, %swap3A_16], %swap3A_19 {strides = array<i32>} : memref<128x8x100xf32, #tpu.memory_space<vmem>>, vector<128x1x100xf32>,
    %get3A_20 = arith.constant 1 : index
    %get3A_21 = arith.constant 0 : index
    %get3A_22 = arith.constant 0 : index
    %get3A_23 = vector.load %arg1[%get3A_20, %get3A_21, %get3A_22] : memref<8x1x10000xi16, #tpu.memory_space<vmem>>, vector<1x1x10000xi16>
    %get3A_24 = vector.shape_cast %get3A_23 : vector<1x1x10000xi16> to vector<10000xi16>
    %broadcast_in_dim3A_25 = vector.shape_cast %get3A_24 : vector<10000xi16> to vector<10000x1xi16>
    %eq3A_26 = vector.broadcast %broadcast_in_dim3A_25 : vector<10000x1xi16> to vector<10000x100xi16>
    %eq3A_27 = arith.cmpi eq, %eq3A_26, %iota3A : vector<10000x100xi16>
    %jit3A_28 = arith.constant 1.000000e+00 : bf16
    %jit3A_29 = arith.constant 0.000000e+00 : bf16
    %broadcast_in_dim3A_30 = vector.broadcast %jit3A_28 : bf16 to vector<10000x100xbf16>
    %broadcast_in_dim3A_31 = vector.broadcast %jit3A_29 : bf16 to vector<10000x100xbf16>
    %select_n3A_32 = arith.select %eq3A_27, %broadcast_in_dim3A_30, %broadcast_in_dim3A_31 : vector<10000x100xi1>, vector<10000x100xbf16>
    %get3A_33 = arith.constant 0 : index
    %get3A_34 = arith.constant 0 : index
    %get3A_35 = vector.load %arg4[%get3A_33, %get3A_34] : memref<128x10000xbf16, #tpu.memory_space<vmem>>, vector<128x10000xbf16>
    %dot_general3A_36 = arith.constant dense<0.000000e+00> : vector<128x100xf32>
    %dot_general3A_37 = tpu.matmul %get3A_35, %select_n3A_32, %dot_general3A_36 {dimension_numbers = #tpu.dot_dimension_numbers<[1], [0], [0], [1], [0, 0, 1, 1], [], []>, transpose_lhs_hint = false} : vector<128x10000xbf16>, vector<10000x100xbf16>, vector<128x100xf32> -> vector<128x100xf32>
    %swap3A_38 = arith.constant 0 : index
    %swap3A_39 = arith.constant 1 : index
    %swap3A_40 = arith.constant 0 : index
    %swap3A_41 = vector.load %arg3[%swap3A_38, %swap3A_39, %swap3A_40] : memref<128x8x100xf32, #tpu.memory_space<vmem>>, vector<128x1x100xf32>
    %swap3A_42 = vector.shape_cast %swap3A_41 : vector<128x1x100xf32> to vector<128x100xf32>
    %swap3A_43 = vector.shape_cast %dot_general3A_37 : vector<128x100xf32> to vector<128x1x100xf32>
    tpu.vector_store %arg3[%swap3A_38, %swap3A_39, %swap3A_40], %swap3A_43 {strides = array<i32>} : memref<128x8x100xf32, #tpu.memory_space<vmem>>, vector<128x1x100xf32>,
    %get3A_44 = arith.constant 2 : index
    %get3A_45 = arith.constant 0 : index
    %get3A_46 = arith.constant 0 : index
    %get3A_47 = vector.load %arg1[%get3A_44, %get3A_45, %get3A_46] : memref<8x1x10000xi16, #tpu.memory_space<vmem>>, vector<1x1x10000xi16>
    %get3A_48 = vector.shape_cast %get3A_47 : vector<1x1x10000xi16> to vector<10000xi16>
    %broadcast_in_dim3A_49 = vector.shape_cast %get3A_48 : vector<10000xi16> to vector<10000x1xi16>
    %eq3A_50 = vector.broadcast %broadcast_in_dim3A_49 : vector<10000x1xi16> to vector<10000x100xi16>
    %eq3A_51 = arith.cmpi eq, %eq3A_50, %iota3A : vector<10000x100xi16>
    %jit3A_52 = arith.constant 1.000000e+00 : bf16
    %jit3A_53 = arith.constant 0.000000e+00 : bf16
    %broadcast_in_dim3A_54 = vector.broadcast %jit3A_52 : bf16 to vector<10000x100xbf16>
    %broadcast_in_dim3A_55 = vector.broadcast %jit3A_53 : bf16 to vector<10000x100xbf16>
    %select_n3A_56 = arith.select %eq3A_51, %broadcast_in_dim3A_54, %broadcast_in_dim3A_55 : vector<10000x100xi1>, vector<10000x100xbf16>
    %get3A_57 = arith.constant 0 : index
    %get3A_58 = arith.constant 0 : index
    %get3A_59 = vector.load %arg4[%get3A_57, %get3A_58] : memref<128x10000xbf16, #tpu.memory_space<vmem>>, vector<128x10000xbf16>
    %dot_general3A_60 = arith.constant dense<0.000000e+00> : vector<128x100xf32>
    %dot_general3A_61 = tpu.matmul %get3A_59, %select_n3A_56, %dot_general3A_60 {dimension_numbers = #tpu.dot_dimension_numbers<[1], [0], [0], [1], [0, 0, 1, 1], [], []>, transpose_lhs_hint = false} : vector<128x10000xbf16>, vector<10000x100xbf16>, vector<128x100xf32> -> vector<128x100xf32>
    %swap3A_62 = arith.constant 0 : index
    %swap3A_63 = arith.constant 2 : index
    %swap3A_64 = arith.constant 0 : index
    %swap3A_65 = vector.load %arg3[%swap3A_62, %swap3A_63, %swap3A_64] : memref<128x8x100xf32, #tpu.memory_space<vmem>>, vector<128x1x100xf32>
    %swap3A_66 = vector.shape_cast %swap3A_65 : vector<128x1x100xf32> to vector<128x100xf32>
    %swap3A_67 = vector.shape_cast %dot_general3A_61 : vector<128x100xf32> to vector<128x1x100xf32>
    tpu.vector_store %arg3[%swap3A_62, %swap3A_63, %swap3A_64], %swap3A_67 {strides = array<i32>} : memref<128x8x100xf32, #tpu.memory_space<vmem>>, vector<128x1x100xf32>,
    %get3A_68 = arith.constant 3 : index
    %get3A_69 = arith.constant 0 : index
    %get3A_70 = arith.constant 0 : index
    %get3A_71 = vector.load %arg1[%get3A_68, %get3A_69, %get3A_70] : memref<8x1x10000xi16, #tpu.memory_space<vmem>>, vector<1x1x10000xi16>
    %get3A_72 = vector.shape_cast %get3A_71 : vector<1x1x10000xi16> to vector<10000xi16>
    %broadcast_in_dim3A_73 = vector.shape_cast %get3A_72 : vector<10000xi16> to vector<10000x1xi16>
    %eq3A_74 = vector.broadcast %broadcast_in_dim3A_73 : vector<10000x1xi16> to vector<10000x100xi16>
    %eq3A_75 = arith.cmpi eq, %eq3A_74, %iota3A : vector<10000x100xi16>
    %jit3A_76 = arith.constant 1.000000e+00 : bf16
    %jit3A_77 = arith.constant 0.000000e+00 : bf16
    %broadcast_in_dim3A_78 = vector.broadcast %jit3A_76 : bf16 to vector<10000x100xbf16>
    %broadcast_in_dim3A_79 = vector.broadcast %jit3A_77 : bf16 to vector<10000x100xbf16>
    %select_n3A_80 = arith.select %eq3A_75, %broadcast_in_dim3A_78, %broadcast_in_dim3A_79 : vector<10000x100xi1>, vector<10000x100xbf16>
    %get3A_81 = arith.constant 0 : index
    %get3A_82 = arith.constant 0 : index
    %get3A_83 = vector.load %arg4[%get3A_81, %get3A_82] : memref<128x10000xbf16, #tpu.memory_space<vmem>>, vector<128x10000xbf16>
    %dot_general3A_84 = arith.constant dense<0.000000e+00> : vector<128x100xf32>
    %dot_general3A_85 = tpu.matmul %get3A_83, %select_n3A_80, %dot_general3A_84 {dimension_numbers = #tpu.dot_dimension_numbers<[1], [0], [0], [1], [0, 0, 1, 1], [], []>, transpose_lhs_hint = false} : vector<128x10000xbf16>, vector<10000x100xbf16>, vector<128x100xf32> -> vector<128x100xf32>
    %swap3A_86 = arith.constant 0 : index
    %swap3A_87 = arith.constant 3 : index
    %swap3A_88 = arith.constant 0 : index
    %swap3A_89 = vector.load %arg3[%swap3A_86, %swap3A_87, %swap3A_88] : memref<128x8x100xf32, #tpu.memory_space<vmem>>, vector<128x1x100xf32>
    %swap3A_90 = vector.shape_cast %swap3A_89 : vector<128x1x100xf32> to vector<128x100xf32>
    %swap3A_91 = vector.shape_cast %dot_general3A_85 : vector<128x100xf32> to vector<128x1x100xf32>
    tpu.vector_store %arg3[%swap3A_86, %swap3A_87, %swap3A_88], %swap3A_91 {strides = array<i32>} : memref<128x8x100xf32, #tpu.memory_space<vmem>>, vector<128x1x100xf32>,
    %get3A_92 = arith.constant 4 : index
    %get3A_93 = arith.constant 0 : index
    %get3A_94 = arith.constant 0 : index
    %get3A_95 = vector.load %arg1[%get3A_92, %get3A_93, %get3A_94] : memref<8x1x10000xi16, #tpu.memory_space<vmem>>, vector<1x1x10000xi16>
    %get3A_96 = vector.shape_cast %get3A_95 : vector<1x1x10000xi16> to vector<10000xi16>
    %broadcast_in_dim3A_97 = vector.shape_cast %get3A_96 : vector<10000xi16> to vector<10000x1xi16>
    %eq3A_98 = vector.broadcast %broadcast_in_dim3A_97 : vector<10000x1xi16> to vector<10000x100xi16>
    %eq3A_99 = arith.cmpi eq, %eq3A_98, %iota3A : vector<10000x100xi16>
    %jit3A_100 = arith.constant 1.000000e+00 : bf16
    %jit3A_101 = arith.constant 0.000000e+00 : bf16
    %broadcast_in_dim3A_102 = vector.broadcast %jit3A_100 : bf16 to vector<10000x100xbf16>
    %broadcast_in_dim3A_103 = vector.broadcast %jit3A_101 : bf16 to vector<10000x100xbf16>
    %select_n3A_104 = arith.select %eq3A_99, %broadcast_in_dim3A_102, %broadcast_in_dim3A_103 : vector<10000x100xi1>, vector<10000x100xbf16>
    %get3A_105 = arith.constant 0 : index
    %get3A_106 = arith.constant 0 : index
    %get3A_107 = vector.load %arg4[%get3A_105, %get3A_106] : memref<128x10000xbf16, #tpu.memory_space<vmem>>, vector<128x10000xbf16>
    %dot_general3A_108 = arith.constant dense<0.000000e+00> : vector<128x100xf32>
    %dot_general3A_109 = tpu.matmul %get3A_107, %select_n3A_104, %dot_general3A_108 {dimension_numbers = #tpu.dot_dimension_numbers<[1], [0], [0], [1], [0, 0, 1, 1], [], []>, transpose_lhs_hint = false} : vector<128x10000xbf16>, vector<10000x100xbf16>, vector<128x100xf32> -> vector<128x100xf32>
    %swap3A_110 = arith.constant 0 : index
    %swap3A_111 = arith.constant 4 : index
    %swap3A_112 = arith.constant 0 : index
    %swap3A_113 = vector.load %arg3[%swap3A_110, %swap3A_111, %swap3A_112] : memref<128x8x100xf32, #tpu.memory_space<vmem>>, vector<128x1x100xf32>
    %swap3A_114 = vector.shape_cast %swap3A_113 : vector<128x1x100xf32> to vector<128x100xf32>
    %swap3A_115 = vector.shape_cast %dot_general3A_109 : vector<128x100xf32> to vector<128x1x100xf32>
    tpu.vector_store %arg3[%swap3A_110, %swap3A_111, %swap3A_112], %swap3A_115 {strides = array<i32>} : memref<128x8x100xf32, #tpu.memory_space<vmem>>, vector<128x1x100xf32>,
    %get3A_116 = arith.constant 5 : index
    %get3A_117 = arith.constant 0 : index
    %get3A_118 = arith.constant 0 : index
    %get3A_119 = vector.load %arg1[%get3A_116, %get3A_117, %get3A_118] : memref<8x1x10000xi16, #tpu.memory_space<vmem>>, vector<1x1x10000xi16>
    %get3A_120 = vector.shape_cast %get3A_119 : vector<1x1x10000xi16> to vector<10000xi16>
    %broadcast_in_dim3A_121 = vector.shape_cast %get3A_120 : vector<10000xi16> to vector<10000x1xi16>
    %eq3A_122 = vector.broadcast %broadcast_in_dim3A_121 : vector<10000x1xi16> to vector<10000x100xi16>
    %eq3A_123 = arith.cmpi eq, %eq3A_122, %iota3A : vector<10000x100xi16>
    %jit3A_124 = arith.constant 1.000000e+00 : bf16
    %jit3A_125 = arith.constant 0.000000e+00 : bf16
    %broadcast_in_dim3A_126 = vector.broadcast %jit3A_124 : bf16 to vector<10000x100xbf16>
    %broadcast_in_dim3A_127 = vector.broadcast %jit3A_125 : bf16 to vector<10000x100xbf16>
    %select_n3A_128 = arith.select %eq3A_123, %broadcast_in_dim3A_126, %broadcast_in_dim3A_127 : vector<10000x100xi1>, vector<10000x100xbf16>
    %get3A_129 = arith.constant 0 : index
    %get3A_130 = arith.constant 0 : index
    %get3A_131 = vector.load %arg4[%get3A_129, %get3A_130] : memref<128x10000xbf16, #tpu.memory_space<vmem>>, vector<128x10000xbf16>
    %dot_general3A_132 = arith.constant dense<0.000000e+00> : vector<128x100xf32>
    %dot_general3A_133 = tpu.matmul %get3A_131, %select_n3A_128, %dot_general3A_132 {dimension_numbers = #tpu.dot_dimension_numbers<[1], [0], [0], [1], [0, 0, 1, 1], [], []>, transpose_lhs_hint = false} : vector<128x10000xbf16>, vector<10000x100xbf16>, vector<128x100xf32> -> vector<128x100xf32>
    %swap3A_134 = arith.constant 0 : index
    %swap3A_135 = arith.constant 5 : index
    %swap3A_136 = arith.constant 0 : index
    %swap3A_137 = vector.load %arg3[%swap3A_134, %swap3A_135, %swap3A_136] : memref<128x8x100xf32, #tpu.memory_space<vmem>>, vector<128x1x100xf32>
    %swap3A_138 = vector.shape_cast %swap3A_137 : vector<128x1x100xf32> to vector<128x100xf32>
    %swap3A_139 = vector.shape_cast %dot_general3A_133 : vector<128x100xf32> to vector<128x1x100xf32>
    tpu.vector_store %arg3[%swap3A_134, %swap3A_135, %swap3A_136], %swap3A_139 {strides = array<i32>} : memref<128x8x100xf32, #tpu.memory_space<vmem>>, vector<128x1x100xf32>,
    %get3A_140 = arith.constant 6 : index
    %get3A_141 = arith.constant 0 : index
    %get3A_142 = arith.constant 0 : index
    %get3A_143 = vector.load %arg1[%get3A_140, %get3A_141, %get3A_142] : memref<8x1x10000xi16, #tpu.memory_space<vmem>>, vector<1x1x10000xi16>
    %get3A_144 = vector.shape_cast %get3A_143 : vector<1x1x10000xi16> to vector<10000xi16>
    %broadcast_in_dim3A_145 = vector.shape_cast %get3A_144 : vector<10000xi16> to vector<10000x1xi16>
    %eq3A_146 = vector.broadcast %broadcast_in_dim3A_145 : vector<10000x1xi16> to vector<10000x100xi16>
    %eq3A_147 = arith.cmpi eq, %eq3A_146, %iota3A : vector<10000x100xi16>
    %jit3A_148 = arith.constant 1.000000e+00 : bf16
    %jit3A_149 = arith.constant 0.000000e+00 : bf16
    %broadcast_in_dim3A_150 = vector.broadcast %jit3A_148 : bf16 to vector<10000x100xbf16>
    %broadcast_in_dim3A_151 = vector.broadcast %jit3A_149 : bf16 to vector<10000x100xbf16>
    %select_n3A_152 = arith.select %eq3A_147, %broadcast_in_dim3A_150, %broadcast_in_dim3A_151 : vector<10000x100xi1>, vector<10000x100xbf16>
    %get3A_153 = arith.constant 0 : index
    %get3A_154 = arith.constant 0 : index
    %get3A_155 = vector.load %arg4[%get3A_153, %get3A_154] : memref<128x10000xbf16, #tpu.memory_space<vmem>>, vector<128x10000xbf16>
    %dot_general3A_156 = arith.constant dense<0.000000e+00> : vector<128x100xf32>
    %dot_general3A_157 = tpu.matmul %get3A_155, %select_n3A_152, %dot_general3A_156 {dimension_numbers = #tpu.dot_dimension_numbers<[1], [0], [0], [1], [0, 0, 1, 1], [], []>, transpose_lhs_hint = false} : vector<128x10000xbf16>, vector<10000x100xbf16>, vector<128x100xf32> -> vector<128x100xf32>
    %swap3A_158 = arith.constant 0 : index
    %swap3A_159 = arith.constant 6 : index
    %swap3A_160 = arith.constant 0 : index
    %swap3A_161 = vector.load %arg3[%swap3A_158, %swap3A_159, %swap3A_160] : memref<128x8x100xf32, #tpu.memory_space<vmem>>, vector<128x1x100xf32>
    %swap3A_162 = vector.shape_cast %swap3A_161 : vector<128x1x100xf32> to vector<128x100xf32>
    %swap3A_163 = vector.shape_cast %dot_general3A_157 : vector<128x100xf32> to vector<128x1x100xf32>
    tpu.vector_store %arg3[%swap3A_158, %swap3A_159, %swap3A_160], %swap3A_163 {strides = array<i32>} : memref<128x8x100xf32, #tpu.memory_space<vmem>>, vector<128x1x100xf32>,
    %get3A_164 = arith.constant 7 : index
    %get3A_165 = arith.constant 0 : index
    %get3A_166 = arith.constant 0 : index
    %get3A_167 = vector.load %arg1[%get3A_164, %get3A_165, %get3A_166] : memref<8x1x10000xi16, #tpu.memory_space<vmem>>, vector<1x1x10000xi16>
    %get3A_168 = vector.shape_cast %get3A_167 : vector<1x1x10000xi16> to vector<10000xi16>
    %broadcast_in_dim3A_169 = vector.shape_cast %get3A_168 : vector<10000xi16> to vector<10000x1xi16>
    %eq3A_170 = vector.broadcast %broadcast_in_dim3A_169 : vector<10000x1xi16> to vector<10000x100xi16>
    %eq3A_171 = arith.cmpi eq, %eq3A_170, %iota3A : vector<10000x100xi16>
    %jit3A_172 = arith.constant 1.000000e+00 : bf16
    %jit3A_173 = arith.constant 0.000000e+00 : bf16
    %broadcast_in_dim3A_174 = vector.broadcast %jit3A_172 : bf16 to vector<10000x100xbf16>
    %broadcast_in_dim3A_175 = vector.broadcast %jit3A_173 : bf16 to vector<10000x100xbf16>
    %select_n3A_176 = arith.select %eq3A_171, %broadcast_in_dim3A_174, %broadcast_in_dim3A_175 : vector<10000x100xi1>, vector<10000x100xbf16>
    %get3A_177 = arith.constant 0 : index
    %get3A_178 = arith.constant 0 : index
    %get3A_179 = vector.load %arg4[%get3A_177, %get3A_178] : memref<128x10000xbf16, #tpu.memory_space<vmem>>, vector<128x10000xbf16>
    %dot_general3A_180 = arith.constant dense<0.000000e+00> : vector<128x100xf32>
    %dot_general3A_181 = tpu.matmul %get3A_179, %select_n3A_176, %dot_general3A_180 {dimension_numbers = #tpu.dot_dimension_numbers<[1], [0], [0], [1], [0, 0, 1, 1], [], []>, transpose_lhs_hint = false} : vector<128x10000xbf16>, vector<10000x100xbf16>, vector<128x100xf32> -> vector<128x100xf32>
    %swap3A_182 = arith.constant 0 : index
    %swap3A_183 = arith.constant 7 : index
    %swap3A_184 = arith.constant 0 : index
    %swap3A_185 = vector.load %arg3[%swap3A_182, %swap3A_183, %swap3A_184] : memref<128x8x100xf32, #tpu.memory_space<vmem>>, vector<128x1x100xf32>
    %swap3A_186 = vector.shape_cast %swap3A_185 : vector<128x1x100xf32> to vector<128x100xf32>
    %swap3A_187 = vector.shape_cast %dot_general3A_181 : vector<128x100xf32> to vector<128x1x100xf32>
    tpu.vector_store %arg3[%swap3A_182, %swap3A_183, %swap3A_184], %swap3A_187 {strides = array<i32>} : memref<128x8x100xf32, #tpu.memory_space<vmem>>, vector<128x1x100xf32>,
    return
  }
  func.func @transform_0(%arg0: i32) -> (i32, i32, i32) {
    %c0_i32 = arith.constant 0 : i32
    %c0_i32_0 = arith.constant 0 : i32
    %c0_i32_1 = arith.constant 0 : i32
    return %arg0, %c0_i32, %c0_i32_0 : i32, i32, i32
  }
  func.func @transform_1(%arg0: i32) -> (i32, i32) {
    %c0_i32 = arith.constant 0 : i32
    %c0_i32_0 = arith.constant 0 : i32
    %c0_i32_1 = arith.constant 0 : i32
    return %c0_i32, %c0_i32_0 : i32, i32
  }
  func.func @transform_2(%arg0: i32) -> (i32, i32, i32) {
    %c0_i32 = arith.constant 0 : i32
    %c0_i32_0 = arith.constant 0 : i32
    %c0_i32_1 = arith.constant 0 : i32
    return %c0_i32, %arg0, %c0_i32_0 : i32, i32, i32
  }
}

module attributes {stable_mosaic.version = 14 : i64} {
  func.func @_asm_body(%arg0: memref<128x72x100xf32, #tpu.memory_space<vmem>>, %arg1: memref<2x1536x128xf32, #tpu.memory_space<vmem>>, %arg2: memref<128x100x100xf32, #tpu.memory_space<vmem>>) attributes {dimension_semantics = [], scalar_prefetch = 0 : i64, scratch_operands = 0 : i64, tpu.core_type = #tpu.core_type<tc>} {
    %get3A = arith.constant 0 : index
    %get3A_0 = arith.constant 0 : index
    %get3A_1 = arith.constant 0 : index
    %get3A_2 = vector.load %arg0[%get3A, %get3A_0, %get3A_1] : memref<128x72x100xf32, #tpu.memory_space<vmem>>, vector<128x72x100xf32>
    %swap3A = arith.constant 0 : index
    %swap3A_3 = arith.constant 0 : index
    %swap3A_4 = arith.constant 0 : index
    %swap3A_5 = vector.load %arg2[%swap3A, %swap3A_3, %swap3A_4] : memref<128x100x100xf32, #tpu.memory_space<vmem>>, vector<128x72x100xf32>
    tpu.vector_store %arg2[%swap3A, %swap3A_3, %swap3A_4], %get3A_2 {strides = array<i32>} : memref<128x100x100xf32, #tpu.memory_space<vmem>>, vector<128x72x100xf32>,
    %iota3A = tpu.iota {dimensions = array<i32: 0>} : vector<100x100xi32>
    %iota3A_6 = tpu.iota {dimensions = array<i32: 1>} : vector<100x100xi32>
    %eq3A = arith.cmpi eq, %iota3A, %iota3A_6 : vector<100x100xi32>
    %jit3A = arith.constant 1.000000e+00 : f32
    %jit3A_7 = arith.constant 0.000000e+00 : f32
    %broadcast_in_dim3A = vector.broadcast %jit3A : f32 to vector<100x100xf32>
    %broadcast_in_dim3A_8 = vector.broadcast %jit3A_7 : f32 to vector<100x100xf32>
    %select_n3A = arith.select %eq3A, %broadcast_in_dim3A, %broadcast_in_dim3A_8 : vector<100x100xi1>, vector<100x100xf32>
    %get3A_9 = arith.constant 0 : index
    %get3A_10 = arith.constant 0 : index
    %get3A_11 = arith.constant 0 : index
    %get3A_12 = vector.load %arg1[%get3A_9, %get3A_10, %get3A_11] : memref<2x1536x128xf32, #tpu.memory_space<vmem>>, vector<1x100x128xf32>
    %get3A_13 = vector.shape_cast %get3A_12 : vector<1x100x128xf32> to vector<100x128xf32>
    %dot_general3A = arith.constant dense<0.000000e+00> : vector<128x100xf32>
    %dot_general3A_14 = tpu.matmul %get3A_13, %select_n3A, %dot_general3A {dimension_numbers = #tpu.dot_dimension_numbers<[0], [0], [1], [1], [0, 1, 1, 1], [], []>, transpose_lhs_hint = false} : vector<100x128xf32>, vector<100x100xf32>, vector<128x100xf32> -> vector<128x100xf32>
    %swap3A_15 = arith.constant 0 : index
    %swap3A_16 = arith.constant 72 : index
    %swap3A_17 = arith.constant 0 : index
    %swap3A_18 = vector.load %arg2[%swap3A_15, %swap3A_16, %swap3A_17] : memref<128x100x100xf32, #tpu.memory_space<vmem>>, vector<128x1x100xf32>
    %swap3A_19 = vector.shape_cast %swap3A_18 : vector<128x1x100xf32> to vector<128x100xf32>
    %swap3A_20 = vector.shape_cast %dot_general3A_14 : vector<128x100xf32> to vector<128x1x100xf32>
    tpu.vector_store %arg2[%swap3A_15, %swap3A_16, %swap3A_17], %swap3A_20 {strides = array<i32>} : memref<128x100x100xf32, #tpu.memory_space<vmem>>, vector<128x1x100xf32>,
    %get3A_21 = arith.constant 0 : index
    %get3A_22 = arith.constant 104 : index
    %get3A_23 = arith.constant 0 : index
    %get3A_24 = vector.load %arg1[%get3A_21, %get3A_22, %get3A_23] : memref<2x1536x128xf32, #tpu.memory_space<vmem>>, vector<1x100x128xf32>
    %get3A_25 = vector.shape_cast %get3A_24 : vector<1x100x128xf32> to vector<100x128xf32>
    %dot_general3A_26 = arith.constant dense<0.000000e+00> : vector<128x100xf32>
    %dot_general3A_27 = tpu.matmul %get3A_25, %select_n3A, %dot_general3A_26 {dimension_numbers = #tpu.dot_dimension_numbers<[0], [0], [1], [1], [0, 1, 1, 1], [], []>, transpose_lhs_hint = false} : vector<100x128xf32>, vector<100x100xf32>, vector<128x100xf32> -> vector<128x100xf32>
    %swap3A_28 = arith.constant 0 : index
    %swap3A_29 = arith.constant 73 : index
    %swap3A_30 = arith.constant 0 : index
    %swap3A_31 = vector.load %arg2[%swap3A_28, %swap3A_29, %swap3A_30] : memref<128x100x100xf32, #tpu.memory_space<vmem>>, vector<128x1x100xf32>
    %swap3A_32 = vector.shape_cast %swap3A_31 : vector<128x1x100xf32> to vector<128x100xf32>
    %swap3A_33 = vector.shape_cast %dot_general3A_27 : vector<128x100xf32> to vector<128x1x100xf32>
    tpu.vector_store %arg2[%swap3A_28, %swap3A_29, %swap3A_30], %swap3A_33 {strides = array<i32>} : memref<128x100x100xf32, #tpu.memory_space<vmem>>, vector<128x1x100xf32>,
    %get3A_34 = arith.constant 0 : index
    %get3A_35 = arith.constant 208 : index
    %get3A_36 = arith.constant 0 : index
    %get3A_37 = vector.load %arg1[%get3A_34, %get3A_35, %get3A_36] : memref<2x1536x128xf32, #tpu.memory_space<vmem>>, vector<1x100x128xf32>
    %get3A_38 = vector.shape_cast %get3A_37 : vector<1x100x128xf32> to vector<100x128xf32>
    %dot_general3A_39 = arith.constant dense<0.000000e+00> : vector<128x100xf32>
    %dot_general3A_40 = tpu.matmul %get3A_38, %select_n3A, %dot_general3A_39 {dimension_numbers = #tpu.dot_dimension_numbers<[0], [0], [1], [1], [0, 1, 1, 1], [], []>, transpose_lhs_hint = false} : vector<100x128xf32>, vector<100x100xf32>, vector<128x100xf32> -> vector<128x100xf32>
    %swap3A_41 = arith.constant 0 : index
    %swap3A_42 = arith.constant 74 : index
    %swap3A_43 = arith.constant 0 : index
    %swap3A_44 = vector.load %arg2[%swap3A_41, %swap3A_42, %swap3A_43] : memref<128x100x100xf32, #tpu.memory_space<vmem>>, vector<128x1x100xf32>
    %swap3A_45 = vector.shape_cast %swap3A_44 : vector<128x1x100xf32> to vector<128x100xf32>
    %swap3A_46 = vector.shape_cast %dot_general3A_40 : vector<128x100xf32> to vector<128x1x100xf32>
    tpu.vector_store %arg2[%swap3A_41, %swap3A_42, %swap3A_43], %swap3A_46 {strides = array<i32>} : memref<128x100x100xf32, #tpu.memory_space<vmem>>, vector<128x1x100xf32>,
    %get3A_47 = arith.constant 0 : index
    %get3A_48 = arith.constant 312 : index
    %get3A_49 = arith.constant 0 : index
    %get3A_50 = vector.load %arg1[%get3A_47, %get3A_48, %get3A_49] : memref<2x1536x128xf32, #tpu.memory_space<vmem>>, vector<1x100x128xf32>
    %get3A_51 = vector.shape_cast %get3A_50 : vector<1x100x128xf32> to vector<100x128xf32>
    %dot_general3A_52 = arith.constant dense<0.000000e+00> : vector<128x100xf32>
    %dot_general3A_53 = tpu.matmul %get3A_51, %select_n3A, %dot_general3A_52 {dimension_numbers = #tpu.dot_dimension_numbers<[0], [0], [1], [1], [0, 1, 1, 1], [], []>, transpose_lhs_hint = false} : vector<100x128xf32>, vector<100x100xf32>, vector<128x100xf32> -> vector<128x100xf32>
    %swap3A_54 = arith.constant 0 : index
    %swap3A_55 = arith.constant 75 : index
    %swap3A_56 = arith.constant 0 : index
    %swap3A_57 = vector.load %arg2[%swap3A_54, %swap3A_55, %swap3A_56] : memref<128x100x100xf32, #tpu.memory_space<vmem>>, vector<128x1x100xf32>
    %swap3A_58 = vector.shape_cast %swap3A_57 : vector<128x1x100xf32> to vector<128x100xf32>
    %swap3A_59 = vector.shape_cast %dot_general3A_53 : vector<128x100xf32> to vector<128x1x100xf32>
    tpu.vector_store %arg2[%swap3A_54, %swap3A_55, %swap3A_56], %swap3A_59 {strides = array<i32>} : memref<128x100x100xf32, #tpu.memory_space<vmem>>, vector<128x1x100xf32>,
    %get3A_60 = arith.constant 0 : index
    %get3A_61 = arith.constant 416 : index
    %get3A_62 = arith.constant 0 : index
    %get3A_63 = vector.load %arg1[%get3A_60, %get3A_61, %get3A_62] : memref<2x1536x128xf32, #tpu.memory_space<vmem>>, vector<1x100x128xf32>
    %get3A_64 = vector.shape_cast %get3A_63 : vector<1x100x128xf32> to vector<100x128xf32>
    %dot_general3A_65 = arith.constant dense<0.000000e+00> : vector<128x100xf32>
    %dot_general3A_66 = tpu.matmul %get3A_64, %select_n3A, %dot_general3A_65 {dimension_numbers = #tpu.dot_dimension_numbers<[0], [0], [1], [1], [0, 1, 1, 1], [], []>, transpose_lhs_hint = false} : vector<100x128xf32>, vector<100x100xf32>, vector<128x100xf32> -> vector<128x100xf32>
    %swap3A_67 = arith.constant 0 : index
    %swap3A_68 = arith.constant 76 : index
    %swap3A_69 = arith.constant 0 : index
    %swap3A_70 = vector.load %arg2[%swap3A_67, %swap3A_68, %swap3A_69] : memref<128x100x100xf32, #tpu.memory_space<vmem>>, vector<128x1x100xf32>
    %swap3A_71 = vector.shape_cast %swap3A_70 : vector<128x1x100xf32> to vector<128x100xf32>
    %swap3A_72 = vector.shape_cast %dot_general3A_66 : vector<128x100xf32> to vector<128x1x100xf32>
    tpu.vector_store %arg2[%swap3A_67, %swap3A_68, %swap3A_69], %swap3A_72 {strides = array<i32>} : memref<128x100x100xf32, #tpu.memory_space<vmem>>, vector<128x1x100xf32>,
    %get3A_73 = arith.constant 0 : index
    %get3A_74 = arith.constant 520 : index
    %get3A_75 = arith.constant 0 : index
    %get3A_76 = vector.load %arg1[%get3A_73, %get3A_74, %get3A_75] : memref<2x1536x128xf32, #tpu.memory_space<vmem>>, vector<1x100x128xf32>
    %get3A_77 = vector.shape_cast %get3A_76 : vector<1x100x128xf32> to vector<100x128xf32>
    %dot_general3A_78 = arith.constant dense<0.000000e+00> : vector<128x100xf32>
    %dot_general3A_79 = tpu.matmul %get3A_77, %select_n3A, %dot_general3A_78 {dimension_numbers = #tpu.dot_dimension_numbers<[0], [0], [1], [1], [0, 1, 1, 1], [], []>, transpose_lhs_hint = false} : vector<100x128xf32>, vector<100x100xf32>, vector<128x100xf32> -> vector<128x100xf32>
    %swap3A_80 = arith.constant 0 : index
    %swap3A_81 = arith.constant 77 : index
    %swap3A_82 = arith.constant 0 : index
    %swap3A_83 = vector.load %arg2[%swap3A_80, %swap3A_81, %swap3A_82] : memref<128x100x100xf32, #tpu.memory_space<vmem>>, vector<128x1x100xf32>
    %swap3A_84 = vector.shape_cast %swap3A_83 : vector<128x1x100xf32> to vector<128x100xf32>
    %swap3A_85 = vector.shape_cast %dot_general3A_79 : vector<128x100xf32> to vector<128x1x100xf32>
    tpu.vector_store %arg2[%swap3A_80, %swap3A_81, %swap3A_82], %swap3A_85 {strides = array<i32>} : memref<128x100x100xf32, #tpu.memory_space<vmem>>, vector<128x1x100xf32>,
    %get3A_86 = arith.constant 0 : index
    %get3A_87 = arith.constant 624 : index
    %get3A_88 = arith.constant 0 : index
    %get3A_89 = vector.load %arg1[%get3A_86, %get3A_87, %get3A_88] : memref<2x1536x128xf32, #tpu.memory_space<vmem>>, vector<1x100x128xf32>
    %get3A_90 = vector.shape_cast %get3A_89 : vector<1x100x128xf32> to vector<100x128xf32>
    %dot_general3A_91 = arith.constant dense<0.000000e+00> : vector<128x100xf32>
    %dot_general3A_92 = tpu.matmul %get3A_90, %select_n3A, %dot_general3A_91 {dimension_numbers = #tpu.dot_dimension_numbers<[0], [0], [1], [1], [0, 1, 1, 1], [], []>, transpose_lhs_hint = false} : vector<100x128xf32>, vector<100x100xf32>, vector<128x100xf32> -> vector<128x100xf32>
    %swap3A_93 = arith.constant 0 : index
    %swap3A_94 = arith.constant 78 : index
    %swap3A_95 = arith.constant 0 : index
    %swap3A_96 = vector.load %arg2[%swap3A_93, %swap3A_94, %swap3A_95] : memref<128x100x100xf32, #tpu.memory_space<vmem>>, vector<128x1x100xf32>
    %swap3A_97 = vector.shape_cast %swap3A_96 : vector<128x1x100xf32> to vector<128x100xf32>
    %swap3A_98 = vector.shape_cast %dot_general3A_92 : vector<128x100xf32> to vector<128x1x100xf32>
    tpu.vector_store %arg2[%swap3A_93, %swap3A_94, %swap3A_95], %swap3A_98 {strides = array<i32>} : memref<128x100x100xf32, #tpu.memory_space<vmem>>, vector<128x1x100xf32>,
    %get3A_99 = arith.constant 0 : index
    %get3A_100 = arith.constant 728 : index
    %get3A_101 = arith.constant 0 : index
    %get3A_102 = vector.load %arg1[%get3A_99, %get3A_100, %get3A_101] : memref<2x1536x128xf32, #tpu.memory_space<vmem>>, vector<1x100x128xf32>
    %get3A_103 = vector.shape_cast %get3A_102 : vector<1x100x128xf32> to vector<100x128xf32>
    %dot_general3A_104 = arith.constant dense<0.000000e+00> : vector<128x100xf32>
    %dot_general3A_105 = tpu.matmul %get3A_103, %select_n3A, %dot_general3A_104 {dimension_numbers = #tpu.dot_dimension_numbers<[0], [0], [1], [1], [0, 1, 1, 1], [], []>, transpose_lhs_hint = false} : vector<100x128xf32>, vector<100x100xf32>, vector<128x100xf32> -> vector<128x100xf32>
    %swap3A_106 = arith.constant 0 : index
    %swap3A_107 = arith.constant 79 : index
    %swap3A_108 = arith.constant 0 : index
    %swap3A_109 = vector.load %arg2[%swap3A_106, %swap3A_107, %swap3A_108] : memref<128x100x100xf32, #tpu.memory_space<vmem>>, vector<128x1x100xf32>
    %swap3A_110 = vector.shape_cast %swap3A_109 : vector<128x1x100xf32> to vector<128x100xf32>
    %swap3A_111 = vector.shape_cast %dot_general3A_105 : vector<128x100xf32> to vector<128x1x100xf32>
    tpu.vector_store %arg2[%swap3A_106, %swap3A_107, %swap3A_108], %swap3A_111 {strides = array<i32>} : memref<128x100x100xf32, #tpu.memory_space<vmem>>, vector<128x1x100xf32>,
    %get3A_112 = arith.constant 0 : index
    %get3A_113 = arith.constant 832 : index
    %get3A_114 = arith.constant 0 : index
    %get3A_115 = vector.load %arg1[%get3A_112, %get3A_113, %get3A_114] : memref<2x1536x128xf32, #tpu.memory_space<vmem>>, vector<1x100x128xf32>
    %get3A_116 = vector.shape_cast %get3A_115 : vector<1x100x128xf32> to vector<100x128xf32>
    %dot_general3A_117 = arith.constant dense<0.000000e+00> : vector<128x100xf32>
    %dot_general3A_118 = tpu.matmul %get3A_116, %select_n3A, %dot_general3A_117 {dimension_numbers = #tpu.dot_dimension_numbers<[0], [0], [1], [1], [0, 1, 1, 1], [], []>, transpose_lhs_hint = false} : vector<100x128xf32>, vector<100x100xf32>, vector<128x100xf32> -> vector<128x100xf32>
    %swap3A_119 = arith.constant 0 : index
    %swap3A_120 = arith.constant 80 : index
    %swap3A_121 = arith.constant 0 : index
    %swap3A_122 = vector.load %arg2[%swap3A_119, %swap3A_120, %swap3A_121] : memref<128x100x100xf32, #tpu.memory_space<vmem>>, vector<128x1x100xf32>
    %swap3A_123 = vector.shape_cast %swap3A_122 : vector<128x1x100xf32> to vector<128x100xf32>
    %swap3A_124 = vector.shape_cast %dot_general3A_118 : vector<128x100xf32> to vector<128x1x100xf32>
    tpu.vector_store %arg2[%swap3A_119, %swap3A_120, %swap3A_121], %swap3A_124 {strides = array<i32>} : memref<128x100x100xf32, #tpu.memory_space<vmem>>, vector<128x1x100xf32>,
    %get3A_125 = arith.constant 0 : index
    %get3A_126 = arith.constant 936 : index
    %get3A_127 = arith.constant 0 : index
    %get3A_128 = vector.load %arg1[%get3A_125, %get3A_126, %get3A_127] : memref<2x1536x128xf32, #tpu.memory_space<vmem>>, vector<1x100x128xf32>
    %get3A_129 = vector.shape_cast %get3A_128 : vector<1x100x128xf32> to vector<100x128xf32>
    %dot_general3A_130 = arith.constant dense<0.000000e+00> : vector<128x100xf32>
    %dot_general3A_131 = tpu.matmul %get3A_129, %select_n3A, %dot_general3A_130 {dimension_numbers = #tpu.dot_dimension_numbers<[0], [0], [1], [1], [0, 1, 1, 1], [], []>, transpose_lhs_hint = false} : vector<100x128xf32>, vector<100x100xf32>, vector<128x100xf32> -> vector<128x100xf32>
    %swap3A_132 = arith.constant 0 : index
    %swap3A_133 = arith.constant 81 : index
    %swap3A_134 = arith.constant 0 : index
    %swap3A_135 = vector.load %arg2[%swap3A_132, %swap3A_133, %swap3A_134] : memref<128x100x100xf32, #tpu.memory_space<vmem>>, vector<128x1x100xf32>
    %swap3A_136 = vector.shape_cast %swap3A_135 : vector<128x1x100xf32> to vector<128x100xf32>
    %swap3A_137 = vector.shape_cast %dot_general3A_131 : vector<128x100xf32> to vector<128x1x100xf32>
    tpu.vector_store %arg2[%swap3A_132, %swap3A_133, %swap3A_134], %swap3A_137 {strides = array<i32>} : memref<128x100x100xf32, #tpu.memory_space<vmem>>, vector<128x1x100xf32>,
    %get3A_138 = arith.constant 0 : index
    %get3A_139 = arith.constant 1040 : index
    %get3A_140 = arith.constant 0 : index
    %get3A_141 = vector.load %arg1[%get3A_138, %get3A_139, %get3A_140] : memref<2x1536x128xf32, #tpu.memory_space<vmem>>, vector<1x100x128xf32>
    %get3A_142 = vector.shape_cast %get3A_141 : vector<1x100x128xf32> to vector<100x128xf32>
    %dot_general3A_143 = arith.constant dense<0.000000e+00> : vector<128x100xf32>
    %dot_general3A_144 = tpu.matmul %get3A_142, %select_n3A, %dot_general3A_143 {dimension_numbers = #tpu.dot_dimension_numbers<[0], [0], [1], [1], [0, 1, 1, 1], [], []>, transpose_lhs_hint = false} : vector<100x128xf32>, vector<100x100xf32>, vector<128x100xf32> -> vector<128x100xf32>
    %swap3A_145 = arith.constant 0 : index
    %swap3A_146 = arith.constant 82 : index
    %swap3A_147 = arith.constant 0 : index
    %swap3A_148 = vector.load %arg2[%swap3A_145, %swap3A_146, %swap3A_147] : memref<128x100x100xf32, #tpu.memory_space<vmem>>, vector<128x1x100xf32>
    %swap3A_149 = vector.shape_cast %swap3A_148 : vector<128x1x100xf32> to vector<128x100xf32>
    %swap3A_150 = vector.shape_cast %dot_general3A_144 : vector<128x100xf32> to vector<128x1x100xf32>
    tpu.vector_store %arg2[%swap3A_145, %swap3A_146, %swap3A_147], %swap3A_150 {strides = array<i32>} : memref<128x100x100xf32, #tpu.memory_space<vmem>>, vector<128x1x100xf32>,
    %get3A_151 = arith.constant 0 : index
    %get3A_152 = arith.constant 1144 : index
    %get3A_153 = arith.constant 0 : index
    %get3A_154 = vector.load %arg1[%get3A_151, %get3A_152, %get3A_153] : memref<2x1536x128xf32, #tpu.memory_space<vmem>>, vector<1x100x128xf32>
    %get3A_155 = vector.shape_cast %get3A_154 : vector<1x100x128xf32> to vector<100x128xf32>
    %dot_general3A_156 = arith.constant dense<0.000000e+00> : vector<128x100xf32>
    %dot_general3A_157 = tpu.matmul %get3A_155, %select_n3A, %dot_general3A_156 {dimension_numbers = #tpu.dot_dimension_numbers<[0], [0], [1], [1], [0, 1, 1, 1], [], []>, transpose_lhs_hint = false} : vector<100x128xf32>, vector<100x100xf32>, vector<128x100xf32> -> vector<128x100xf32>
    %swap3A_158 = arith.constant 0 : index
    %swap3A_159 = arith.constant 83 : index
    %swap3A_160 = arith.constant 0 : index
    %swap3A_161 = vector.load %arg2[%swap3A_158, %swap3A_159, %swap3A_160] : memref<128x100x100xf32, #tpu.memory_space<vmem>>, vector<128x1x100xf32>
    %swap3A_162 = vector.shape_cast %swap3A_161 : vector<128x1x100xf32> to vector<128x100xf32>
    %swap3A_163 = vector.shape_cast %dot_general3A_157 : vector<128x100xf32> to vector<128x1x100xf32>
    tpu.vector_store %arg2[%swap3A_158, %swap3A_159, %swap3A_160], %swap3A_163 {strides = array<i32>} : memref<128x100x100xf32, #tpu.memory_space<vmem>>, vector<128x1x100xf32>,
    %get3A_164 = arith.constant 0 : index
    %get3A_165 = arith.constant 1248 : index
    %get3A_166 = arith.constant 0 : index
    %get3A_167 = vector.load %arg1[%get3A_164, %get3A_165, %get3A_166] : memref<2x1536x128xf32, #tpu.memory_space<vmem>>, vector<1x100x128xf32>
    %get3A_168 = vector.shape_cast %get3A_167 : vector<1x100x128xf32> to vector<100x128xf32>
    %dot_general3A_169 = arith.constant dense<0.000000e+00> : vector<128x100xf32>
    %dot_general3A_170 = tpu.matmul %get3A_168, %select_n3A, %dot_general3A_169 {dimension_numbers = #tpu.dot_dimension_numbers<[0], [0], [1], [1], [0, 1, 1, 1], [], []>, transpose_lhs_hint = false} : vector<100x128xf32>, vector<100x100xf32>, vector<128x100xf32> -> vector<128x100xf32>
    %swap3A_171 = arith.constant 0 : index
    %swap3A_172 = arith.constant 84 : index
    %swap3A_173 = arith.constant 0 : index
    %swap3A_174 = vector.load %arg2[%swap3A_171, %swap3A_172, %swap3A_173] : memref<128x100x100xf32, #tpu.memory_space<vmem>>, vector<128x1x100xf32>
    %swap3A_175 = vector.shape_cast %swap3A_174 : vector<128x1x100xf32> to vector<128x100xf32>
    %swap3A_176 = vector.shape_cast %dot_general3A_170 : vector<128x100xf32> to vector<128x1x100xf32>
    tpu.vector_store %arg2[%swap3A_171, %swap3A_172, %swap3A_173], %swap3A_176 {strides = array<i32>} : memref<128x100x100xf32, #tpu.memory_space<vmem>>, vector<128x1x100xf32>,
    %get3A_177 = arith.constant 0 : index
    %get3A_178 = arith.constant 1352 : index
    %get3A_179 = arith.constant 0 : index
    %get3A_180 = vector.load %arg1[%get3A_177, %get3A_178, %get3A_179] : memref<2x1536x128xf32, #tpu.memory_space<vmem>>, vector<1x100x128xf32>
    %get3A_181 = vector.shape_cast %get3A_180 : vector<1x100x128xf32> to vector<100x128xf32>
    %dot_general3A_182 = arith.constant dense<0.000000e+00> : vector<128x100xf32>
    %dot_general3A_183 = tpu.matmul %get3A_181, %select_n3A, %dot_general3A_182 {dimension_numbers = #tpu.dot_dimension_numbers<[0], [0], [1], [1], [0, 1, 1, 1], [], []>, transpose_lhs_hint = false} : vector<100x128xf32>, vector<100x100xf32>, vector<128x100xf32> -> vector<128x100xf32>
    %swap3A_184 = arith.constant 0 : index
    %swap3A_185 = arith.constant 85 : index
    %swap3A_186 = arith.constant 0 : index
    %swap3A_187 = vector.load %arg2[%swap3A_184, %swap3A_185, %swap3A_186] : memref<128x100x100xf32, #tpu.memory_space<vmem>>, vector<128x1x100xf32>
    %swap3A_188 = vector.shape_cast %swap3A_187 : vector<128x1x100xf32> to vector<128x100xf32>
    %swap3A_189 = vector.shape_cast %dot_general3A_183 : vector<128x100xf32> to vector<128x1x100xf32>
    tpu.vector_store %arg2[%swap3A_184, %swap3A_185, %swap3A_186], %swap3A_189 {strides = array<i32>} : memref<128x100x100xf32, #tpu.memory_space<vmem>>, vector<128x1x100xf32>,
    %get3A_190 = arith.constant 1 : index
    %get3A_191 = arith.constant 0 : index
    %get3A_192 = arith.constant 0 : index
    %get3A_193 = vector.load %arg1[%get3A_190, %get3A_191, %get3A_192] : memref<2x1536x128xf32, #tpu.memory_space<vmem>>, vector<1x100x128xf32>
    %get3A_194 = vector.shape_cast %get3A_193 : vector<1x100x128xf32> to vector<100x128xf32>
    %dot_general3A_195 = arith.constant dense<0.000000e+00> : vector<128x100xf32>
    %dot_general3A_196 = tpu.matmul %get3A_194, %select_n3A, %dot_general3A_195 {dimension_numbers = #tpu.dot_dimension_numbers<[0], [0], [1], [1], [0, 1, 1, 1], [], []>, transpose_lhs_hint = false} : vector<100x128xf32>, vector<100x100xf32>, vector<128x100xf32> -> vector<128x100xf32>
    %swap3A_197 = arith.constant 0 : index
    %swap3A_198 = arith.constant 86 : index
    %swap3A_199 = arith.constant 0 : index
    %swap3A_200 = vector.load %arg2[%swap3A_197, %swap3A_198, %swap3A_199] : memref<128x100x100xf32, #tpu.memory_space<vmem>>, vector<128x1x100xf32>
    %swap3A_201 = vector.shape_cast %swap3A_200 : vector<128x1x100xf32> to vector<128x100xf32>
    %swap3A_202 = vector.shape_cast %dot_general3A_196 : vector<128x100xf32> to vector<128x1x100xf32>
    tpu.vector_store %arg2[%swap3A_197, %swap3A_198, %swap3A_199], %swap3A_202 {strides = array<i32>} : memref<128x100x100xf32, #tpu.memory_space<vmem>>, vector<128x1x100xf32>,
    %get3A_203 = arith.constant 1 : index
    %get3A_204 = arith.constant 104 : index
    %get3A_205 = arith.constant 0 : index
    %get3A_206 = vector.load %arg1[%get3A_203, %get3A_204, %get3A_205] : memref<2x1536x128xf32, #tpu.memory_space<vmem>>, vector<1x100x128xf32>
    %get3A_207 = vector.shape_cast %get3A_206 : vector<1x100x128xf32> to vector<100x128xf32>
    %dot_general3A_208 = arith.constant dense<0.000000e+00> : vector<128x100xf32>
    %dot_general3A_209 = tpu.matmul %get3A_207, %select_n3A, %dot_general3A_208 {dimension_numbers = #tpu.dot_dimension_numbers<[0], [0], [1], [1], [0, 1, 1, 1], [], []>, transpose_lhs_hint = false} : vector<100x128xf32>, vector<100x100xf32>, vector<128x100xf32> -> vector<128x100xf32>
    %swap3A_210 = arith.constant 0 : index
    %swap3A_211 = arith.constant 87 : index
    %swap3A_212 = arith.constant 0 : index
    %swap3A_213 = vector.load %arg2[%swap3A_210, %swap3A_211, %swap3A_212] : memref<128x100x100xf32, #tpu.memory_space<vmem>>, vector<128x1x100xf32>
    %swap3A_214 = vector.shape_cast %swap3A_213 : vector<128x1x100xf32> to vector<128x100xf32>
    %swap3A_215 = vector.shape_cast %dot_general3A_209 : vector<128x100xf32> to vector<128x1x100xf32>
    tpu.vector_store %arg2[%swap3A_210, %swap3A_211, %swap3A_212], %swap3A_215 {strides = array<i32>} : memref<128x100x100xf32, #tpu.memory_space<vmem>>, vector<128x1x100xf32>,
    %get3A_216 = arith.constant 1 : index
    %get3A_217 = arith.constant 208 : index
    %get3A_218 = arith.constant 0 : index
    %get3A_219 = vector.load %arg1[%get3A_216, %get3A_217, %get3A_218] : memref<2x1536x128xf32, #tpu.memory_space<vmem>>, vector<1x100x128xf32>
    %get3A_220 = vector.shape_cast %get3A_219 : vector<1x100x128xf32> to vector<100x128xf32>
    %dot_general3A_221 = arith.constant dense<0.000000e+00> : vector<128x100xf32>
    %dot_general3A_222 = tpu.matmul %get3A_220, %select_n3A, %dot_general3A_221 {dimension_numbers = #tpu.dot_dimension_numbers<[0], [0], [1], [1], [0, 1, 1, 1], [], []>, transpose_lhs_hint = false} : vector<100x128xf32>, vector<100x100xf32>, vector<128x100xf32> -> vector<128x100xf32>
    %swap3A_223 = arith.constant 0 : index
    %swap3A_224 = arith.constant 88 : index
    %swap3A_225 = arith.constant 0 : index
    %swap3A_226 = vector.load %arg2[%swap3A_223, %swap3A_224, %swap3A_225] : memref<128x100x100xf32, #tpu.memory_space<vmem>>, vector<128x1x100xf32>
    %swap3A_227 = vector.shape_cast %swap3A_226 : vector<128x1x100xf32> to vector<128x100xf32>
    %swap3A_228 = vector.shape_cast %dot_general3A_222 : vector<128x100xf32> to vector<128x1x100xf32>
    tpu.vector_store %arg2[%swap3A_223, %swap3A_224, %swap3A_225], %swap3A_228 {strides = array<i32>} : memref<128x100x100xf32, #tpu.memory_space<vmem>>, vector<128x1x100xf32>,
    %get3A_229 = arith.constant 1 : index
    %get3A_230 = arith.constant 312 : index
    %get3A_231 = arith.constant 0 : index
    %get3A_232 = vector.load %arg1[%get3A_229, %get3A_230, %get3A_231] : memref<2x1536x128xf32, #tpu.memory_space<vmem>>, vector<1x100x128xf32>
    %get3A_233 = vector.shape_cast %get3A_232 : vector<1x100x128xf32> to vector<100x128xf32>
    %dot_general3A_234 = arith.constant dense<0.000000e+00> : vector<128x100xf32>
    %dot_general3A_235 = tpu.matmul %get3A_233, %select_n3A, %dot_general3A_234 {dimension_numbers = #tpu.dot_dimension_numbers<[0], [0], [1], [1], [0, 1, 1, 1], [], []>, transpose_lhs_hint = false} : vector<100x128xf32>, vector<100x100xf32>, vector<128x100xf32> -> vector<128x100xf32>
    %swap3A_236 = arith.constant 0 : index
    %swap3A_237 = arith.constant 89 : index
    %swap3A_238 = arith.constant 0 : index
    %swap3A_239 = vector.load %arg2[%swap3A_236, %swap3A_237, %swap3A_238] : memref<128x100x100xf32, #tpu.memory_space<vmem>>, vector<128x1x100xf32>
    %swap3A_240 = vector.shape_cast %swap3A_239 : vector<128x1x100xf32> to vector<128x100xf32>
    %swap3A_241 = vector.shape_cast %dot_general3A_235 : vector<128x100xf32> to vector<128x1x100xf32>
    tpu.vector_store %arg2[%swap3A_236, %swap3A_237, %swap3A_238], %swap3A_241 {strides = array<i32>} : memref<128x100x100xf32, #tpu.memory_space<vmem>>, vector<128x1x100xf32>,
    %get3A_242 = arith.constant 1 : index
    %get3A_243 = arith.constant 416 : index
    %get3A_244 = arith.constant 0 : index
    %get3A_245 = vector.load %arg1[%get3A_242, %get3A_243, %get3A_244] : memref<2x1536x128xf32, #tpu.memory_space<vmem>>, vector<1x100x128xf32>
    %get3A_246 = vector.shape_cast %get3A_245 : vector<1x100x128xf32> to vector<100x128xf32>
    %dot_general3A_247 = arith.constant dense<0.000000e+00> : vector<128x100xf32>
    %dot_general3A_248 = tpu.matmul %get3A_246, %select_n3A, %dot_general3A_247 {dimension_numbers = #tpu.dot_dimension_numbers<[0], [0], [1], [1], [0, 1, 1, 1], [], []>, transpose_lhs_hint = false} : vector<100x128xf32>, vector<100x100xf32>, vector<128x100xf32> -> vector<128x100xf32>
    %swap3A_249 = arith.constant 0 : index
    %swap3A_250 = arith.constant 90 : index
    %swap3A_251 = arith.constant 0 : index
    %swap3A_252 = vector.load %arg2[%swap3A_249, %swap3A_250, %swap3A_251] : memref<128x100x100xf32, #tpu.memory_space<vmem>>, vector<128x1x100xf32>
    %swap3A_253 = vector.shape_cast %swap3A_252 : vector<128x1x100xf32> to vector<128x100xf32>
    %swap3A_254 = vector.shape_cast %dot_general3A_248 : vector<128x100xf32> to vector<128x1x100xf32>
    tpu.vector_store %arg2[%swap3A_249, %swap3A_250, %swap3A_251], %swap3A_254 {strides = array<i32>} : memref<128x100x100xf32, #tpu.memory_space<vmem>>, vector<128x1x100xf32>,
    %get3A_255 = arith.constant 1 : index
    %get3A_256 = arith.constant 520 : index
    %get3A_257 = arith.constant 0 : index
    %get3A_258 = vector.load %arg1[%get3A_255, %get3A_256, %get3A_257] : memref<2x1536x128xf32, #tpu.memory_space<vmem>>, vector<1x100x128xf32>
    %get3A_259 = vector.shape_cast %get3A_258 : vector<1x100x128xf32> to vector<100x128xf32>
    %dot_general3A_260 = arith.constant dense<0.000000e+00> : vector<128x100xf32>
    %dot_general3A_261 = tpu.matmul %get3A_259, %select_n3A, %dot_general3A_260 {dimension_numbers = #tpu.dot_dimension_numbers<[0], [0], [1], [1], [0, 1, 1, 1], [], []>, transpose_lhs_hint = false} : vector<100x128xf32>, vector<100x100xf32>, vector<128x100xf32> -> vector<128x100xf32>
    %swap3A_262 = arith.constant 0 : index
    %swap3A_263 = arith.constant 91 : index
    %swap3A_264 = arith.constant 0 : index
    %swap3A_265 = vector.load %arg2[%swap3A_262, %swap3A_263, %swap3A_264] : memref<128x100x100xf32, #tpu.memory_space<vmem>>, vector<128x1x100xf32>
    %swap3A_266 = vector.shape_cast %swap3A_265 : vector<128x1x100xf32> to vector<128x100xf32>
    %swap3A_267 = vector.shape_cast %dot_general3A_261 : vector<128x100xf32> to vector<128x1x100xf32>
    tpu.vector_store %arg2[%swap3A_262, %swap3A_263, %swap3A_264], %swap3A_267 {strides = array<i32>} : memref<128x100x100xf32, #tpu.memory_space<vmem>>, vector<128x1x100xf32>,
    %get3A_268 = arith.constant 1 : index
    %get3A_269 = arith.constant 624 : index
    %get3A_270 = arith.constant 0 : index
    %get3A_271 = vector.load %arg1[%get3A_268, %get3A_269, %get3A_270] : memref<2x1536x128xf32, #tpu.memory_space<vmem>>, vector<1x100x128xf32>
    %get3A_272 = vector.shape_cast %get3A_271 : vector<1x100x128xf32> to vector<100x128xf32>
    %dot_general3A_273 = arith.constant dense<0.000000e+00> : vector<128x100xf32>
    %dot_general3A_274 = tpu.matmul %get3A_272, %select_n3A, %dot_general3A_273 {dimension_numbers = #tpu.dot_dimension_numbers<[0], [0], [1], [1], [0, 1, 1, 1], [], []>, transpose_lhs_hint = false} : vector<100x128xf32>, vector<100x100xf32>, vector<128x100xf32> -> vector<128x100xf32>
    %swap3A_275 = arith.constant 0 : index
    %swap3A_276 = arith.constant 92 : index
    %swap3A_277 = arith.constant 0 : index
    %swap3A_278 = vector.load %arg2[%swap3A_275, %swap3A_276, %swap3A_277] : memref<128x100x100xf32, #tpu.memory_space<vmem>>, vector<128x1x100xf32>
    %swap3A_279 = vector.shape_cast %swap3A_278 : vector<128x1x100xf32> to vector<128x100xf32>
    %swap3A_280 = vector.shape_cast %dot_general3A_274 : vector<128x100xf32> to vector<128x1x100xf32>
    tpu.vector_store %arg2[%swap3A_275, %swap3A_276, %swap3A_277], %swap3A_280 {strides = array<i32>} : memref<128x100x100xf32, #tpu.memory_space<vmem>>, vector<128x1x100xf32>,
    %get3A_281 = arith.constant 1 : index
    %get3A_282 = arith.constant 728 : index
    %get3A_283 = arith.constant 0 : index
    %get3A_284 = vector.load %arg1[%get3A_281, %get3A_282, %get3A_283] : memref<2x1536x128xf32, #tpu.memory_space<vmem>>, vector<1x100x128xf32>
    %get3A_285 = vector.shape_cast %get3A_284 : vector<1x100x128xf32> to vector<100x128xf32>
    %dot_general3A_286 = arith.constant dense<0.000000e+00> : vector<128x100xf32>
    %dot_general3A_287 = tpu.matmul %get3A_285, %select_n3A, %dot_general3A_286 {dimension_numbers = #tpu.dot_dimension_numbers<[0], [0], [1], [1], [0, 1, 1, 1], [], []>, transpose_lhs_hint = false} : vector<100x128xf32>, vector<100x100xf32>, vector<128x100xf32> -> vector<128x100xf32>
    %swap3A_288 = arith.constant 0 : index
    %swap3A_289 = arith.constant 93 : index
    %swap3A_290 = arith.constant 0 : index
    %swap3A_291 = vector.load %arg2[%swap3A_288, %swap3A_289, %swap3A_290] : memref<128x100x100xf32, #tpu.memory_space<vmem>>, vector<128x1x100xf32>
    %swap3A_292 = vector.shape_cast %swap3A_291 : vector<128x1x100xf32> to vector<128x100xf32>
    %swap3A_293 = vector.shape_cast %dot_general3A_287 : vector<128x100xf32> to vector<128x1x100xf32>
    tpu.vector_store %arg2[%swap3A_288, %swap3A_289, %swap3A_290], %swap3A_293 {strides = array<i32>} : memref<128x100x100xf32, #tpu.memory_space<vmem>>, vector<128x1x100xf32>,
    %get3A_294 = arith.constant 1 : index
    %get3A_295 = arith.constant 832 : index
    %get3A_296 = arith.constant 0 : index
    %get3A_297 = vector.load %arg1[%get3A_294, %get3A_295, %get3A_296] : memref<2x1536x128xf32, #tpu.memory_space<vmem>>, vector<1x100x128xf32>
    %get3A_298 = vector.shape_cast %get3A_297 : vector<1x100x128xf32> to vector<100x128xf32>
    %dot_general3A_299 = arith.constant dense<0.000000e+00> : vector<128x100xf32>
    %dot_general3A_300 = tpu.matmul %get3A_298, %select_n3A, %dot_general3A_299 {dimension_numbers = #tpu.dot_dimension_numbers<[0], [0], [1], [1], [0, 1, 1, 1], [], []>, transpose_lhs_hint = false} : vector<100x128xf32>, vector<100x100xf32>, vector<128x100xf32> -> vector<128x100xf32>
    %swap3A_301 = arith.constant 0 : index
    %swap3A_302 = arith.constant 94 : index
    %swap3A_303 = arith.constant 0 : index
    %swap3A_304 = vector.load %arg2[%swap3A_301, %swap3A_302, %swap3A_303] : memref<128x100x100xf32, #tpu.memory_space<vmem>>, vector<128x1x100xf32>
    %swap3A_305 = vector.shape_cast %swap3A_304 : vector<128x1x100xf32> to vector<128x100xf32>
    %swap3A_306 = vector.shape_cast %dot_general3A_300 : vector<128x100xf32> to vector<128x1x100xf32>
    tpu.vector_store %arg2[%swap3A_301, %swap3A_302, %swap3A_303], %swap3A_306 {strides = array<i32>} : memref<128x100x100xf32, #tpu.memory_space<vmem>>, vector<128x1x100xf32>,
    %get3A_307 = arith.constant 1 : index
    %get3A_308 = arith.constant 936 : index
    %get3A_309 = arith.constant 0 : index
    %get3A_310 = vector.load %arg1[%get3A_307, %get3A_308, %get3A_309] : memref<2x1536x128xf32, #tpu.memory_space<vmem>>, vector<1x100x128xf32>
    %get3A_311 = vector.shape_cast %get3A_310 : vector<1x100x128xf32> to vector<100x128xf32>
    %dot_general3A_312 = arith.constant dense<0.000000e+00> : vector<128x100xf32>
    %dot_general3A_313 = tpu.matmul %get3A_311, %select_n3A, %dot_general3A_312 {dimension_numbers = #tpu.dot_dimension_numbers<[0], [0], [1], [1], [0, 1, 1, 1], [], []>, transpose_lhs_hint = false} : vector<100x128xf32>, vector<100x100xf32>, vector<128x100xf32> -> vector<128x100xf32>
    %swap3A_314 = arith.constant 0 : index
    %swap3A_315 = arith.constant 95 : index
    %swap3A_316 = arith.constant 0 : index
    %swap3A_317 = vector.load %arg2[%swap3A_314, %swap3A_315, %swap3A_316] : memref<128x100x100xf32, #tpu.memory_space<vmem>>, vector<128x1x100xf32>
    %swap3A_318 = vector.shape_cast %swap3A_317 : vector<128x1x100xf32> to vector<128x100xf32>
    %swap3A_319 = vector.shape_cast %dot_general3A_313 : vector<128x100xf32> to vector<128x1x100xf32>
    tpu.vector_store %arg2[%swap3A_314, %swap3A_315, %swap3A_316], %swap3A_319 {strides = array<i32>} : memref<128x100x100xf32, #tpu.memory_space<vmem>>, vector<128x1x100xf32>,
    %get3A_320 = arith.constant 1 : index
    %get3A_321 = arith.constant 1040 : index
    %get3A_322 = arith.constant 0 : index
    %get3A_323 = vector.load %arg1[%get3A_320, %get3A_321, %get3A_322] : memref<2x1536x128xf32, #tpu.memory_space<vmem>>, vector<1x100x128xf32>
    %get3A_324 = vector.shape_cast %get3A_323 : vector<1x100x128xf32> to vector<100x128xf32>
    %dot_general3A_325 = arith.constant dense<0.000000e+00> : vector<128x100xf32>
    %dot_general3A_326 = tpu.matmul %get3A_324, %select_n3A, %dot_general3A_325 {dimension_numbers = #tpu.dot_dimension_numbers<[0], [0], [1], [1], [0, 1, 1, 1], [], []>, transpose_lhs_hint = false} : vector<100x128xf32>, vector<100x100xf32>, vector<128x100xf32> -> vector<128x100xf32>
    %swap3A_327 = arith.constant 0 : index
    %swap3A_328 = arith.constant 96 : index
    %swap3A_329 = arith.constant 0 : index
    %swap3A_330 = vector.load %arg2[%swap3A_327, %swap3A_328, %swap3A_329] : memref<128x100x100xf32, #tpu.memory_space<vmem>>, vector<128x1x100xf32>
    %swap3A_331 = vector.shape_cast %swap3A_330 : vector<128x1x100xf32> to vector<128x100xf32>
    %swap3A_332 = vector.shape_cast %dot_general3A_326 : vector<128x100xf32> to vector<128x1x100xf32>
    tpu.vector_store %arg2[%swap3A_327, %swap3A_328, %swap3A_329], %swap3A_332 {strides = array<i32>} : memref<128x100x100xf32, #tpu.memory_space<vmem>>, vector<128x1x100xf32>,
    %get3A_333 = arith.constant 1 : index
    %get3A_334 = arith.constant 1144 : index
    %get3A_335 = arith.constant 0 : index
    %get3A_336 = vector.load %arg1[%get3A_333, %get3A_334, %get3A_335] : memref<2x1536x128xf32, #tpu.memory_space<vmem>>, vector<1x100x128xf32>
    %get3A_337 = vector.shape_cast %get3A_336 : vector<1x100x128xf32> to vector<100x128xf32>
    %dot_general3A_338 = arith.constant dense<0.000000e+00> : vector<128x100xf32>
    %dot_general3A_339 = tpu.matmul %get3A_337, %select_n3A, %dot_general3A_338 {dimension_numbers = #tpu.dot_dimension_numbers<[0], [0], [1], [1], [0, 1, 1, 1], [], []>, transpose_lhs_hint = false} : vector<100x128xf32>, vector<100x100xf32>, vector<128x100xf32> -> vector<128x100xf32>
    %swap3A_340 = arith.constant 0 : index
    %swap3A_341 = arith.constant 97 : index
    %swap3A_342 = arith.constant 0 : index
    %swap3A_343 = vector.load %arg2[%swap3A_340, %swap3A_341, %swap3A_342] : memref<128x100x100xf32, #tpu.memory_space<vmem>>, vector<128x1x100xf32>
    %swap3A_344 = vector.shape_cast %swap3A_343 : vector<128x1x100xf32> to vector<128x100xf32>
    %swap3A_345 = vector.shape_cast %dot_general3A_339 : vector<128x100xf32> to vector<128x1x100xf32>
    tpu.vector_store %arg2[%swap3A_340, %swap3A_341, %swap3A_342], %swap3A_345 {strides = array<i32>} : memref<128x100x100xf32, #tpu.memory_space<vmem>>, vector<128x1x100xf32>,
    %get3A_346 = arith.constant 1 : index
    %get3A_347 = arith.constant 1248 : index
    %get3A_348 = arith.constant 0 : index
    %get3A_349 = vector.load %arg1[%get3A_346, %get3A_347, %get3A_348] : memref<2x1536x128xf32, #tpu.memory_space<vmem>>, vector<1x100x128xf32>
    %get3A_350 = vector.shape_cast %get3A_349 : vector<1x100x128xf32> to vector<100x128xf32>
    %dot_general3A_351 = arith.constant dense<0.000000e+00> : vector<128x100xf32>
    %dot_general3A_352 = tpu.matmul %get3A_350, %select_n3A, %dot_general3A_351 {dimension_numbers = #tpu.dot_dimension_numbers<[0], [0], [1], [1], [0, 1, 1, 1], [], []>, transpose_lhs_hint = false} : vector<100x128xf32>, vector<100x100xf32>, vector<128x100xf32> -> vector<128x100xf32>
    %swap3A_353 = arith.constant 0 : index
    %swap3A_354 = arith.constant 98 : index
    %swap3A_355 = arith.constant 0 : index
    %swap3A_356 = vector.load %arg2[%swap3A_353, %swap3A_354, %swap3A_355] : memref<128x100x100xf32, #tpu.memory_space<vmem>>, vector<128x1x100xf32>
    %swap3A_357 = vector.shape_cast %swap3A_356 : vector<128x1x100xf32> to vector<128x100xf32>
    %swap3A_358 = vector.shape_cast %dot_general3A_352 : vector<128x100xf32> to vector<128x1x100xf32>
    tpu.vector_store %arg2[%swap3A_353, %swap3A_354, %swap3A_355], %swap3A_358 {strides = array<i32>} : memref<128x100x100xf32, #tpu.memory_space<vmem>>, vector<128x1x100xf32>,
    %get3A_359 = arith.constant 1 : index
    %get3A_360 = arith.constant 1352 : index
    %get3A_361 = arith.constant 0 : index
    %get3A_362 = vector.load %arg1[%get3A_359, %get3A_360, %get3A_361] : memref<2x1536x128xf32, #tpu.memory_space<vmem>>, vector<1x100x128xf32>
    %get3A_363 = vector.shape_cast %get3A_362 : vector<1x100x128xf32> to vector<100x128xf32>
    %dot_general3A_364 = arith.constant dense<0.000000e+00> : vector<128x100xf32>
    %dot_general3A_365 = tpu.matmul %get3A_363, %select_n3A, %dot_general3A_364 {dimension_numbers = #tpu.dot_dimension_numbers<[0], [0], [1], [1], [0, 1, 1, 1], [], []>, transpose_lhs_hint = false} : vector<100x128xf32>, vector<100x100xf32>, vector<128x100xf32> -> vector<128x100xf32>
    %swap3A_366 = arith.constant 0 : index
    %swap3A_367 = arith.constant 99 : index
    %swap3A_368 = arith.constant 0 : index
    %swap3A_369 = vector.load %arg2[%swap3A_366, %swap3A_367, %swap3A_368] : memref<128x100x100xf32, #tpu.memory_space<vmem>>, vector<128x1x100xf32>
    %swap3A_370 = vector.shape_cast %swap3A_369 : vector<128x1x100xf32> to vector<128x100xf32>
    %swap3A_371 = vector.shape_cast %dot_general3A_365 : vector<128x100xf32> to vector<128x1x100xf32>
    tpu.vector_store %arg2[%swap3A_366, %swap3A_367, %swap3A_368], %swap3A_371 {strides = array<i32>} : memref<128x100x100xf32, #tpu.memory_space<vmem>>, vector<128x1x100xf32>,
    return
  }
}

</mosaic_0001>

<sc_bundles>
// kernel: kernel.5.cloned.1.call-start
scs
__scs_entry_jumppad:
0x0: {  	(pc) =	sbr.rel $0x88, $3  }
0x1: {  	(tag) =	ssettag $0x0;
	lr =	simm.s32 $0x1  }
0x2: {  	[smem:$0x3FA0] =	sst lr;
	_ =	strace $0xD0000000  }
0x3: {  	_ = 	snop  }
0x4: {  	_ = 	snop  }
0x5: {  	_ = 	snop  }
0x6: {  	_ = 	snop  }
0x7: {  	_ = 	snop  }
__scs_overlays_trampoline_lowered:
0x8: {  	[smem:$0x3FAF] =	sst s0  }
0x9: {  	[smem:$0x3FB0] =	sst s1  }
0xa: {  	[smem:$0x3FB1] =	sst s2  }
0xb: {  	[smem:$0x3FB2] =	sst s3  }
0xc: {  	[smem:$0x3FB3] =	sst s4  }
0xd: {  	[smem:$0x3FB4] =	sst s5  }
0xe: {  	[smem:$0x3FB5] =	sst s6  }
0xf: {  	[smem:$0x3FB6] =	sst s7  }
0x10: {  	[smem:$0x3FB7] =	sst s8  }
0x11: {  	[smem:$0x3FB8] =	sst s9;
	s0 =	simm.s32 @!p0 $0x0  }
0x12: {  	s1 =	sld [smem:$0x3F9E];
	s0 =	simm.s32 @p0 $0x1  }
0x13: {  	[smem:$0x3FB9] =	sst s0;
	s0 =	simm.s32 @!p1 $0x0  }
0x14: {  	s2 =	sld [smem:$0x3F9D];
	s0 =	simm.s32 @p1 $0x1  }
0x15: {  	[smem:$0x3FBA] =	sst s0;
	s0 =	simm.s32 @!p2 $0x0  }
0x16: {  	s3 =	sld [smem:$0x3FDB];
	s0 =	simm.s32 @p2 $0x1  }
0x17: {  	s4 =	simm.s32 $0x1BF5;
	[smem:$0x3FBC] =	sst s0  }
0x18: {  	s0 =	sld [smem:$0x3F9F];
	_ =	swait.ge [sflag:s4], $0x0  }
0x19: {  	s7 =	sld [smem:$0x3FA0]  }
0x1a: {  	s8 =	sadd.s32 $0xFFFFE003, lr  }
0x1b: {  	s9 =	sadd.s32 $0xFFFFFEF7, lr;
	s5 =	simm.s32 $0xFFFFFFFF;
	p2 =	slt.u32 s8, $0xFFFFF086  }
0x1c: {  	p1 =	slt.u32 s9, $0xF7A;
	s5 =	simm.s32 @!p2 $0x0  }
0x1d: {  	s5 =	simm.s32 @p1 $0x1;
	p0 =	seq.s32 s7, s2  }
0x1e: {  	s7 =	smul.u32 @!p0 $0xF7A, s2;
	p2 =	seq.s32 @!p0 s5, $0x0  }
0x1f: {  	s9 =	smul.u32 $0xF7A, s1;
	s8 =	simm.s32 @!p0 $0x1BF5;
	p2 =	por !p2, p0  }
0x20: {  	[sflag:s8] =	ssyncset.s32 @!p0 $0xFFFFF086;
	s6 =	sadd.s32 @!p0 s3, s7;
	s7 =	simm.s32 @!p0 $0x108  }
0x21: {  	s3 =	sadd.s32 s3, s9;
	s6 =	sadd.s32 @!p0 $0x88, s6;
	s7 =	simm.s32 @p2 $0x1082  }
0x22: {  	[simem:s7], [sflag:s8] =	dma.local @!p0 [hbm:s6], $0xF7A  }
0x23: {  	s9 =	sor.u32 $0xD0000000, s2;
	s6 =	simm.s32 $0x108;
	_ =	swait.ge @!p0 [sflag:s8], $0x0  }
0x24: {  	s3 =	sadd.s32 $0x88, s3;
	s6 =	simm.s32 @!p1 $0x1082;
	[sflag:s4] =	ssyncset.s32 $0xFFFFF086  }
0x25: {  	[simem:s6], [sflag:s4] =	dma.local [hbm:s3], $0xF7A  }
0x26: {  	[smem:$0x3FA0] =	sst s1;
	(tag) =	ssettag s2;
	_ =	strace s9  }
0x27: {  	s1 =	sld [smem:$0x3FB0]  }
0x28: {  	s2 =	sld [smem:$0x3FB1]  }
0x29: {  	s4 =	sld [smem:$0x3FB3]  }
0x2a: {  	p0 =	seq.s32 s5, $0x0;
	s5 =	sld [smem:$0x3FB4]  }
0x2b: {  	s6 =	sld [smem:$0x3FB5]  }
0x2c: {  	s7 =	sld [smem:$0x3FB6]  }
0x2d: {  	s3 =	simm.s32 $0x108;
	s8 =	sld [smem:$0x3FB7]  }
0x2e: {  	s3 =	simm.s32 @!p0 $0x1082;
	s9 =	sld [smem:$0x3FB8]  }
0x2f: {  	lr =	sadd.s32 s0, s3;
	s0 =	sld [smem:$0x3FAF]  }
0x30: {  	s3 =	sld [smem:$0x3FB2]  }
0x31: {  	[smem:$0x3FBB] =	sst s10  }
0x32: {  	s10 =	sld [smem:$0x3FB9];
	_ =	sdelay $0x3  }
0x33: {  	p0 =	seq.s32 s10, $0x1;
	s10 =	sld [smem:$0x3FBB];
	_ =	sdelay $0x3  }
0x34: {  	[smem:$0x3FBB] =	sst s10  }
0x35: {  	s10 =	sld [smem:$0x3FBA];
	_ =	sdelay $0x3  }
0x36: {  	p1 =	seq.s32 s10, $0x1;
	s10 =	sld [smem:$0x3FBB];
	_ =	sdelay $0x3  }
0x37: {  	[smem:$0x3FBB] =	sst s10  }
0x38: {  	s10 =	sld [smem:$0x3FBC]  }
0x39: {  	_ = 	snop;
	(pc) =	sbr.ind lr, $3  }
0x3a: {  	_ = 	snop  }
0x3b: {  	_ = 	snop  }
0x3c: {  	p2 =	seq.s32 s10, $0x1;
	s10 =	sld [smem:$0x3FBB]  }
0x3d: {  	_ =	shalt  }
0x3e: {  	_ =	shalt  }
0x3f: {  	_ =	shalt  }
0x40: {  	_ =	shalt  }
0x41: {  	_ =	shalt  }
0x42: {  	_ =	shalt  }
0x43: {  	_ =	shalt  }
0x44: {  	_ =	shalt  }
0x45: {  	_ =	shalt  }
0x46: {  	_ =	shalt  }
0x47: {  	_ =	shalt  }
0x48: {  	_ =	shalt  }
0x49: {  	_ =	shalt  }
0x4a: {  	_ =	shalt  }
0x4b: {  	_ =	shalt  }
0x4c: {  	_ =	shalt  }
0x4d: {  	_ =	shalt  }
0x4e: {  	_ =	shalt  }
0x4f: {  	_ =	shalt  }
0x50: {  	_ =	shalt  }
0x51: {  	_ =	shalt  }
0x52: {  	_ =	shalt  }
0x53: {  	_ =	shalt  }
0x54: {  	_ =	shalt  }
0x55: {  	_ =	shalt  }
0x56: {  	_ =	shalt  }
0x57: {  	_ =	shalt  }
0x58: {  	_ =	shalt  }
0x59: {  	_ =	shalt  }
0x5a: {  	_ =	shalt  }
0x5b: {  	_ =	shalt  }
0x5c: {  	_ =	shalt  }
0x5d: {  	_ =	shalt  }
0x5e: {  	_ =	shalt  }
0x5f: {  	_ =	shalt  }
0x60: {  	_ =	shalt  }
0x61: {  	_ =	shalt  }
0x62: {  	_ =	shalt  }
0x63: {  	_ =	shalt  }
0x64: {  	_ =	shalt  }
0x65: {  	_ =	shalt  }
0x66: {  	_ =	shalt  }
0x67: {  	_ =	shalt  }
0x68: {  	_ =	shalt  }
0x69: {  	_ =	shalt  }
0x6a: {  	_ =	shalt  }
0x6b: {  	_ =	shalt  }
0x6c: {  	_ =	shalt  }
0x6d: {  	_ =	shalt  }
0x6e: {  	_ =	shalt  }
0x6f: {  	_ =	shalt  }
0x70: {  	_ =	shalt  }
0x71: {  	_ =	shalt  }
0x72: {  	_ =	shalt  }
0x73: {  	_ =	shalt  }
0x74: {  	_ =	shalt  }
0x75: {  	_ =	shalt  }
0x76: {  	_ =	shalt  }
0x77: {  	_ =	shalt  }
0x78: {  	_ =	shalt  }
0x79: {  	_ =	shalt  }
0x7a: {  	_ =	shalt  }
0x7b: {  	_ =	shalt  }
0x7c: {  	_ =	shalt  }
0x7d: {  	_ =	shalt  }
0x7e: {  	_ =	shalt  }
0x7f: {  	_ =	shalt  }
0x80: {  	_ =	shalt  }
0x81: {  	_ =	shalt  }
0x82: {  	_ =	shalt  }
0x83: {  	_ =	shalt  }
0x84: {  	_ =	shalt  }
0x85: {  	_ =	shalt  }
0x86: {  	_ =	shalt  }
0x87: {  	_ =	shalt  }
.Lfunc_end0:
.L_simem_size_0:
called_computation_lowered:
.L_overlay_start_0:
0x88: {  	s2 =	sld [smem:$0x3FD9]  }
0x89: {  	s3 =	sld [smem:$0x3FFE];
	_ =	sdelay $0x1  }
0x8a: {  	s1 =	srdreg.scid  }
0x8b: {  	s0 =	sand.u32 $0x1, s1  }
0x8c: {  	s17 =	sshll.u32 s0, $0xA;
	s2 =	sadd.s32 s3, s2  }
0x8d: {  	s2 =	sadd.s32 s2, s17  }
0x8e: {  	[smem:$0x3FC7] =	sst s2  }
0x8f: {  	_ = 	snop  }
0x90: {  	s2 =	sld [smem:$0x3FD0];
	(tm) =	ssettm $0x1  }
0x91: {  	s18 =	sld [smem:$0x3FFB];
	_ =	sdelay $0x3  }
0x92: {  	_ =	strace s18  }
0x93: {  	s3 =	sld [smem:$0x3FFC];
	_ =	sdelay $0x3  }
0x94: {  	_ =	strace s3  }
0x95: {  	s3 =	sld [smem:$0x3FFD];
	_ =	sdelay $0x3  }
0x96: {  	_ =	strace s3  }
0x97: {  	_ =	strace $0x8FFFFFFF  }
0x98: {  	s19 =	sld [smem:$0x3FDB];
	_ =	sdelay $0x1  }
0x99: {  	s4 =	simm.s32 $_scs_section_size  }
0x9a: {  	s5 =	simm.s32 $_size__tile_overlayer_lowered;
	s6 =	simm.s32 $_tile_overlayer_lowered  }
0x9b: {  	s22 =	simm.s32 $0x1BFF;
	s21 =	sshll.u32 s6, $0x1;
	s3 =	sadd.s32 s4, s19  }
0x9c: {  	s7 =	simm.s32 $0x0;
	s20 =	sshll.u32 s5, $0x1;
	s5 =	sadd.s32 s21, s3  }
0x9d: {  	[timem:s7], [sflag:s22] =	dma.local [hbm:s5], s20  }
0x9e: {  	_ =	swait.ge [sflag:s22], s20  }
0x9f: {  	s4 =	ssub.s32 $0x0, s20;
	[sflag:s22] =	ssyncset.done $0x0  }
0xa0: {  	[sflag:s22] =	ssyncadd.s32 s4;
	_ =	sdelay $0x1  }
0xa1: {  	s23 =	simm.s32 $0x1B8B  }
0xa2: {  	_ =	swait.ge [sflag:s23], $0x1  }
0xa3: {  	[sflag:s23] =	ssyncset.done $0x0  }
0xa4: {  	s25 =	simm.s32 $0x1B8E;
	s24 =	sld [smem:$0x3FFE];
	[sflag:s23] =	ssyncadd.s32 $0xFFFFFFFF  }
0xa5: {  	s26 =	simm.s32 $execute0_lowered;
	[smem:$0x3FD2] =	sst s25  }
0xa6: {  	s5 =	sshll.u32 s26, $0x1;
	_ =	strace $0x80000046;
	[dreg:$0x1] =	wrdreg $0xFFFFFFFF  }
0xa7: {  	s28 =	simm.s32 $_size_execute0_lowered;
	s3 =	sadd.s32 s3, s5;
	[dreg:$0x0] =	wrdreg $0x0  }
0xa8: {  	s5 =	sshll.u32 s28, $0x1;
	[dreg:$0x2] =	wrdreg s3  }
0xa9: {  	[dreg:$0x3] =	wrdreg s5  }
0xaa: {  	[dreg:$0x4] =	wrdreg $0xC0  }
0xab: {  	_ =	task [dreg:s7], $0x5FFFF  }
0xac: {  	[dreg:$0x1] =	wrdreg $0xFFFFFFFF  }
0xad: {  	[dreg:$0x0] =	wrdreg $0x60  }
0xae: {  	[dreg:$0x2] =	wrdreg s24  }
0xaf: {  	[dreg:$0x3] =	wrdreg s2  }
0xb0: {  	[dreg:$0x4] =	wrdreg $0x178000  }
0xb1: {  	[dreg:$0x5] =	wrdreg $0x9  }
0xb2: {  	_ =	task.clear_ibuf [dreg:s7], $0x6FFFF;
	_ =	strace $0x90000046  }
0xb3: {  	s29 =	simm.s32 $0x9;
	_ =	strace $0x80000048  }
0xb4: {  	_ =	swait.ge [sflag:s29], $0x1  }
0xb5: {  	[sflag:s29] =	ssyncadd.s32 $0xFFFFFFFF  }
0xb6: {  	_ =	strace $0x90000048  }
0xb7: {  	_ =	sfence  }
0xb8: {  	s30 =	sld [smem:$0x0];
	_ =	sdelay $0x2  }
0xb9: {  	s31 =	sshll.u32 s1, $0xD;
	s1 =	sshrl.u32 s1, $0x2  }
0xba: {  	s3 =	sand.u32 $0x4000, s31;
	s1 =	sadd.s32 s1, s30  }
0xbb: {  	s0 =	sor.u32 s3, s0;
	s1 =	sshll.u32 s1, $0x11  }
0xbc: {  	s0 =	sor.u32 s1, s0  }
0xbd: {  	s0 =	sadd.s32 $0x8F2B, s0  }
0xbe: {  	[sflag:s0] =	ssyncadd.remote.s32 $0x1  }
0xbf: {  	_ =	sfence.sel $0xFFFF  }
0xc0: {  	[dreg:$0x0] =	wrdreg $0xFFFFFFFF;
	(pc) =	sbr.abs _section_cstart, $3  }
0xc1: {  	[dreg:$0x1] =	wrdreg $0xFFFFFFFF  }
0xc2: {  	_ =	task.clear_ibuf [dreg:s7], $0x2FFFF;
	_ =	strace $0x9FFFFFFF  }
0xc3: {  	(tm) =	ssettm $0x7FFFFFFF  }
tec
execute0_lowered:
.L_overlay_start_1:
0x0: {  	(tag) =	ssettag $0x1  }
0x1: {  	s0 =	rddreg [dreg:$0x0];
	s9 =	stileid.u32  }
0x2: {  	s1 =	srdreg.scid;
	s5 =	rddreg [dreg:$0x1]  }
0x3: {  	s2 =	rddreg [dreg:$0x2];
	s3 =	simm.s32 $0x0;
	s28 =	simm.s32 $0x16C00  }
0x4: {  	s29 =	simm.s32 $0x17000;
	s30 =	simm.s32 $0x17400;
	s4 =	smul.u32 $0x2800, s9  }
0x5: {  	s31 =	simm.s32 $0x80;
	s12 =	simm.s32 $0x1;
	s7 =	smul.u32 $0x3000, s9  }
0x6: {  	s14 =	simm.s32 $0x0;
	s18 =	simm.s32 $0x14800;
	s8 =	smul.u32 $0xC000, s9  }
0x7: {  	s11 =	simm.s32 $0x14C00;
	s1 =	sand.u32 $0x1, s1;
	s19 =	smul.u32 $0x7000, s9  }
0x8: {  	s13 =	simm.s32 $0x15400;
	[smem:$0x7FF] =	sst s3;
	s6 =	smul.u32 $0x30000, s1  }
0x9: {  	_ =	strace $0x80000047;
	s20 =	ssub.s32 $0x2, s1;
	s1 =	smul.u32 $0x3800, s1  }
0xa: {  	s10 =	sadd.s32 s4, s0;
	s21 =	sshrl.u32 s20, $0x1;
	s22 =	sshrl.u32 s8, $0x2  }
0xb: {  	s6 =	sadd.s32 s7, s6;
	s9 =	ssub.s32 s20, s21;
	s1 =	sadd.s32 s1, s19  }
0xc: {  	s4 =	sadd.s32 s22, s2;
	s23 =	sadd.s32 $0x1200, s10;
	s22 =	simm.s32 $0x15800  }
0xd: {  	s10 =	simm.s32 $0xC000;
	s20 =	simm.s32 $0x15000;
	s6 =	sshrl.u32 s6, $0x3  }
0xe: {  	[dreg:$0x4] =	wrdreg s23;
	s1 =	sshrl.u32 s1, $0x3;
	s24 =	smax.u32 s9, $0x1  }
0xf: {  	s9 =	simm.s32 $0x2;
	s23 =	simm.s32 $0x15C00;
	s0 =	sadd.s32 s6, s0  }
0x10: {  	s6 =	sadd.s32 s5, s1;
	[dreg:$0x6] =	wrdreg s24;
	s24 =	simm.s32 $0x16000  }
0x11: {  	s1 =	simm.s32 $0x4000;
	s5 =	simm.s32 $0x10000;
	s0 =	sadd.s32 $0x29200, s0  }
0x12: {  	s25 =	sadd.s32 $0x80, s6;
	s26 =	sadd.s32 $0x100, s6;
	[dreg:$0x5] =	wrdreg s0  }
0x13: {  	s15 =	sadd.s32 $0x180, s6;
	s17 =	sadd.s32 $0x200, s6;
	[dreg:$0x7] =	wrdreg s25  }
0x14: {  	s19 =	sadd.s32 $0x280, s6;
	s21 =	sadd.s32 $0x300, s6;
	[dreg:$0x8] =	wrdreg s26  }
0x15: {  	v0 =	vimm.f32 $0.0e+00;
	s25 =	simm.s32 $0x16400;
	s26 =	simm.s32 $0x16800;
	s0 =	simm.s32 $0x8000  }
.LBB2_1:
0x16: {  	s7 =	simm.s32 $0x0;
	s8 =	simm.s32 $0x200  }
.LBB2_2:
0x17: {  	p0 =	sne.s32 s8, $0xBE00;
	[tilespmem:s7+$0x70] =	vst v0  }
0x18: {  	[tilespmem:s7+$0x0] =	vst v0  }
0x19: {  	[tilespmem:s7+$0x10] =	vst v0  }
.Ltmp0:
0x1a: {  	[tilespmem:s7+$0x20] =	vst v0;
	(pc) =	sbr.rel @p0 .LBB2_2-.Ltmp0, $4  }
0x1b: {  	[tilespmem:s7+$0x30] =	vst v0  }
0x1c: {  	[tilespmem:s7+$0x40] =	vst v0  }
0x1d: {  	[tilespmem:s7+$0x50] =	vst v0  }
0x1e: {  	[tilespmem:s7+$0x60] =	vst v0;
	s7 =	sshra.s32 s8, $0x2;
	s8 =	sadd.s32 $0x200, s8  }
0x1f: {  	[tilespmem:s7+$0x70] =	vst v0  }
0x20: {  	[tilespmem:s7+$0x0] =	vst v0  }
0x21: {  	[tilespmem:s7+$0x10] =	vst v0  }
0x22: {  	[tilespmem:s7+$0x20] =	vst v0  }
0x23: {  	[tilespmem:s7+$0x30] =	vst v0  }
0x24: {  	[tilespmem:s7+$0x40] =	vst v0  }
0x25: {  	[tilespmem:s7+$0x50] =	vst v0  }
0x26: {  	[tilespmem:s7+$0x60] =	vst v0  }
0x27: {  	[spmem:s4] =	stream.linear.scatter [tilespmem:s3], [sflag:$0x2], $0x3000, $0x38;
	[tilespmem:$0x1A800] =	vst v63  }
0x28: {  	_ =	swait.ge [sflag:s9], $0x3000  }
0x29: {  	[sflag:s9] =	ssyncset.done $0x0  }
0x2a: {  	s16 =	rddreg [dreg:$0x4];
	[sflag:s9] =	ssyncadd.s32 $0xFFFFD000  }
0x2b: {  	[tilespmem:s3], [sflag:$0x2] =	stream.linear.gather [hbm4b:s16+s3], $0x14000, $0x38;
	[tilespmem:$0x1A800] =	vst v63  }
0x2c: {  	_ =	swait.ge [sflag:s9], $0x14000  }
0x2d: {  	[sflag:s9] =	ssyncset.done $0x0  }
0x2e: {  	s8 =	simm.s32 $0x14000;
	[sflag:s9] =	ssyncadd.s32 $0xFFFEC000  }
0x2f: {  	[tilespmem:s8], [sflag:$0x2] =	stream.linear.gather [hbm4b:s6+s3], $0x280, $0x38;
	[tilespmem:$0x1A800] =	vst v63  }
0x30: {  	s16 =	simm.s32 $0x14400;
	s7 =	rddreg [dreg:$0x7]  }
0x31: {  	[tilespmem:s16], [sflag:$0x2] =	stream.linear.gather [hbm4b:s7+s3], $0x280, $0x38;
	[tilespmem:$0x1A800] =	vst v63  }
0x32: {  	s7 =	rddreg [dreg:$0x8]  }
0x33: {  	[tilespmem:s18], [sflag:$0x2] =	stream.linear.gather [hbm4b:s7+s3], $0x280, $0x38;
	[tilespmem:$0x1A800] =	vst v63  }
0x34: {  	_ = 	snop  }
0x35: {  	[tilespmem:s11], [sflag:$0x2] =	stream.linear.gather [hbm4b:s15+s3], $0x280, $0x38;
	[tilespmem:$0x1A800] =	vst v63  }
0x36: {  	_ = 	snop  }
0x37: {  	[tilespmem:s20], [sflag:$0x2] =	stream.linear.gather [hbm4b:s17+s3], $0x280, $0x38;
	[tilespmem:$0x1A800] =	vst v63  }
0x38: {  	_ = 	snop  }
0x39: {  	[tilespmem:s13], [sflag:$0x2] =	stream.linear.gather [hbm4b:s19+s3], $0x280, $0x38;
	[tilespmem:$0x1A800] =	vst v63  }
0x3a: {  	_ = 	snop  }
0x3b: {  	[tilespmem:s22], [sflag:$0x2] =	stream.linear.gather [hbm4b:s21+s3], $0x280, $0x38;
	[tilespmem:$0x1A800] =	vst v63  }
0x3c: {  	s7 =	sadd.s32 $0x380, s6  }
0x3d: {  	[tilespmem:s23], [sflag:$0x2] =	stream.linear.gather [hbm4b:s7+s3], $0x280, $0x38;
	[tilespmem:$0x1A800] =	vst v63  }
0x3e: {  	s7 =	sadd.s32 $0x400, s6  }
0x3f: {  	[tilespmem:s24], [sflag:$0x2] =	stream.linear.gather [hbm4b:s7+s3], $0x280, $0x38;
	[tilespmem:$0x1A800] =	vst v63  }
0x40: {  	s7 =	sadd.s32 $0x480, s6  }
0x41: {  	[tilespmem:s25], [sflag:$0x2] =	stream.linear.gather [hbm4b:s7+s3], $0x280, $0x38;
	[tilespmem:$0x1A800] =	vst v63  }
0x42: {  	s7 =	sadd.s32 $0x500, s6  }
0x43: {  	[tilespmem:s26], [sflag:$0x2] =	stream.linear.gather [hbm4b:s7+s3], $0x280, $0x38;
	[tilespmem:$0x1A800] =	vst v63  }
0x44: {  	s7 =	sadd.s32 $0x580, s6  }
0x45: {  	[tilespmem:s28], [sflag:$0x2] =	stream.linear.gather [hbm4b:s7+s3], $0x280, $0x38;
	[tilespmem:$0x1A800] =	vst v63  }
0x46: {  	s7 =	sadd.s32 $0x600, s6  }
0x47: {  	[tilespmem:s29], [sflag:$0x2] =	stream.linear.gather [hbm4b:s7+s3], $0x280, $0x38;
	[tilespmem:$0x1A800] =	vst v63  }
0x48: {  	s7 =	sadd.s32 $0x680, s6  }
0x49: {  	[tilespmem:s30], [sflag:$0x2] =	stream.linear.gather [hbm4b:s7+s3], $0x280, $0x38;
	[tilespmem:$0x1A800] =	vst v63  }
0x4a: {  	_ =	swait.ge [sflag:s9], $0x2300  }
0x4b: {  	[sflag:s9] =	ssyncset.done $0x0  }
0x4c: {  	[sflag:s9] =	ssyncadd.s32 $0xFFFFDD00  }
0x4d: {  	[bflag:$0x0] =	sbarrier.arrive $0xFFFF  }
0x4e: {  	[spmem:s2] =	stream.indirect.scatter.add.f32 [tilespmem:s3], [sflag:$0x1], $0x80, s8, s31, $0xb8;
	[tilespmem:$0x1A800] =	vst v63  }
0x4f: {  	s8 =	simm.s32 $0x14080  }
0x50: {  	[spmem:s2] =	stream.indirect.scatter.add.f32 [tilespmem:s1], [sflag:$0x1], $0x80, s8, s31, $0xb8;
	[tilespmem:$0x1A800] =	vst v63  }
0x51: {  	s8 =	simm.s32 $0x14100  }
0x52: {  	[spmem:s2] =	stream.indirect.scatter.add.f32 [tilespmem:s0], [sflag:$0x1], $0x80, s8, s31, $0xb8;
	[tilespmem:$0x1A800] =	vst v63  }
0x53: {  	s8 =	simm.s32 $0x14180  }
0x54: {  	[spmem:s2] =	stream.indirect.scatter.add.f32 [tilespmem:s10], [sflag:$0x1], $0x80, s8, s31, $0xb8;
	[tilespmem:$0x1A800] =	vst v63  }
0x55: {  	s8 =	simm.s32 $0x14200  }
0x56: {  	[spmem:s2] =	stream.indirect.scatter.add.f32 [tilespmem:s5], [sflag:$0x1], $0x80, s8, s31, $0xb8;
	[tilespmem:$0x1A800] =	vst v63  }
0x57: {  	_ = 	snop  }
0x58: {  	[spmem:s2] =	stream.indirect.scatter.add.f32 [tilespmem:s3], [sflag:$0x1], $0x80, s16, s31, $0xb8;
	[tilespmem:$0x1A800] =	vst v63  }
0x59: {  	s8 =	simm.s32 $0x14480  }
0x5a: {  	[spmem:s2] =	stream.indirect.scatter.add.f32 [tilespmem:s1], [sflag:$0x1], $0x80, s8, s31, $0xb8;
	[tilespmem:$0x1A800] =	vst v63  }
0x5b: {  	s16 =	simm.s32 $0x14500  }
0x5c: {  	[spmem:s2] =	stream.indirect.scatter.add.f32 [tilespmem:s0], [sflag:$0x1], $0x80, s16, s31, $0xb8;
	[tilespmem:$0x1A800] =	vst v63  }
0x5d: {  	s8 =	simm.s32 $0x14580  }
0x5e: {  	[spmem:s2] =	stream.indirect.scatter.add.f32 [tilespmem:s10], [sflag:$0x1], $0x80, s8, s31, $0xb8;
	[tilespmem:$0x1A800] =	vst v63  }
0x5f: {  	s16 =	simm.s32 $0x14600  }
0x60: {  	[spmem:s2] =	stream.indirect.scatter.add.f32 [tilespmem:s5], [sflag:$0x1], $0x80, s16, s31, $0xb8;
	[tilespmem:$0x1A800] =	vst v63  }
0x61: {  	_ = 	snop  }
0x62: {  	[spmem:s2] =	stream.indirect.scatter.add.f32 [tilespmem:s3], [sflag:$0x1], $0x80, s18, s31, $0xb8;
	[tilespmem:$0x1A800] =	vst v63  }
0x63: {  	s8 =	simm.s32 $0x14880  }
0x64: {  	[spmem:s2] =	stream.indirect.scatter.add.f32 [tilespmem:s1], [sflag:$0x1], $0x80, s8, s31, $0xb8;
	[tilespmem:$0x1A800] =	vst v63  }
0x65: {  	s16 =	simm.s32 $0x14900  }
0x66: {  	[spmem:s2] =	stream.indirect.scatter.add.f32 [tilespmem:s0], [sflag:$0x1], $0x80, s16, s31, $0xb8;
	[tilespmem:$0x1A800] =	vst v63  }
0x67: {  	s8 =	simm.s32 $0x14980  }
0x68: {  	[spmem:s2] =	stream.indirect.scatter.add.f32 [tilespmem:s10], [sflag:$0x1], $0x80, s8, s31, $0xb8;
	[tilespmem:$0x1A800] =	vst v63  }
0x69: {  	s16 =	simm.s32 $0x14A00  }
0x6a: {  	[spmem:s2] =	stream.indirect.scatter.add.f32 [tilespmem:s5], [sflag:$0x1], $0x80, s16, s31, $0xb8;
	[tilespmem:$0x1A800] =	vst v63  }
0x6b: {  	_ = 	snop  }
0x6c: {  	[spmem:s2] =	stream.indirect.scatter.add.f32 [tilespmem:s3], [sflag:$0x1], $0x80, s11, s31, $0xb8;
	[tilespmem:$0x1A800] =	vst v63  }
0x6d: {  	s8 =	simm.s32 $0x14C80  }
0x6e: {  	[spmem:s2] =	stream.indirect.scatter.add.f32 [tilespmem:s1], [sflag:$0x1], $0x80, s8, s31, $0xb8;
	[tilespmem:$0x1A800] =	vst v63  }
0x6f: {  	s16 =	simm.s32 $0x14D00  }
0x70: {  	[spmem:s2] =	stream.indirect.scatter.add.f32 [tilespmem:s0], [sflag:$0x1], $0x80, s16, s31, $0xb8;
	[tilespmem:$0x1A800] =	vst v63  }
0x71: {  	s8 =	simm.s32 $0x14D80  }
0x72: {  	[spmem:s2] =	stream.indirect.scatter.add.f32 [tilespmem:s10], [sflag:$0x1], $0x80, s8, s31, $0xb8;
	[tilespmem:$0x1A800] =	vst v63  }
0x73: {  	s16 =	simm.s32 $0x14E00  }
0x74: {  	[spmem:s2] =	stream.indirect.scatter.add.f32 [tilespmem:s5], [sflag:$0x1], $0x80, s16, s31, $0xb8;
	[tilespmem:$0x1A800] =	vst v63  }
0x75: {  	_ = 	snop  }
0x76: {  	[spmem:s2] =	stream.indirect.scatter.add.f32 [tilespmem:s3], [sflag:$0x1], $0x80, s20, s31, $0xb8;
	[tilespmem:$0x1A800] =	vst v63  }
0x77: {  	s8 =	simm.s32 $0x15080  }
0x78: {  	[spmem:s2] =	stream.indirect.scatter.add.f32 [tilespmem:s1], [sflag:$0x1], $0x80, s8, s31, $0xb8;
	[tilespmem:$0x1A800] =	vst v63  }
0x79: {  	s16 =	simm.s32 $0x15100  }
0x7a: {  	[spmem:s2] =	stream.indirect.scatter.add.f32 [tilespmem:s0], [sflag:$0x1], $0x80, s16, s31, $0xb8;
	[tilespmem:$0x1A800] =	vst v63  }
0x7b: {  	s8 =	simm.s32 $0x15180  }
0x7c: {  	[spmem:s2] =	stream.indirect.scatter.add.f32 [tilespmem:s10], [sflag:$0x1], $0x80, s8, s31, $0xb8;
	[tilespmem:$0x1A800] =	vst v63  }
0x7d: {  	s16 =	simm.s32 $0x15200  }
0x7e: {  	[spmem:s2] =	stream.indirect.scatter.add.f32 [tilespmem:s5], [sflag:$0x1], $0x80, s16, s31, $0xb8;
	[tilespmem:$0x1A800] =	vst v63  }
0x7f: {  	_ = 	snop  }
0x80: {  	[spmem:s2] =	stream.indirect.scatter.add.f32 [tilespmem:s3], [sflag:$0x1], $0x80, s13, s31, $0xb8;
	[tilespmem:$0x1A800] =	vst v63  }
0x81: {  	s8 =	simm.s32 $0x15480  }
0x82: {  	[spmem:s2] =	stream.indirect.scatter.add.f32 [tilespmem:s1], [sflag:$0x1], $0x80, s8, s31, $0xb8;
	[tilespmem:$0x1A800] =	vst v63  }
0x83: {  	s16 =	simm.s32 $0x15500  }
0x84: {  	[spmem:s2] =	stream.indirect.scatter.add.f32 [tilespmem:s0], [sflag:$0x1], $0x80, s16, s31, $0xb8;
	[tilespmem:$0x1A800] =	vst v63  }
0x85: {  	s8 =	simm.s32 $0x15580  }
0x86: {  	[spmem:s2] =	stream.indirect.scatter.add.f32 [tilespmem:s10], [sflag:$0x1], $0x80, s8, s31, $0xb8;
	[tilespmem:$0x1A800] =	vst v63  }
0x87: {  	s16 =	simm.s32 $0x15600  }
0x88: {  	[spmem:s2] =	stream.indirect.scatter.add.f32 [tilespmem:s5], [sflag:$0x1], $0x80, s16, s31, $0xb8;
	[tilespmem:$0x1A800] =	vst v63  }
0x89: {  	_ = 	snop  }
0x8a: {  	[spmem:s2] =	stream.indirect.scatter.add.f32 [tilespmem:s3], [sflag:$0x1], $0x80, s22, s31, $0xb8;
	[tilespmem:$0x1A800] =	vst v63  }
0x8b: {  	s8 =	simm.s32 $0x15880  }
0x8c: {  	[spmem:s2] =	stream.indirect.scatter.add.f32 [tilespmem:s1], [sflag:$0x1], $0x80, s8, s31, $0xb8;
	[tilespmem:$0x1A800] =	vst v63  }
0x8d: {  	s16 =	simm.s32 $0x15900  }
0x8e: {  	[spmem:s2] =	stream.indirect.scatter.add.f32 [tilespmem:s0], [sflag:$0x1], $0x80, s16, s31, $0xb8;
	[tilespmem:$0x1A800] =	vst v63  }
0x8f: {  	s8 =	simm.s32 $0x15980  }
0x90: {  	[spmem:s2] =	stream.indirect.scatter.add.f32 [tilespmem:s10], [sflag:$0x1], $0x80, s8, s31, $0xb8;
	[tilespmem:$0x1A800] =	vst v63  }
0x91: {  	s16 =	simm.s32 $0x15A00  }
0x92: {  	[spmem:s2] =	stream.indirect.scatter.add.f32 [tilespmem:s5], [sflag:$0x1], $0x80, s16, s31, $0xb8;
	[tilespmem:$0x1A800] =	vst v63  }
0x93: {  	_ = 	snop  }
0x94: {  	[spmem:s2] =	stream.indirect.scatter.add.f32 [tilespmem:s3], [sflag:$0x1], $0x80, s23, s31, $0xb8;
	[tilespmem:$0x1A800] =	vst v63  }
0x95: {  	s8 =	simm.s32 $0x15C80  }
0x96: {  	[spmem:s2] =	stream.indirect.scatter.add.f32 [tilespmem:s1], [sflag:$0x1], $0x80, s8, s31, $0xb8;
	[tilespmem:$0x1A800] =	vst v63  }
0x97: {  	s16 =	simm.s32 $0x15D00  }
0x98: {  	[spmem:s2] =	stream.indirect.scatter.add.f32 [tilespmem:s0], [sflag:$0x1], $0x80, s16, s31, $0xb8;
	[tilespmem:$0x1A800] =	vst v63  }
0x99: {  	s8 =	simm.s32 $0x15D80  }
0x9a: {  	[spmem:s2] =	stream.indirect.scatter.add.f32 [tilespmem:s10], [sflag:$0x1], $0x80, s8, s31, $0xb8;
	[tilespmem:$0x1A800] =	vst v63  }
0x9b: {  	s16 =	simm.s32 $0x15E00  }
0x9c: {  	[spmem:s2] =	stream.indirect.scatter.add.f32 [tilespmem:s5], [sflag:$0x1], $0x80, s16, s31, $0xb8;
	[tilespmem:$0x1A800] =	vst v63  }
0x9d: {  	_ = 	snop  }
0x9e: {  	[spmem:s2] =	stream.indirect.scatter.add.f32 [tilespmem:s3], [sflag:$0x1], $0x80, s24, s31, $0xb8;
	[tilespmem:$0x1A800] =	vst v63  }
0x9f: {  	s8 =	simm.s32 $0x16080  }
0xa0: {  	[spmem:s2] =	stream.indirect.scatter.add.f32 [tilespmem:s1], [sflag:$0x1], $0x80, s8, s31, $0xb8;
	[tilespmem:$0x1A800] =	vst v63  }
0xa1: {  	s16 =	simm.s32 $0x16100  }
0xa2: {  	[spmem:s2] =	stream.indirect.scatter.add.f32 [tilespmem:s0], [sflag:$0x1], $0x80, s16, s31, $0xb8;
	[tilespmem:$0x1A800] =	vst v63  }
0xa3: {  	s8 =	simm.s32 $0x16180  }
0xa4: {  	[spmem:s2] =	stream.indirect.scatter.add.f32 [tilespmem:s10], [sflag:$0x1], $0x80, s8, s31, $0xb8;
	[tilespmem:$0x1A800] =	vst v63  }
0xa5: {  	s16 =	simm.s32 $0x16200  }
0xa6: {  	[spmem:s2] =	stream.indirect.scatter.add.f32 [tilespmem:s5], [sflag:$0x1], $0x80, s16, s31, $0xb8;
	[tilespmem:$0x1A800] =	vst v63  }
0xa7: {  	_ = 	snop  }
0xa8: {  	[spmem:s2] =	stream.indirect.scatter.add.f32 [tilespmem:s3], [sflag:$0x1], $0x80, s25, s31, $0xb8;
	[tilespmem:$0x1A800] =	vst v63  }
0xa9: {  	s8 =	simm.s32 $0x16480  }
0xaa: {  	[spmem:s2] =	stream.indirect.scatter.add.f32 [tilespmem:s1], [sflag:$0x1], $0x80, s8, s31, $0xb8;
	[tilespmem:$0x1A800] =	vst v63  }
0xab: {  	s16 =	simm.s32 $0x16500  }
0xac: {  	[spmem:s2] =	stream.indirect.scatter.add.f32 [tilespmem:s0], [sflag:$0x1], $0x80, s16, s31, $0xb8;
	[tilespmem:$0x1A800] =	vst v63  }
0xad: {  	s8 =	simm.s32 $0x16580  }
0xae: {  	[spmem:s2] =	stream.indirect.scatter.add.f32 [tilespmem:s10], [sflag:$0x1], $0x80, s8, s31, $0xb8;
	[tilespmem:$0x1A800] =	vst v63  }
0xaf: {  	s16 =	simm.s32 $0x16600  }
0xb0: {  	[spmem:s2] =	stream.indirect.scatter.add.f32 [tilespmem:s5], [sflag:$0x1], $0x80, s16, s31, $0xb8;
	[tilespmem:$0x1A800] =	vst v63  }
0xb1: {  	_ = 	snop  }
0xb2: {  	[spmem:s2] =	stream.indirect.scatter.add.f32 [tilespmem:s3], [sflag:$0x1], $0x80, s26, s31, $0xb8;
	[tilespmem:$0x1A800] =	vst v63  }
0xb3: {  	s8 =	simm.s32 $0x16880  }
0xb4: {  	[spmem:s2] =	stream.indirect.scatter.add.f32 [tilespmem:s1], [sflag:$0x1], $0x80, s8, s31, $0xb8;
	[tilespmem:$0x1A800] =	vst v63  }
0xb5: {  	s16 =	simm.s32 $0x16900  }
0xb6: {  	[spmem:s2] =	stream.indirect.scatter.add.f32 [tilespmem:s0], [sflag:$0x1], $0x80, s16, s31, $0xb8;
	[tilespmem:$0x1A800] =	vst v63  }
0xb7: {  	s8 =	simm.s32 $0x16980  }
0xb8: {  	[spmem:s2] =	stream.indirect.scatter.add.f32 [tilespmem:s10], [sflag:$0x1], $0x80, s8, s31, $0xb8;
	[tilespmem:$0x1A800] =	vst v63  }
0xb9: {  	s16 =	simm.s32 $0x16A00  }
0xba: {  	[spmem:s2] =	stream.indirect.scatter.add.f32 [tilespmem:s5], [sflag:$0x1], $0x80, s16, s31, $0xb8;
	[tilespmem:$0x1A800] =	vst v63  }
0xbb: {  	_ = 	snop  }
0xbc: {  	[spmem:s2] =	stream.indirect.scatter.add.f32 [tilespmem:s3], [sflag:$0x1], $0x80, s28, s31, $0xb8;
	[tilespmem:$0x1A800] =	vst v63  }
0xbd: {  	s8 =	simm.s32 $0x16C80  }
0xbe: {  	[spmem:s2] =	stream.indirect.scatter.add.f32 [tilespmem:s1], [sflag:$0x1], $0x80, s8, s31, $0xb8;
	[tilespmem:$0x1A800] =	vst v63  }
0xbf: {  	s16 =	simm.s32 $0x16D00  }
0xc0: {  	[spmem:s2] =	stream.indirect.scatter.add.f32 [tilespmem:s0], [sflag:$0x1], $0x80, s16, s31, $0xb8;
	[tilespmem:$0x1A800] =	vst v63  }
0xc1: {  	s8 =	simm.s32 $0x16D80  }
0xc2: {  	[spmem:s2] =	stream.indirect.scatter.add.f32 [tilespmem:s10], [sflag:$0x1], $0x80, s8, s31, $0xb8;
	[tilespmem:$0x1A800] =	vst v63  }
0xc3: {  	s16 =	simm.s32 $0x16E00  }
0xc4: {  	[spmem:s2] =	stream.indirect.scatter.add.f32 [tilespmem:s5], [sflag:$0x1], $0x80, s16, s31, $0xb8;
	[tilespmem:$0x1A800] =	vst v63  }
0xc5: {  	_ = 	snop  }
0xc6: {  	[spmem:s2] =	stream.indirect.scatter.add.f32 [tilespmem:s3], [sflag:$0x1], $0x80, s29, s31, $0xb8;
	[tilespmem:$0x1A800] =	vst v63  }
0xc7: {  	s8 =	simm.s32 $0x17080  }
0xc8: {  	[spmem:s2] =	stream.indirect.scatter.add.f32 [tilespmem:s1], [sflag:$0x1], $0x80, s8, s31, $0xb8;
	[tilespmem:$0x1A800] =	vst v63  }
0xc9: {  	s16 =	simm.s32 $0x17100  }
0xca: {  	[spmem:s2] =	stream.indirect.scatter.add.f32 [tilespmem:s0], [sflag:$0x1], $0x80, s16, s31, $0xb8;
	[tilespmem:$0x1A800] =	vst v63  }
0xcb: {  	s8 =	simm.s32 $0x17180  }
0xcc: {  	[spmem:s2] =	stream.indirect.scatter.add.f32 [tilespmem:s10], [sflag:$0x1], $0x80, s8, s31, $0xb8;
	[tilespmem:$0x1A800] =	vst v63  }
0xcd: {  	s16 =	simm.s32 $0x17200  }
0xce: {  	[spmem:s2] =	stream.indirect.scatter.add.f32 [tilespmem:s5], [sflag:$0x1], $0x80, s16, s31, $0xb8;
	[tilespmem:$0x1A800] =	vst v63  }
0xcf: {  	_ = 	snop  }
0xd0: {  	[spmem:s2] =	stream.indirect.scatter.add.f32 [tilespmem:s3], [sflag:$0x1], $0x80, s30, s31, $0xb8;
	[tilespmem:$0x1A800] =	vst v63  }
0xd1: {  	s8 =	simm.s32 $0x17480  }
0xd2: {  	[spmem:s2] =	stream.indirect.scatter.add.f32 [tilespmem:s1], [sflag:$0x1], $0x80, s8, s31, $0xb8;
	[tilespmem:$0x1A800] =	vst v63  }
0xd3: {  	s16 =	simm.s32 $0x17500  }
0xd4: {  	[spmem:s2] =	stream.indirect.scatter.add.f32 [tilespmem:s0], [sflag:$0x1], $0x80, s16, s31, $0xb8;
	[tilespmem:$0x1A800] =	vst v63  }
0xd5: {  	s8 =	simm.s32 $0x17580  }
0xd6: {  	[spmem:s2] =	stream.indirect.scatter.add.f32 [tilespmem:s10], [sflag:$0x1], $0x80, s8, s31, $0xb8;
	[tilespmem:$0x1A800] =	vst v63  }
0xd7: {  	s16 =	simm.s32 $0x17600  }
0xd8: {  	[spmem:s2] =	stream.indirect.scatter.add.f32 [tilespmem:s5], [sflag:$0x1], $0x80, s16, s31, $0xb8;
	[tilespmem:$0x1A800] =	vst v63  }
0xd9: {  	_ =	swait.ge [sflag:s12], $0x4000  }
0xda: {  	[sflag:s12] =	ssyncset.done $0x0  }
0xdb: {  	[sflag:s12] =	ssyncadd.s32 $0xFFFFC000  }
0xdc: {  	_ =	swait.ge [sflag:s12], $0x4000  }
0xdd: {  	[sflag:s12] =	ssyncset.done $0x0  }
0xde: {  	[sflag:s12] =	ssyncadd.s32 $0xFFFFC000  }
0xdf: {  	_ =	swait.ge [sflag:s12], $0x4000  }
0xe0: {  	[sflag:s12] =	ssyncset.done $0x0  }
0xe1: {  	[sflag:s12] =	ssyncadd.s32 $0xFFFFC000  }
0xe2: {  	_ =	swait.ge [sflag:s12], $0x4000  }
0xe3: {  	[sflag:s12] =	ssyncset.done $0x0  }
0xe4: {  	[sflag:s12] =	ssyncadd.s32 $0xFFFFC000  }
0xe5: {  	_ =	swait.ge [sflag:s12], $0x4000  }
0xe6: {  	[sflag:s12] =	ssyncset.done $0x0  }
0xe7: {  	[sflag:s12] =	ssyncadd.s32 $0xFFFFC000  }
0xe8: {  	_ =	swait.ge [sflag:s12], $0x4000  }
0xe9: {  	[sflag:s12] =	ssyncset.done $0x0  }
0xea: {  	[sflag:s12] =	ssyncadd.s32 $0xFFFFC000  }
0xeb: {  	_ =	swait.ge [sflag:s12], $0x4000  }
0xec: {  	[sflag:s12] =	ssyncset.done $0x0  }
0xed: {  	[sflag:s12] =	ssyncadd.s32 $0xFFFFC000  }
0xee: {  	_ =	swait.ge [sflag:s12], $0x4000  }
0xef: {  	[sflag:s12] =	ssyncset.done $0x0  }
0xf0: {  	[sflag:s12] =	ssyncadd.s32 $0xFFFFC000  }
0xf1: {  	_ =	swait.ge [sflag:s12], $0x4000  }
0xf2: {  	[sflag:s12] =	ssyncset.done $0x0  }
0xf3: {  	[sflag:s12] =	ssyncadd.s32 $0xFFFFC000  }
0xf4: {  	_ =	swait.ge [sflag:s12], $0x4000  }
0xf5: {  	[sflag:s12] =	ssyncset.done $0x0  }
0xf6: {  	[sflag:s12] =	ssyncadd.s32 $0xFFFFC000  }
0xf7: {  	_ =	swait.ge [sflag:s12], $0x4000  }
0xf8: {  	[sflag:s12] =	ssyncset.done $0x0  }
0xf9: {  	[sflag:s12] =	ssyncadd.s32 $0xFFFFC000  }
0xfa: {  	_ =	swait.ge [sflag:s12], $0x4000  }
0xfb: {  	[sflag:s12] =	ssyncset.done $0x0  }
0xfc: {  	[sflag:s12] =	ssyncadd.s32 $0xFFFFC000  }
0xfd: {  	_ =	swait.ge [sflag:s12], $0x4000  }
0xfe: {  	[sflag:s12] =	ssyncset.done $0x0  }
0xff: {  	[sflag:s12] =	ssyncadd.s32 $0xFFFFC000  }
0x100: {  	_ =	swait.ge [sflag:s12], $0x4000  }
0x101: {  	[sflag:s12] =	ssyncset.done $0x0  }
0x102: {  	[sflag:s12] =	ssyncadd.s32 $0xFFFFC000  }
0x103: {  	_ =	swait.ge [sflag:s12], $0x4000  }
0x104: {  	[sflag:s12] =	ssyncset.done $0x0  }
0x105: {  	[sflag:s12] =	ssyncadd.s32 $0xFFFFC000  }
0x106: {  	_ =	swait.ge [sflag:s12], $0x4000  }
0x107: {  	[sflag:s12] =	ssyncset.done $0x0  }
0x108: {  	[sflag:s12] =	ssyncadd.s32 $0xFFFFC000  }
0x109: {  	_ =	swait.ge [sflag:s12], $0x4000  }
0x10a: {  	[sflag:s12] =	ssyncset.done $0x0  }
0x10b: {  	[sflag:s12] =	ssyncadd.s32 $0xFFFFC000  }
0x10c: {  	_ =	swait.ge [sflag:s12], $0x4000  }
0x10d: {  	[sflag:s12] =	ssyncset.done $0x0  }
0x10e: {  	[sflag:s12] =	ssyncadd.s32 $0xFFFFC000  }
0x10f: {  	_ =	swait.ge [sflag:s12], $0x4000  }
0x110: {  	[sflag:s12] =	ssyncset.done $0x0  }
0x111: {  	[sflag:s12] =	ssyncadd.s32 $0xFFFFC000  }
0x112: {  	_ =	swait.ge [sflag:s12], $0x4000  }
0x113: {  	[sflag:s12] =	ssyncset.done $0x0  }
0x114: {  	[sflag:s12] =	ssyncadd.s32 $0xFFFFC000  }
0x115: {  	_ =	swait.ge [sflag:s12], $0x4000  }
0x116: {  	[sflag:s12] =	ssyncset.done $0x0  }
0x117: {  	[sflag:s12] =	ssyncadd.s32 $0xFFFFC000  }
0x118: {  	_ =	swait.ge [sflag:s12], $0x4000  }
0x119: {  	[sflag:s12] =	ssyncset.done $0x0  }
0x11a: {  	[sflag:s12] =	ssyncadd.s32 $0xFFFFC000  }
0x11b: {  	_ =	swait.ge [sflag:s12], $0x4000  }
0x11c: {  	[sflag:s12] =	ssyncset.done $0x0  }
0x11d: {  	[sflag:s12] =	ssyncadd.s32 $0xFFFFC000  }
0x11e: {  	_ =	swait.ge [sflag:s12], $0x4000  }
0x11f: {  	[sflag:s12] =	ssyncset.done $0x0  }
0x120: {  	[sflag:s12] =	ssyncadd.s32 $0xFFFFC000  }
0x121: {  	_ =	swait.ge [sflag:s12], $0x4000  }
0x122: {  	[sflag:s12] =	ssyncset.done $0x0  }
0x123: {  	[sflag:s12] =	ssyncadd.s32 $0xFFFFC000  }
0x124: {  	_ =	swait.ge [sflag:s12], $0x4000  }
0x125: {  	[sflag:s12] =	ssyncset.done $0x0  }
0x126: {  	[sflag:s12] =	ssyncadd.s32 $0xFFFFC000  }
0x127: {  	_ =	swait.ge [sflag:s12], $0x4000  }
0x128: {  	[sflag:s12] =	ssyncset.done $0x0  }
0x129: {  	[sflag:s12] =	ssyncadd.s32 $0xFFFFC000  }
0x12a: {  	_ =	swait.ge [sflag:s12], $0x4000  }
0x12b: {  	[sflag:s12] =	ssyncset.done $0x0  }
0x12c: {  	[sflag:s12] =	ssyncadd.s32 $0xFFFFC000  }
0x12d: {  	_ =	swait.ge [sflag:s12], $0x4000  }
0x12e: {  	[sflag:s12] =	ssyncset.done $0x0  }
0x12f: {  	[sflag:s12] =	ssyncadd.s32 $0xFFFFC000  }
0x130: {  	_ =	swait.ge [sflag:s12], $0x4000  }
0x131: {  	[sflag:s12] =	ssyncset.done $0x0  }
0x132: {  	[sflag:s12] =	ssyncadd.s32 $0xFFFFC000  }
0x133: {  	_ =	swait.ge [sflag:s12], $0x4000  }
0x134: {  	[sflag:s12] =	ssyncset.done $0x0  }
0x135: {  	[sflag:s12] =	ssyncadd.s32 $0xFFFFC000  }
0x136: {  	_ =	swait.ge [sflag:s12], $0x4000  }
0x137: {  	[sflag:s12] =	ssyncset.done $0x0  }
0x138: {  	[sflag:s12] =	ssyncadd.s32 $0xFFFFC000  }
0x139: {  	_ =	swait.ge [sflag:s12], $0x4000  }
0x13a: {  	[sflag:s12] =	ssyncset.done $0x0  }
0x13b: {  	[sflag:s12] =	ssyncadd.s32 $0xFFFFC000  }
0x13c: {  	_ =	swait.ge [sflag:s12], $0x4000  }
0x13d: {  	[sflag:s12] =	ssyncset.done $0x0  }
0x13e: {  	[sflag:s12] =	ssyncadd.s32 $0xFFFFC000  }
0x13f: {  	_ =	swait.ge [sflag:s12], $0x4000  }
0x140: {  	[sflag:s12] =	ssyncset.done $0x0  }
0x141: {  	[sflag:s12] =	ssyncadd.s32 $0xFFFFC000  }
0x142: {  	_ =	swait.ge [sflag:s12], $0x4000  }
0x143: {  	[sflag:s12] =	ssyncset.done $0x0  }
0x144: {  	[sflag:s12] =	ssyncadd.s32 $0xFFFFC000  }
0x145: {  	_ =	swait.ge [sflag:s12], $0x4000  }
0x146: {  	[sflag:s12] =	ssyncset.done $0x0  }
0x147: {  	[sflag:s12] =	ssyncadd.s32 $0xFFFFC000  }
0x148: {  	_ =	swait.ge [sflag:s12], $0x4000  }
0x149: {  	[sflag:s12] =	ssyncset.done $0x0  }
0x14a: {  	[sflag:s12] =	ssyncadd.s32 $0xFFFFC000  }
0x14b: {  	_ =	swait.ge [sflag:s12], $0x4000  }
0x14c: {  	[sflag:s12] =	ssyncset.done $0x0  }
0x14d: {  	[sflag:s12] =	ssyncadd.s32 $0xFFFFC000  }
0x14e: {  	_ =	swait.ge [sflag:s12], $0x4000  }
0x14f: {  	[sflag:s12] =	ssyncset.done $0x0  }
0x150: {  	[sflag:s12] =	ssyncadd.s32 $0xFFFFC000  }
0x151: {  	_ =	swait.ge [sflag:s12], $0x4000  }
0x152: {  	[sflag:s12] =	ssyncset.done $0x0  }
0x153: {  	[sflag:s12] =	ssyncadd.s32 $0xFFFFC000  }
0x154: {  	_ =	swait.ge [sflag:s12], $0x4000  }
0x155: {  	[sflag:s12] =	ssyncset.done $0x0  }
0x156: {  	[sflag:s12] =	ssyncadd.s32 $0xFFFFC000  }
0x157: {  	_ =	swait.ge [sflag:s12], $0x4000  }
0x158: {  	[sflag:s12] =	ssyncset.done $0x0  }
0x159: {  	[sflag:s12] =	ssyncadd.s32 $0xFFFFC000  }
0x15a: {  	_ =	swait.ge [sflag:s12], $0x4000  }
0x15b: {  	[sflag:s12] =	ssyncset.done $0x0  }
0x15c: {  	[sflag:s12] =	ssyncadd.s32 $0xFFFFC000  }
0x15d: {  	_ =	swait.ge [sflag:s12], $0x4000  }
0x15e: {  	[sflag:s12] =	ssyncset.done $0x0  }
0x15f: {  	[sflag:s12] =	ssyncadd.s32 $0xFFFFC000  }
0x160: {  	_ =	swait.ge [sflag:s12], $0x4000  }
0x161: {  	[sflag:s12] =	ssyncset.done $0x0  }
0x162: {  	[sflag:s12] =	ssyncadd.s32 $0xFFFFC000  }
0x163: {  	_ =	swait.ge [sflag:s12], $0x4000  }
0x164: {  	[sflag:s12] =	ssyncset.done $0x0  }
0x165: {  	[sflag:s12] =	ssyncadd.s32 $0xFFFFC000  }
0x166: {  	_ =	swait.ge [sflag:s12], $0x4000  }
0x167: {  	[sflag:s12] =	ssyncset.done $0x0  }
0x168: {  	[sflag:s12] =	ssyncadd.s32 $0xFFFFC000  }
0x169: {  	_ =	swait.ge [sflag:s12], $0x4000  }
0x16a: {  	[sflag:s12] =	ssyncset.done $0x0  }
0x16b: {  	[sflag:s12] =	ssyncadd.s32 $0xFFFFC000  }
0x16c: {  	_ =	swait.ge [sflag:s12], $0x4000  }
0x16d: {  	[sflag:s12] =	ssyncset.done $0x0  }
0x16e: {  	[sflag:s12] =	ssyncadd.s32 $0xFFFFC000  }
0x16f: {  	_ =	swait.ge [sflag:s12], $0x4000  }
0x170: {  	[sflag:s12] =	ssyncset.done $0x0  }
0x171: {  	[sflag:s12] =	ssyncadd.s32 $0xFFFFC000  }
0x172: {  	_ =	swait.ge [sflag:s12], $0x4000  }
0x173: {  	[sflag:s12] =	ssyncset.done $0x0  }
0x174: {  	[sflag:s12] =	ssyncadd.s32 $0xFFFFC000  }
0x175: {  	_ =	swait.ge [sflag:s12], $0x4000  }
0x176: {  	[sflag:s12] =	ssyncset.done $0x0  }
0x177: {  	[sflag:s12] =	ssyncadd.s32 $0xFFFFC000  }
0x178: {  	_ =	swait.ge [sflag:s12], $0x4000  }
0x179: {  	[sflag:s12] =	ssyncset.done $0x0  }
0x17a: {  	[sflag:s12] =	ssyncadd.s32 $0xFFFFC000  }
0x17b: {  	_ =	swait.ge [sflag:s12], $0x4000  }
0x17c: {  	[sflag:s12] =	ssyncset.done $0x0  }
0x17d: {  	[sflag:s12] =	ssyncadd.s32 $0xFFFFC000  }
0x17e: {  	_ =	swait.ge [sflag:s12], $0x4000  }
0x17f: {  	[sflag:s12] =	ssyncset.done $0x0  }
0x180: {  	[sflag:s12] =	ssyncadd.s32 $0xFFFFC000  }
0x181: {  	_ =	swait.ge [sflag:s12], $0x4000  }
0x182: {  	[sflag:s12] =	ssyncset.done $0x0  }
0x183: {  	[sflag:s12] =	ssyncadd.s32 $0xFFFFC000  }
0x184: {  	_ =	swait.ge [sflag:s12], $0x4000  }
0x185: {  	[sflag:s12] =	ssyncset.done $0x0  }
0x186: {  	[sflag:s12] =	ssyncadd.s32 $0xFFFFC000  }
0x187: {  	_ =	swait.ge [sflag:s12], $0x4000  }
0x188: {  	[sflag:s12] =	ssyncset.done $0x0  }
0x189: {  	[sflag:s12] =	ssyncadd.s32 $0xFFFFC000  }
0x18a: {  	_ =	swait.ge [sflag:s12], $0x4000  }
0x18b: {  	[sflag:s12] =	ssyncset.done $0x0  }
0x18c: {  	[sflag:s12] =	ssyncadd.s32 $0xFFFFC000  }
0x18d: {  	_ =	swait.ge [sflag:s12], $0x4000  }
0x18e: {  	[sflag:s12] =	ssyncset.done $0x0  }
0x18f: {  	[sflag:s12] =	ssyncadd.s32 $0xFFFFC000  }
0x190: {  	_ =	swait.ge [sflag:s12], $0x4000  }
0x191: {  	[sflag:s12] =	ssyncset.done $0x0  }
0x192: {  	[sflag:s12] =	ssyncadd.s32 $0xFFFFC000  }
0x193: {  	_ =	swait.ge [sflag:s12], $0x4000  }
0x194: {  	[sflag:s12] =	ssyncset.done $0x0  }
0x195: {  	[sflag:s12] =	ssyncadd.s32 $0xFFFFC000  }
0x196: {  	_ =	swait.ge [sflag:s12], $0x4000  }
0x197: {  	[sflag:s12] =	ssyncset.done $0x0  }
0x198: {  	[sflag:s12] =	ssyncadd.s32 $0xFFFFC000  }
0x199: {  	_ =	swait.ge [sflag:s12], $0x4000  }
0x19a: {  	[sflag:s12] =	ssyncset.done $0x0  }
0x19b: {  	[sflag:s12] =	ssyncadd.s32 $0xFFFFC000  }
0x19c: {  	_ =	swait.ge [sflag:s12], $0x4000  }
0x19d: {  	[sflag:s12] =	ssyncset.done $0x0  }
0x19e: {  	[sflag:s12] =	ssyncadd.s32 $0xFFFFC000  }
0x19f: {  	_ =	swait.ge [sflag:s12], $0x4000  }
0x1a0: {  	[sflag:s12] =	ssyncset.done $0x0  }
0x1a1: {  	[sflag:s12] =	ssyncadd.s32 $0xFFFFC000  }
0x1a2: {  	_ =	swait.ge [sflag:s12], $0x4000  }
0x1a3: {  	[sflag:s12] =	ssyncset.done $0x0  }
0x1a4: {  	[sflag:s12] =	ssyncadd.s32 $0xFFFFC000  }
0x1a5: {  	_ =	swait.ge [sflag:s12], $0x4000  }
0x1a6: {  	[sflag:s12] =	ssyncset.done $0x0  }
0x1a7: {  	[sflag:s12] =	ssyncadd.s32 $0xFFFFC000  }
0x1a8: {  	_ =	swait.ge [sflag:s12], $0x4000  }
0x1a9: {  	[sflag:s12] =	ssyncset.done $0x0  }
0x1aa: {  	s8 =	stileid.u32;
	[sflag:s12] =	ssyncadd.s32 $0xFFFFC000  }
0x1ab: {  	s7 =	sshll.u32 s8, $0x6;
	[bflag:$0x0] =	sbarrier.arrive $0xFFFF  }
0x1ac: {  	s8 =	sshrl.u32 s4, $0x3;
	s7 =	sor.u32 $0x1C02, s7;
	s16 =	rddreg [dreg:$0x5]  }
0x1ad: {  	[hbm:s16], [sflag:s7] =	dma.local [spmem:s8], $0x600  }
0x1ae: {  	_ =	swait.ge [sflag:s9], $0x600  }
0x1af: {  	s14 =	sadd.s32 $0x1, s14;
	s16 =	rddreg [dreg:$0x6]  }
0x1b0: {  	p0 =	sne.s32 s14, s16  }
.Ltmp1:
0x1b1: {  	_ = 	snop;
	(pc) =	sbr.rel @p0 .LBB2_1-.Ltmp1, $3  }
0x1b2: {  	_ =	sdelay $0x1  }
0x1b3: {  	[sflag:s9] =	ssyncset.done $0x0  }
0x1b4: {  	[sflag:s9] =	ssyncadd.s32 $0xFFFFFA00  }
0x1b5: {  	_ =	sfence.sel $0x180000  }
0x1b6: {  	[bflag:$0x0] =	sbarrier.arrive $0xFFFF  }
0x1b7: {  	_ =	strace $0x90000047  }
0x1b8: {  	s0 =	stileid.u32;
	[bflag:$0x2] =	sbarrier.arrive $0xFFFF  }
0x1b9: {  	p0 =	sne.s32 s0, $0x0;
	s0 =	rddreg [dreg:$0x3]  }
0x1ba: {  	s0 =	sadd.s32 @!p0 $0x100000, s0  }
0x1bb: {  	[sflag:s0] =	ssyncadd.tile.s32 @!p0 $0x1;
	_ =	shalt  }
.Lfunc_end2:
_tile_overlayer_lowered:
.L_overlay_start_2:
0x1bc: {  	(tag) =	ssettag $0x2  }
0x1bd: {  	s0 =	rddreg [dreg:$0x0];
	s2 =	stileid.u32  }
0x1be: {  	s1 =	rddreg [dreg:$0x1];
	p0 =	sne.s32 s2, $0x0  }
0x1bf: {  	s3 =	rddreg [dreg:$0x2];
	[bflag:$0x3] =	sbarrier.arrive $0xFFFF;
	s2 =	simm.s32 @!p0 $0x1C02  }
0x1c0: {  	[timem:s3], [sflag:s2] =	dma.local @!p0 [hbm:s0], s1  }
0x1c1: {  	s0 =	simm.s32 @!p0 $0x2  }
0x1c2: {  	_ =	swait.ge @!p0 [sflag:s0], s1  }
0x1c3: {  	s1 =	ssub.s32 @!p0 $0x0, s1;
	[sflag:s0] =	ssyncset.done @!p0 $0x0  }
0x1c4: {  	[sflag:s0] =	ssyncadd.s32 @!p0 s1  }
0x1c5: {  	[bflag:$0x3] =	sbarrier.arrive $0xFFFF  }
0x1c6: {  	_ =	shalt  }

</sc_bundles>
